<compile_context>
chip_gen: v7x
topology: tpu7x:2x2x1
jax: 0.10.2.dev20260603
libtpu: 0.0.44.dev20260713+nightly
codegen_flags: <defaults>
</compile_context>

<pallas_src>
import functools

import jax
import jax.numpy as jnp
from jax import lax
from jax.experimental import pallas as pl
from jax.experimental.pallas import tpu as pltpu
from jax.experimental.pallas import tpu_sc as plsc

_B, _C, _H, _W = 4, 96, 384, 384
_P = 16
_HP = _H // _P
_WP = _W // _P
_L = _HP * _WP
_BH = 1
_NPATCH = _BH * _L
_SEGS = _C * _P
_TROWS = _BH * _C * _H * _W // 16
_CSTRIDE = _H * _WP
_BSTRIDE = _C * _CSTRIDE

_NW = 32
_PPW = _NPATCH // _NW
_NBUF = 2


def _body(x_hbm, perm_hbm, out_hbm, perm_v, base_v, idx_v, data_v, gsems, ssems):
    cid = lax.axis_index("c")
    sid = lax.axis_index("s")
    wid = cid * 16 + sid
    g0 = wid * _PPW
    b = lax.div(g0, _L)

    d = lax.rem(g0, 8)
    a0 = pl.multiple_of(g0 - d, 8)
    pltpu.sync_copy(perm_hbm.at[pl.ds(a0, 48)], perm_v)

    for t in range(3):
        sv = perm_v[pl.ds(t * 16, 16)]
        wpv = jnp.full((16,), _WP, jnp.int32)
        e8 = jnp.full((16,), 8, jnp.int32)
        jv = lax.rem(sv, wpv)
        base_v[pl.ds(t * 16, 16)] = (
            jnp.full((16,), b * _BSTRIDE, jnp.int32)
            + lax.div(sv, wpv) * (_P * _WP)
            + lax.div(jv, e8) * 64
            + lax.rem(jv, e8)
        )

    def fill_idx(p, s):
        q = p + d
        pq = lax.div(q, 16)
        pr = lax.rem(q, 16)
        chunk = base_v[pl.ds(pq * 16, 16)]
        dnums = lax.GatherDimensionNumbers(
            offset_dims=(), collapsed_slice_dims=(0,), start_index_map=(0,)
        )
        basev = lax.gather(
            chunk,
            jnp.full((16, 1), pr, jnp.int32),
            dnums,
            (1,),
            mode=lax.GatherScatterMode.PROMISE_IN_BOUNDS,
        )

        def fill_c(cq, _):
            lane = lax.iota(jnp.int32, 16)
            e8 = jnp.full((16,), 8, jnp.int32)
            di_off = lax.div(lane, e8) * 192 + lax.rem(lane, e8) * 8
            for u in range(4):
                c = cq * 4 + u
                idx_v[s, pl.ds(c * 16, 16)] = (
                    basev + jnp.full((16,), c * _CSTRIDE, jnp.int32) + di_off
                )
            return 0

        lax.fori_loop(0, _C // 4, fill_c, 0)

    def step_body(st, carry):
        copies = []
        for s in range(_NBUF):
            p = st * _NBUF + s

            @pl.when(st > 0)
            def _drain_scatter(s=s):
                pltpu.make_async_copy(
                    x_hbm.at[pl.ds(0, _SEGS)], data_v.at[s], ssems.at[s]
                ).wait()

            fill_idx(p, s)
            copies.append(
                pltpu.async_copy(
                    x_hbm.at[idx_v.at[s]], data_v.at[s], gsems.at[s]
                )
            )
        for s in range(_NBUF):
            p = st * _NBUF + s
            copies[s].wait()
            pltpu.async_copy(
                data_v.at[s],
                out_hbm.at[pl.ds((g0 + p) * _SEGS, _SEGS)],
                ssems.at[s],
            )
        return carry

    lax.fori_loop(0, _PPW // _NBUF, step_body, 0)

    for s in range(_NBUF):
        pltpu.make_async_copy(
            x_hbm.at[pl.ds(0, _SEGS)], data_v.at[s], ssems.at[s]
        ).wait()


def _make_half():
    mesh = plsc.VectorSubcoreMesh(core_axis_name="c", subcore_axis_name="s")
    return functools.partial(
        pl.kernel,
        mesh=mesh,
        out_type=jax.ShapeDtypeStruct((_TROWS, 16), jnp.float32),
        compiler_params=pltpu.CompilerParams(use_tc_tiling_on_sc=False),
        scratch_types=[
            pltpu.VMEM((48,), jnp.int32),
            pltpu.VMEM((48,), jnp.int32),
            pltpu.VMEM((_NBUF, _SEGS), jnp.int32),
            pltpu.VMEM((_NBUF, _SEGS, 16), jnp.float32),
            pltpu.SemaphoreType.DMA((_NBUF,)),
            pltpu.SemaphoreType.DMA((_NBUF,)),
        ],
    )(_body)


def kernel(x, perm):
    run = _make_half()
    outs = []
    for h in range(_B // _BH):
        xh = x[h * _BH:(h + 1) * _BH]
        x2d = (
            xh.reshape(_BH, _C, _H // 8, 8, _W // 128, 128)
            .transpose(0, 1, 2, 4, 3, 5)
            .reshape(_TROWS, 16)
        )
        perm_h = jnp.pad(perm[h * _BH:(h + 1) * _BH].reshape(_NPATCH), (0, 48))
        outs.append(run(x2d, perm_h).reshape(_BH, _L, _C, _P, _P))
    return jnp.concatenate(outs, axis=0)

# --- scband reference (transcript-rebuilt; emitter-appended) ---
"""Pipeline reference for scband-patcher-12850542150539 (READ-ONLY COPY).

The authoritative reference and input builder live on the scoring server;
editing this copy changes nothing except your own understanding.
"""

import jax, jax.numpy as jnp
import numpy as np

B, C, H, W = 4, 96, 384, 384
P = 16
HP, WP = H // P, W // P
L = HP * WP


def setup_inputs(seed: int = 0) -> dict:
    key = jax.random.key(seed)
    k1, k2 = jax.random.split(key)
    x = jax.random.normal(k1, (B, C, H, W), dtype=jnp.float32)
    perm = jax.random.randint(k2, (B, L), 0, L, dtype=jnp.int32)
    return {"x": x, "perm": perm}


def reference(x, perm):
    b, c, h, w = x.shape
    p = P
    hp, wp = h // p, w // p
    l = hp * wp
    # nn.Unfold(kernel=stride=p) followed by view(b,c,p,p,-1).permute(0,4,1,2,3)
    # is equivalent to extracting non-overlapping p x p patches in row-major
    # patch order: patches[b, i*wp + j, c, di, dj] = x[b, c, i*p+di, j*p+dj]
    patches = x.reshape(b, c, hp, p, wp, p)
    patches = jnp.transpose(patches, (0, 2, 4, 1, 3, 5))  # (b, hp, wp, c, p, p)
    patches = patches.reshape(b, l, c, p, p)
    # _reorder_patches with explicit per-batch perm: gather along patch axis
    patches_flat = patches.reshape(b, l, c * p * p)
    idx = perm[:, :, None]  # (b, l, 1), broadcast over feature dim
    patches_reordered = jnp.take_along_axis(patches_flat, idx, axis=1)
    return patches_reordered.reshape(b, l, c, p, p)

if __name__ == "__main__":
    import jax
    _d = setup_inputs()
    print(jax.jit(kernel)(*tuple(_d.values())))

</pallas_src>

<mosaic_0001>
#map = affine_map<(d0, d1) -> (0, 0)>
#map1 = affine_map<(d0, d1) -> (0)>
module attributes {stable_mosaic.version = 14 : i64} {
  func.func @_body(%arg0: i32, %arg1: i32, %arg2: memref<884736x16xf32, #tpu.memory_space<hbm>>, %arg3: memref<624xi32, #tpu.memory_space<hbm>>, %arg4: memref<884736x16xf32, #tpu.memory_space<hbm>>, %arg5: memref<48xi32, #tpu.memory_space<vmem>>, %arg6: memref<48xi32, #tpu.memory_space<vmem>>, %arg7: memref<2x1536xi32, #tpu.memory_space<vmem>>, %arg8: memref<2x1536x16xf32, #tpu.memory_space<vmem>>, %arg9: memref<2x!tpu.dma_semaphore, #tpu.memory_space<semaphore_mem>>, %arg10: memref<2x!tpu.dma_semaphore, #tpu.memory_space<semaphore_mem>>) attributes {dimension_semantics = [#tpu.dimension_semantics<core_parallel>, #tpu.dimension_semantics<subcore_parallel>], iteration_bounds = array<i64: 2, 16>, scalar_prefetch = 0 : i64, scratch_operands = 6 : i64, tpu.core_type = #tpu.core_type<sc_vector_subcore>, window_params = [{transform_indices = #map}, {transform_indices = #map1}, {transform_indices = #map}]} {
    %mul3A = arith.constant 16 : i32
    %mul3A_0 = arith.muli %arg0, %mul3A : i32
    %add3A = arith.addi %mul3A_0, %arg1 : i32
    %mul3A_1 = arith.constant 18 : i32
    %mul3A_2 = arith.muli %add3A, %mul3A_1 : i32
    %div3A = arith.constant 576 : i32
    %div3A_3 = arith.divsi %mul3A_2, %div3A : i32
    %rem3A = arith.constant 8 : i32
    %rem3A_4 = arith.remsi %mul3A_2, %rem3A : i32
    %sub3A = arith.subi %mul3A_2, %rem3A_4 : i32
    %multiple_of3A = tpu.assume_multiple %sub3A, 8 : i32
    "tpu.region"() ({
      %run_scoped3A = tpu.sem_alloc : memref<!tpu.dma_semaphore, #tpu.memory_space<semaphore_mem>>
      %dma_start3A = tpu.memref_slice %arg3[%multiple_of3A] : memref<624xi32, #tpu.memory_space<hbm>> -> memref<48xi32, #tpu.memory_space<hbm>>
      %dma_start3A_123 = tpu.memref_slice %arg3[%multiple_of3A] : memref<624xi32, #tpu.memory_space<hbm>> -> memref<48xi32, #tpu.memory_space<hbm>>
      tpu.enqueue_dma source(%dma_start3A_123 : memref<48xi32, #tpu.memory_space<hbm>>) target(%arg5 : memref<48xi32, #tpu.memory_space<vmem>>) target_semaphore(%run_scoped3A : memref<!tpu.dma_semaphore, #tpu.memory_space<semaphore_mem>>)
      %dma_wait3A_124 = tpu.memref_slice %arg3[%multiple_of3A] : memref<624xi32, #tpu.memory_space<hbm>> -> memref<48xi32, #tpu.memory_space<hbm>>
      %dma_wait3A_125 = tpu.memref_slice %arg3[%multiple_of3A] : memref<624xi32, #tpu.memory_space<hbm>> -> memref<48xi32, #tpu.memory_space<hbm>>
      tpu.wait_dma2 semaphore(%run_scoped3A : memref<!tpu.dma_semaphore, #tpu.memory_space<semaphore_mem>>) src(%dma_wait3A_125 : memref<48xi32, #tpu.memory_space<hbm>>) dst(%arg5 : memref<48xi32, #tpu.memory_space<vmem>>)
      tpu.yield
    }) : () -> ()
    %get3A = arith.constant 0 : index
    %get3A_5 = tpu.vector_load %arg5[%get3A] {strides = array<i32>} : memref<48xi32, #tpu.memory_space<vmem>>, vector<16xi32>,
    %get3A_6 = vector.shape_cast %get3A_5 : vector<16xi32> to vector<16xi32>
    %broadcast_in_dim3A = arith.constant 24 : i32
    %broadcast_in_dim3A_7 = vector.broadcast %broadcast_in_dim3A : i32 to vector<16xi32>
    %broadcast_in_dim3A_8 = arith.constant 8 : i32
    %broadcast_in_dim3A_9 = vector.broadcast %broadcast_in_dim3A_8 : i32 to vector<16xi32>
    %rem3A_10 = arith.remsi %get3A_6, %broadcast_in_dim3A_7 : vector<16xi32>
    %mul3A_11 = arith.constant 884736 : i32
    %mul3A_12 = arith.muli %div3A_3, %mul3A_11 : i32
    %broadcast_in_dim3A_13 = vector.broadcast %mul3A_12 : i32 to vector<16xi32>
    %div3A_14 = arith.divsi %get3A_6, %broadcast_in_dim3A_7 : vector<16xi32>
    %mul3A_15 = arith.constant 384 : i32
    %mul3A_16 = vector.broadcast %mul3A_15 : i32 to vector<16xi32>
    %mul3A_17 = arith.muli %div3A_14, %mul3A_16 : vector<16xi32>
    %add3A_18 = arith.addi %broadcast_in_dim3A_13, %mul3A_17 : vector<16xi32>
    %div3A_19 = arith.divsi %rem3A_10, %broadcast_in_dim3A_9 : vector<16xi32>
    %mul3A_20 = arith.constant 64 : i32
    %mul3A_21 = vector.broadcast %mul3A_20 : i32 to vector<16xi32>
    %mul3A_22 = arith.muli %div3A_19, %mul3A_21 : vector<16xi32>
    %add3A_23 = arith.addi %add3A_18, %mul3A_22 : vector<16xi32>
    %rem3A_24 = arith.remsi %rem3A_10, %broadcast_in_dim3A_9 : vector<16xi32>
    %add3A_25 = arith.addi %add3A_23, %rem3A_24 : vector<16xi32>
    %swap3A = arith.constant 0 : index
    %swap3A_26 = tpu.vector_load %arg6[%swap3A] {strides = array<i32>} : memref<48xi32, #tpu.memory_space<vmem>>, vector<16xi32>,
    %swap3A_27 = vector.shape_cast %swap3A_26 : vector<16xi32> to vector<16xi32>
    %swap3A_28 = vector.shape_cast %add3A_25 : vector<16xi32> to vector<16xi32>
    tpu.vector_store %arg6[%swap3A], %swap3A_28 {strides = array<i32>} : memref<48xi32, #tpu.memory_space<vmem>>, vector<16xi32>,
    %get3A_29 = arith.constant 16 : index
    %get3A_30 = tpu.vector_load %arg5[%get3A_29] {strides = array<i32>} : memref<48xi32, #tpu.memory_space<vmem>>, vector<16xi32>,
    %get3A_31 = vector.shape_cast %get3A_30 : vector<16xi32> to vector<16xi32>
    %broadcast_in_dim3A_32 = arith.constant 24 : i32
    %broadcast_in_dim3A_33 = vector.broadcast %broadcast_in_dim3A_32 : i32 to vector<16xi32>
    %broadcast_in_dim3A_34 = arith.constant 8 : i32
    %broadcast_in_dim3A_35 = vector.broadcast %broadcast_in_dim3A_34 : i32 to vector<16xi32>
    %rem3A_36 = arith.remsi %get3A_31, %broadcast_in_dim3A_33 : vector<16xi32>
    %mul3A_37 = arith.constant 884736 : i32
    %mul3A_38 = arith.muli %div3A_3, %mul3A_37 : i32
    %broadcast_in_dim3A_39 = vector.broadcast %mul3A_38 : i32 to vector<16xi32>
    %div3A_40 = arith.divsi %get3A_31, %broadcast_in_dim3A_33 : vector<16xi32>
    %mul3A_41 = arith.constant 384 : i32
    %mul3A_42 = vector.broadcast %mul3A_41 : i32 to vector<16xi32>
    %mul3A_43 = arith.muli %div3A_40, %mul3A_42 : vector<16xi32>
    %add3A_44 = arith.addi %broadcast_in_dim3A_39, %mul3A_43 : vector<16xi32>
    %div3A_45 = arith.divsi %rem3A_36, %broadcast_in_dim3A_35 : vector<16xi32>
    %mul3A_46 = arith.constant 64 : i32
    %mul3A_47 = vector.broadcast %mul3A_46 : i32 to vector<16xi32>
    %mul3A_48 = arith.muli %div3A_45, %mul3A_47 : vector<16xi32>
    %add3A_49 = arith.addi %add3A_44, %mul3A_48 : vector<16xi32>
    %rem3A_50 = arith.remsi %rem3A_36, %broadcast_in_dim3A_35 : vector<16xi32>
    %add3A_51 = arith.addi %add3A_49, %rem3A_50 : vector<16xi32>
    %swap3A_52 = arith.constant 16 : index
    %swap3A_53 = tpu.vector_load %arg6[%swap3A_52] {strides = array<i32>} : memref<48xi32, #tpu.memory_space<vmem>>, vector<16xi32>,
    %swap3A_54 = vector.shape_cast %swap3A_53 : vector<16xi32> to vector<16xi32>
    %swap3A_55 = vector.shape_cast %add3A_51 : vector<16xi32> to vector<16xi32>
    tpu.vector_store %arg6[%swap3A_52], %swap3A_55 {strides = array<i32>} : memref<48xi32, #tpu.memory_space<vmem>>, vector<16xi32>,
    %get3A_56 = arith.constant 32 : index
    %get3A_57 = tpu.vector_load %arg5[%get3A_56] {strides = array<i32>} : memref<48xi32, #tpu.memory_space<vmem>>, vector<16xi32>,
    %get3A_58 = vector.shape_cast %get3A_57 : vector<16xi32> to vector<16xi32>
    %broadcast_in_dim3A_59 = arith.constant 24 : i32
    %broadcast_in_dim3A_60 = vector.broadcast %broadcast_in_dim3A_59 : i32 to vector<16xi32>
    %broadcast_in_dim3A_61 = arith.constant 8 : i32
    %broadcast_in_dim3A_62 = vector.broadcast %broadcast_in_dim3A_61 : i32 to vector<16xi32>
    %rem3A_63 = arith.remsi %get3A_58, %broadcast_in_dim3A_60 : vector<16xi32>
    %mul3A_64 = arith.constant 884736 : i32
    %mul3A_65 = arith.muli %div3A_3, %mul3A_64 : i32
    %broadcast_in_dim3A_66 = vector.broadcast %mul3A_65 : i32 to vector<16xi32>
    %div3A_67 = arith.divsi %get3A_58, %broadcast_in_dim3A_60 : vector<16xi32>
    %mul3A_68 = arith.constant 384 : i32
    %mul3A_69 = vector.broadcast %mul3A_68 : i32 to vector<16xi32>
    %mul3A_70 = arith.muli %div3A_67, %mul3A_69 : vector<16xi32>
    %add3A_71 = arith.addi %broadcast_in_dim3A_66, %mul3A_70 : vector<16xi32>
    %div3A_72 = arith.divsi %rem3A_63, %broadcast_in_dim3A_62 : vector<16xi32>
    %mul3A_73 = arith.constant 64 : i32
    %mul3A_74 = vector.broadcast %mul3A_73 : i32 to vector<16xi32>
    %mul3A_75 = arith.muli %div3A_72, %mul3A_74 : vector<16xi32>
    %add3A_76 = arith.addi %add3A_71, %mul3A_75 : vector<16xi32>
    %rem3A_77 = arith.remsi %rem3A_63, %broadcast_in_dim3A_62 : vector<16xi32>
    %add3A_78 = arith.addi %add3A_76, %rem3A_77 : vector<16xi32>
    %swap3A_79 = arith.constant 32 : index
    %swap3A_80 = tpu.vector_load %arg6[%swap3A_79] {strides = array<i32>} : memref<48xi32, #tpu.memory_space<vmem>>, vector<16xi32>,
    %swap3A_81 = vector.shape_cast %swap3A_80 : vector<16xi32> to vector<16xi32>
    %swap3A_82 = vector.shape_cast %add3A_78 : vector<16xi32> to vector<16xi32>
    tpu.vector_store %arg6[%swap3A_79], %swap3A_82 {strides = array<i32>} : memref<48xi32, #tpu.memory_space<vmem>>, vector<16xi32>,
    %scan3A = arith.constant 0 : i32
    %scan3A_83 = arith.constant 0 : i32
    %scan3A_84 = arith.constant 9 : i32
    %scan3A_85 = arith.addi %scan3A_83, %scan3A_84 : i32
    %scan3A_86 = arith.constant 1 : i32
    scf.for %scan3A_123 = %scan3A_83 to %scan3A_85 step %scan3A_86  : i32 {
      %mul3A_124 = arith.constant 2 : i32
      %mul3A_125 = arith.muli %scan3A_123, %mul3A_124 : i32
      %add3A_126 = arith.constant 0 : i32
      %add3A_127 = arith.addi %mul3A_125, %add3A_126 : i32
      %gt3A = arith.constant 0 : i32
      %gt3A_128 = arith.cmpi sgt, %scan3A_123, %gt3A : i32
      %convert_element_type3A = arith.extui %gt3A_128 : i1 to i32
      %cond3A = arith.constant 0 : i32
      %cond3A_129 = arith.cmpi ne, %convert_element_type3A, %cond3A : i32
      scf.if %cond3A_129 {
        %dma_wait3A_283 = arith.constant 0 : i32
        %dma_wait3A_284 = arith.constant 0 : i32
        %dma_wait3A_285 = arith.constant 0 : i32
        %dma_wait3A_286 = arith.constant 0 : i32
        %dma_wait3A_287 = tpu.memref_slice %arg8[%dma_wait3A_283, %dma_wait3A_285, %dma_wait3A_286] : memref<2x1536x16xf32, #tpu.memory_space<vmem>> -> memref<1x1536x16xf32, #tpu.memory_space<vmem>>
        %dma_wait3A_288 = tpu.memref_squeeze %dma_wait3A_287 : memref<1x1536x16xf32, #tpu.memory_space<vmem>> -> memref<1536x16xf32, #tpu.memory_space<vmem>>
        %dma_wait3A_289 = arith.constant 0 : i32
        %dma_wait3A_290 = arith.constant 0 : i32
        %dma_wait3A_291 = tpu.memref_slice %arg2[%dma_wait3A_289, %dma_wait3A_290] : memref<884736x16xf32, #tpu.memory_space<hbm>> -> memref<1536x16xf32, #tpu.memory_space<hbm>>
        %dma_wait3A_292 = tpu.memref_slice %arg10[%dma_wait3A_284] : memref<2x!tpu.dma_semaphore, #tpu.memory_space<semaphore_mem>> -> memref<1x!tpu.dma_semaphore, #tpu.memory_space<semaphore_mem>>
        %dma_wait3A_293 = tpu.memref_squeeze %dma_wait3A_292 : memref<1x!tpu.dma_semaphore, #tpu.memory_space<semaphore_mem>> -> memref<!tpu.dma_semaphore, #tpu.memory_space<semaphore_mem>>
        %dma_wait3A_294 = arith.constant 0 : i32
        %dma_wait3A_295 = arith.constant 0 : i32
        %dma_wait3A_296 = tpu.memref_slice %arg8[%dma_wait3A_283, %dma_wait3A_294, %dma_wait3A_295] : memref<2x1536x16xf32, #tpu.memory_space<vmem>> -> memref<1x1536x16xf32, #tpu.memory_space<vmem>>
        %dma_wait3A_297 = tpu.memref_squeeze %dma_wait3A_296 : memref<1x1536x16xf32, #tpu.memory_space<vmem>> -> memref<1536x16xf32, #tpu.memory_space<vmem>>
        %dma_wait3A_298 = arith.constant 0 : i32
        %dma_wait3A_299 = arith.constant 0 : i32
        %dma_wait3A_300 = tpu.memref_slice %arg2[%dma_wait3A_298, %dma_wait3A_299] : memref<884736x16xf32, #tpu.memory_space<hbm>> -> memref<1536x16xf32, #tpu.memory_space<hbm>>
        tpu.wait_dma2 semaphore(%dma_wait3A_293 : memref<!tpu.dma_semaphore, #tpu.memory_space<semaphore_mem>>) src(%dma_wait3A_300 : memref<1536x16xf32, #tpu.memory_space<hbm>>) dst(%dma_wait3A_297 : memref<1536x16xf32, #tpu.memory_space<vmem>>)
      } else {
      }
      %add3A_130 = arith.addi %add3A_127, %rem3A_4 : i32
      %div3A_131 = arith.constant 16 : i32
      %div3A_132 = arith.divsi %add3A_130, %div3A_131 : i32
      %rem3A_133 = arith.constant 16 : i32
      %rem3A_134 = arith.remsi %add3A_130, %rem3A_133 : i32
      %mul3A_135 = arith.constant 16 : i32
      %mul3A_136 = arith.muli %div3A_132, %mul3A_135 : i32
      %get3A_137 = arith.index_cast %mul3A_136 : i32 to index
      %get3A_138 = tpu.vector_load %arg6[%get3A_137] {strides = array<i32>} : memref<48xi32, #tpu.memory_space<vmem>>, vector<16xi32>,
      %get3A_139 = vector.shape_cast %get3A_138 : vector<16xi32> to vector<16xi32>
      %broadcast_in_dim3A_140 = vector.broadcast %rem3A_134 : i32 to vector<16x1xi32>
      %gather3A = vector.shape_cast %broadcast_in_dim3A_140 : vector<16x1xi32> to vector<16xi32>
      %gather3A_141 = tpu.dynamic_gather %get3A_139[%gather3A] in [0] : vector<16xi32>, vector<16xi32> -> vector<16xi32>
      %scan3A_142 = arith.constant 0 : i32
      %scan3A_143 = arith.constant 0 : i32
      %scan3A_144 = arith.constant 24 : i32
      %scan3A_145 = arith.addi %scan3A_143, %scan3A_144 : i32
      %scan3A_146 = arith.constant 1 : i32
      %scan3A_147 = scf.for %scan3A_283 = %scan3A_143 to %scan3A_145 step %scan3A_146 iter_args(%scan3A_284 = %scan3A_142) -> (i32)  : i32 {
        %iota3A = tpu.iota {dimensions = array<i32: 0>} : vector<16xi32>
        %broadcast_in_dim3A_285 = arith.constant 8 : i32
        %broadcast_in_dim3A_286 = vector.broadcast %broadcast_in_dim3A_285 : i32 to vector<16xi32>
        %div3A_287 = arith.divsi %iota3A, %broadcast_in_dim3A_286 : vector<16xi32>
        %mul3A_288 = arith.constant 192 : i32
        %mul3A_289 = vector.broadcast %mul3A_288 : i32 to vector<16xi32>
        %mul3A_290 = arith.muli %div3A_287, %mul3A_289 : vector<16xi32>
        %rem3A_291 = arith.remsi %iota3A, %broadcast_in_dim3A_286 : vector<16xi32>
        %mul3A_292 = arith.constant 8 : i32
        %mul3A_293 = vector.broadcast %mul3A_292 : i32 to vector<16xi32>
        %mul3A_294 = arith.muli %rem3A_291, %mul3A_293 : vector<16xi32>
        %add3A_295 = arith.addi %mul3A_290, %mul3A_294 : vector<16xi32>
        %mul3A_296 = arith.constant 4 : i32
        %mul3A_297 = arith.muli %scan3A_283, %mul3A_296 : i32
        %add3A_298 = arith.constant 0 : i32
        %add3A_299 = arith.addi %mul3A_297, %add3A_298 : i32
        %mul3A_300 = arith.constant 9216 : i32
        %mul3A_301 = arith.muli %add3A_299, %mul3A_300 : i32
        %broadcast_in_dim3A_302 = vector.broadcast %mul3A_301 : i32 to vector<16xi32>
        %add3A_303 = arith.addi %gather3A_141, %broadcast_in_dim3A_302 : vector<16xi32>
        %add3A_304 = arith.addi %add3A_303, %add3A_295 : vector<16xi32>
        %mul3A_305 = arith.constant 16 : i32
        %mul3A_306 = arith.muli %add3A_299, %mul3A_305 : i32
        %swap3A_307 = arith.constant 0 : i32
        %swap3A_308 = arith.index_cast %swap3A_307 : i32 to index
        %swap3A_309 = arith.index_cast %mul3A_306 : i32 to index
        %swap3A_310 = tpu.vector_load %arg7[%swap3A_308, %swap3A_309] {strides = array<i32>} : memref<2x1536xi32, #tpu.memory_space<vmem>>, vector<1x16xi32>,
        %swap3A_311 = vector.shape_cast %swap3A_310 : vector<1x16xi32> to vector<16xi32>
        %swap3A_312 = vector.shape_cast %add3A_304 : vector<16xi32> to vector<1x16xi32>
        tpu.vector_store %arg7[%swap3A_308, %swap3A_309], %swap3A_312 {strides = array<i32>} : memref<2x1536xi32, #tpu.memory_space<vmem>>, vector<1x16xi32>,
        %mul3A_313 = arith.constant 4 : i32
        %mul3A_314 = arith.muli %scan3A_283, %mul3A_313 : i32
        %add3A_315 = arith.constant 1 : i32
        %add3A_316 = arith.addi %mul3A_314, %add3A_315 : i32
        %mul3A_317 = arith.constant 9216 : i32
        %mul3A_318 = arith.muli %add3A_316, %mul3A_317 : i32
        %broadcast_in_dim3A_319 = vector.broadcast %mul3A_318 : i32 to vector<16xi32>
        %add3A_320 = arith.addi %gather3A_141, %broadcast_in_dim3A_319 : vector<16xi32>
        %add3A_321 = arith.addi %add3A_320, %add3A_295 : vector<16xi32>
        %mul3A_322 = arith.constant 16 : i32
        %mul3A_323 = arith.muli %add3A_316, %mul3A_322 : i32
        %swap3A_324 = arith.constant 0 : i32
        %swap3A_325 = arith.index_cast %swap3A_324 : i32 to index
        %swap3A_326 = arith.index_cast %mul3A_323 : i32 to index
        %swap3A_327 = tpu.vector_load %arg7[%swap3A_325, %swap3A_326] {strides = array<i32>} : memref<2x1536xi32, #tpu.memory_space<vmem>>, vector<1x16xi32>,
        %swap3A_328 = vector.shape_cast %swap3A_327 : vector<1x16xi32> to vector<16xi32>
        %swap3A_329 = vector.shape_cast %add3A_321 : vector<16xi32> to vector<1x16xi32>
        tpu.vector_store %arg7[%swap3A_325, %swap3A_326], %swap3A_329 {strides = array<i32>} : memref<2x1536xi32, #tpu.memory_space<vmem>>, vector<1x16xi32>,
        %mul3A_330 = arith.constant 4 : i32
        %mul3A_331 = arith.muli %scan3A_283, %mul3A_330 : i32
        %add3A_332 = arith.constant 2 : i32
        %add3A_333 = arith.addi %mul3A_331, %add3A_332 : i32
        %mul3A_334 = arith.constant 9216 : i32
        %mul3A_335 = arith.muli %add3A_333, %mul3A_334 : i32
        %broadcast_in_dim3A_336 = vector.broadcast %mul3A_335 : i32 to vector<16xi32>
        %add3A_337 = arith.addi %gather3A_141, %broadcast_in_dim3A_336 : vector<16xi32>
        %add3A_338 = arith.addi %add3A_337, %add3A_295 : vector<16xi32>
        %mul3A_339 = arith.constant 16 : i32
        %mul3A_340 = arith.muli %add3A_333, %mul3A_339 : i32
        %swap3A_341 = arith.constant 0 : i32
        %swap3A_342 = arith.index_cast %swap3A_341 : i32 to index
        %swap3A_343 = arith.index_cast %mul3A_340 : i32 to index
        %swap3A_344 = tpu.vector_load %arg7[%swap3A_342, %swap3A_343] {strides = array<i32>} : memref<2x1536xi32, #tpu.memory_space<vmem>>, vector<1x16xi32>,
        %swap3A_345 = vector.shape_cast %swap3A_344 : vector<1x16xi32> to vector<16xi32>
        %swap3A_346 = vector.shape_cast %add3A_338 : vector<16xi32> to vector<1x16xi32>
        tpu.vector_store %arg7[%swap3A_342, %swap3A_343], %swap3A_346 {strides = array<i32>} : memref<2x1536xi32, #tpu.memory_space<vmem>>, vector<1x16xi32>,
        %mul3A_347 = arith.constant 4 : i32
        %mul3A_348 = arith.muli %scan3A_283, %mul3A_347 : i32
        %add3A_349 = arith.constant 3 : i32
        %add3A_350 = arith.addi %mul3A_348, %add3A_349 : i32
        %mul3A_351 = arith.constant 9216 : i32
        %mul3A_352 = arith.muli %add3A_350, %mul3A_351 : i32
        %broadcast_in_dim3A_353 = vector.broadcast %mul3A_352 : i32 to vector<16xi32>
        %add3A_354 = arith.addi %gather3A_141, %broadcast_in_dim3A_353 : vector<16xi32>
        %add3A_355 = arith.addi %add3A_354, %add3A_295 : vector<16xi32>
        %mul3A_356 = arith.constant 16 : i32
        %mul3A_357 = arith.muli %add3A_350, %mul3A_356 : i32
        %swap3A_358 = arith.constant 0 : i32
        %swap3A_359 = arith.index_cast %swap3A_358 : i32 to index
        %swap3A_360 = arith.index_cast %mul3A_357 : i32 to index
        %swap3A_361 = tpu.vector_load %arg7[%swap3A_359, %swap3A_360] {strides = array<i32>} : memref<2x1536xi32, #tpu.memory_space<vmem>>, vector<1x16xi32>,
        %swap3A_362 = vector.shape_cast %swap3A_361 : vector<1x16xi32> to vector<16xi32>
        %swap3A_363 = vector.shape_cast %add3A_355 : vector<16xi32> to vector<1x16xi32>
        tpu.vector_store %arg7[%swap3A_359, %swap3A_360], %swap3A_363 {strides = array<i32>} : memref<2x1536xi32, #tpu.memory_space<vmem>>, vector<1x16xi32>,
        %scan3A_364 = arith.constant 0 : i32
        scf.yield %scan3A_364 : i32
      }
      %scan3A_148 = arith.constant 24 : i32
      %dma_start3A = arith.constant 0 : i32
      %dma_start3A_149 = arith.constant 0 : i32
      %dma_start3A_150 = arith.constant 0 : i32
      %dma_start3A_151 = arith.constant 0 : i32
      %dma_start3A_152 = arith.constant 0 : i32
      %dma_start3A_153 = tpu.memref_slice %arg8[%dma_start3A_149, %dma_start3A_151, %dma_start3A_152] : memref<2x1536x16xf32, #tpu.memory_space<vmem>> -> memref<1x1536x16xf32, #tpu.memory_space<vmem>>
      %dma_start3A_154 = tpu.memref_squeeze %dma_start3A_153 : memref<1x1536x16xf32, #tpu.memory_space<vmem>> -> memref<1536x16xf32, #tpu.memory_space<vmem>>
      %dma_start3A_155 = arith.constant 0 : i32
      %dma_start3A_156 = tpu.memref_slice %arg7[%dma_start3A, %dma_start3A_155] : memref<2x1536xi32, #tpu.memory_space<vmem>> -> memref<1x1536xi32, #tpu.memory_space<vmem>>
      %dma_start3A_157 = tpu.memref_squeeze %dma_start3A_156 : memref<1x1536xi32, #tpu.memory_space<vmem>> -> memref<1536xi32, #tpu.memory_space<vmem>>
      %dma_start3A_158 = arith.constant 0 : i32
      %dma_start3A_159 = arith.constant 0 : i32
      %dma_start3A_160 = tpu.memref_slice %arg2[%dma_start3A_158, %dma_start3A_159] : memref<884736x16xf32, #tpu.memory_space<hbm>> -> memref<884736x16xf32, #tpu.memory_space<hbm>>
      %dma_start3A_161 = tpu.memref_slice %arg9[%dma_start3A_150] : memref<2x!tpu.dma_semaphore, #tpu.memory_space<semaphore_mem>> -> memref<1x!tpu.dma_semaphore, #tpu.memory_space<semaphore_mem>>
      %dma_start3A_162 = tpu.memref_squeeze %dma_start3A_161 : memref<1x!tpu.dma_semaphore, #tpu.memory_space<semaphore_mem>> -> memref<!tpu.dma_semaphore, #tpu.memory_space<semaphore_mem>>
      tpu.enqueue_indirect_dma source(%dma_start3A_160 : memref<884736x16xf32, #tpu.memory_space<hbm>>) target(%dma_start3A_154 : memref<1536x16xf32, #tpu.memory_space<vmem>>) offsets(%dma_start3A_157 : memref<1536xi32, #tpu.memory_space<vmem>>) semaphore(%dma_start3A_162 : memref<!tpu.dma_semaphore, #tpu.memory_space<semaphore_mem>>)
      %mul3A_163 = arith.constant 2 : i32
      %mul3A_164 = arith.muli %scan3A_123, %mul3A_163 : i32
      %add3A_165 = arith.constant 1 : i32
      %add3A_166 = arith.addi %mul3A_164, %add3A_165 : i32
      %gt3A_167 = arith.constant 0 : i32
      %gt3A_168 = arith.cmpi sgt, %scan3A_123, %gt3A_167 : i32
      %convert_element_type3A_169 = arith.extui %gt3A_168 : i1 to i32
      %cond3A_170 = arith.constant 0 : i32
      %cond3A_171 = arith.cmpi ne, %convert_element_type3A_169, %cond3A_170 : i32
      scf.if %cond3A_171 {
        %dma_wait3A_283 = arith.constant 1 : i32
        %dma_wait3A_284 = arith.constant 1 : i32
        %dma_wait3A_285 = arith.constant 0 : i32
        %dma_wait3A_286 = arith.constant 0 : i32
        %dma_wait3A_287 = tpu.memref_slice %arg8[%dma_wait3A_283, %dma_wait3A_285, %dma_wait3A_286] : memref<2x1536x16xf32, #tpu.memory_space<vmem>> -> memref<1x1536x16xf32, #tpu.memory_space<vmem>>
        %dma_wait3A_288 = tpu.memref_squeeze %dma_wait3A_287 : memref<1x1536x16xf32, #tpu.memory_space<vmem>> -> memref<1536x16xf32, #tpu.memory_space<vmem>>
        %dma_wait3A_289 = arith.constant 0 : i32
        %dma_wait3A_290 = arith.constant 0 : i32
        %dma_wait3A_291 = tpu.memref_slice %arg2[%dma_wait3A_289, %dma_wait3A_290] : memref<884736x16xf32, #tpu.memory_space<hbm>> -> memref<1536x16xf32, #tpu.memory_space<hbm>>
        %dma_wait3A_292 = tpu.memref_slice %arg10[%dma_wait3A_284] : memref<2x!tpu.dma_semaphore, #tpu.memory_space<semaphore_mem>> -> memref<1x!tpu.dma_semaphore, #tpu.memory_space<semaphore_mem>>
        %dma_wait3A_293 = tpu.memref_squeeze %dma_wait3A_292 : memref<1x!tpu.dma_semaphore, #tpu.memory_space<semaphore_mem>> -> memref<!tpu.dma_semaphore, #tpu.memory_space<semaphore_mem>>
        %dma_wait3A_294 = arith.constant 0 : i32
        %dma_wait3A_295 = arith.constant 0 : i32
        %dma_wait3A_296 = tpu.memref_slice %arg8[%dma_wait3A_283, %dma_wait3A_294, %dma_wait3A_295] : memref<2x1536x16xf32, #tpu.memory_space<vmem>> -> memref<1x1536x16xf32, #tpu.memory_space<vmem>>
        %dma_wait3A_297 = tpu.memref_squeeze %dma_wait3A_296 : memref<1x1536x16xf32, #tpu.memory_space<vmem>> -> memref<1536x16xf32, #tpu.memory_space<vmem>>
        %dma_wait3A_298 = arith.constant 0 : i32
        %dma_wait3A_299 = arith.constant 0 : i32
        %dma_wait3A_300 = tpu.memref_slice %arg2[%dma_wait3A_298, %dma_wait3A_299] : memref<884736x16xf32, #tpu.memory_space<hbm>> -> memref<1536x16xf32, #tpu.memory_space<hbm>>
        tpu.wait_dma2 semaphore(%dma_wait3A_293 : memref<!tpu.dma_semaphore, #tpu.memory_space<semaphore_mem>>) src(%dma_wait3A_300 : memref<1536x16xf32, #tpu.memory_space<hbm>>) dst(%dma_wait3A_297 : memref<1536x16xf32, #tpu.memory_space<vmem>>)
      } else {
      }
      %add3A_172 = arith.addi %add3A_166, %rem3A_4 : i32
      %div3A_173 = arith.constant 16 : i32
      %div3A_174 = arith.divsi %add3A_172, %div3A_173 : i32
      %rem3A_175 = arith.constant 16 : i32
      %rem3A_176 = arith.remsi %add3A_172, %rem3A_175 : i32
      %mul3A_177 = arith.constant 16 : i32
      %mul3A_178 = arith.muli %div3A_174, %mul3A_177 : i32
      %get3A_179 = arith.index_cast %mul3A_178 : i32 to index
      %get3A_180 = tpu.vector_load %arg6[%get3A_179] {strides = array<i32>} : memref<48xi32, #tpu.memory_space<vmem>>, vector<16xi32>,
      %get3A_181 = vector.shape_cast %get3A_180 : vector<16xi32> to vector<16xi32>
      %broadcast_in_dim3A_182 = vector.broadcast %rem3A_176 : i32 to vector<16x1xi32>
      %gather3A_183 = vector.shape_cast %broadcast_in_dim3A_182 : vector<16x1xi32> to vector<16xi32>
      %gather3A_184 = tpu.dynamic_gather %get3A_181[%gather3A_183] in [0] : vector<16xi32>, vector<16xi32> -> vector<16xi32>
      %scan3A_185 = arith.constant 0 : i32
      %scan3A_186 = arith.constant 0 : i32
      %scan3A_187 = arith.constant 24 : i32
      %scan3A_188 = arith.addi %scan3A_186, %scan3A_187 : i32
      %scan3A_189 = arith.constant 1 : i32
      %scan3A_190 = scf.for %scan3A_283 = %scan3A_186 to %scan3A_188 step %scan3A_189 iter_args(%scan3A_284 = %scan3A_185) -> (i32)  : i32 {
        %iota3A = tpu.iota {dimensions = array<i32: 0>} : vector<16xi32>
        %broadcast_in_dim3A_285 = arith.constant 8 : i32
        %broadcast_in_dim3A_286 = vector.broadcast %broadcast_in_dim3A_285 : i32 to vector<16xi32>
        %div3A_287 = arith.divsi %iota3A, %broadcast_in_dim3A_286 : vector<16xi32>
        %mul3A_288 = arith.constant 192 : i32
        %mul3A_289 = vector.broadcast %mul3A_288 : i32 to vector<16xi32>
        %mul3A_290 = arith.muli %div3A_287, %mul3A_289 : vector<16xi32>
        %rem3A_291 = arith.remsi %iota3A, %broadcast_in_dim3A_286 : vector<16xi32>
        %mul3A_292 = arith.constant 8 : i32
        %mul3A_293 = vector.broadcast %mul3A_292 : i32 to vector<16xi32>
        %mul3A_294 = arith.muli %rem3A_291, %mul3A_293 : vector<16xi32>
        %add3A_295 = arith.addi %mul3A_290, %mul3A_294 : vector<16xi32>
        %mul3A_296 = arith.constant 4 : i32
        %mul3A_297 = arith.muli %scan3A_283, %mul3A_296 : i32
        %add3A_298 = arith.constant 0 : i32
        %add3A_299 = arith.addi %mul3A_297, %add3A_298 : i32
        %mul3A_300 = arith.constant 9216 : i32
        %mul3A_301 = arith.muli %add3A_299, %mul3A_300 : i32
        %broadcast_in_dim3A_302 = vector.broadcast %mul3A_301 : i32 to vector<16xi32>
        %add3A_303 = arith.addi %gather3A_184, %broadcast_in_dim3A_302 : vector<16xi32>
        %add3A_304 = arith.addi %add3A_303, %add3A_295 : vector<16xi32>
        %mul3A_305 = arith.constant 16 : i32
        %mul3A_306 = arith.muli %add3A_299, %mul3A_305 : i32
        %swap3A_307 = arith.constant 1 : i32
        %swap3A_308 = arith.index_cast %swap3A_307 : i32 to index
        %swap3A_309 = arith.index_cast %mul3A_306 : i32 to index
        %swap3A_310 = tpu.vector_load %arg7[%swap3A_308, %swap3A_309] {strides = array<i32>} : memref<2x1536xi32, #tpu.memory_space<vmem>>, vector<1x16xi32>,
        %swap3A_311 = vector.shape_cast %swap3A_310 : vector<1x16xi32> to vector<16xi32>
        %swap3A_312 = vector.shape_cast %add3A_304 : vector<16xi32> to vector<1x16xi32>
        tpu.vector_store %arg7[%swap3A_308, %swap3A_309], %swap3A_312 {strides = array<i32>} : memref<2x1536xi32, #tpu.memory_space<vmem>>, vector<1x16xi32>,
        %mul3A_313 = arith.constant 4 : i32
        %mul3A_314 = arith.muli %scan3A_283, %mul3A_313 : i32
        %add3A_315 = arith.constant 1 : i32
        %add3A_316 = arith.addi %mul3A_314, %add3A_315 : i32
        %mul3A_317 = arith.constant 9216 : i32
        %mul3A_318 = arith.muli %add3A_316, %mul3A_317 : i32
        %broadcast_in_dim3A_319 = vector.broadcast %mul3A_318 : i32 to vector<16xi32>
        %add3A_320 = arith.addi %gather3A_184, %broadcast_in_dim3A_319 : vector<16xi32>
        %add3A_321 = arith.addi %add3A_320, %add3A_295 : vector<16xi32>
        %mul3A_322 = arith.constant 16 : i32
        %mul3A_323 = arith.muli %add3A_316, %mul3A_322 : i32
        %swap3A_324 = arith.constant 1 : i32
        %swap3A_325 = arith.index_cast %swap3A_324 : i32 to index
        %swap3A_326 = arith.index_cast %mul3A_323 : i32 to index
        %swap3A_327 = tpu.vector_load %arg7[%swap3A_325, %swap3A_326] {strides = array<i32>} : memref<2x1536xi32, #tpu.memory_space<vmem>>, vector<1x16xi32>,
        %swap3A_328 = vector.shape_cast %swap3A_327 : vector<1x16xi32> to vector<16xi32>
        %swap3A_329 = vector.shape_cast %add3A_321 : vector<16xi32> to vector<1x16xi32>
        tpu.vector_store %arg7[%swap3A_325, %swap3A_326], %swap3A_329 {strides = array<i32>} : memref<2x1536xi32, #tpu.memory_space<vmem>>, vector<1x16xi32>,
        %mul3A_330 = arith.constant 4 : i32
        %mul3A_331 = arith.muli %scan3A_283, %mul3A_330 : i32
        %add3A_332 = arith.constant 2 : i32
        %add3A_333 = arith.addi %mul3A_331, %add3A_332 : i32
        %mul3A_334 = arith.constant 9216 : i32
        %mul3A_335 = arith.muli %add3A_333, %mul3A_334 : i32
        %broadcast_in_dim3A_336 = vector.broadcast %mul3A_335 : i32 to vector<16xi32>
        %add3A_337 = arith.addi %gather3A_184, %broadcast_in_dim3A_336 : vector<16xi32>
        %add3A_338 = arith.addi %add3A_337, %add3A_295 : vector<16xi32>
        %mul3A_339 = arith.constant 16 : i32
        %mul3A_340 = arith.muli %add3A_333, %mul3A_339 : i32
        %swap3A_341 = arith.constant 1 : i32
        %swap3A_342 = arith.index_cast %swap3A_341 : i32 to index
        %swap3A_343 = arith.index_cast %mul3A_340 : i32 to index
        %swap3A_344 = tpu.vector_load %arg7[%swap3A_342, %swap3A_343] {strides = array<i32>} : memref<2x1536xi32, #tpu.memory_space<vmem>>, vector<1x16xi32>,
        %swap3A_345 = vector.shape_cast %swap3A_344 : vector<1x16xi32> to vector<16xi32>
        %swap3A_346 = vector.shape_cast %add3A_338 : vector<16xi32> to vector<1x16xi32>
        tpu.vector_store %arg7[%swap3A_342, %swap3A_343], %swap3A_346 {strides = array<i32>} : memref<2x1536xi32, #tpu.memory_space<vmem>>, vector<1x16xi32>,
        %mul3A_347 = arith.constant 4 : i32
        %mul3A_348 = arith.muli %scan3A_283, %mul3A_347 : i32
        %add3A_349 = arith.constant 3 : i32
        %add3A_350 = arith.addi %mul3A_348, %add3A_349 : i32
        %mul3A_351 = arith.constant 9216 : i32
        %mul3A_352 = arith.muli %add3A_350, %mul3A_351 : i32
        %broadcast_in_dim3A_353 = vector.broadcast %mul3A_352 : i32 to vector<16xi32>
        %add3A_354 = arith.addi %gather3A_184, %broadcast_in_dim3A_353 : vector<16xi32>
        %add3A_355 = arith.addi %add3A_354, %add3A_295 : vector<16xi32>
        %mul3A_356 = arith.constant 16 : i32
        %mul3A_357 = arith.muli %add3A_350, %mul3A_356 : i32
        %swap3A_358 = arith.constant 1 : i32
        %swap3A_359 = arith.index_cast %swap3A_358 : i32 to index
        %swap3A_360 = arith.index_cast %mul3A_357 : i32 to index
        %swap3A_361 = tpu.vector_load %arg7[%swap3A_359, %swap3A_360] {strides = array<i32>} : memref<2x1536xi32, #tpu.memory_space<vmem>>, vector<1x16xi32>,
        %swap3A_362 = vector.shape_cast %swap3A_361 : vector<1x16xi32> to vector<16xi32>
        %swap3A_363 = vector.shape_cast %add3A_355 : vector<16xi32> to vector<1x16xi32>
        tpu.vector_store %arg7[%swap3A_359, %swap3A_360], %swap3A_363 {strides = array<i32>} : memref<2x1536xi32, #tpu.memory_space<vmem>>, vector<1x16xi32>,
        %scan3A_364 = arith.constant 0 : i32
        scf.yield %scan3A_364 : i32
      }
      %scan3A_191 = arith.constant 24 : i32
      %dma_start3A_192 = arith.constant 1 : i32
      %dma_start3A_193 = arith.constant 1 : i32
      %dma_start3A_194 = arith.constant 1 : i32
      %dma_start3A_195 = arith.constant 0 : i32
      %dma_start3A_196 = arith.constant 0 : i32
      %dma_start3A_197 = tpu.memref_slice %arg8[%dma_start3A_193, %dma_start3A_195, %dma_start3A_196] : memref<2x1536x16xf32, #tpu.memory_space<vmem>> -> memref<1x1536x16xf32, #tpu.memory_space<vmem>>
      %dma_start3A_198 = tpu.memref_squeeze %dma_start3A_197 : memref<1x1536x16xf32, #tpu.memory_space<vmem>> -> memref<1536x16xf32, #tpu.memory_space<vmem>>
      %dma_start3A_199 = arith.constant 0 : i32
      %dma_start3A_200 = tpu.memref_slice %arg7[%dma_start3A_192, %dma_start3A_199] : memref<2x1536xi32, #tpu.memory_space<vmem>> -> memref<1x1536xi32, #tpu.memory_space<vmem>>
      %dma_start3A_201 = tpu.memref_squeeze %dma_start3A_200 : memref<1x1536xi32, #tpu.memory_space<vmem>> -> memref<1536xi32, #tpu.memory_space<vmem>>
      %dma_start3A_202 = arith.constant 0 : i32
      %dma_start3A_203 = arith.constant 0 : i32
      %dma_start3A_204 = tpu.memref_slice %arg2[%dma_start3A_202, %dma_start3A_203] : memref<884736x16xf32, #tpu.memory_space<hbm>> -> memref<884736x16xf32, #tpu.memory_space<hbm>>
      %dma_start3A_205 = tpu.memref_slice %arg9[%dma_start3A_194] : memref<2x!tpu.dma_semaphore, #tpu.memory_space<semaphore_mem>> -> memref<1x!tpu.dma_semaphore, #tpu.memory_space<semaphore_mem>>
      %dma_start3A_206 = tpu.memref_squeeze %dma_start3A_205 : memref<1x!tpu.dma_semaphore, #tpu.memory_space<semaphore_mem>> -> memref<!tpu.dma_semaphore, #tpu.memory_space<semaphore_mem>>
      tpu.enqueue_indirect_dma source(%dma_start3A_204 : memref<884736x16xf32, #tpu.memory_space<hbm>>) target(%dma_start3A_198 : memref<1536x16xf32, #tpu.memory_space<vmem>>) offsets(%dma_start3A_201 : memref<1536xi32, #tpu.memory_space<vmem>>) semaphore(%dma_start3A_206 : memref<!tpu.dma_semaphore, #tpu.memory_space<semaphore_mem>>)
      %mul3A_207 = arith.constant 2 : i32
      %mul3A_208 = arith.muli %scan3A_123, %mul3A_207 : i32
      %add3A_209 = arith.constant 0 : i32
      %add3A_210 = arith.addi %mul3A_208, %add3A_209 : i32
      %dma_wait3A_211 = arith.constant 0 : i32
      %dma_wait3A_212 = arith.constant 0 : i32
      %dma_wait3A_213 = arith.constant 0 : i32
      %dma_wait3A_214 = arith.constant 0 : i32
      %dma_wait3A_215 = arith.constant 0 : i32
      %dma_wait3A_216 = tpu.memref_slice %arg8[%dma_wait3A_212, %dma_wait3A_214, %dma_wait3A_215] : memref<2x1536x16xf32, #tpu.memory_space<vmem>> -> memref<1x1536x16xf32, #tpu.memory_space<vmem>>
      %dma_wait3A_217 = tpu.memref_squeeze %dma_wait3A_216 : memref<1x1536x16xf32, #tpu.memory_space<vmem>> -> memref<1536x16xf32, #tpu.memory_space<vmem>>
      %dma_wait3A_218 = arith.constant 0 : i32
      %dma_wait3A_219 = tpu.memref_slice %arg7[%dma_wait3A_211, %dma_wait3A_218] : memref<2x1536xi32, #tpu.memory_space<vmem>> -> memref<1x1536xi32, #tpu.memory_space<vmem>>
      %dma_wait3A_220 = tpu.memref_squeeze %dma_wait3A_219 : memref<1x1536xi32, #tpu.memory_space<vmem>> -> memref<1536xi32, #tpu.memory_space<vmem>>
      %dma_wait3A_221 = arith.constant 0 : i32
      %dma_wait3A_222 = arith.constant 0 : i32
      %dma_wait3A_223 = tpu.memref_slice %arg2[%dma_wait3A_221, %dma_wait3A_222] : memref<884736x16xf32, #tpu.memory_space<hbm>> -> memref<884736x16xf32, #tpu.memory_space<hbm>>
      %dma_wait3A_224 = tpu.memref_slice %arg9[%dma_wait3A_213] : memref<2x!tpu.dma_semaphore, #tpu.memory_space<semaphore_mem>> -> memref<1x!tpu.dma_semaphore, #tpu.memory_space<semaphore_mem>>
      %dma_wait3A_225 = tpu.memref_squeeze %dma_wait3A_224 : memref<1x!tpu.dma_semaphore, #tpu.memory_space<semaphore_mem>> -> memref<!tpu.dma_semaphore, #tpu.memory_space<semaphore_mem>>
      tpu.wait_indirect_dma semaphore(%dma_wait3A_225 : memref<!tpu.dma_semaphore, #tpu.memory_space<semaphore_mem>>) src(%dma_wait3A_223 : memref<884736x16xf32, #tpu.memory_space<hbm>>) dst(%dma_wait3A_217 : memref<1536x16xf32, #tpu.memory_space<vmem>>)
      %add3A_226 = arith.addi %mul3A_2, %add3A_210 : i32
      %mul3A_227 = arith.constant 1536 : i32
      %mul3A_228 = arith.muli %add3A_226, %mul3A_227 : i32
      %dma_start3A_229 = arith.constant 0 : i32
      %dma_start3A_230 = arith.constant 0 : i32
      %dma_start3A_231 = arith.constant 0 : i32
      %dma_start3A_232 = arith.constant 0 : i32
      %dma_start3A_233 = tpu.memref_slice %arg8[%dma_start3A_229, %dma_start3A_231, %dma_start3A_232] : memref<2x1536x16xf32, #tpu.memory_space<vmem>> -> memref<1x1536x16xf32, #tpu.memory_space<vmem>>
      %dma_start3A_234 = tpu.memref_squeeze %dma_start3A_233 : memref<1x1536x16xf32, #tpu.memory_space<vmem>> -> memref<1536x16xf32, #tpu.memory_space<vmem>>
      %dma_start3A_235 = arith.constant 0 : i32
      %dma_start3A_236 = tpu.memref_slice %arg4[%mul3A_228, %dma_start3A_235] : memref<884736x16xf32, #tpu.memory_space<hbm>> -> memref<1536x16xf32, #tpu.memory_space<hbm>>
      %dma_start3A_237 = tpu.memref_slice %arg10[%dma_start3A_230] : memref<2x!tpu.dma_semaphore, #tpu.memory_space<semaphore_mem>> -> memref<1x!tpu.dma_semaphore, #tpu.memory_space<semaphore_mem>>
      %dma_start3A_238 = tpu.memref_squeeze %dma_start3A_237 : memref<1x!tpu.dma_semaphore, #tpu.memory_space<semaphore_mem>> -> memref<!tpu.dma_semaphore, #tpu.memory_space<semaphore_mem>>
      %dma_start3A_239 = arith.constant 0 : i32
      %dma_start3A_240 = tpu.memref_slice %arg4[%mul3A_228, %dma_start3A_239] : memref<884736x16xf32, #tpu.memory_space<hbm>> -> memref<1536x16xf32, #tpu.memory_space<hbm>>
      %dma_start3A_241 = arith.constant 0 : i32
      %dma_start3A_242 = arith.constant 0 : i32
      %dma_start3A_243 = tpu.memref_slice %arg8[%dma_start3A_229, %dma_start3A_241, %dma_start3A_242] : memref<2x1536x16xf32, #tpu.memory_space<vmem>> -> memref<1x1536x16xf32, #tpu.memory_space<vmem>>
      %dma_start3A_244 = tpu.memref_squeeze %dma_start3A_243 : memref<1x1536x16xf32, #tpu.memory_space<vmem>> -> memref<1536x16xf32, #tpu.memory_space<vmem>>
      tpu.enqueue_dma source(%dma_start3A_244 : memref<1536x16xf32, #tpu.memory_space<vmem>>) target(%dma_start3A_240 : memref<1536x16xf32, #tpu.memory_space<hbm>>) target_semaphore(%dma_start3A_238 : memref<!tpu.dma_semaphore, #tpu.memory_space<semaphore_mem>>)
      %mul3A_245 = arith.constant 2 : i32
      %mul3A_246 = arith.muli %scan3A_123, %mul3A_245 : i32
      %add3A_247 = arith.constant 1 : i32
      %add3A_248 = arith.addi %mul3A_246, %add3A_247 : i32
      %dma_wait3A_249 = arith.constant 1 : i32
      %dma_wait3A_250 = arith.constant 1 : i32
      %dma_wait3A_251 = arith.constant 1 : i32
      %dma_wait3A_252 = arith.constant 0 : i32
      %dma_wait3A_253 = arith.constant 0 : i32
      %dma_wait3A_254 = tpu.memref_slice %arg8[%dma_wait3A_250, %dma_wait3A_252, %dma_wait3A_253] : memref<2x1536x16xf32, #tpu.memory_space<vmem>> -> memref<1x1536x16xf32, #tpu.memory_space<vmem>>
      %dma_wait3A_255 = tpu.memref_squeeze %dma_wait3A_254 : memref<1x1536x16xf32, #tpu.memory_space<vmem>> -> memref<1536x16xf32, #tpu.memory_space<vmem>>
      %dma_wait3A_256 = arith.constant 0 : i32
      %dma_wait3A_257 = tpu.memref_slice %arg7[%dma_wait3A_249, %dma_wait3A_256] : memref<2x1536xi32, #tpu.memory_space<vmem>> -> memref<1x1536xi32, #tpu.memory_space<vmem>>
      %dma_wait3A_258 = tpu.memref_squeeze %dma_wait3A_257 : memref<1x1536xi32, #tpu.memory_space<vmem>> -> memref<1536xi32, #tpu.memory_space<vmem>>
      %dma_wait3A_259 = arith.constant 0 : i32
      %dma_wait3A_260 = arith.constant 0 : i32
      %dma_wait3A_261 = tpu.memref_slice %arg2[%dma_wait3A_259, %dma_wait3A_260] : memref<884736x16xf32, #tpu.memory_space<hbm>> -> memref<884736x16xf32, #tpu.memory_space<hbm>>
      %dma_wait3A_262 = tpu.memref_slice %arg9[%dma_wait3A_251] : memref<2x!tpu.dma_semaphore, #tpu.memory_space<semaphore_mem>> -> memref<1x!tpu.dma_semaphore, #tpu.memory_space<semaphore_mem>>
      %dma_wait3A_263 = tpu.memref_squeeze %dma_wait3A_262 : memref<1x!tpu.dma_semaphore, #tpu.memory_space<semaphore_mem>> -> memref<!tpu.dma_semaphore, #tpu.memory_space<semaphore_mem>>
      tpu.wait_indirect_dma semaphore(%dma_wait3A_263 : memref<!tpu.dma_semaphore, #tpu.memory_space<semaphore_mem>>) src(%dma_wait3A_261 : memref<884736x16xf32, #tpu.memory_space<hbm>>) dst(%dma_wait3A_255 : memref<1536x16xf32, #tpu.memory_space<vmem>>)
      %add3A_264 = arith.addi %mul3A_2, %add3A_248 : i32
      %mul3A_265 = arith.constant 1536 : i32
      %mul3A_266 = arith.muli %add3A_264, %mul3A_265 : i32
      %dma_start3A_267 = arith.constant 1 : i32
      %dma_start3A_268 = arith.constant 1 : i32
      %dma_start3A_269 = arith.constant 0 : i32
      %dma_start3A_270 = arith.constant 0 : i32
      %dma_start3A_271 = tpu.memref_slice %arg8[%dma_start3A_267, %dma_start3A_269, %dma_start3A_270] : memref<2x1536x16xf32, #tpu.memory_space<vmem>> -> memref<1x1536x16xf32, #tpu.memory_space<vmem>>
      %dma_start3A_272 = tpu.memref_squeeze %dma_start3A_271 : memref<1x1536x16xf32, #tpu.memory_space<vmem>> -> memref<1536x16xf32, #tpu.memory_space<vmem>>
      %dma_start3A_273 = arith.constant 0 : i32
      %dma_start3A_274 = tpu.memref_slice %arg4[%mul3A_266, %dma_start3A_273] : memref<884736x16xf32, #tpu.memory_space<hbm>> -> memref<1536x16xf32, #tpu.memory_space<hbm>>
      %dma_start3A_275 = tpu.memref_slice %arg10[%dma_start3A_268] : memref<2x!tpu.dma_semaphore, #tpu.memory_space<semaphore_mem>> -> memref<1x!tpu.dma_semaphore, #tpu.memory_space<semaphore_mem>>
      %dma_start3A_276 = tpu.memref_squeeze %dma_start3A_275 : memref<1x!tpu.dma_semaphore, #tpu.memory_space<semaphore_mem>> -> memref<!tpu.dma_semaphore, #tpu.memory_space<semaphore_mem>>
      %dma_start3A_277 = arith.constant 0 : i32
      %dma_start3A_278 = tpu.memref_slice %arg4[%mul3A_266, %dma_start3A_277] : memref<884736x16xf32, #tpu.memory_space<hbm>> -> memref<1536x16xf32, #tpu.memory_space<hbm>>
      %dma_start3A_279 = arith.constant 0 : i32
      %dma_start3A_280 = arith.constant 0 : i32
      %dma_start3A_281 = tpu.memref_slice %arg8[%dma_start3A_267, %dma_start3A_279, %dma_start3A_280] : memref<2x1536x16xf32, #tpu.memory_space<vmem>> -> memref<1x1536x16xf32, #tpu.memory_space<vmem>>
      %dma_start3A_282 = tpu.memref_squeeze %dma_start3A_281 : memref<1x1536x16xf32, #tpu.memory_space<vmem>> -> memref<1536x16xf32, #tpu.memory_space<vmem>>
      tpu.enqueue_dma source(%dma_start3A_282 : memref<1536x16xf32, #tpu.memory_space<vmem>>) target(%dma_start3A_278 : memref<1536x16xf32, #tpu.memory_space<hbm>>) target_semaphore(%dma_start3A_276 : memref<!tpu.dma_semaphore, #tpu.memory_space<semaphore_mem>>)
    }
    %scan3A_87 = arith.constant 9 : i32
    %dma_wait3A = arith.constant 0 : i32
    %dma_wait3A_88 = arith.constant 0 : i32
    %dma_wait3A_89 = arith.constant 0 : i32
    %dma_wait3A_90 = arith.constant 0 : i32
    %dma_wait3A_91 = tpu.memref_slice %arg8[%dma_wait3A, %dma_wait3A_89, %dma_wait3A_90] : memref<2x1536x16xf32, #tpu.memory_space<vmem>> -> memref<1x1536x16xf32, #tpu.memory_space<vmem>>
    %dma_wait3A_92 = tpu.memref_squeeze %dma_wait3A_91 : memref<1x1536x16xf32, #tpu.memory_space<vmem>> -> memref<1536x16xf32, #tpu.memory_space<vmem>>
    %dma_wait3A_93 = arith.constant 0 : i32
    %dma_wait3A_94 = arith.constant 0 : i32
    %dma_wait3A_95 = tpu.memref_slice %arg2[%dma_wait3A_93, %dma_wait3A_94] : memref<884736x16xf32, #tpu.memory_space<hbm>> -> memref<1536x16xf32, #tpu.memory_space<hbm>>
    %dma_wait3A_96 = tpu.memref_slice %arg10[%dma_wait3A_88] : memref<2x!tpu.dma_semaphore, #tpu.memory_space<semaphore_mem>> -> memref<1x!tpu.dma_semaphore, #tpu.memory_space<semaphore_mem>>
    %dma_wait3A_97 = tpu.memref_squeeze %dma_wait3A_96 : memref<1x!tpu.dma_semaphore, #tpu.memory_space<semaphore_mem>> -> memref<!tpu.dma_semaphore, #tpu.memory_space<semaphore_mem>>
    %dma_wait3A_98 = arith.constant 0 : i32
    %dma_wait3A_99 = arith.constant 0 : i32
    %dma_wait3A_100 = tpu.memref_slice %arg8[%dma_wait3A, %dma_wait3A_98, %dma_wait3A_99] : memref<2x1536x16xf32, #tpu.memory_space<vmem>> -> memref<1x1536x16xf32, #tpu.memory_space<vmem>>
    %dma_wait3A_101 = tpu.memref_squeeze %dma_wait3A_100 : memref<1x1536x16xf32, #tpu.memory_space<vmem>> -> memref<1536x16xf32, #tpu.memory_space<vmem>>
    %dma_wait3A_102 = arith.constant 0 : i32
    %dma_wait3A_103 = arith.constant 0 : i32
    %dma_wait3A_104 = tpu.memref_slice %arg2[%dma_wait3A_102, %dma_wait3A_103] : memref<884736x16xf32, #tpu.memory_space<hbm>> -> memref<1536x16xf32, #tpu.memory_space<hbm>>
    tpu.wait_dma2 semaphore(%dma_wait3A_97 : memref<!tpu.dma_semaphore, #tpu.memory_space<semaphore_mem>>) src(%dma_wait3A_104 : memref<1536x16xf32, #tpu.memory_space<hbm>>) dst(%dma_wait3A_101 : memref<1536x16xf32, #tpu.memory_space<vmem>>)
    %dma_wait3A_105 = arith.constant 1 : i32
    %dma_wait3A_106 = arith.constant 1 : i32
    %dma_wait3A_107 = arith.constant 0 : i32
    %dma_wait3A_108 = arith.constant 0 : i32
    %dma_wait3A_109 = tpu.memref_slice %arg8[%dma_wait3A_105, %dma_wait3A_107, %dma_wait3A_108] : memref<2x1536x16xf32, #tpu.memory_space<vmem>> -> memref<1x1536x16xf32, #tpu.memory_space<vmem>>
    %dma_wait3A_110 = tpu.memref_squeeze %dma_wait3A_109 : memref<1x1536x16xf32, #tpu.memory_space<vmem>> -> memref<1536x16xf32, #tpu.memory_space<vmem>>
    %dma_wait3A_111 = arith.constant 0 : i32
    %dma_wait3A_112 = arith.constant 0 : i32
    %dma_wait3A_113 = tpu.memref_slice %arg2[%dma_wait3A_111, %dma_wait3A_112] : memref<884736x16xf32, #tpu.memory_space<hbm>> -> memref<1536x16xf32, #tpu.memory_space<hbm>>
    %dma_wait3A_114 = tpu.memref_slice %arg10[%dma_wait3A_106] : memref<2x!tpu.dma_semaphore, #tpu.memory_space<semaphore_mem>> -> memref<1x!tpu.dma_semaphore, #tpu.memory_space<semaphore_mem>>
    %dma_wait3A_115 = tpu.memref_squeeze %dma_wait3A_114 : memref<1x!tpu.dma_semaphore, #tpu.memory_space<semaphore_mem>> -> memref<!tpu.dma_semaphore, #tpu.memory_space<semaphore_mem>>
    %dma_wait3A_116 = arith.constant 0 : i32
    %dma_wait3A_117 = arith.constant 0 : i32
    %dma_wait3A_118 = tpu.memref_slice %arg8[%dma_wait3A_105, %dma_wait3A_116, %dma_wait3A_117] : memref<2x1536x16xf32, #tpu.memory_space<vmem>> -> memref<1x1536x16xf32, #tpu.memory_space<vmem>>
    %dma_wait3A_119 = tpu.memref_squeeze %dma_wait3A_118 : memref<1x1536x16xf32, #tpu.memory_space<vmem>> -> memref<1536x16xf32, #tpu.memory_space<vmem>>
    %dma_wait3A_120 = arith.constant 0 : i32
    %dma_wait3A_121 = arith.constant 0 : i32
    %dma_wait3A_122 = tpu.memref_slice %arg2[%dma_wait3A_120, %dma_wait3A_121] : memref<884736x16xf32, #tpu.memory_space<hbm>> -> memref<1536x16xf32, #tpu.memory_space<hbm>>
    tpu.wait_dma2 semaphore(%dma_wait3A_115 : memref<!tpu.dma_semaphore, #tpu.memory_space<semaphore_mem>>) src(%dma_wait3A_122 : memref<1536x16xf32, #tpu.memory_space<hbm>>) dst(%dma_wait3A_119 : memref<1536x16xf32, #tpu.memory_space<vmem>>)
    return
  }
}

#map = affine_map<(d0, d1) -> (0, 0)>
#map1 = affine_map<(d0, d1) -> (0)>
module attributes {stable_mosaic.version = 14 : i64} {
  func.func @_body(%arg0: i32, %arg1: i32, %arg2: memref<884736x16xf32, #tpu.memory_space<hbm>>, %arg3: memref<624xi32, #tpu.memory_space<hbm>>, %arg4: memref<884736x16xf32, #tpu.memory_space<hbm>>, %arg5: memref<48xi32, #tpu.memory_space<vmem>>, %arg6: memref<48xi32, #tpu.memory_space<vmem>>, %arg7: memref<2x1536xi32, #tpu.memory_space<vmem>>, %arg8: memref<2x1536x16xf32, #tpu.memory_space<vmem>>, %arg9: memref<2x!tpu.dma_semaphore, #tpu.memory_space<semaphore_mem>>, %arg10: memref<2x!tpu.dma_semaphore, #tpu.memory_space<semaphore_mem>>) attributes {dimension_semantics = [#tpu.dimension_semantics<core_parallel>, #tpu.dimension_semantics<subcore_parallel>], iteration_bounds = array<i64: 2, 16>, scalar_prefetch = 0 : i64, scratch_operands = 6 : i64, tpu.core_type = #tpu.core_type<sc_vector_subcore>, window_params = [{transform_indices = #map}, {transform_indices = #map1}, {transform_indices = #map}]} {
    %mul3A = arith.constant 16 : i32
    %mul3A_0 = arith.muli %arg0, %mul3A : i32
    %add3A = arith.addi %mul3A_0, %arg1 : i32
    %mul3A_1 = arith.constant 18 : i32
    %mul3A_2 = arith.muli %add3A, %mul3A_1 : i32
    %div3A = arith.constant 576 : i32
    %div3A_3 = arith.divsi %mul3A_2, %div3A : i32
    %rem3A = arith.constant 8 : i32
    %rem3A_4 = arith.remsi %mul3A_2, %rem3A : i32
    %sub3A = arith.subi %mul3A_2, %rem3A_4 : i32
    %multiple_of3A = tpu.assume_multiple %sub3A, 8 : i32
    "tpu.region"() ({
      %run_scoped3A = tpu.sem_alloc : memref<!tpu.dma_semaphore, #tpu.memory_space<semaphore_mem>>
      %dma_start3A = tpu.memref_slice %arg3[%multiple_of3A] : memref<624xi32, #tpu.memory_space<hbm>> -> memref<48xi32, #tpu.memory_space<hbm>>
      %dma_start3A_123 = tpu.memref_slice %arg3[%multiple_of3A] : memref<624xi32, #tpu.memory_space<hbm>> -> memref<48xi32, #tpu.memory_space<hbm>>
      tpu.enqueue_dma source(%dma_start3A_123 : memref<48xi32, #tpu.memory_space<hbm>>) target(%arg5 : memref<48xi32, #tpu.memory_space<vmem>>) target_semaphore(%run_scoped3A : memref<!tpu.dma_semaphore, #tpu.memory_space<semaphore_mem>>)
      %dma_wait3A_124 = tpu.memref_slice %arg3[%multiple_of3A] : memref<624xi32, #tpu.memory_space<hbm>> -> memref<48xi32, #tpu.memory_space<hbm>>
      %dma_wait3A_125 = tpu.memref_slice %arg3[%multiple_of3A] : memref<624xi32, #tpu.memory_space<hbm>> -> memref<48xi32, #tpu.memory_space<hbm>>
      tpu.wait_dma2 semaphore(%run_scoped3A : memref<!tpu.dma_semaphore, #tpu.memory_space<semaphore_mem>>) src(%dma_wait3A_125 : memref<48xi32, #tpu.memory_space<hbm>>) dst(%arg5 : memref<48xi32, #tpu.memory_space<vmem>>)
      tpu.yield
    }) : () -> ()
    %get3A = arith.constant 0 : index
    %get3A_5 = tpu.vector_load %arg5[%get3A] {strides = array<i32>} : memref<48xi32, #tpu.memory_space<vmem>>, vector<16xi32>,
    %get3A_6 = vector.shape_cast %get3A_5 : vector<16xi32> to vector<16xi32>
    %broadcast_in_dim3A = arith.constant 24 : i32
    %broadcast_in_dim3A_7 = vector.broadcast %broadcast_in_dim3A : i32 to vector<16xi32>
    %broadcast_in_dim3A_8 = arith.constant 8 : i32
    %broadcast_in_dim3A_9 = vector.broadcast %broadcast_in_dim3A_8 : i32 to vector<16xi32>
    %rem3A_10 = arith.remsi %get3A_6, %broadcast_in_dim3A_7 : vector<16xi32>
    %mul3A_11 = arith.constant 884736 : i32
    %mul3A_12 = arith.muli %div3A_3, %mul3A_11 : i32
    %broadcast_in_dim3A_13 = vector.broadcast %mul3A_12 : i32 to vector<16xi32>
    %div3A_14 = arith.divsi %get3A_6, %broadcast_in_dim3A_7 : vector<16xi32>
    %mul3A_15 = arith.constant 384 : i32
    %mul3A_16 = vector.broadcast %mul3A_15 : i32 to vector<16xi32>
    %mul3A_17 = arith.muli %div3A_14, %mul3A_16 : vector<16xi32>
    %add3A_18 = arith.addi %broadcast_in_dim3A_13, %mul3A_17 : vector<16xi32>
    %div3A_19 = arith.divsi %rem3A_10, %broadcast_in_dim3A_9 : vector<16xi32>
    %mul3A_20 = arith.constant 64 : i32
    %mul3A_21 = vector.broadcast %mul3A_20 : i32 to vector<16xi32>
    %mul3A_22 = arith.muli %div3A_19, %mul3A_21 : vector<16xi32>
    %add3A_23 = arith.addi %add3A_18, %mul3A_22 : vector<16xi32>
    %rem3A_24 = arith.remsi %rem3A_10, %broadcast_in_dim3A_9 : vector<16xi32>
    %add3A_25 = arith.addi %add3A_23, %rem3A_24 : vector<16xi32>
    %swap3A = arith.constant 0 : index
    %swap3A_26 = tpu.vector_load %arg6[%swap3A] {strides = array<i32>} : memref<48xi32, #tpu.memory_space<vmem>>, vector<16xi32>,
    %swap3A_27 = vector.shape_cast %swap3A_26 : vector<16xi32> to vector<16xi32>
    %swap3A_28 = vector.shape_cast %add3A_25 : vector<16xi32> to vector<16xi32>
    tpu.vector_store %arg6[%swap3A], %swap3A_28 {strides = array<i32>} : memref<48xi32, #tpu.memory_space<vmem>>, vector<16xi32>,
    %get3A_29 = arith.constant 16 : index
    %get3A_30 = tpu.vector_load %arg5[%get3A_29] {strides = array<i32>} : memref<48xi32, #tpu.memory_space<vmem>>, vector<16xi32>,
    %get3A_31 = vector.shape_cast %get3A_30 : vector<16xi32> to vector<16xi32>
    %broadcast_in_dim3A_32 = arith.constant 24 : i32
    %broadcast_in_dim3A_33 = vector.broadcast %broadcast_in_dim3A_32 : i32 to vector<16xi32>
    %broadcast_in_dim3A_34 = arith.constant 8 : i32
    %broadcast_in_dim3A_35 = vector.broadcast %broadcast_in_dim3A_34 : i32 to vector<16xi32>
    %rem3A_36 = arith.remsi %get3A_31, %broadcast_in_dim3A_33 : vector<16xi32>
    %mul3A_37 = arith.constant 884736 : i32
    %mul3A_38 = arith.muli %div3A_3, %mul3A_37 : i32
    %broadcast_in_dim3A_39 = vector.broadcast %mul3A_38 : i32 to vector<16xi32>
    %div3A_40 = arith.divsi %get3A_31, %broadcast_in_dim3A_33 : vector<16xi32>
    %mul3A_41 = arith.constant 384 : i32
    %mul3A_42 = vector.broadcast %mul3A_41 : i32 to vector<16xi32>
    %mul3A_43 = arith.muli %div3A_40, %mul3A_42 : vector<16xi32>
    %add3A_44 = arith.addi %broadcast_in_dim3A_39, %mul3A_43 : vector<16xi32>
    %div3A_45 = arith.divsi %rem3A_36, %broadcast_in_dim3A_35 : vector<16xi32>
    %mul3A_46 = arith.constant 64 : i32
    %mul3A_47 = vector.broadcast %mul3A_46 : i32 to vector<16xi32>
    %mul3A_48 = arith.muli %div3A_45, %mul3A_47 : vector<16xi32>
    %add3A_49 = arith.addi %add3A_44, %mul3A_48 : vector<16xi32>
    %rem3A_50 = arith.remsi %rem3A_36, %broadcast_in_dim3A_35 : vector<16xi32>
    %add3A_51 = arith.addi %add3A_49, %rem3A_50 : vector<16xi32>
    %swap3A_52 = arith.constant 16 : index
    %swap3A_53 = tpu.vector_load %arg6[%swap3A_52] {strides = array<i32>} : memref<48xi32, #tpu.memory_space<vmem>>, vector<16xi32>,
    %swap3A_54 = vector.shape_cast %swap3A_53 : vector<16xi32> to vector<16xi32>
    %swap3A_55 = vector.shape_cast %add3A_51 : vector<16xi32> to vector<16xi32>
    tpu.vector_store %arg6[%swap3A_52], %swap3A_55 {strides = array<i32>} : memref<48xi32, #tpu.memory_space<vmem>>, vector<16xi32>,
    %get3A_56 = arith.constant 32 : index
    %get3A_57 = tpu.vector_load %arg5[%get3A_56] {strides = array<i32>} : memref<48xi32, #tpu.memory_space<vmem>>, vector<16xi32>,
    %get3A_58 = vector.shape_cast %get3A_57 : vector<16xi32> to vector<16xi32>
    %broadcast_in_dim3A_59 = arith.constant 24 : i32
    %broadcast_in_dim3A_60 = vector.broadcast %broadcast_in_dim3A_59 : i32 to vector<16xi32>
    %broadcast_in_dim3A_61 = arith.constant 8 : i32
    %broadcast_in_dim3A_62 = vector.broadcast %broadcast_in_dim3A_61 : i32 to vector<16xi32>
    %rem3A_63 = arith.remsi %get3A_58, %broadcast_in_dim3A_60 : vector<16xi32>
    %mul3A_64 = arith.constant 884736 : i32
    %mul3A_65 = arith.muli %div3A_3, %mul3A_64 : i32
    %broadcast_in_dim3A_66 = vector.broadcast %mul3A_65 : i32 to vector<16xi32>
    %div3A_67 = arith.divsi %get3A_58, %broadcast_in_dim3A_60 : vector<16xi32>
    %mul3A_68 = arith.constant 384 : i32
    %mul3A_69 = vector.broadcast %mul3A_68 : i32 to vector<16xi32>
    %mul3A_70 = arith.muli %div3A_67, %mul3A_69 : vector<16xi32>
    %add3A_71 = arith.addi %broadcast_in_dim3A_66, %mul3A_70 : vector<16xi32>
    %div3A_72 = arith.divsi %rem3A_63, %broadcast_in_dim3A_62 : vector<16xi32>
    %mul3A_73 = arith.constant 64 : i32
    %mul3A_74 = vector.broadcast %mul3A_73 : i32 to vector<16xi32>
    %mul3A_75 = arith.muli %div3A_72, %mul3A_74 : vector<16xi32>
    %add3A_76 = arith.addi %add3A_71, %mul3A_75 : vector<16xi32>
    %rem3A_77 = arith.remsi %rem3A_63, %broadcast_in_dim3A_62 : vector<16xi32>
    %add3A_78 = arith.addi %add3A_76, %rem3A_77 : vector<16xi32>
    %swap3A_79 = arith.constant 32 : index
    %swap3A_80 = tpu.vector_load %arg6[%swap3A_79] {strides = array<i32>} : memref<48xi32, #tpu.memory_space<vmem>>, vector<16xi32>,
    %swap3A_81 = vector.shape_cast %swap3A_80 : vector<16xi32> to vector<16xi32>
    %swap3A_82 = vector.shape_cast %add3A_78 : vector<16xi32> to vector<16xi32>
    tpu.vector_store %arg6[%swap3A_79], %swap3A_82 {strides = array<i32>} : memref<48xi32, #tpu.memory_space<vmem>>, vector<16xi32>,
    %scan3A = arith.constant 0 : i32
    %scan3A_83 = arith.constant 0 : i32
    %scan3A_84 = arith.constant 9 : i32
    %scan3A_85 = arith.addi %scan3A_83, %scan3A_84 : i32
    %scan3A_86 = arith.constant 1 : i32
    scf.for %scan3A_123 = %scan3A_83 to %scan3A_85 step %scan3A_86  : i32 {
      %mul3A_124 = arith.constant 2 : i32
      %mul3A_125 = arith.muli %scan3A_123, %mul3A_124 : i32
      %add3A_126 = arith.constant 0 : i32
      %add3A_127 = arith.addi %mul3A_125, %add3A_126 : i32
      %gt3A = arith.constant 0 : i32
      %gt3A_128 = arith.cmpi sgt, %scan3A_123, %gt3A : i32
      %convert_element_type3A = arith.extui %gt3A_128 : i1 to i32
      %cond3A = arith.constant 0 : i32
      %cond3A_129 = arith.cmpi ne, %convert_element_type3A, %cond3A : i32
      scf.if %cond3A_129 {
        %dma_wait3A_283 = arith.constant 0 : i32
        %dma_wait3A_284 = arith.constant 0 : i32
        %dma_wait3A_285 = arith.constant 0 : i32
        %dma_wait3A_286 = arith.constant 0 : i32
        %dma_wait3A_287 = tpu.memref_slice %arg8[%dma_wait3A_283, %dma_wait3A_285, %dma_wait3A_286] : memref<2x1536x16xf32, #tpu.memory_space<vmem>> -> memref<1x1536x16xf32, #tpu.memory_space<vmem>>
        %dma_wait3A_288 = tpu.memref_squeeze %dma_wait3A_287 : memref<1x1536x16xf32, #tpu.memory_space<vmem>> -> memref<1536x16xf32, #tpu.memory_space<vmem>>
        %dma_wait3A_289 = arith.constant 0 : i32
        %dma_wait3A_290 = arith.constant 0 : i32
        %dma_wait3A_291 = tpu.memref_slice %arg2[%dma_wait3A_289, %dma_wait3A_290] : memref<884736x16xf32, #tpu.memory_space<hbm>> -> memref<1536x16xf32, #tpu.memory_space<hbm>>
        %dma_wait3A_292 = tpu.memref_slice %arg10[%dma_wait3A_284] : memref<2x!tpu.dma_semaphore, #tpu.memory_space<semaphore_mem>> -> memref<1x!tpu.dma_semaphore, #tpu.memory_space<semaphore_mem>>
        %dma_wait3A_293 = tpu.memref_squeeze %dma_wait3A_292 : memref<1x!tpu.dma_semaphore, #tpu.memory_space<semaphore_mem>> -> memref<!tpu.dma_semaphore, #tpu.memory_space<semaphore_mem>>
        %dma_wait3A_294 = arith.constant 0 : i32
        %dma_wait3A_295 = arith.constant 0 : i32
        %dma_wait3A_296 = tpu.memref_slice %arg8[%dma_wait3A_283, %dma_wait3A_294, %dma_wait3A_295] : memref<2x1536x16xf32, #tpu.memory_space<vmem>> -> memref<1x1536x16xf32, #tpu.memory_space<vmem>>
        %dma_wait3A_297 = tpu.memref_squeeze %dma_wait3A_296 : memref<1x1536x16xf32, #tpu.memory_space<vmem>> -> memref<1536x16xf32, #tpu.memory_space<vmem>>
        %dma_wait3A_298 = arith.constant 0 : i32
        %dma_wait3A_299 = arith.constant 0 : i32
        %dma_wait3A_300 = tpu.memref_slice %arg2[%dma_wait3A_298, %dma_wait3A_299] : memref<884736x16xf32, #tpu.memory_space<hbm>> -> memref<1536x16xf32, #tpu.memory_space<hbm>>
        tpu.wait_dma2 semaphore(%dma_wait3A_293 : memref<!tpu.dma_semaphore, #tpu.memory_space<semaphore_mem>>) src(%dma_wait3A_300 : memref<1536x16xf32, #tpu.memory_space<hbm>>) dst(%dma_wait3A_297 : memref<1536x16xf32, #tpu.memory_space<vmem>>)
      } else {
      }
      %add3A_130 = arith.addi %add3A_127, %rem3A_4 : i32
      %div3A_131 = arith.constant 16 : i32
      %div3A_132 = arith.divsi %add3A_130, %div3A_131 : i32
      %rem3A_133 = arith.constant 16 : i32
      %rem3A_134 = arith.remsi %add3A_130, %rem3A_133 : i32
      %mul3A_135 = arith.constant 16 : i32
      %mul3A_136 = arith.muli %div3A_132, %mul3A_135 : i32
      %get3A_137 = arith.index_cast %mul3A_136 : i32 to index
      %get3A_138 = tpu.vector_load %arg6[%get3A_137] {strides = array<i32>} : memref<48xi32, #tpu.memory_space<vmem>>, vector<16xi32>,
      %get3A_139 = vector.shape_cast %get3A_138 : vector<16xi32> to vector<16xi32>
      %broadcast_in_dim3A_140 = vector.broadcast %rem3A_134 : i32 to vector<16x1xi32>
      %gather3A = vector.shape_cast %broadcast_in_dim3A_140 : vector<16x1xi32> to vector<16xi32>
      %gather3A_141 = tpu.dynamic_gather %get3A_139[%gather3A] in [0] : vector<16xi32>, vector<16xi32> -> vector<16xi32>
      %scan3A_142 = arith.constant 0 : i32
      %scan3A_143 = arith.constant 0 : i32
      %scan3A_144 = arith.constant 24 : i32
      %scan3A_145 = arith.addi %scan3A_143, %scan3A_144 : i32
      %scan3A_146 = arith.constant 1 : i32
      %scan3A_147 = scf.for %scan3A_283 = %scan3A_143 to %scan3A_145 step %scan3A_146 iter_args(%scan3A_284 = %scan3A_142) -> (i32)  : i32 {
        %iota3A = tpu.iota {dimensions = array<i32: 0>} : vector<16xi32>
        %broadcast_in_dim3A_285 = arith.constant 8 : i32
        %broadcast_in_dim3A_286 = vector.broadcast %broadcast_in_dim3A_285 : i32 to vector<16xi32>
        %div3A_287 = arith.divsi %iota3A, %broadcast_in_dim3A_286 : vector<16xi32>
        %mul3A_288 = arith.constant 192 : i32
        %mul3A_289 = vector.broadcast %mul3A_288 : i32 to vector<16xi32>
        %mul3A_290 = arith.muli %div3A_287, %mul3A_289 : vector<16xi32>
        %rem3A_291 = arith.remsi %iota3A, %broadcast_in_dim3A_286 : vector<16xi32>
        %mul3A_292 = arith.constant 8 : i32
        %mul3A_293 = vector.broadcast %mul3A_292 : i32 to vector<16xi32>
        %mul3A_294 = arith.muli %rem3A_291, %mul3A_293 : vector<16xi32>
        %add3A_295 = arith.addi %mul3A_290, %mul3A_294 : vector<16xi32>
        %mul3A_296 = arith.constant 4 : i32
        %mul3A_297 = arith.muli %scan3A_283, %mul3A_296 : i32
        %add3A_298 = arith.constant 0 : i32
        %add3A_299 = arith.addi %mul3A_297, %add3A_298 : i32
        %mul3A_300 = arith.constant 9216 : i32
        %mul3A_301 = arith.muli %add3A_299, %mul3A_300 : i32
        %broadcast_in_dim3A_302 = vector.broadcast %mul3A_301 : i32 to vector<16xi32>
        %add3A_303 = arith.addi %gather3A_141, %broadcast_in_dim3A_302 : vector<16xi32>
        %add3A_304 = arith.addi %add3A_303, %add3A_295 : vector<16xi32>
        %mul3A_305 = arith.constant 16 : i32
        %mul3A_306 = arith.muli %add3A_299, %mul3A_305 : i32
        %swap3A_307 = arith.constant 0 : i32
        %swap3A_308 = arith.index_cast %swap3A_307 : i32 to index
        %swap3A_309 = arith.index_cast %mul3A_306 : i32 to index
        %swap3A_310 = tpu.vector_load %arg7[%swap3A_308, %swap3A_309] {strides = array<i32>} : memref<2x1536xi32, #tpu.memory_space<vmem>>, vector<1x16xi32>,
        %swap3A_311 = vector.shape_cast %swap3A_310 : vector<1x16xi32> to vector<16xi32>
        %swap3A_312 = vector.shape_cast %add3A_304 : vector<16xi32> to vector<1x16xi32>
        tpu.vector_store %arg7[%swap3A_308, %swap3A_309], %swap3A_312 {strides = array<i32>} : memref<2x1536xi32, #tpu.memory_space<vmem>>, vector<1x16xi32>,
        %mul3A_313 = arith.constant 4 : i32
        %mul3A_314 = arith.muli %scan3A_283, %mul3A_313 : i32
        %add3A_315 = arith.constant 1 : i32
        %add3A_316 = arith.addi %mul3A_314, %add3A_315 : i32
        %mul3A_317 = arith.constant 9216 : i32
        %mul3A_318 = arith.muli %add3A_316, %mul3A_317 : i32
        %broadcast_in_dim3A_319 = vector.broadcast %mul3A_318 : i32 to vector<16xi32>
        %add3A_320 = arith.addi %gather3A_141, %broadcast_in_dim3A_319 : vector<16xi32>
        %add3A_321 = arith.addi %add3A_320, %add3A_295 : vector<16xi32>
        %mul3A_322 = arith.constant 16 : i32
        %mul3A_323 = arith.muli %add3A_316, %mul3A_322 : i32
        %swap3A_324 = arith.constant 0 : i32
        %swap3A_325 = arith.index_cast %swap3A_324 : i32 to index
        %swap3A_326 = arith.index_cast %mul3A_323 : i32 to index
        %swap3A_327 = tpu.vector_load %arg7[%swap3A_325, %swap3A_326] {strides = array<i32>} : memref<2x1536xi32, #tpu.memory_space<vmem>>, vector<1x16xi32>,
        %swap3A_328 = vector.shape_cast %swap3A_327 : vector<1x16xi32> to vector<16xi32>
        %swap3A_329 = vector.shape_cast %add3A_321 : vector<16xi32> to vector<1x16xi32>
        tpu.vector_store %arg7[%swap3A_325, %swap3A_326], %swap3A_329 {strides = array<i32>} : memref<2x1536xi32, #tpu.memory_space<vmem>>, vector<1x16xi32>,
        %mul3A_330 = arith.constant 4 : i32
        %mul3A_331 = arith.muli %scan3A_283, %mul3A_330 : i32
        %add3A_332 = arith.constant 2 : i32
        %add3A_333 = arith.addi %mul3A_331, %add3A_332 : i32
        %mul3A_334 = arith.constant 9216 : i32
        %mul3A_335 = arith.muli %add3A_333, %mul3A_334 : i32
        %broadcast_in_dim3A_336 = vector.broadcast %mul3A_335 : i32 to vector<16xi32>
        %add3A_337 = arith.addi %gather3A_141, %broadcast_in_dim3A_336 : vector<16xi32>
        %add3A_338 = arith.addi %add3A_337, %add3A_295 : vector<16xi32>
        %mul3A_339 = arith.constant 16 : i32
        %mul3A_340 = arith.muli %add3A_333, %mul3A_339 : i32
        %swap3A_341 = arith.constant 0 : i32
        %swap3A_342 = arith.index_cast %swap3A_341 : i32 to index
        %swap3A_343 = arith.index_cast %mul3A_340 : i32 to index
        %swap3A_344 = tpu.vector_load %arg7[%swap3A_342, %swap3A_343] {strides = array<i32>} : memref<2x1536xi32, #tpu.memory_space<vmem>>, vector<1x16xi32>,
        %swap3A_345 = vector.shape_cast %swap3A_344 : vector<1x16xi32> to vector<16xi32>
        %swap3A_346 = vector.shape_cast %add3A_338 : vector<16xi32> to vector<1x16xi32>
        tpu.vector_store %arg7[%swap3A_342, %swap3A_343], %swap3A_346 {strides = array<i32>} : memref<2x1536xi32, #tpu.memory_space<vmem>>, vector<1x16xi32>,
        %mul3A_347 = arith.constant 4 : i32
        %mul3A_348 = arith.muli %scan3A_283, %mul3A_347 : i32
        %add3A_349 = arith.constant 3 : i32
        %add3A_350 = arith.addi %mul3A_348, %add3A_349 : i32
        %mul3A_351 = arith.constant 9216 : i32
        %mul3A_352 = arith.muli %add3A_350, %mul3A_351 : i32
        %broadcast_in_dim3A_353 = vector.broadcast %mul3A_352 : i32 to vector<16xi32>
        %add3A_354 = arith.addi %gather3A_141, %broadcast_in_dim3A_353 : vector<16xi32>
        %add3A_355 = arith.addi %add3A_354, %add3A_295 : vector<16xi32>
        %mul3A_356 = arith.constant 16 : i32
        %mul3A_357 = arith.muli %add3A_350, %mul3A_356 : i32
        %swap3A_358 = arith.constant 0 : i32
        %swap3A_359 = arith.index_cast %swap3A_358 : i32 to index
        %swap3A_360 = arith.index_cast %mul3A_357 : i32 to index
        %swap3A_361 = tpu.vector_load %arg7[%swap3A_359, %swap3A_360] {strides = array<i32>} : memref<2x1536xi32, #tpu.memory_space<vmem>>, vector<1x16xi32>,
        %swap3A_362 = vector.shape_cast %swap3A_361 : vector<1x16xi32> to vector<16xi32>
        %swap3A_363 = vector.shape_cast %add3A_355 : vector<16xi32> to vector<1x16xi32>
        tpu.vector_store %arg7[%swap3A_359, %swap3A_360], %swap3A_363 {strides = array<i32>} : memref<2x1536xi32, #tpu.memory_space<vmem>>, vector<1x16xi32>,
        %scan3A_364 = arith.constant 0 : i32
        scf.yield %scan3A_364 : i32
      }
      %scan3A_148 = arith.constant 24 : i32
      %dma_start3A = arith.constant 0 : i32
      %dma_start3A_149 = arith.constant 0 : i32
      %dma_start3A_150 = arith.constant 0 : i32
      %dma_start3A_151 = arith.constant 0 : i32
      %dma_start3A_152 = arith.constant 0 : i32
      %dma_start3A_153 = tpu.memref_slice %arg8[%dma_start3A_149, %dma_start3A_151, %dma_start3A_152] : memref<2x1536x16xf32, #tpu.memory_space<vmem>> -> memref<1x1536x16xf32, #tpu.memory_space<vmem>>
      %dma_start3A_154 = tpu.memref_squeeze %dma_start3A_153 : memref<1x1536x16xf32, #tpu.memory_space<vmem>> -> memref<1536x16xf32, #tpu.memory_space<vmem>>
      %dma_start3A_155 = arith.constant 0 : i32
      %dma_start3A_156 = tpu.memref_slice %arg7[%dma_start3A, %dma_start3A_155] : memref<2x1536xi32, #tpu.memory_space<vmem>> -> memref<1x1536xi32, #tpu.memory_space<vmem>>
      %dma_start3A_157 = tpu.memref_squeeze %dma_start3A_156 : memref<1x1536xi32, #tpu.memory_space<vmem>> -> memref<1536xi32, #tpu.memory_space<vmem>>
      %dma_start3A_158 = arith.constant 0 : i32
      %dma_start3A_159 = arith.constant 0 : i32
      %dma_start3A_160 = tpu.memref_slice %arg2[%dma_start3A_158, %dma_start3A_159] : memref<884736x16xf32, #tpu.memory_space<hbm>> -> memref<884736x16xf32, #tpu.memory_space<hbm>>
      %dma_start3A_161 = tpu.memref_slice %arg9[%dma_start3A_150] : memref<2x!tpu.dma_semaphore, #tpu.memory_space<semaphore_mem>> -> memref<1x!tpu.dma_semaphore, #tpu.memory_space<semaphore_mem>>
      %dma_start3A_162 = tpu.memref_squeeze %dma_start3A_161 : memref<1x!tpu.dma_semaphore, #tpu.memory_space<semaphore_mem>> -> memref<!tpu.dma_semaphore, #tpu.memory_space<semaphore_mem>>
      tpu.enqueue_indirect_dma source(%dma_start3A_160 : memref<884736x16xf32, #tpu.memory_space<hbm>>) target(%dma_start3A_154 : memref<1536x16xf32, #tpu.memory_space<vmem>>) offsets(%dma_start3A_157 : memref<1536xi32, #tpu.memory_space<vmem>>) semaphore(%dma_start3A_162 : memref<!tpu.dma_semaphore, #tpu.memory_space<semaphore_mem>>)
      %mul3A_163 = arith.constant 2 : i32
      %mul3A_164 = arith.muli %scan3A_123, %mul3A_163 : i32
      %add3A_165 = arith.constant 1 : i32
      %add3A_166 = arith.addi %mul3A_164, %add3A_165 : i32
      %gt3A_167 = arith.constant 0 : i32
      %gt3A_168 = arith.cmpi sgt, %scan3A_123, %gt3A_167 : i32
      %convert_element_type3A_169 = arith.extui %gt3A_168 : i1 to i32
      %cond3A_170 = arith.constant 0 : i32
      %cond3A_171 = arith.cmpi ne, %convert_element_type3A_169, %cond3A_170 : i32
      scf.if %cond3A_171 {
        %dma_wait3A_283 = arith.constant 1 : i32
        %dma_wait3A_284 = arith.constant 1 : i32
        %dma_wait3A_285 = arith.constant 0 : i32
        %dma_wait3A_286 = arith.constant 0 : i32
        %dma_wait3A_287 = tpu.memref_slice %arg8[%dma_wait3A_283, %dma_wait3A_285, %dma_wait3A_286] : memref<2x1536x16xf32, #tpu.memory_space<vmem>> -> memref<1x1536x16xf32, #tpu.memory_space<vmem>>
        %dma_wait3A_288 = tpu.memref_squeeze %dma_wait3A_287 : memref<1x1536x16xf32, #tpu.memory_space<vmem>> -> memref<1536x16xf32, #tpu.memory_space<vmem>>
        %dma_wait3A_289 = arith.constant 0 : i32
        %dma_wait3A_290 = arith.constant 0 : i32
        %dma_wait3A_291 = tpu.memref_slice %arg2[%dma_wait3A_289, %dma_wait3A_290] : memref<884736x16xf32, #tpu.memory_space<hbm>> -> memref<1536x16xf32, #tpu.memory_space<hbm>>
        %dma_wait3A_292 = tpu.memref_slice %arg10[%dma_wait3A_284] : memref<2x!tpu.dma_semaphore, #tpu.memory_space<semaphore_mem>> -> memref<1x!tpu.dma_semaphore, #tpu.memory_space<semaphore_mem>>
        %dma_wait3A_293 = tpu.memref_squeeze %dma_wait3A_292 : memref<1x!tpu.dma_semaphore, #tpu.memory_space<semaphore_mem>> -> memref<!tpu.dma_semaphore, #tpu.memory_space<semaphore_mem>>
        %dma_wait3A_294 = arith.constant 0 : i32
        %dma_wait3A_295 = arith.constant 0 : i32
        %dma_wait3A_296 = tpu.memref_slice %arg8[%dma_wait3A_283, %dma_wait3A_294, %dma_wait3A_295] : memref<2x1536x16xf32, #tpu.memory_space<vmem>> -> memref<1x1536x16xf32, #tpu.memory_space<vmem>>
        %dma_wait3A_297 = tpu.memref_squeeze %dma_wait3A_296 : memref<1x1536x16xf32, #tpu.memory_space<vmem>> -> memref<1536x16xf32, #tpu.memory_space<vmem>>
        %dma_wait3A_298 = arith.constant 0 : i32
        %dma_wait3A_299 = arith.constant 0 : i32
        %dma_wait3A_300 = tpu.memref_slice %arg2[%dma_wait3A_298, %dma_wait3A_299] : memref<884736x16xf32, #tpu.memory_space<hbm>> -> memref<1536x16xf32, #tpu.memory_space<hbm>>
        tpu.wait_dma2 semaphore(%dma_wait3A_293 : memref<!tpu.dma_semaphore, #tpu.memory_space<semaphore_mem>>) src(%dma_wait3A_300 : memref<1536x16xf32, #tpu.memory_space<hbm>>) dst(%dma_wait3A_297 : memref<1536x16xf32, #tpu.memory_space<vmem>>)
      } else {
      }
      %add3A_172 = arith.addi %add3A_166, %rem3A_4 : i32
      %div3A_173 = arith.constant 16 : i32
      %div3A_174 = arith.divsi %add3A_172, %div3A_173 : i32
      %rem3A_175 = arith.constant 16 : i32
      %rem3A_176 = arith.remsi %add3A_172, %rem3A_175 : i32
      %mul3A_177 = arith.constant 16 : i32
      %mul3A_178 = arith.muli %div3A_174, %mul3A_177 : i32
      %get3A_179 = arith.index_cast %mul3A_178 : i32 to index
      %get3A_180 = tpu.vector_load %arg6[%get3A_179] {strides = array<i32>} : memref<48xi32, #tpu.memory_space<vmem>>, vector<16xi32>,
      %get3A_181 = vector.shape_cast %get3A_180 : vector<16xi32> to vector<16xi32>
      %broadcast_in_dim3A_182 = vector.broadcast %rem3A_176 : i32 to vector<16x1xi32>
      %gather3A_183 = vector.shape_cast %broadcast_in_dim3A_182 : vector<16x1xi32> to vector<16xi32>
      %gather3A_184 = tpu.dynamic_gather %get3A_181[%gather3A_183] in [0] : vector<16xi32>, vector<16xi32> -> vector<16xi32>
      %scan3A_185 = arith.constant 0 : i32
      %scan3A_186 = arith.constant 0 : i32
      %scan3A_187 = arith.constant 24 : i32
      %scan3A_188 = arith.addi %scan3A_186, %scan3A_187 : i32
      %scan3A_189 = arith.constant 1 : i32
      %scan3A_190 = scf.for %scan3A_283 = %scan3A_186 to %scan3A_188 step %scan3A_189 iter_args(%scan3A_284 = %scan3A_185) -> (i32)  : i32 {
        %iota3A = tpu.iota {dimensions = array<i32: 0>} : vector<16xi32>
        %broadcast_in_dim3A_285 = arith.constant 8 : i32
        %broadcast_in_dim3A_286 = vector.broadcast %broadcast_in_dim3A_285 : i32 to vector<16xi32>
        %div3A_287 = arith.divsi %iota3A, %broadcast_in_dim3A_286 : vector<16xi32>
        %mul3A_288 = arith.constant 192 : i32
        %mul3A_289 = vector.broadcast %mul3A_288 : i32 to vector<16xi32>
        %mul3A_290 = arith.muli %div3A_287, %mul3A_289 : vector<16xi32>
        %rem3A_291 = arith.remsi %iota3A, %broadcast_in_dim3A_286 : vector<16xi32>
        %mul3A_292 = arith.constant 8 : i32
        %mul3A_293 = vector.broadcast %mul3A_292 : i32 to vector<16xi32>
        %mul3A_294 = arith.muli %rem3A_291, %mul3A_293 : vector<16xi32>
        %add3A_295 = arith.addi %mul3A_290, %mul3A_294 : vector<16xi32>
        %mul3A_296 = arith.constant 4 : i32
        %mul3A_297 = arith.muli %scan3A_283, %mul3A_296 : i32
        %add3A_298 = arith.constant 0 : i32
        %add3A_299 = arith.addi %mul3A_297, %add3A_298 : i32
        %mul3A_300 = arith.constant 9216 : i32
        %mul3A_301 = arith.muli %add3A_299, %mul3A_300 : i32
        %broadcast_in_dim3A_302 = vector.broadcast %mul3A_301 : i32 to vector<16xi32>
        %add3A_303 = arith.addi %gather3A_184, %broadcast_in_dim3A_302 : vector<16xi32>
        %add3A_304 = arith.addi %add3A_303, %add3A_295 : vector<16xi32>
        %mul3A_305 = arith.constant 16 : i32
        %mul3A_306 = arith.muli %add3A_299, %mul3A_305 : i32
        %swap3A_307 = arith.constant 1 : i32
        %swap3A_308 = arith.index_cast %swap3A_307 : i32 to index
        %swap3A_309 = arith.index_cast %mul3A_306 : i32 to index
        %swap3A_310 = tpu.vector_load %arg7[%swap3A_308, %swap3A_309] {strides = array<i32>} : memref<2x1536xi32, #tpu.memory_space<vmem>>, vector<1x16xi32>,
        %swap3A_311 = vector.shape_cast %swap3A_310 : vector<1x16xi32> to vector<16xi32>
        %swap3A_312 = vector.shape_cast %add3A_304 : vector<16xi32> to vector<1x16xi32>
        tpu.vector_store %arg7[%swap3A_308, %swap3A_309], %swap3A_312 {strides = array<i32>} : memref<2x1536xi32, #tpu.memory_space<vmem>>, vector<1x16xi32>,
        %mul3A_313 = arith.constant 4 : i32
        %mul3A_314 = arith.muli %scan3A_283, %mul3A_313 : i32
        %add3A_315 = arith.constant 1 : i32
        %add3A_316 = arith.addi %mul3A_314, %add3A_315 : i32
        %mul3A_317 = arith.constant 9216 : i32
        %mul3A_318 = arith.muli %add3A_316, %mul3A_317 : i32
        %broadcast_in_dim3A_319 = vector.broadcast %mul3A_318 : i32 to vector<16xi32>
        %add3A_320 = arith.addi %gather3A_184, %broadcast_in_dim3A_319 : vector<16xi32>
        %add3A_321 = arith.addi %add3A_320, %add3A_295 : vector<16xi32>
        %mul3A_322 = arith.constant 16 : i32
        %mul3A_323 = arith.muli %add3A_316, %mul3A_322 : i32
        %swap3A_324 = arith.constant 1 : i32
        %swap3A_325 = arith.index_cast %swap3A_324 : i32 to index
        %swap3A_326 = arith.index_cast %mul3A_323 : i32 to index
        %swap3A_327 = tpu.vector_load %arg7[%swap3A_325, %swap3A_326] {strides = array<i32>} : memref<2x1536xi32, #tpu.memory_space<vmem>>, vector<1x16xi32>,
        %swap3A_328 = vector.shape_cast %swap3A_327 : vector<1x16xi32> to vector<16xi32>
        %swap3A_329 = vector.shape_cast %add3A_321 : vector<16xi32> to vector<1x16xi32>
        tpu.vector_store %arg7[%swap3A_325, %swap3A_326], %swap3A_329 {strides = array<i32>} : memref<2x1536xi32, #tpu.memory_space<vmem>>, vector<1x16xi32>,
        %mul3A_330 = arith.constant 4 : i32
        %mul3A_331 = arith.muli %scan3A_283, %mul3A_330 : i32
        %add3A_332 = arith.constant 2 : i32
        %add3A_333 = arith.addi %mul3A_331, %add3A_332 : i32
        %mul3A_334 = arith.constant 9216 : i32
        %mul3A_335 = arith.muli %add3A_333, %mul3A_334 : i32
        %broadcast_in_dim3A_336 = vector.broadcast %mul3A_335 : i32 to vector<16xi32>
        %add3A_337 = arith.addi %gather3A_184, %broadcast_in_dim3A_336 : vector<16xi32>
        %add3A_338 = arith.addi %add3A_337, %add3A_295 : vector<16xi32>
        %mul3A_339 = arith.constant 16 : i32
        %mul3A_340 = arith.muli %add3A_333, %mul3A_339 : i32
        %swap3A_341 = arith.constant 1 : i32
        %swap3A_342 = arith.index_cast %swap3A_341 : i32 to index
        %swap3A_343 = arith.index_cast %mul3A_340 : i32 to index
        %swap3A_344 = tpu.vector_load %arg7[%swap3A_342, %swap3A_343] {strides = array<i32>} : memref<2x1536xi32, #tpu.memory_space<vmem>>, vector<1x16xi32>,
        %swap3A_345 = vector.shape_cast %swap3A_344 : vector<1x16xi32> to vector<16xi32>
        %swap3A_346 = vector.shape_cast %add3A_338 : vector<16xi32> to vector<1x16xi32>
        tpu.vector_store %arg7[%swap3A_342, %swap3A_343], %swap3A_346 {strides = array<i32>} : memref<2x1536xi32, #tpu.memory_space<vmem>>, vector<1x16xi32>,
        %mul3A_347 = arith.constant 4 : i32
        %mul3A_348 = arith.muli %scan3A_283, %mul3A_347 : i32
        %add3A_349 = arith.constant 3 : i32
        %add3A_350 = arith.addi %mul3A_348, %add3A_349 : i32
        %mul3A_351 = arith.constant 9216 : i32
        %mul3A_352 = arith.muli %add3A_350, %mul3A_351 : i32
        %broadcast_in_dim3A_353 = vector.broadcast %mul3A_352 : i32 to vector<16xi32>
        %add3A_354 = arith.addi %gather3A_184, %broadcast_in_dim3A_353 : vector<16xi32>
        %add3A_355 = arith.addi %add3A_354, %add3A_295 : vector<16xi32>
        %mul3A_356 = arith.constant 16 : i32
        %mul3A_357 = arith.muli %add3A_350, %mul3A_356 : i32
        %swap3A_358 = arith.constant 1 : i32
        %swap3A_359 = arith.index_cast %swap3A_358 : i32 to index
        %swap3A_360 = arith.index_cast %mul3A_357 : i32 to index
        %swap3A_361 = tpu.vector_load %arg7[%swap3A_359, %swap3A_360] {strides = array<i32>} : memref<2x1536xi32, #tpu.memory_space<vmem>>, vector<1x16xi32>,
        %swap3A_362 = vector.shape_cast %swap3A_361 : vector<1x16xi32> to vector<16xi32>
        %swap3A_363 = vector.shape_cast %add3A_355 : vector<16xi32> to vector<1x16xi32>
        tpu.vector_store %arg7[%swap3A_359, %swap3A_360], %swap3A_363 {strides = array<i32>} : memref<2x1536xi32, #tpu.memory_space<vmem>>, vector<1x16xi32>,
        %scan3A_364 = arith.constant 0 : i32
        scf.yield %scan3A_364 : i32
      }
      %scan3A_191 = arith.constant 24 : i32
      %dma_start3A_192 = arith.constant 1 : i32
      %dma_start3A_193 = arith.constant 1 : i32
      %dma_start3A_194 = arith.constant 1 : i32
      %dma_start3A_195 = arith.constant 0 : i32
      %dma_start3A_196 = arith.constant 0 : i32
      %dma_start3A_197 = tpu.memref_slice %arg8[%dma_start3A_193, %dma_start3A_195, %dma_start3A_196] : memref<2x1536x16xf32, #tpu.memory_space<vmem>> -> memref<1x1536x16xf32, #tpu.memory_space<vmem>>
      %dma_start3A_198 = tpu.memref_squeeze %dma_start3A_197 : memref<1x1536x16xf32, #tpu.memory_space<vmem>> -> memref<1536x16xf32, #tpu.memory_space<vmem>>
      %dma_start3A_199 = arith.constant 0 : i32
      %dma_start3A_200 = tpu.memref_slice %arg7[%dma_start3A_192, %dma_start3A_199] : memref<2x1536xi32, #tpu.memory_space<vmem>> -> memref<1x1536xi32, #tpu.memory_space<vmem>>
      %dma_start3A_201 = tpu.memref_squeeze %dma_start3A_200 : memref<1x1536xi32, #tpu.memory_space<vmem>> -> memref<1536xi32, #tpu.memory_space<vmem>>
      %dma_start3A_202 = arith.constant 0 : i32
      %dma_start3A_203 = arith.constant 0 : i32
      %dma_start3A_204 = tpu.memref_slice %arg2[%dma_start3A_202, %dma_start3A_203] : memref<884736x16xf32, #tpu.memory_space<hbm>> -> memref<884736x16xf32, #tpu.memory_space<hbm>>
      %dma_start3A_205 = tpu.memref_slice %arg9[%dma_start3A_194] : memref<2x!tpu.dma_semaphore, #tpu.memory_space<semaphore_mem>> -> memref<1x!tpu.dma_semaphore, #tpu.memory_space<semaphore_mem>>
      %dma_start3A_206 = tpu.memref_squeeze %dma_start3A_205 : memref<1x!tpu.dma_semaphore, #tpu.memory_space<semaphore_mem>> -> memref<!tpu.dma_semaphore, #tpu.memory_space<semaphore_mem>>
      tpu.enqueue_indirect_dma source(%dma_start3A_204 : memref<884736x16xf32, #tpu.memory_space<hbm>>) target(%dma_start3A_198 : memref<1536x16xf32, #tpu.memory_space<vmem>>) offsets(%dma_start3A_201 : memref<1536xi32, #tpu.memory_space<vmem>>) semaphore(%dma_start3A_206 : memref<!tpu.dma_semaphore, #tpu.memory_space<semaphore_mem>>)
      %mul3A_207 = arith.constant 2 : i32
      %mul3A_208 = arith.muli %scan3A_123, %mul3A_207 : i32
      %add3A_209 = arith.constant 0 : i32
      %add3A_210 = arith.addi %mul3A_208, %add3A_209 : i32
      %dma_wait3A_211 = arith.constant 0 : i32
      %dma_wait3A_212 = arith.constant 0 : i32
      %dma_wait3A_213 = arith.constant 0 : i32
      %dma_wait3A_214 = arith.constant 0 : i32
      %dma_wait3A_215 = arith.constant 0 : i32
      %dma_wait3A_216 = tpu.memref_slice %arg8[%dma_wait3A_212, %dma_wait3A_214, %dma_wait3A_215] : memref<2x1536x16xf32, #tpu.memory_space<vmem>> -> memref<1x1536x16xf32, #tpu.memory_space<vmem>>
      %dma_wait3A_217 = tpu.memref_squeeze %dma_wait3A_216 : memref<1x1536x16xf32, #tpu.memory_space<vmem>> -> memref<1536x16xf32, #tpu.memory_space<vmem>>
      %dma_wait3A_218 = arith.constant 0 : i32
      %dma_wait3A_219 = tpu.memref_slice %arg7[%dma_wait3A_211, %dma_wait3A_218] : memref<2x1536xi32, #tpu.memory_space<vmem>> -> memref<1x1536xi32, #tpu.memory_space<vmem>>
      %dma_wait3A_220 = tpu.memref_squeeze %dma_wait3A_219 : memref<1x1536xi32, #tpu.memory_space<vmem>> -> memref<1536xi32, #tpu.memory_space<vmem>>
      %dma_wait3A_221 = arith.constant 0 : i32
      %dma_wait3A_222 = arith.constant 0 : i32
      %dma_wait3A_223 = tpu.memref_slice %arg2[%dma_wait3A_221, %dma_wait3A_222] : memref<884736x16xf32, #tpu.memory_space<hbm>> -> memref<884736x16xf32, #tpu.memory_space<hbm>>
      %dma_wait3A_224 = tpu.memref_slice %arg9[%dma_wait3A_213] : memref<2x!tpu.dma_semaphore, #tpu.memory_space<semaphore_mem>> -> memref<1x!tpu.dma_semaphore, #tpu.memory_space<semaphore_mem>>
      %dma_wait3A_225 = tpu.memref_squeeze %dma_wait3A_224 : memref<1x!tpu.dma_semaphore, #tpu.memory_space<semaphore_mem>> -> memref<!tpu.dma_semaphore, #tpu.memory_space<semaphore_mem>>
      tpu.wait_indirect_dma semaphore(%dma_wait3A_225 : memref<!tpu.dma_semaphore, #tpu.memory_space<semaphore_mem>>) src(%dma_wait3A_223 : memref<884736x16xf32, #tpu.memory_space<hbm>>) dst(%dma_wait3A_217 : memref<1536x16xf32, #tpu.memory_space<vmem>>)
      %add3A_226 = arith.addi %mul3A_2, %add3A_210 : i32
      %mul3A_227 = arith.constant 1536 : i32
      %mul3A_228 = arith.muli %add3A_226, %mul3A_227 : i32
      %dma_start3A_229 = arith.constant 0 : i32
      %dma_start3A_230 = arith.constant 0 : i32
      %dma_start3A_231 = arith.constant 0 : i32
      %dma_start3A_232 = arith.constant 0 : i32
      %dma_start3A_233 = tpu.memref_slice %arg8[%dma_start3A_229, %dma_start3A_231, %dma_start3A_232] : memref<2x1536x16xf32, #tpu.memory_space<vmem>> -> memref<1x1536x16xf32, #tpu.memory_space<vmem>>
      %dma_start3A_234 = tpu.memref_squeeze %dma_start3A_233 : memref<1x1536x16xf32, #tpu.memory_space<vmem>> -> memref<1536x16xf32, #tpu.memory_space<vmem>>
      %dma_start3A_235 = arith.constant 0 : i32
      %dma_start3A_236 = tpu.memref_slice %arg4[%mul3A_228, %dma_start3A_235] : memref<884736x16xf32, #tpu.memory_space<hbm>> -> memref<1536x16xf32, #tpu.memory_space<hbm>>
      %dma_start3A_237 = tpu.memref_slice %arg10[%dma_start3A_230] : memref<2x!tpu.dma_semaphore, #tpu.memory_space<semaphore_mem>> -> memref<1x!tpu.dma_semaphore, #tpu.memory_space<semaphore_mem>>
      %dma_start3A_238 = tpu.memref_squeeze %dma_start3A_237 : memref<1x!tpu.dma_semaphore, #tpu.memory_space<semaphore_mem>> -> memref<!tpu.dma_semaphore, #tpu.memory_space<semaphore_mem>>
      %dma_start3A_239 = arith.constant 0 : i32
      %dma_start3A_240 = tpu.memref_slice %arg4[%mul3A_228, %dma_start3A_239] : memref<884736x16xf32, #tpu.memory_space<hbm>> -> memref<1536x16xf32, #tpu.memory_space<hbm>>
      %dma_start3A_241 = arith.constant 0 : i32
      %dma_start3A_242 = arith.constant 0 : i32
      %dma_start3A_243 = tpu.memref_slice %arg8[%dma_start3A_229, %dma_start3A_241, %dma_start3A_242] : memref<2x1536x16xf32, #tpu.memory_space<vmem>> -> memref<1x1536x16xf32, #tpu.memory_space<vmem>>
      %dma_start3A_244 = tpu.memref_squeeze %dma_start3A_243 : memref<1x1536x16xf32, #tpu.memory_space<vmem>> -> memref<1536x16xf32, #tpu.memory_space<vmem>>
      tpu.enqueue_dma source(%dma_start3A_244 : memref<1536x16xf32, #tpu.memory_space<vmem>>) target(%dma_start3A_240 : memref<1536x16xf32, #tpu.memory_space<hbm>>) target_semaphore(%dma_start3A_238 : memref<!tpu.dma_semaphore, #tpu.memory_space<semaphore_mem>>)
      %mul3A_245 = arith.constant 2 : i32
      %mul3A_246 = arith.muli %scan3A_123, %mul3A_245 : i32
      %add3A_247 = arith.constant 1 : i32
      %add3A_248 = arith.addi %mul3A_246, %add3A_247 : i32
      %dma_wait3A_249 = arith.constant 1 : i32
      %dma_wait3A_250 = arith.constant 1 : i32
      %dma_wait3A_251 = arith.constant 1 : i32
      %dma_wait3A_252 = arith.constant 0 : i32
      %dma_wait3A_253 = arith.constant 0 : i32
      %dma_wait3A_254 = tpu.memref_slice %arg8[%dma_wait3A_250, %dma_wait3A_252, %dma_wait3A_253] : memref<2x1536x16xf32, #tpu.memory_space<vmem>> -> memref<1x1536x16xf32, #tpu.memory_space<vmem>>
      %dma_wait3A_255 = tpu.memref_squeeze %dma_wait3A_254 : memref<1x1536x16xf32, #tpu.memory_space<vmem>> -> memref<1536x16xf32, #tpu.memory_space<vmem>>
      %dma_wait3A_256 = arith.constant 0 : i32
      %dma_wait3A_257 = tpu.memref_slice %arg7[%dma_wait3A_249, %dma_wait3A_256] : memref<2x1536xi32, #tpu.memory_space<vmem>> -> memref<1x1536xi32, #tpu.memory_space<vmem>>
      %dma_wait3A_258 = tpu.memref_squeeze %dma_wait3A_257 : memref<1x1536xi32, #tpu.memory_space<vmem>> -> memref<1536xi32, #tpu.memory_space<vmem>>
      %dma_wait3A_259 = arith.constant 0 : i32
      %dma_wait3A_260 = arith.constant 0 : i32
      %dma_wait3A_261 = tpu.memref_slice %arg2[%dma_wait3A_259, %dma_wait3A_260] : memref<884736x16xf32, #tpu.memory_space<hbm>> -> memref<884736x16xf32, #tpu.memory_space<hbm>>
      %dma_wait3A_262 = tpu.memref_slice %arg9[%dma_wait3A_251] : memref<2x!tpu.dma_semaphore, #tpu.memory_space<semaphore_mem>> -> memref<1x!tpu.dma_semaphore, #tpu.memory_space<semaphore_mem>>
      %dma_wait3A_263 = tpu.memref_squeeze %dma_wait3A_262 : memref<1x!tpu.dma_semaphore, #tpu.memory_space<semaphore_mem>> -> memref<!tpu.dma_semaphore, #tpu.memory_space<semaphore_mem>>
      tpu.wait_indirect_dma semaphore(%dma_wait3A_263 : memref<!tpu.dma_semaphore, #tpu.memory_space<semaphore_mem>>) src(%dma_wait3A_261 : memref<884736x16xf32, #tpu.memory_space<hbm>>) dst(%dma_wait3A_255 : memref<1536x16xf32, #tpu.memory_space<vmem>>)
      %add3A_264 = arith.addi %mul3A_2, %add3A_248 : i32
      %mul3A_265 = arith.constant 1536 : i32
      %mul3A_266 = arith.muli %add3A_264, %mul3A_265 : i32
      %dma_start3A_267 = arith.constant 1 : i32
      %dma_start3A_268 = arith.constant 1 : i32
      %dma_start3A_269 = arith.constant 0 : i32
      %dma_start3A_270 = arith.constant 0 : i32
      %dma_start3A_271 = tpu.memref_slice %arg8[%dma_start3A_267, %dma_start3A_269, %dma_start3A_270] : memref<2x1536x16xf32, #tpu.memory_space<vmem>> -> memref<1x1536x16xf32, #tpu.memory_space<vmem>>
      %dma_start3A_272 = tpu.memref_squeeze %dma_start3A_271 : memref<1x1536x16xf32, #tpu.memory_space<vmem>> -> memref<1536x16xf32, #tpu.memory_space<vmem>>
      %dma_start3A_273 = arith.constant 0 : i32
      %dma_start3A_274 = tpu.memref_slice %arg4[%mul3A_266, %dma_start3A_273] : memref<884736x16xf32, #tpu.memory_space<hbm>> -> memref<1536x16xf32, #tpu.memory_space<hbm>>
      %dma_start3A_275 = tpu.memref_slice %arg10[%dma_start3A_268] : memref<2x!tpu.dma_semaphore, #tpu.memory_space<semaphore_mem>> -> memref<1x!tpu.dma_semaphore, #tpu.memory_space<semaphore_mem>>
      %dma_start3A_276 = tpu.memref_squeeze %dma_start3A_275 : memref<1x!tpu.dma_semaphore, #tpu.memory_space<semaphore_mem>> -> memref<!tpu.dma_semaphore, #tpu.memory_space<semaphore_mem>>
      %dma_start3A_277 = arith.constant 0 : i32
      %dma_start3A_278 = tpu.memref_slice %arg4[%mul3A_266, %dma_start3A_277] : memref<884736x16xf32, #tpu.memory_space<hbm>> -> memref<1536x16xf32, #tpu.memory_space<hbm>>
      %dma_start3A_279 = arith.constant 0 : i32
      %dma_start3A_280 = arith.constant 0 : i32
      %dma_start3A_281 = tpu.memref_slice %arg8[%dma_start3A_267, %dma_start3A_279, %dma_start3A_280] : memref<2x1536x16xf32, #tpu.memory_space<vmem>> -> memref<1x1536x16xf32, #tpu.memory_space<vmem>>
      %dma_start3A_282 = tpu.memref_squeeze %dma_start3A_281 : memref<1x1536x16xf32, #tpu.memory_space<vmem>> -> memref<1536x16xf32, #tpu.memory_space<vmem>>
      tpu.enqueue_dma source(%dma_start3A_282 : memref<1536x16xf32, #tpu.memory_space<vmem>>) target(%dma_start3A_278 : memref<1536x16xf32, #tpu.memory_space<hbm>>) target_semaphore(%dma_start3A_276 : memref<!tpu.dma_semaphore, #tpu.memory_space<semaphore_mem>>)
    }
    %scan3A_87 = arith.constant 9 : i32
    %dma_wait3A = arith.constant 0 : i32
    %dma_wait3A_88 = arith.constant 0 : i32
    %dma_wait3A_89 = arith.constant 0 : i32
    %dma_wait3A_90 = arith.constant 0 : i32
    %dma_wait3A_91 = tpu.memref_slice %arg8[%dma_wait3A, %dma_wait3A_89, %dma_wait3A_90] : memref<2x1536x16xf32, #tpu.memory_space<vmem>> -> memref<1x1536x16xf32, #tpu.memory_space<vmem>>
    %dma_wait3A_92 = tpu.memref_squeeze %dma_wait3A_91 : memref<1x1536x16xf32, #tpu.memory_space<vmem>> -> memref<1536x16xf32, #tpu.memory_space<vmem>>
    %dma_wait3A_93 = arith.constant 0 : i32
    %dma_wait3A_94 = arith.constant 0 : i32
    %dma_wait3A_95 = tpu.memref_slice %arg2[%dma_wait3A_93, %dma_wait3A_94] : memref<884736x16xf32, #tpu.memory_space<hbm>> -> memref<1536x16xf32, #tpu.memory_space<hbm>>
    %dma_wait3A_96 = tpu.memref_slice %arg10[%dma_wait3A_88] : memref<2x!tpu.dma_semaphore, #tpu.memory_space<semaphore_mem>> -> memref<1x!tpu.dma_semaphore, #tpu.memory_space<semaphore_mem>>
    %dma_wait3A_97 = tpu.memref_squeeze %dma_wait3A_96 : memref<1x!tpu.dma_semaphore, #tpu.memory_space<semaphore_mem>> -> memref<!tpu.dma_semaphore, #tpu.memory_space<semaphore_mem>>
    %dma_wait3A_98 = arith.constant 0 : i32
    %dma_wait3A_99 = arith.constant 0 : i32
    %dma_wait3A_100 = tpu.memref_slice %arg8[%dma_wait3A, %dma_wait3A_98, %dma_wait3A_99] : memref<2x1536x16xf32, #tpu.memory_space<vmem>> -> memref<1x1536x16xf32, #tpu.memory_space<vmem>>
    %dma_wait3A_101 = tpu.memref_squeeze %dma_wait3A_100 : memref<1x1536x16xf32, #tpu.memory_space<vmem>> -> memref<1536x16xf32, #tpu.memory_space<vmem>>
    %dma_wait3A_102 = arith.constant 0 : i32
    %dma_wait3A_103 = arith.constant 0 : i32
    %dma_wait3A_104 = tpu.memref_slice %arg2[%dma_wait3A_102, %dma_wait3A_103] : memref<884736x16xf32, #tpu.memory_space<hbm>> -> memref<1536x16xf32, #tpu.memory_space<hbm>>
    tpu.wait_dma2 semaphore(%dma_wait3A_97 : memref<!tpu.dma_semaphore, #tpu.memory_space<semaphore_mem>>) src(%dma_wait3A_104 : memref<1536x16xf32, #tpu.memory_space<hbm>>) dst(%dma_wait3A_101 : memref<1536x16xf32, #tpu.memory_space<vmem>>)
    %dma_wait3A_105 = arith.constant 1 : i32
    %dma_wait3A_106 = arith.constant 1 : i32
    %dma_wait3A_107 = arith.constant 0 : i32
    %dma_wait3A_108 = arith.constant 0 : i32
    %dma_wait3A_109 = tpu.memref_slice %arg8[%dma_wait3A_105, %dma_wait3A_107, %dma_wait3A_108] : memref<2x1536x16xf32, #tpu.memory_space<vmem>> -> memref<1x1536x16xf32, #tpu.memory_space<vmem>>
    %dma_wait3A_110 = tpu.memref_squeeze %dma_wait3A_109 : memref<1x1536x16xf32, #tpu.memory_space<vmem>> -> memref<1536x16xf32, #tpu.memory_space<vmem>>
    %dma_wait3A_111 = arith.constant 0 : i32
    %dma_wait3A_112 = arith.constant 0 : i32
    %dma_wait3A_113 = tpu.memref_slice %arg2[%dma_wait3A_111, %dma_wait3A_112] : memref<884736x16xf32, #tpu.memory_space<hbm>> -> memref<1536x16xf32, #tpu.memory_space<hbm>>
    %dma_wait3A_114 = tpu.memref_slice %arg10[%dma_wait3A_106] : memref<2x!tpu.dma_semaphore, #tpu.memory_space<semaphore_mem>> -> memref<1x!tpu.dma_semaphore, #tpu.memory_space<semaphore_mem>>
    %dma_wait3A_115 = tpu.memref_squeeze %dma_wait3A_114 : memref<1x!tpu.dma_semaphore, #tpu.memory_space<semaphore_mem>> -> memref<!tpu.dma_semaphore, #tpu.memory_space<semaphore_mem>>
    %dma_wait3A_116 = arith.constant 0 : i32
    %dma_wait3A_117 = arith.constant 0 : i32
    %dma_wait3A_118 = tpu.memref_slice %arg8[%dma_wait3A_105, %dma_wait3A_116, %dma_wait3A_117] : memref<2x1536x16xf32, #tpu.memory_space<vmem>> -> memref<1x1536x16xf32, #tpu.memory_space<vmem>>
    %dma_wait3A_119 = tpu.memref_squeeze %dma_wait3A_118 : memref<1x1536x16xf32, #tpu.memory_space<vmem>> -> memref<1536x16xf32, #tpu.memory_space<vmem>>
    %dma_wait3A_120 = arith.constant 0 : i32
    %dma_wait3A_121 = arith.constant 0 : i32
    %dma_wait3A_122 = tpu.memref_slice %arg2[%dma_wait3A_120, %dma_wait3A_121] : memref<884736x16xf32, #tpu.memory_space<hbm>> -> memref<1536x16xf32, #tpu.memory_space<hbm>>
    tpu.wait_dma2 semaphore(%dma_wait3A_115 : memref<!tpu.dma_semaphore, #tpu.memory_space<semaphore_mem>>) src(%dma_wait3A_122 : memref<1536x16xf32, #tpu.memory_space<hbm>>) dst(%dma_wait3A_119 : memref<1536x16xf32, #tpu.memory_space<vmem>>)
    return
  }
}

#map = affine_map<(d0, d1) -> (0, 0)>
#map1 = affine_map<(d0, d1) -> (0)>
module attributes {stable_mosaic.version = 14 : i64} {
  func.func @_body(%arg0: i32, %arg1: i32, %arg2: memref<884736x16xf32, #tpu.memory_space<hbm>>, %arg3: memref<624xi32, #tpu.memory_space<hbm>>, %arg4: memref<884736x16xf32, #tpu.memory_space<hbm>>, %arg5: memref<48xi32, #tpu.memory_space<vmem>>, %arg6: memref<48xi32, #tpu.memory_space<vmem>>, %arg7: memref<2x1536xi32, #tpu.memory_space<vmem>>, %arg8: memref<2x1536x16xf32, #tpu.memory_space<vmem>>, %arg9: memref<2x!tpu.dma_semaphore, #tpu.memory_space<semaphore_mem>>, %arg10: memref<2x!tpu.dma_semaphore, #tpu.memory_space<semaphore_mem>>) attributes {dimension_semantics = [#tpu.dimension_semantics<core_parallel>, #tpu.dimension_semantics<subcore_parallel>], iteration_bounds = array<i64: 2, 16>, scalar_prefetch = 0 : i64, scratch_operands = 6 : i64, tpu.core_type = #tpu.core_type<sc_vector_subcore>, window_params = [{transform_indices = #map}, {transform_indices = #map1}, {transform_indices = #map}]} {
    %mul3A = arith.constant 16 : i32
    %mul3A_0 = arith.muli %arg0, %mul3A : i32
    %add3A = arith.addi %mul3A_0, %arg1 : i32
    %mul3A_1 = arith.constant 18 : i32
    %mul3A_2 = arith.muli %add3A, %mul3A_1 : i32
    %div3A = arith.constant 576 : i32
    %div3A_3 = arith.divsi %mul3A_2, %div3A : i32
    %rem3A = arith.constant 8 : i32
    %rem3A_4 = arith.remsi %mul3A_2, %rem3A : i32
    %sub3A = arith.subi %mul3A_2, %rem3A_4 : i32
    %multiple_of3A = tpu.assume_multiple %sub3A, 8 : i32
    "tpu.region"() ({
      %run_scoped3A = tpu.sem_alloc : memref<!tpu.dma_semaphore, #tpu.memory_space<semaphore_mem>>
      %dma_start3A = tpu.memref_slice %arg3[%multiple_of3A] : memref<624xi32, #tpu.memory_space<hbm>> -> memref<48xi32, #tpu.memory_space<hbm>>
      %dma_start3A_123 = tpu.memref_slice %arg3[%multiple_of3A] : memref<624xi32, #tpu.memory_space<hbm>> -> memref<48xi32, #tpu.memory_space<hbm>>
      tpu.enqueue_dma source(%dma_start3A_123 : memref<48xi32, #tpu.memory_space<hbm>>) target(%arg5 : memref<48xi32, #tpu.memory_space<vmem>>) target_semaphore(%run_scoped3A : memref<!tpu.dma_semaphore, #tpu.memory_space<semaphore_mem>>)
      %dma_wait3A_124 = tpu.memref_slice %arg3[%multiple_of3A] : memref<624xi32, #tpu.memory_space<hbm>> -> memref<48xi32, #tpu.memory_space<hbm>>
      %dma_wait3A_125 = tpu.memref_slice %arg3[%multiple_of3A] : memref<624xi32, #tpu.memory_space<hbm>> -> memref<48xi32, #tpu.memory_space<hbm>>
      tpu.wait_dma2 semaphore(%run_scoped3A : memref<!tpu.dma_semaphore, #tpu.memory_space<semaphore_mem>>) src(%dma_wait3A_125 : memref<48xi32, #tpu.memory_space<hbm>>) dst(%arg5 : memref<48xi32, #tpu.memory_space<vmem>>)
      tpu.yield
    }) : () -> ()
    %get3A = arith.constant 0 : index
    %get3A_5 = tpu.vector_load %arg5[%get3A] {strides = array<i32>} : memref<48xi32, #tpu.memory_space<vmem>>, vector<16xi32>,
    %get3A_6 = vector.shape_cast %get3A_5 : vector<16xi32> to vector<16xi32>
    %broadcast_in_dim3A = arith.constant 24 : i32
    %broadcast_in_dim3A_7 = vector.broadcast %broadcast_in_dim3A : i32 to vector<16xi32>
    %broadcast_in_dim3A_8 = arith.constant 8 : i32
    %broadcast_in_dim3A_9 = vector.broadcast %broadcast_in_dim3A_8 : i32 to vector<16xi32>
    %rem3A_10 = arith.remsi %get3A_6, %broadcast_in_dim3A_7 : vector<16xi32>
    %mul3A_11 = arith.constant 884736 : i32
    %mul3A_12 = arith.muli %div3A_3, %mul3A_11 : i32
    %broadcast_in_dim3A_13 = vector.broadcast %mul3A_12 : i32 to vector<16xi32>
    %div3A_14 = arith.divsi %get3A_6, %broadcast_in_dim3A_7 : vector<16xi32>
    %mul3A_15 = arith.constant 384 : i32
    %mul3A_16 = vector.broadcast %mul3A_15 : i32 to vector<16xi32>
    %mul3A_17 = arith.muli %div3A_14, %mul3A_16 : vector<16xi32>
    %add3A_18 = arith.addi %broadcast_in_dim3A_13, %mul3A_17 : vector<16xi32>
    %div3A_19 = arith.divsi %rem3A_10, %broadcast_in_dim3A_9 : vector<16xi32>
    %mul3A_20 = arith.constant 64 : i32
    %mul3A_21 = vector.broadcast %mul3A_20 : i32 to vector<16xi32>
    %mul3A_22 = arith.muli %div3A_19, %mul3A_21 : vector<16xi32>
    %add3A_23 = arith.addi %add3A_18, %mul3A_22 : vector<16xi32>
    %rem3A_24 = arith.remsi %rem3A_10, %broadcast_in_dim3A_9 : vector<16xi32>
    %add3A_25 = arith.addi %add3A_23, %rem3A_24 : vector<16xi32>
    %swap3A = arith.constant 0 : index
    %swap3A_26 = tpu.vector_load %arg6[%swap3A] {strides = array<i32>} : memref<48xi32, #tpu.memory_space<vmem>>, vector<16xi32>,
    %swap3A_27 = vector.shape_cast %swap3A_26 : vector<16xi32> to vector<16xi32>
    %swap3A_28 = vector.shape_cast %add3A_25 : vector<16xi32> to vector<16xi32>
    tpu.vector_store %arg6[%swap3A], %swap3A_28 {strides = array<i32>} : memref<48xi32, #tpu.memory_space<vmem>>, vector<16xi32>,
    %get3A_29 = arith.constant 16 : index
    %get3A_30 = tpu.vector_load %arg5[%get3A_29] {strides = array<i32>} : memref<48xi32, #tpu.memory_space<vmem>>, vector<16xi32>,
    %get3A_31 = vector.shape_cast %get3A_30 : vector<16xi32> to vector<16xi32>
    %broadcast_in_dim3A_32 = arith.constant 24 : i32
    %broadcast_in_dim3A_33 = vector.broadcast %broadcast_in_dim3A_32 : i32 to vector<16xi32>
    %broadcast_in_dim3A_34 = arith.constant 8 : i32
    %broadcast_in_dim3A_35 = vector.broadcast %broadcast_in_dim3A_34 : i32 to vector<16xi32>
    %rem3A_36 = arith.remsi %get3A_31, %broadcast_in_dim3A_33 : vector<16xi32>
    %mul3A_37 = arith.constant 884736 : i32
    %mul3A_38 = arith.muli %div3A_3, %mul3A_37 : i32
    %broadcast_in_dim3A_39 = vector.broadcast %mul3A_38 : i32 to vector<16xi32>
    %div3A_40 = arith.divsi %get3A_31, %broadcast_in_dim3A_33 : vector<16xi32>
    %mul3A_41 = arith.constant 384 : i32
    %mul3A_42 = vector.broadcast %mul3A_41 : i32 to vector<16xi32>
    %mul3A_43 = arith.muli %div3A_40, %mul3A_42 : vector<16xi32>
    %add3A_44 = arith.addi %broadcast_in_dim3A_39, %mul3A_43 : vector<16xi32>
    %div3A_45 = arith.divsi %rem3A_36, %broadcast_in_dim3A_35 : vector<16xi32>
    %mul3A_46 = arith.constant 64 : i32
    %mul3A_47 = vector.broadcast %mul3A_46 : i32 to vector<16xi32>
    %mul3A_48 = arith.muli %div3A_45, %mul3A_47 : vector<16xi32>
    %add3A_49 = arith.addi %add3A_44, %mul3A_48 : vector<16xi32>
    %rem3A_50 = arith.remsi %rem3A_36, %broadcast_in_dim3A_35 : vector<16xi32>
    %add3A_51 = arith.addi %add3A_49, %rem3A_50 : vector<16xi32>
    %swap3A_52 = arith.constant 16 : index
    %swap3A_53 = tpu.vector_load %arg6[%swap3A_52] {strides = array<i32>} : memref<48xi32, #tpu.memory_space<vmem>>, vector<16xi32>,
    %swap3A_54 = vector.shape_cast %swap3A_53 : vector<16xi32> to vector<16xi32>
    %swap3A_55 = vector.shape_cast %add3A_51 : vector<16xi32> to vector<16xi32>
    tpu.vector_store %arg6[%swap3A_52], %swap3A_55 {strides = array<i32>} : memref<48xi32, #tpu.memory_space<vmem>>, vector<16xi32>,
    %get3A_56 = arith.constant 32 : index
    %get3A_57 = tpu.vector_load %arg5[%get3A_56] {strides = array<i32>} : memref<48xi32, #tpu.memory_space<vmem>>, vector<16xi32>,
    %get3A_58 = vector.shape_cast %get3A_57 : vector<16xi32> to vector<16xi32>
    %broadcast_in_dim3A_59 = arith.constant 24 : i32
    %broadcast_in_dim3A_60 = vector.broadcast %broadcast_in_dim3A_59 : i32 to vector<16xi32>
    %broadcast_in_dim3A_61 = arith.constant 8 : i32
    %broadcast_in_dim3A_62 = vector.broadcast %broadcast_in_dim3A_61 : i32 to vector<16xi32>
    %rem3A_63 = arith.remsi %get3A_58, %broadcast_in_dim3A_60 : vector<16xi32>
    %mul3A_64 = arith.constant 884736 : i32
    %mul3A_65 = arith.muli %div3A_3, %mul3A_64 : i32
    %broadcast_in_dim3A_66 = vector.broadcast %mul3A_65 : i32 to vector<16xi32>
    %div3A_67 = arith.divsi %get3A_58, %broadcast_in_dim3A_60 : vector<16xi32>
    %mul3A_68 = arith.constant 384 : i32
    %mul3A_69 = vector.broadcast %mul3A_68 : i32 to vector<16xi32>
    %mul3A_70 = arith.muli %div3A_67, %mul3A_69 : vector<16xi32>
    %add3A_71 = arith.addi %broadcast_in_dim3A_66, %mul3A_70 : vector<16xi32>
    %div3A_72 = arith.divsi %rem3A_63, %broadcast_in_dim3A_62 : vector<16xi32>
    %mul3A_73 = arith.constant 64 : i32
    %mul3A_74 = vector.broadcast %mul3A_73 : i32 to vector<16xi32>
    %mul3A_75 = arith.muli %div3A_72, %mul3A_74 : vector<16xi32>
    %add3A_76 = arith.addi %add3A_71, %mul3A_75 : vector<16xi32>
    %rem3A_77 = arith.remsi %rem3A_63, %broadcast_in_dim3A_62 : vector<16xi32>
    %add3A_78 = arith.addi %add3A_76, %rem3A_77 : vector<16xi32>
    %swap3A_79 = arith.constant 32 : index
    %swap3A_80 = tpu.vector_load %arg6[%swap3A_79] {strides = array<i32>} : memref<48xi32, #tpu.memory_space<vmem>>, vector<16xi32>,
    %swap3A_81 = vector.shape_cast %swap3A_80 : vector<16xi32> to vector<16xi32>
    %swap3A_82 = vector.shape_cast %add3A_78 : vector<16xi32> to vector<16xi32>
    tpu.vector_store %arg6[%swap3A_79], %swap3A_82 {strides = array<i32>} : memref<48xi32, #tpu.memory_space<vmem>>, vector<16xi32>,
    %scan3A = arith.constant 0 : i32
    %scan3A_83 = arith.constant 0 : i32
    %scan3A_84 = arith.constant 9 : i32
    %scan3A_85 = arith.addi %scan3A_83, %scan3A_84 : i32
    %scan3A_86 = arith.constant 1 : i32
    scf.for %scan3A_123 = %scan3A_83 to %scan3A_85 step %scan3A_86  : i32 {
      %mul3A_124 = arith.constant 2 : i32
      %mul3A_125 = arith.muli %scan3A_123, %mul3A_124 : i32
      %add3A_126 = arith.constant 0 : i32
      %add3A_127 = arith.addi %mul3A_125, %add3A_126 : i32
      %gt3A = arith.constant 0 : i32
      %gt3A_128 = arith.cmpi sgt, %scan3A_123, %gt3A : i32
      %convert_element_type3A = arith.extui %gt3A_128 : i1 to i32
      %cond3A = arith.constant 0 : i32
      %cond3A_129 = arith.cmpi ne, %convert_element_type3A, %cond3A : i32
      scf.if %cond3A_129 {
        %dma_wait3A_283 = arith.constant 0 : i32
        %dma_wait3A_284 = arith.constant 0 : i32
        %dma_wait3A_285 = arith.constant 0 : i32
        %dma_wait3A_286 = arith.constant 0 : i32
        %dma_wait3A_287 = tpu.memref_slice %arg8[%dma_wait3A_283, %dma_wait3A_285, %dma_wait3A_286] : memref<2x1536x16xf32, #tpu.memory_space<vmem>> -> memref<1x1536x16xf32, #tpu.memory_space<vmem>>
        %dma_wait3A_288 = tpu.memref_squeeze %dma_wait3A_287 : memref<1x1536x16xf32, #tpu.memory_space<vmem>> -> memref<1536x16xf32, #tpu.memory_space<vmem>>
        %dma_wait3A_289 = arith.constant 0 : i32
        %dma_wait3A_290 = arith.constant 0 : i32
        %dma_wait3A_291 = tpu.memref_slice %arg2[%dma_wait3A_289, %dma_wait3A_290] : memref<884736x16xf32, #tpu.memory_space<hbm>> -> memref<1536x16xf32, #tpu.memory_space<hbm>>
        %dma_wait3A_292 = tpu.memref_slice %arg10[%dma_wait3A_284] : memref<2x!tpu.dma_semaphore, #tpu.memory_space<semaphore_mem>> -> memref<1x!tpu.dma_semaphore, #tpu.memory_space<semaphore_mem>>
        %dma_wait3A_293 = tpu.memref_squeeze %dma_wait3A_292 : memref<1x!tpu.dma_semaphore, #tpu.memory_space<semaphore_mem>> -> memref<!tpu.dma_semaphore, #tpu.memory_space<semaphore_mem>>
        %dma_wait3A_294 = arith.constant 0 : i32
        %dma_wait3A_295 = arith.constant 0 : i32
        %dma_wait3A_296 = tpu.memref_slice %arg8[%dma_wait3A_283, %dma_wait3A_294, %dma_wait3A_295] : memref<2x1536x16xf32, #tpu.memory_space<vmem>> -> memref<1x1536x16xf32, #tpu.memory_space<vmem>>
        %dma_wait3A_297 = tpu.memref_squeeze %dma_wait3A_296 : memref<1x1536x16xf32, #tpu.memory_space<vmem>> -> memref<1536x16xf32, #tpu.memory_space<vmem>>
        %dma_wait3A_298 = arith.constant 0 : i32
        %dma_wait3A_299 = arith.constant 0 : i32
        %dma_wait3A_300 = tpu.memref_slice %arg2[%dma_wait3A_298, %dma_wait3A_299] : memref<884736x16xf32, #tpu.memory_space<hbm>> -> memref<1536x16xf32, #tpu.memory_space<hbm>>
        tpu.wait_dma2 semaphore(%dma_wait3A_293 : memref<!tpu.dma_semaphore, #tpu.memory_space<semaphore_mem>>) src(%dma_wait3A_300 : memref<1536x16xf32, #tpu.memory_space<hbm>>) dst(%dma_wait3A_297 : memref<1536x16xf32, #tpu.memory_space<vmem>>)
      } else {
      }
      %add3A_130 = arith.addi %add3A_127, %rem3A_4 : i32
      %div3A_131 = arith.constant 16 : i32
      %div3A_132 = arith.divsi %add3A_130, %div3A_131 : i32
      %rem3A_133 = arith.constant 16 : i32
      %rem3A_134 = arith.remsi %add3A_130, %rem3A_133 : i32
      %mul3A_135 = arith.constant 16 : i32
      %mul3A_136 = arith.muli %div3A_132, %mul3A_135 : i32
      %get3A_137 = arith.index_cast %mul3A_136 : i32 to index
      %get3A_138 = tpu.vector_load %arg6[%get3A_137] {strides = array<i32>} : memref<48xi32, #tpu.memory_space<vmem>>, vector<16xi32>,
      %get3A_139 = vector.shape_cast %get3A_138 : vector<16xi32> to vector<16xi32>
      %broadcast_in_dim3A_140 = vector.broadcast %rem3A_134 : i32 to vector<16x1xi32>
      %gather3A = vector.shape_cast %broadcast_in_dim3A_140 : vector<16x1xi32> to vector<16xi32>
      %gather3A_141 = tpu.dynamic_gather %get3A_139[%gather3A] in [0] : vector<16xi32>, vector<16xi32> -> vector<16xi32>
      %scan3A_142 = arith.constant 0 : i32
      %scan3A_143 = arith.constant 0 : i32
      %scan3A_144 = arith.constant 24 : i32
      %scan3A_145 = arith.addi %scan3A_143, %scan3A_144 : i32
      %scan3A_146 = arith.constant 1 : i32
      %scan3A_147 = scf.for %scan3A_283 = %scan3A_143 to %scan3A_145 step %scan3A_146 iter_args(%scan3A_284 = %scan3A_142) -> (i32)  : i32 {
        %iota3A = tpu.iota {dimensions = array<i32: 0>} : vector<16xi32>
        %broadcast_in_dim3A_285 = arith.constant 8 : i32
        %broadcast_in_dim3A_286 = vector.broadcast %broadcast_in_dim3A_285 : i32 to vector<16xi32>
        %div3A_287 = arith.divsi %iota3A, %broadcast_in_dim3A_286 : vector<16xi32>
        %mul3A_288 = arith.constant 192 : i32
        %mul3A_289 = vector.broadcast %mul3A_288 : i32 to vector<16xi32>
        %mul3A_290 = arith.muli %div3A_287, %mul3A_289 : vector<16xi32>
        %rem3A_291 = arith.remsi %iota3A, %broadcast_in_dim3A_286 : vector<16xi32>
        %mul3A_292 = arith.constant 8 : i32
        %mul3A_293 = vector.broadcast %mul3A_292 : i32 to vector<16xi32>
        %mul3A_294 = arith.muli %rem3A_291, %mul3A_293 : vector<16xi32>
        %add3A_295 = arith.addi %mul3A_290, %mul3A_294 : vector<16xi32>
        %mul3A_296 = arith.constant 4 : i32
        %mul3A_297 = arith.muli %scan3A_283, %mul3A_296 : i32
        %add3A_298 = arith.constant 0 : i32
        %add3A_299 = arith.addi %mul3A_297, %add3A_298 : i32
        %mul3A_300 = arith.constant 9216 : i32
        %mul3A_301 = arith.muli %add3A_299, %mul3A_300 : i32
        %broadcast_in_dim3A_302 = vector.broadcast %mul3A_301 : i32 to vector<16xi32>
        %add3A_303 = arith.addi %gather3A_141, %broadcast_in_dim3A_302 : vector<16xi32>
        %add3A_304 = arith.addi %add3A_303, %add3A_295 : vector<16xi32>
        %mul3A_305 = arith.constant 16 : i32
        %mul3A_306 = arith.muli %add3A_299, %mul3A_305 : i32
        %swap3A_307 = arith.constant 0 : i32
        %swap3A_308 = arith.index_cast %swap3A_307 : i32 to index
        %swap3A_309 = arith.index_cast %mul3A_306 : i32 to index
        %swap3A_310 = tpu.vector_load %arg7[%swap3A_308, %swap3A_309] {strides = array<i32>} : memref<2x1536xi32, #tpu.memory_space<vmem>>, vector<1x16xi32>,
        %swap3A_311 = vector.shape_cast %swap3A_310 : vector<1x16xi32> to vector<16xi32>
        %swap3A_312 = vector.shape_cast %add3A_304 : vector<16xi32> to vector<1x16xi32>
        tpu.vector_store %arg7[%swap3A_308, %swap3A_309], %swap3A_312 {strides = array<i32>} : memref<2x1536xi32, #tpu.memory_space<vmem>>, vector<1x16xi32>,
        %mul3A_313 = arith.constant 4 : i32
        %mul3A_314 = arith.muli %scan3A_283, %mul3A_313 : i32
        %add3A_315 = arith.constant 1 : i32
        %add3A_316 = arith.addi %mul3A_314, %add3A_315 : i32
        %mul3A_317 = arith.constant 9216 : i32
        %mul3A_318 = arith.muli %add3A_316, %mul3A_317 : i32
        %broadcast_in_dim3A_319 = vector.broadcast %mul3A_318 : i32 to vector<16xi32>
        %add3A_320 = arith.addi %gather3A_141, %broadcast_in_dim3A_319 : vector<16xi32>
        %add3A_321 = arith.addi %add3A_320, %add3A_295 : vector<16xi32>
        %mul3A_322 = arith.constant 16 : i32
        %mul3A_323 = arith.muli %add3A_316, %mul3A_322 : i32
        %swap3A_324 = arith.constant 0 : i32
        %swap3A_325 = arith.index_cast %swap3A_324 : i32 to index
        %swap3A_326 = arith.index_cast %mul3A_323 : i32 to index
        %swap3A_327 = tpu.vector_load %arg7[%swap3A_325, %swap3A_326] {strides = array<i32>} : memref<2x1536xi32, #tpu.memory_space<vmem>>, vector<1x16xi32>,
        %swap3A_328 = vector.shape_cast %swap3A_327 : vector<1x16xi32> to vector<16xi32>
        %swap3A_329 = vector.shape_cast %add3A_321 : vector<16xi32> to vector<1x16xi32>
        tpu.vector_store %arg7[%swap3A_325, %swap3A_326], %swap3A_329 {strides = array<i32>} : memref<2x1536xi32, #tpu.memory_space<vmem>>, vector<1x16xi32>,
        %mul3A_330 = arith.constant 4 : i32
        %mul3A_331 = arith.muli %scan3A_283, %mul3A_330 : i32
        %add3A_332 = arith.constant 2 : i32
        %add3A_333 = arith.addi %mul3A_331, %add3A_332 : i32
        %mul3A_334 = arith.constant 9216 : i32
        %mul3A_335 = arith.muli %add3A_333, %mul3A_334 : i32
        %broadcast_in_dim3A_336 = vector.broadcast %mul3A_335 : i32 to vector<16xi32>
        %add3A_337 = arith.addi %gather3A_141, %broadcast_in_dim3A_336 : vector<16xi32>
        %add3A_338 = arith.addi %add3A_337, %add3A_295 : vector<16xi32>
        %mul3A_339 = arith.constant 16 : i32
        %mul3A_340 = arith.muli %add3A_333, %mul3A_339 : i32
        %swap3A_341 = arith.constant 0 : i32
        %swap3A_342 = arith.index_cast %swap3A_341 : i32 to index
        %swap3A_343 = arith.index_cast %mul3A_340 : i32 to index
        %swap3A_344 = tpu.vector_load %arg7[%swap3A_342, %swap3A_343] {strides = array<i32>} : memref<2x1536xi32, #tpu.memory_space<vmem>>, vector<1x16xi32>,
        %swap3A_345 = vector.shape_cast %swap3A_344 : vector<1x16xi32> to vector<16xi32>
        %swap3A_346 = vector.shape_cast %add3A_338 : vector<16xi32> to vector<1x16xi32>
        tpu.vector_store %arg7[%swap3A_342, %swap3A_343], %swap3A_346 {strides = array<i32>} : memref<2x1536xi32, #tpu.memory_space<vmem>>, vector<1x16xi32>,
        %mul3A_347 = arith.constant 4 : i32
        %mul3A_348 = arith.muli %scan3A_283, %mul3A_347 : i32
        %add3A_349 = arith.constant 3 : i32
        %add3A_350 = arith.addi %mul3A_348, %add3A_349 : i32
        %mul3A_351 = arith.constant 9216 : i32
        %mul3A_352 = arith.muli %add3A_350, %mul3A_351 : i32
        %broadcast_in_dim3A_353 = vector.broadcast %mul3A_352 : i32 to vector<16xi32>
        %add3A_354 = arith.addi %gather3A_141, %broadcast_in_dim3A_353 : vector<16xi32>
        %add3A_355 = arith.addi %add3A_354, %add3A_295 : vector<16xi32>
        %mul3A_356 = arith.constant 16 : i32
        %mul3A_357 = arith.muli %add3A_350, %mul3A_356 : i32
        %swap3A_358 = arith.constant 0 : i32
        %swap3A_359 = arith.index_cast %swap3A_358 : i32 to index
        %swap3A_360 = arith.index_cast %mul3A_357 : i32 to index
        %swap3A_361 = tpu.vector_load %arg7[%swap3A_359, %swap3A_360] {strides = array<i32>} : memref<2x1536xi32, #tpu.memory_space<vmem>>, vector<1x16xi32>,
        %swap3A_362 = vector.shape_cast %swap3A_361 : vector<1x16xi32> to vector<16xi32>
        %swap3A_363 = vector.shape_cast %add3A_355 : vector<16xi32> to vector<1x16xi32>
        tpu.vector_store %arg7[%swap3A_359, %swap3A_360], %swap3A_363 {strides = array<i32>} : memref<2x1536xi32, #tpu.memory_space<vmem>>, vector<1x16xi32>,
        %scan3A_364 = arith.constant 0 : i32
        scf.yield %scan3A_364 : i32
      }
      %scan3A_148 = arith.constant 24 : i32
      %dma_start3A = arith.constant 0 : i32
      %dma_start3A_149 = arith.constant 0 : i32
      %dma_start3A_150 = arith.constant 0 : i32
      %dma_start3A_151 = arith.constant 0 : i32
      %dma_start3A_152 = arith.constant 0 : i32
      %dma_start3A_153 = tpu.memref_slice %arg8[%dma_start3A_149, %dma_start3A_151, %dma_start3A_152] : memref<2x1536x16xf32, #tpu.memory_space<vmem>> -> memref<1x1536x16xf32, #tpu.memory_space<vmem>>
      %dma_start3A_154 = tpu.memref_squeeze %dma_start3A_153 : memref<1x1536x16xf32, #tpu.memory_space<vmem>> -> memref<1536x16xf32, #tpu.memory_space<vmem>>
      %dma_start3A_155 = arith.constant 0 : i32
      %dma_start3A_156 = tpu.memref_slice %arg7[%dma_start3A, %dma_start3A_155] : memref<2x1536xi32, #tpu.memory_space<vmem>> -> memref<1x1536xi32, #tpu.memory_space<vmem>>
      %dma_start3A_157 = tpu.memref_squeeze %dma_start3A_156 : memref<1x1536xi32, #tpu.memory_space<vmem>> -> memref<1536xi32, #tpu.memory_space<vmem>>
      %dma_start3A_158 = arith.constant 0 : i32
      %dma_start3A_159 = arith.constant 0 : i32
      %dma_start3A_160 = tpu.memref_slice %arg2[%dma_start3A_158, %dma_start3A_159] : memref<884736x16xf32, #tpu.memory_space<hbm>> -> memref<884736x16xf32, #tpu.memory_space<hbm>>
      %dma_start3A_161 = tpu.memref_slice %arg9[%dma_start3A_150] : memref<2x!tpu.dma_semaphore, #tpu.memory_space<semaphore_mem>> -> memref<1x!tpu.dma_semaphore, #tpu.memory_space<semaphore_mem>>
      %dma_start3A_162 = tpu.memref_squeeze %dma_start3A_161 : memref<1x!tpu.dma_semaphore, #tpu.memory_space<semaphore_mem>> -> memref<!tpu.dma_semaphore, #tpu.memory_space<semaphore_mem>>
      tpu.enqueue_indirect_dma source(%dma_start3A_160 : memref<884736x16xf32, #tpu.memory_space<hbm>>) target(%dma_start3A_154 : memref<1536x16xf32, #tpu.memory_space<vmem>>) offsets(%dma_start3A_157 : memref<1536xi32, #tpu.memory_space<vmem>>) semaphore(%dma_start3A_162 : memref<!tpu.dma_semaphore, #tpu.memory_space<semaphore_mem>>)
      %mul3A_163 = arith.constant 2 : i32
      %mul3A_164 = arith.muli %scan3A_123, %mul3A_163 : i32
      %add3A_165 = arith.constant 1 : i32
      %add3A_166 = arith.addi %mul3A_164, %add3A_165 : i32
      %gt3A_167 = arith.constant 0 : i32
      %gt3A_168 = arith.cmpi sgt, %scan3A_123, %gt3A_167 : i32
      %convert_element_type3A_169 = arith.extui %gt3A_168 : i1 to i32
      %cond3A_170 = arith.constant 0 : i32
      %cond3A_171 = arith.cmpi ne, %convert_element_type3A_169, %cond3A_170 : i32
      scf.if %cond3A_171 {
        %dma_wait3A_283 = arith.constant 1 : i32
        %dma_wait3A_284 = arith.constant 1 : i32
        %dma_wait3A_285 = arith.constant 0 : i32
        %dma_wait3A_286 = arith.constant 0 : i32
        %dma_wait3A_287 = tpu.memref_slice %arg8[%dma_wait3A_283, %dma_wait3A_285, %dma_wait3A_286] : memref<2x1536x16xf32, #tpu.memory_space<vmem>> -> memref<1x1536x16xf32, #tpu.memory_space<vmem>>
        %dma_wait3A_288 = tpu.memref_squeeze %dma_wait3A_287 : memref<1x1536x16xf32, #tpu.memory_space<vmem>> -> memref<1536x16xf32, #tpu.memory_space<vmem>>
        %dma_wait3A_289 = arith.constant 0 : i32
        %dma_wait3A_290 = arith.constant 0 : i32
        %dma_wait3A_291 = tpu.memref_slice %arg2[%dma_wait3A_289, %dma_wait3A_290] : memref<884736x16xf32, #tpu.memory_space<hbm>> -> memref<1536x16xf32, #tpu.memory_space<hbm>>
        %dma_wait3A_292 = tpu.memref_slice %arg10[%dma_wait3A_284] : memref<2x!tpu.dma_semaphore, #tpu.memory_space<semaphore_mem>> -> memref<1x!tpu.dma_semaphore, #tpu.memory_space<semaphore_mem>>
        %dma_wait3A_293 = tpu.memref_squeeze %dma_wait3A_292 : memref<1x!tpu.dma_semaphore, #tpu.memory_space<semaphore_mem>> -> memref<!tpu.dma_semaphore, #tpu.memory_space<semaphore_mem>>
        %dma_wait3A_294 = arith.constant 0 : i32
        %dma_wait3A_295 = arith.constant 0 : i32
        %dma_wait3A_296 = tpu.memref_slice %arg8[%dma_wait3A_283, %dma_wait3A_294, %dma_wait3A_295] : memref<2x1536x16xf32, #tpu.memory_space<vmem>> -> memref<1x1536x16xf32, #tpu.memory_space<vmem>>
        %dma_wait3A_297 = tpu.memref_squeeze %dma_wait3A_296 : memref<1x1536x16xf32, #tpu.memory_space<vmem>> -> memref<1536x16xf32, #tpu.memory_space<vmem>>
        %dma_wait3A_298 = arith.constant 0 : i32
        %dma_wait3A_299 = arith.constant 0 : i32
        %dma_wait3A_300 = tpu.memref_slice %arg2[%dma_wait3A_298, %dma_wait3A_299] : memref<884736x16xf32, #tpu.memory_space<hbm>> -> memref<1536x16xf32, #tpu.memory_space<hbm>>
        tpu.wait_dma2 semaphore(%dma_wait3A_293 : memref<!tpu.dma_semaphore, #tpu.memory_space<semaphore_mem>>) src(%dma_wait3A_300 : memref<1536x16xf32, #tpu.memory_space<hbm>>) dst(%dma_wait3A_297 : memref<1536x16xf32, #tpu.memory_space<vmem>>)
      } else {
      }
      %add3A_172 = arith.addi %add3A_166, %rem3A_4 : i32
      %div3A_173 = arith.constant 16 : i32
      %div3A_174 = arith.divsi %add3A_172, %div3A_173 : i32
      %rem3A_175 = arith.constant 16 : i32
      %rem3A_176 = arith.remsi %add3A_172, %rem3A_175 : i32
      %mul3A_177 = arith.constant 16 : i32
      %mul3A_178 = arith.muli %div3A_174, %mul3A_177 : i32
      %get3A_179 = arith.index_cast %mul3A_178 : i32 to index
      %get3A_180 = tpu.vector_load %arg6[%get3A_179] {strides = array<i32>} : memref<48xi32, #tpu.memory_space<vmem>>, vector<16xi32>,
      %get3A_181 = vector.shape_cast %get3A_180 : vector<16xi32> to vector<16xi32>
      %broadcast_in_dim3A_182 = vector.broadcast %rem3A_176 : i32 to vector<16x1xi32>
      %gather3A_183 = vector.shape_cast %broadcast_in_dim3A_182 : vector<16x1xi32> to vector<16xi32>
      %gather3A_184 = tpu.dynamic_gather %get3A_181[%gather3A_183] in [0] : vector<16xi32>, vector<16xi32> -> vector<16xi32>
      %scan3A_185 = arith.constant 0 : i32
      %scan3A_186 = arith.constant 0 : i32
      %scan3A_187 = arith.constant 24 : i32
      %scan3A_188 = arith.addi %scan3A_186, %scan3A_187 : i32
      %scan3A_189 = arith.constant 1 : i32
      %scan3A_190 = scf.for %scan3A_283 = %scan3A_186 to %scan3A_188 step %scan3A_189 iter_args(%scan3A_284 = %scan3A_185) -> (i32)  : i32 {
        %iota3A = tpu.iota {dimensions = array<i32: 0>} : vector<16xi32>
        %broadcast_in_dim3A_285 = arith.constant 8 : i32
        %broadcast_in_dim3A_286 = vector.broadcast %broadcast_in_dim3A_285 : i32 to vector<16xi32>
        %div3A_287 = arith.divsi %iota3A, %broadcast_in_dim3A_286 : vector<16xi32>
        %mul3A_288 = arith.constant 192 : i32
        %mul3A_289 = vector.broadcast %mul3A_288 : i32 to vector<16xi32>
        %mul3A_290 = arith.muli %div3A_287, %mul3A_289 : vector<16xi32>
        %rem3A_291 = arith.remsi %iota3A, %broadcast_in_dim3A_286 : vector<16xi32>
        %mul3A_292 = arith.constant 8 : i32
        %mul3A_293 = vector.broadcast %mul3A_292 : i32 to vector<16xi32>
        %mul3A_294 = arith.muli %rem3A_291, %mul3A_293 : vector<16xi32>
        %add3A_295 = arith.addi %mul3A_290, %mul3A_294 : vector<16xi32>
        %mul3A_296 = arith.constant 4 : i32
        %mul3A_297 = arith.muli %scan3A_283, %mul3A_296 : i32
        %add3A_298 = arith.constant 0 : i32
        %add3A_299 = arith.addi %mul3A_297, %add3A_298 : i32
        %mul3A_300 = arith.constant 9216 : i32
        %mul3A_301 = arith.muli %add3A_299, %mul3A_300 : i32
        %broadcast_in_dim3A_302 = vector.broadcast %mul3A_301 : i32 to vector<16xi32>
        %add3A_303 = arith.addi %gather3A_184, %broadcast_in_dim3A_302 : vector<16xi32>
        %add3A_304 = arith.addi %add3A_303, %add3A_295 : vector<16xi32>
        %mul3A_305 = arith.constant 16 : i32
        %mul3A_306 = arith.muli %add3A_299, %mul3A_305 : i32
        %swap3A_307 = arith.constant 1 : i32
        %swap3A_308 = arith.index_cast %swap3A_307 : i32 to index
        %swap3A_309 = arith.index_cast %mul3A_306 : i32 to index
        %swap3A_310 = tpu.vector_load %arg7[%swap3A_308, %swap3A_309] {strides = array<i32>} : memref<2x1536xi32, #tpu.memory_space<vmem>>, vector<1x16xi32>,
        %swap3A_311 = vector.shape_cast %swap3A_310 : vector<1x16xi32> to vector<16xi32>
        %swap3A_312 = vector.shape_cast %add3A_304 : vector<16xi32> to vector<1x16xi32>
        tpu.vector_store %arg7[%swap3A_308, %swap3A_309], %swap3A_312 {strides = array<i32>} : memref<2x1536xi32, #tpu.memory_space<vmem>>, vector<1x16xi32>,
        %mul3A_313 = arith.constant 4 : i32
        %mul3A_314 = arith.muli %scan3A_283, %mul3A_313 : i32
        %add3A_315 = arith.constant 1 : i32
        %add3A_316 = arith.addi %mul3A_314, %add3A_315 : i32
        %mul3A_317 = arith.constant 9216 : i32
        %mul3A_318 = arith.muli %add3A_316, %mul3A_317 : i32
        %broadcast_in_dim3A_319 = vector.broadcast %mul3A_318 : i32 to vector<16xi32>
        %add3A_320 = arith.addi %gather3A_184, %broadcast_in_dim3A_319 : vector<16xi32>
        %add3A_321 = arith.addi %add3A_320, %add3A_295 : vector<16xi32>
        %mul3A_322 = arith.constant 16 : i32
        %mul3A_323 = arith.muli %add3A_316, %mul3A_322 : i32
        %swap3A_324 = arith.constant 1 : i32
        %swap3A_325 = arith.index_cast %swap3A_324 : i32 to index
        %swap3A_326 = arith.index_cast %mul3A_323 : i32 to index
        %swap3A_327 = tpu.vector_load %arg7[%swap3A_325, %swap3A_326] {strides = array<i32>} : memref<2x1536xi32, #tpu.memory_space<vmem>>, vector<1x16xi32>,
        %swap3A_328 = vector.shape_cast %swap3A_327 : vector<1x16xi32> to vector<16xi32>
        %swap3A_329 = vector.shape_cast %add3A_321 : vector<16xi32> to vector<1x16xi32>
        tpu.vector_store %arg7[%swap3A_325, %swap3A_326], %swap3A_329 {strides = array<i32>} : memref<2x1536xi32, #tpu.memory_space<vmem>>, vector<1x16xi32>,
        %mul3A_330 = arith.constant 4 : i32
        %mul3A_331 = arith.muli %scan3A_283, %mul3A_330 : i32
        %add3A_332 = arith.constant 2 : i32
        %add3A_333 = arith.addi %mul3A_331, %add3A_332 : i32
        %mul3A_334 = arith.constant 9216 : i32
        %mul3A_335 = arith.muli %add3A_333, %mul3A_334 : i32
        %broadcast_in_dim3A_336 = vector.broadcast %mul3A_335 : i32 to vector<16xi32>
        %add3A_337 = arith.addi %gather3A_184, %broadcast_in_dim3A_336 : vector<16xi32>
        %add3A_338 = arith.addi %add3A_337, %add3A_295 : vector<16xi32>
        %mul3A_339 = arith.constant 16 : i32
        %mul3A_340 = arith.muli %add3A_333, %mul3A_339 : i32
        %swap3A_341 = arith.constant 1 : i32
        %swap3A_342 = arith.index_cast %swap3A_341 : i32 to index
        %swap3A_343 = arith.index_cast %mul3A_340 : i32 to index
        %swap3A_344 = tpu.vector_load %arg7[%swap3A_342, %swap3A_343] {strides = array<i32>} : memref<2x1536xi32, #tpu.memory_space<vmem>>, vector<1x16xi32>,
        %swap3A_345 = vector.shape_cast %swap3A_344 : vector<1x16xi32> to vector<16xi32>
        %swap3A_346 = vector.shape_cast %add3A_338 : vector<16xi32> to vector<1x16xi32>
        tpu.vector_store %arg7[%swap3A_342, %swap3A_343], %swap3A_346 {strides = array<i32>} : memref<2x1536xi32, #tpu.memory_space<vmem>>, vector<1x16xi32>,
        %mul3A_347 = arith.constant 4 : i32
        %mul3A_348 = arith.muli %scan3A_283, %mul3A_347 : i32
        %add3A_349 = arith.constant 3 : i32
        %add3A_350 = arith.addi %mul3A_348, %add3A_349 : i32
        %mul3A_351 = arith.constant 9216 : i32
        %mul3A_352 = arith.muli %add3A_350, %mul3A_351 : i32
        %broadcast_in_dim3A_353 = vector.broadcast %mul3A_352 : i32 to vector<16xi32>
        %add3A_354 = arith.addi %gather3A_184, %broadcast_in_dim3A_353 : vector<16xi32>
        %add3A_355 = arith.addi %add3A_354, %add3A_295 : vector<16xi32>
        %mul3A_356 = arith.constant 16 : i32
        %mul3A_357 = arith.muli %add3A_350, %mul3A_356 : i32
        %swap3A_358 = arith.constant 1 : i32
        %swap3A_359 = arith.index_cast %swap3A_358 : i32 to index
        %swap3A_360 = arith.index_cast %mul3A_357 : i32 to index
        %swap3A_361 = tpu.vector_load %arg7[%swap3A_359, %swap3A_360] {strides = array<i32>} : memref<2x1536xi32, #tpu.memory_space<vmem>>, vector<1x16xi32>,
        %swap3A_362 = vector.shape_cast %swap3A_361 : vector<1x16xi32> to vector<16xi32>
        %swap3A_363 = vector.shape_cast %add3A_355 : vector<16xi32> to vector<1x16xi32>
        tpu.vector_store %arg7[%swap3A_359, %swap3A_360], %swap3A_363 {strides = array<i32>} : memref<2x1536xi32, #tpu.memory_space<vmem>>, vector<1x16xi32>,
        %scan3A_364 = arith.constant 0 : i32
        scf.yield %scan3A_364 : i32
      }
      %scan3A_191 = arith.constant 24 : i32
      %dma_start3A_192 = arith.constant 1 : i32
      %dma_start3A_193 = arith.constant 1 : i32
      %dma_start3A_194 = arith.constant 1 : i32
      %dma_start3A_195 = arith.constant 0 : i32
      %dma_start3A_196 = arith.constant 0 : i32
      %dma_start3A_197 = tpu.memref_slice %arg8[%dma_start3A_193, %dma_start3A_195, %dma_start3A_196] : memref<2x1536x16xf32, #tpu.memory_space<vmem>> -> memref<1x1536x16xf32, #tpu.memory_space<vmem>>
      %dma_start3A_198 = tpu.memref_squeeze %dma_start3A_197 : memref<1x1536x16xf32, #tpu.memory_space<vmem>> -> memref<1536x16xf32, #tpu.memory_space<vmem>>
      %dma_start3A_199 = arith.constant 0 : i32
      %dma_start3A_200 = tpu.memref_slice %arg7[%dma_start3A_192, %dma_start3A_199] : memref<2x1536xi32, #tpu.memory_space<vmem>> -> memref<1x1536xi32, #tpu.memory_space<vmem>>
      %dma_start3A_201 = tpu.memref_squeeze %dma_start3A_200 : memref<1x1536xi32, #tpu.memory_space<vmem>> -> memref<1536xi32, #tpu.memory_space<vmem>>
      %dma_start3A_202 = arith.constant 0 : i32
      %dma_start3A_203 = arith.constant 0 : i32
      %dma_start3A_204 = tpu.memref_slice %arg2[%dma_start3A_202, %dma_start3A_203] : memref<884736x16xf32, #tpu.memory_space<hbm>> -> memref<884736x16xf32, #tpu.memory_space<hbm>>
      %dma_start3A_205 = tpu.memref_slice %arg9[%dma_start3A_194] : memref<2x!tpu.dma_semaphore, #tpu.memory_space<semaphore_mem>> -> memref<1x!tpu.dma_semaphore, #tpu.memory_space<semaphore_mem>>
      %dma_start3A_206 = tpu.memref_squeeze %dma_start3A_205 : memref<1x!tpu.dma_semaphore, #tpu.memory_space<semaphore_mem>> -> memref<!tpu.dma_semaphore, #tpu.memory_space<semaphore_mem>>
      tpu.enqueue_indirect_dma source(%dma_start3A_204 : memref<884736x16xf32, #tpu.memory_space<hbm>>) target(%dma_start3A_198 : memref<1536x16xf32, #tpu.memory_space<vmem>>) offsets(%dma_start3A_201 : memref<1536xi32, #tpu.memory_space<vmem>>) semaphore(%dma_start3A_206 : memref<!tpu.dma_semaphore, #tpu.memory_space<semaphore_mem>>)
      %mul3A_207 = arith.constant 2 : i32
      %mul3A_208 = arith.muli %scan3A_123, %mul3A_207 : i32
      %add3A_209 = arith.constant 0 : i32
      %add3A_210 = arith.addi %mul3A_208, %add3A_209 : i32
      %dma_wait3A_211 = arith.constant 0 : i32
      %dma_wait3A_212 = arith.constant 0 : i32
      %dma_wait3A_213 = arith.constant 0 : i32
      %dma_wait3A_214 = arith.constant 0 : i32
      %dma_wait3A_215 = arith.constant 0 : i32
      %dma_wait3A_216 = tpu.memref_slice %arg8[%dma_wait3A_212, %dma_wait3A_214, %dma_wait3A_215] : memref<2x1536x16xf32, #tpu.memory_space<vmem>> -> memref<1x1536x16xf32, #tpu.memory_space<vmem>>
      %dma_wait3A_217 = tpu.memref_squeeze %dma_wait3A_216 : memref<1x1536x16xf32, #tpu.memory_space<vmem>> -> memref<1536x16xf32, #tpu.memory_space<vmem>>
      %dma_wait3A_218 = arith.constant 0 : i32
      %dma_wait3A_219 = tpu.memref_slice %arg7[%dma_wait3A_211, %dma_wait3A_218] : memref<2x1536xi32, #tpu.memory_space<vmem>> -> memref<1x1536xi32, #tpu.memory_space<vmem>>
      %dma_wait3A_220 = tpu.memref_squeeze %dma_wait3A_219 : memref<1x1536xi32, #tpu.memory_space<vmem>> -> memref<1536xi32, #tpu.memory_space<vmem>>
      %dma_wait3A_221 = arith.constant 0 : i32
      %dma_wait3A_222 = arith.constant 0 : i32
      %dma_wait3A_223 = tpu.memref_slice %arg2[%dma_wait3A_221, %dma_wait3A_222] : memref<884736x16xf32, #tpu.memory_space<hbm>> -> memref<884736x16xf32, #tpu.memory_space<hbm>>
      %dma_wait3A_224 = tpu.memref_slice %arg9[%dma_wait3A_213] : memref<2x!tpu.dma_semaphore, #tpu.memory_space<semaphore_mem>> -> memref<1x!tpu.dma_semaphore, #tpu.memory_space<semaphore_mem>>
      %dma_wait3A_225 = tpu.memref_squeeze %dma_wait3A_224 : memref<1x!tpu.dma_semaphore, #tpu.memory_space<semaphore_mem>> -> memref<!tpu.dma_semaphore, #tpu.memory_space<semaphore_mem>>
      tpu.wait_indirect_dma semaphore(%dma_wait3A_225 : memref<!tpu.dma_semaphore, #tpu.memory_space<semaphore_mem>>) src(%dma_wait3A_223 : memref<884736x16xf32, #tpu.memory_space<hbm>>) dst(%dma_wait3A_217 : memref<1536x16xf32, #tpu.memory_space<vmem>>)
      %add3A_226 = arith.addi %mul3A_2, %add3A_210 : i32
      %mul3A_227 = arith.constant 1536 : i32
      %mul3A_228 = arith.muli %add3A_226, %mul3A_227 : i32
      %dma_start3A_229 = arith.constant 0 : i32
      %dma_start3A_230 = arith.constant 0 : i32
      %dma_start3A_231 = arith.constant 0 : i32
      %dma_start3A_232 = arith.constant 0 : i32
      %dma_start3A_233 = tpu.memref_slice %arg8[%dma_start3A_229, %dma_start3A_231, %dma_start3A_232] : memref<2x1536x16xf32, #tpu.memory_space<vmem>> -> memref<1x1536x16xf32, #tpu.memory_space<vmem>>
      %dma_start3A_234 = tpu.memref_squeeze %dma_start3A_233 : memref<1x1536x16xf32, #tpu.memory_space<vmem>> -> memref<1536x16xf32, #tpu.memory_space<vmem>>
      %dma_start3A_235 = arith.constant 0 : i32
      %dma_start3A_236 = tpu.memref_slice %arg4[%mul3A_228, %dma_start3A_235] : memref<884736x16xf32, #tpu.memory_space<hbm>> -> memref<1536x16xf32, #tpu.memory_space<hbm>>
      %dma_start3A_237 = tpu.memref_slice %arg10[%dma_start3A_230] : memref<2x!tpu.dma_semaphore, #tpu.memory_space<semaphore_mem>> -> memref<1x!tpu.dma_semaphore, #tpu.memory_space<semaphore_mem>>
      %dma_start3A_238 = tpu.memref_squeeze %dma_start3A_237 : memref<1x!tpu.dma_semaphore, #tpu.memory_space<semaphore_mem>> -> memref<!tpu.dma_semaphore, #tpu.memory_space<semaphore_mem>>
      %dma_start3A_239 = arith.constant 0 : i32
      %dma_start3A_240 = tpu.memref_slice %arg4[%mul3A_228, %dma_start3A_239] : memref<884736x16xf32, #tpu.memory_space<hbm>> -> memref<1536x16xf32, #tpu.memory_space<hbm>>
      %dma_start3A_241 = arith.constant 0 : i32
      %dma_start3A_242 = arith.constant 0 : i32
      %dma_start3A_243 = tpu.memref_slice %arg8[%dma_start3A_229, %dma_start3A_241, %dma_start3A_242] : memref<2x1536x16xf32, #tpu.memory_space<vmem>> -> memref<1x1536x16xf32, #tpu.memory_space<vmem>>
      %dma_start3A_244 = tpu.memref_squeeze %dma_start3A_243 : memref<1x1536x16xf32, #tpu.memory_space<vmem>> -> memref<1536x16xf32, #tpu.memory_space<vmem>>
      tpu.enqueue_dma source(%dma_start3A_244 : memref<1536x16xf32, #tpu.memory_space<vmem>>) target(%dma_start3A_240 : memref<1536x16xf32, #tpu.memory_space<hbm>>) target_semaphore(%dma_start3A_238 : memref<!tpu.dma_semaphore, #tpu.memory_space<semaphore_mem>>)
      %mul3A_245 = arith.constant 2 : i32
      %mul3A_246 = arith.muli %scan3A_123, %mul3A_245 : i32
      %add3A_247 = arith.constant 1 : i32
      %add3A_248 = arith.addi %mul3A_246, %add3A_247 : i32
      %dma_wait3A_249 = arith.constant 1 : i32
      %dma_wait3A_250 = arith.constant 1 : i32
      %dma_wait3A_251 = arith.constant 1 : i32
      %dma_wait3A_252 = arith.constant 0 : i32
      %dma_wait3A_253 = arith.constant 0 : i32
      %dma_wait3A_254 = tpu.memref_slice %arg8[%dma_wait3A_250, %dma_wait3A_252, %dma_wait3A_253] : memref<2x1536x16xf32, #tpu.memory_space<vmem>> -> memref<1x1536x16xf32, #tpu.memory_space<vmem>>
      %dma_wait3A_255 = tpu.memref_squeeze %dma_wait3A_254 : memref<1x1536x16xf32, #tpu.memory_space<vmem>> -> memref<1536x16xf32, #tpu.memory_space<vmem>>
      %dma_wait3A_256 = arith.constant 0 : i32
      %dma_wait3A_257 = tpu.memref_slice %arg7[%dma_wait3A_249, %dma_wait3A_256] : memref<2x1536xi32, #tpu.memory_space<vmem>> -> memref<1x1536xi32, #tpu.memory_space<vmem>>
      %dma_wait3A_258 = tpu.memref_squeeze %dma_wait3A_257 : memref<1x1536xi32, #tpu.memory_space<vmem>> -> memref<1536xi32, #tpu.memory_space<vmem>>
      %dma_wait3A_259 = arith.constant 0 : i32
      %dma_wait3A_260 = arith.constant 0 : i32
      %dma_wait3A_261 = tpu.memref_slice %arg2[%dma_wait3A_259, %dma_wait3A_260] : memref<884736x16xf32, #tpu.memory_space<hbm>> -> memref<884736x16xf32, #tpu.memory_space<hbm>>
      %dma_wait3A_262 = tpu.memref_slice %arg9[%dma_wait3A_251] : memref<2x!tpu.dma_semaphore, #tpu.memory_space<semaphore_mem>> -> memref<1x!tpu.dma_semaphore, #tpu.memory_space<semaphore_mem>>
      %dma_wait3A_263 = tpu.memref_squeeze %dma_wait3A_262 : memref<1x!tpu.dma_semaphore, #tpu.memory_space<semaphore_mem>> -> memref<!tpu.dma_semaphore, #tpu.memory_space<semaphore_mem>>
      tpu.wait_indirect_dma semaphore(%dma_wait3A_263 : memref<!tpu.dma_semaphore, #tpu.memory_space<semaphore_mem>>) src(%dma_wait3A_261 : memref<884736x16xf32, #tpu.memory_space<hbm>>) dst(%dma_wait3A_255 : memref<1536x16xf32, #tpu.memory_space<vmem>>)
      %add3A_264 = arith.addi %mul3A_2, %add3A_248 : i32
      %mul3A_265 = arith.constant 1536 : i32
      %mul3A_266 = arith.muli %add3A_264, %mul3A_265 : i32
      %dma_start3A_267 = arith.constant 1 : i32
      %dma_start3A_268 = arith.constant 1 : i32
      %dma_start3A_269 = arith.constant 0 : i32
      %dma_start3A_270 = arith.constant 0 : i32
      %dma_start3A_271 = tpu.memref_slice %arg8[%dma_start3A_267, %dma_start3A_269, %dma_start3A_270] : memref<2x1536x16xf32, #tpu.memory_space<vmem>> -> memref<1x1536x16xf32, #tpu.memory_space<vmem>>
      %dma_start3A_272 = tpu.memref_squeeze %dma_start3A_271 : memref<1x1536x16xf32, #tpu.memory_space<vmem>> -> memref<1536x16xf32, #tpu.memory_space<vmem>>
      %dma_start3A_273 = arith.constant 0 : i32
      %dma_start3A_274 = tpu.memref_slice %arg4[%mul3A_266, %dma_start3A_273] : memref<884736x16xf32, #tpu.memory_space<hbm>> -> memref<1536x16xf32, #tpu.memory_space<hbm>>
      %dma_start3A_275 = tpu.memref_slice %arg10[%dma_start3A_268] : memref<2x!tpu.dma_semaphore, #tpu.memory_space<semaphore_mem>> -> memref<1x!tpu.dma_semaphore, #tpu.memory_space<semaphore_mem>>
      %dma_start3A_276 = tpu.memref_squeeze %dma_start3A_275 : memref<1x!tpu.dma_semaphore, #tpu.memory_space<semaphore_mem>> -> memref<!tpu.dma_semaphore, #tpu.memory_space<semaphore_mem>>
      %dma_start3A_277 = arith.constant 0 : i32
      %dma_start3A_278 = tpu.memref_slice %arg4[%mul3A_266, %dma_start3A_277] : memref<884736x16xf32, #tpu.memory_space<hbm>> -> memref<1536x16xf32, #tpu.memory_space<hbm>>
      %dma_start3A_279 = arith.constant 0 : i32
      %dma_start3A_280 = arith.constant 0 : i32
      %dma_start3A_281 = tpu.memref_slice %arg8[%dma_start3A_267, %dma_start3A_279, %dma_start3A_280] : memref<2x1536x16xf32, #tpu.memory_space<vmem>> -> memref<1x1536x16xf32, #tpu.memory_space<vmem>>
      %dma_start3A_282 = tpu.memref_squeeze %dma_start3A_281 : memref<1x1536x16xf32, #tpu.memory_space<vmem>> -> memref<1536x16xf32, #tpu.memory_space<vmem>>
      tpu.enqueue_dma source(%dma_start3A_282 : memref<1536x16xf32, #tpu.memory_space<vmem>>) target(%dma_start3A_278 : memref<1536x16xf32, #tpu.memory_space<hbm>>) target_semaphore(%dma_start3A_276 : memref<!tpu.dma_semaphore, #tpu.memory_space<semaphore_mem>>)
    }
    %scan3A_87 = arith.constant 9 : i32
    %dma_wait3A = arith.constant 0 : i32
    %dma_wait3A_88 = arith.constant 0 : i32
    %dma_wait3A_89 = arith.constant 0 : i32
    %dma_wait3A_90 = arith.constant 0 : i32
    %dma_wait3A_91 = tpu.memref_slice %arg8[%dma_wait3A, %dma_wait3A_89, %dma_wait3A_90] : memref<2x1536x16xf32, #tpu.memory_space<vmem>> -> memref<1x1536x16xf32, #tpu.memory_space<vmem>>
    %dma_wait3A_92 = tpu.memref_squeeze %dma_wait3A_91 : memref<1x1536x16xf32, #tpu.memory_space<vmem>> -> memref<1536x16xf32, #tpu.memory_space<vmem>>
    %dma_wait3A_93 = arith.constant 0 : i32
    %dma_wait3A_94 = arith.constant 0 : i32
    %dma_wait3A_95 = tpu.memref_slice %arg2[%dma_wait3A_93, %dma_wait3A_94] : memref<884736x16xf32, #tpu.memory_space<hbm>> -> memref<1536x16xf32, #tpu.memory_space<hbm>>
    %dma_wait3A_96 = tpu.memref_slice %arg10[%dma_wait3A_88] : memref<2x!tpu.dma_semaphore, #tpu.memory_space<semaphore_mem>> -> memref<1x!tpu.dma_semaphore, #tpu.memory_space<semaphore_mem>>
    %dma_wait3A_97 = tpu.memref_squeeze %dma_wait3A_96 : memref<1x!tpu.dma_semaphore, #tpu.memory_space<semaphore_mem>> -> memref<!tpu.dma_semaphore, #tpu.memory_space<semaphore_mem>>
    %dma_wait3A_98 = arith.constant 0 : i32
    %dma_wait3A_99 = arith.constant 0 : i32
    %dma_wait3A_100 = tpu.memref_slice %arg8[%dma_wait3A, %dma_wait3A_98, %dma_wait3A_99] : memref<2x1536x16xf32, #tpu.memory_space<vmem>> -> memref<1x1536x16xf32, #tpu.memory_space<vmem>>
    %dma_wait3A_101 = tpu.memref_squeeze %dma_wait3A_100 : memref<1x1536x16xf32, #tpu.memory_space<vmem>> -> memref<1536x16xf32, #tpu.memory_space<vmem>>
    %dma_wait3A_102 = arith.constant 0 : i32
    %dma_wait3A_103 = arith.constant 0 : i32
    %dma_wait3A_104 = tpu.memref_slice %arg2[%dma_wait3A_102, %dma_wait3A_103] : memref<884736x16xf32, #tpu.memory_space<hbm>> -> memref<1536x16xf32, #tpu.memory_space<hbm>>
    tpu.wait_dma2 semaphore(%dma_wait3A_97 : memref<!tpu.dma_semaphore, #tpu.memory_space<semaphore_mem>>) src(%dma_wait3A_104 : memref<1536x16xf32, #tpu.memory_space<hbm>>) dst(%dma_wait3A_101 : memref<1536x16xf32, #tpu.memory_space<vmem>>)
    %dma_wait3A_105 = arith.constant 1 : i32
    %dma_wait3A_106 = arith.constant 1 : i32
    %dma_wait3A_107 = arith.constant 0 : i32
    %dma_wait3A_108 = arith.constant 0 : i32
    %dma_wait3A_109 = tpu.memref_slice %arg8[%dma_wait3A_105, %dma_wait3A_107, %dma_wait3A_108] : memref<2x1536x16xf32, #tpu.memory_space<vmem>> -> memref<1x1536x16xf32, #tpu.memory_space<vmem>>
    %dma_wait3A_110 = tpu.memref_squeeze %dma_wait3A_109 : memref<1x1536x16xf32, #tpu.memory_space<vmem>> -> memref<1536x16xf32, #tpu.memory_space<vmem>>
    %dma_wait3A_111 = arith.constant 0 : i32
    %dma_wait3A_112 = arith.constant 0 : i32
    %dma_wait3A_113 = tpu.memref_slice %arg2[%dma_wait3A_111, %dma_wait3A_112] : memref<884736x16xf32, #tpu.memory_space<hbm>> -> memref<1536x16xf32, #tpu.memory_space<hbm>>
    %dma_wait3A_114 = tpu.memref_slice %arg10[%dma_wait3A_106] : memref<2x!tpu.dma_semaphore, #tpu.memory_space<semaphore_mem>> -> memref<1x!tpu.dma_semaphore, #tpu.memory_space<semaphore_mem>>
    %dma_wait3A_115 = tpu.memref_squeeze %dma_wait3A_114 : memref<1x!tpu.dma_semaphore, #tpu.memory_space<semaphore_mem>> -> memref<!tpu.dma_semaphore, #tpu.memory_space<semaphore_mem>>
    %dma_wait3A_116 = arith.constant 0 : i32
    %dma_wait3A_117 = arith.constant 0 : i32
    %dma_wait3A_118 = tpu.memref_slice %arg8[%dma_wait3A_105, %dma_wait3A_116, %dma_wait3A_117] : memref<2x1536x16xf32, #tpu.memory_space<vmem>> -> memref<1x1536x16xf32, #tpu.memory_space<vmem>>
    %dma_wait3A_119 = tpu.memref_squeeze %dma_wait3A_118 : memref<1x1536x16xf32, #tpu.memory_space<vmem>> -> memref<1536x16xf32, #tpu.memory_space<vmem>>
    %dma_wait3A_120 = arith.constant 0 : i32
    %dma_wait3A_121 = arith.constant 0 : i32
    %dma_wait3A_122 = tpu.memref_slice %arg2[%dma_wait3A_120, %dma_wait3A_121] : memref<884736x16xf32, #tpu.memory_space<hbm>> -> memref<1536x16xf32, #tpu.memory_space<hbm>>
    tpu.wait_dma2 semaphore(%dma_wait3A_115 : memref<!tpu.dma_semaphore, #tpu.memory_space<semaphore_mem>>) src(%dma_wait3A_122 : memref<1536x16xf32, #tpu.memory_space<hbm>>) dst(%dma_wait3A_119 : memref<1536x16xf32, #tpu.memory_space<vmem>>)
    return
  }
}

#map = affine_map<(d0, d1) -> (0, 0)>
#map1 = affine_map<(d0, d1) -> (0)>
module attributes {stable_mosaic.version = 14 : i64} {
  func.func @_body(%arg0: i32, %arg1: i32, %arg2: memref<884736x16xf32, #tpu.memory_space<hbm>>, %arg3: memref<624xi32, #tpu.memory_space<hbm>>, %arg4: memref<884736x16xf32, #tpu.memory_space<hbm>>, %arg5: memref<48xi32, #tpu.memory_space<vmem>>, %arg6: memref<48xi32, #tpu.memory_space<vmem>>, %arg7: memref<2x1536xi32, #tpu.memory_space<vmem>>, %arg8: memref<2x1536x16xf32, #tpu.memory_space<vmem>>, %arg9: memref<2x!tpu.dma_semaphore, #tpu.memory_space<semaphore_mem>>, %arg10: memref<2x!tpu.dma_semaphore, #tpu.memory_space<semaphore_mem>>) attributes {dimension_semantics = [#tpu.dimension_semantics<core_parallel>, #tpu.dimension_semantics<subcore_parallel>], iteration_bounds = array<i64: 2, 16>, scalar_prefetch = 0 : i64, scratch_operands = 6 : i64, tpu.core_type = #tpu.core_type<sc_vector_subcore>, window_params = [{transform_indices = #map}, {transform_indices = #map1}, {transform_indices = #map}]} {
    %mul3A = arith.constant 16 : i32
    %mul3A_0 = arith.muli %arg0, %mul3A : i32
    %add3A = arith.addi %mul3A_0, %arg1 : i32
    %mul3A_1 = arith.constant 18 : i32
    %mul3A_2 = arith.muli %add3A, %mul3A_1 : i32
    %div3A = arith.constant 576 : i32
    %div3A_3 = arith.divsi %mul3A_2, %div3A : i32
    %rem3A = arith.constant 8 : i32
    %rem3A_4 = arith.remsi %mul3A_2, %rem3A : i32
    %sub3A = arith.subi %mul3A_2, %rem3A_4 : i32
    %multiple_of3A = tpu.assume_multiple %sub3A, 8 : i32
    "tpu.region"() ({
      %run_scoped3A = tpu.sem_alloc : memref<!tpu.dma_semaphore, #tpu.memory_space<semaphore_mem>>
      %dma_start3A = tpu.memref_slice %arg3[%multiple_of3A] : memref<624xi32, #tpu.memory_space<hbm>> -> memref<48xi32, #tpu.memory_space<hbm>>
      %dma_start3A_123 = tpu.memref_slice %arg3[%multiple_of3A] : memref<624xi32, #tpu.memory_space<hbm>> -> memref<48xi32, #tpu.memory_space<hbm>>
      tpu.enqueue_dma source(%dma_start3A_123 : memref<48xi32, #tpu.memory_space<hbm>>) target(%arg5 : memref<48xi32, #tpu.memory_space<vmem>>) target_semaphore(%run_scoped3A : memref<!tpu.dma_semaphore, #tpu.memory_space<semaphore_mem>>)
      %dma_wait3A_124 = tpu.memref_slice %arg3[%multiple_of3A] : memref<624xi32, #tpu.memory_space<hbm>> -> memref<48xi32, #tpu.memory_space<hbm>>
      %dma_wait3A_125 = tpu.memref_slice %arg3[%multiple_of3A] : memref<624xi32, #tpu.memory_space<hbm>> -> memref<48xi32, #tpu.memory_space<hbm>>
      tpu.wait_dma2 semaphore(%run_scoped3A : memref<!tpu.dma_semaphore, #tpu.memory_space<semaphore_mem>>) src(%dma_wait3A_125 : memref<48xi32, #tpu.memory_space<hbm>>) dst(%arg5 : memref<48xi32, #tpu.memory_space<vmem>>)
      tpu.yield
    }) : () -> ()
    %get3A = arith.constant 0 : index
    %get3A_5 = tpu.vector_load %arg5[%get3A] {strides = array<i32>} : memref<48xi32, #tpu.memory_space<vmem>>, vector<16xi32>,
    %get3A_6 = vector.shape_cast %get3A_5 : vector<16xi32> to vector<16xi32>
    %broadcast_in_dim3A = arith.constant 24 : i32
    %broadcast_in_dim3A_7 = vector.broadcast %broadcast_in_dim3A : i32 to vector<16xi32>
    %broadcast_in_dim3A_8 = arith.constant 8 : i32
    %broadcast_in_dim3A_9 = vector.broadcast %broadcast_in_dim3A_8 : i32 to vector<16xi32>
    %rem3A_10 = arith.remsi %get3A_6, %broadcast_in_dim3A_7 : vector<16xi32>
    %mul3A_11 = arith.constant 884736 : i32
    %mul3A_12 = arith.muli %div3A_3, %mul3A_11 : i32
    %broadcast_in_dim3A_13 = vector.broadcast %mul3A_12 : i32 to vector<16xi32>
    %div3A_14 = arith.divsi %get3A_6, %broadcast_in_dim3A_7 : vector<16xi32>
    %mul3A_15 = arith.constant 384 : i32
    %mul3A_16 = vector.broadcast %mul3A_15 : i32 to vector<16xi32>
    %mul3A_17 = arith.muli %div3A_14, %mul3A_16 : vector<16xi32>
    %add3A_18 = arith.addi %broadcast_in_dim3A_13, %mul3A_17 : vector<16xi32>
    %div3A_19 = arith.divsi %rem3A_10, %broadcast_in_dim3A_9 : vector<16xi32>
    %mul3A_20 = arith.constant 64 : i32
    %mul3A_21 = vector.broadcast %mul3A_20 : i32 to vector<16xi32>
    %mul3A_22 = arith.muli %div3A_19, %mul3A_21 : vector<16xi32>
    %add3A_23 = arith.addi %add3A_18, %mul3A_22 : vector<16xi32>
    %rem3A_24 = arith.remsi %rem3A_10, %broadcast_in_dim3A_9 : vector<16xi32>
    %add3A_25 = arith.addi %add3A_23, %rem3A_24 : vector<16xi32>
    %swap3A = arith.constant 0 : index
    %swap3A_26 = tpu.vector_load %arg6[%swap3A] {strides = array<i32>} : memref<48xi32, #tpu.memory_space<vmem>>, vector<16xi32>,
    %swap3A_27 = vector.shape_cast %swap3A_26 : vector<16xi32> to vector<16xi32>
    %swap3A_28 = vector.shape_cast %add3A_25 : vector<16xi32> to vector<16xi32>
    tpu.vector_store %arg6[%swap3A], %swap3A_28 {strides = array<i32>} : memref<48xi32, #tpu.memory_space<vmem>>, vector<16xi32>,
    %get3A_29 = arith.constant 16 : index
    %get3A_30 = tpu.vector_load %arg5[%get3A_29] {strides = array<i32>} : memref<48xi32, #tpu.memory_space<vmem>>, vector<16xi32>,
    %get3A_31 = vector.shape_cast %get3A_30 : vector<16xi32> to vector<16xi32>
    %broadcast_in_dim3A_32 = arith.constant 24 : i32
    %broadcast_in_dim3A_33 = vector.broadcast %broadcast_in_dim3A_32 : i32 to vector<16xi32>
    %broadcast_in_dim3A_34 = arith.constant 8 : i32
    %broadcast_in_dim3A_35 = vector.broadcast %broadcast_in_dim3A_34 : i32 to vector<16xi32>
    %rem3A_36 = arith.remsi %get3A_31, %broadcast_in_dim3A_33 : vector<16xi32>
    %mul3A_37 = arith.constant 884736 : i32
    %mul3A_38 = arith.muli %div3A_3, %mul3A_37 : i32
    %broadcast_in_dim3A_39 = vector.broadcast %mul3A_38 : i32 to vector<16xi32>
    %div3A_40 = arith.divsi %get3A_31, %broadcast_in_dim3A_33 : vector<16xi32>
    %mul3A_41 = arith.constant 384 : i32
    %mul3A_42 = vector.broadcast %mul3A_41 : i32 to vector<16xi32>
    %mul3A_43 = arith.muli %div3A_40, %mul3A_42 : vector<16xi32>
    %add3A_44 = arith.addi %broadcast_in_dim3A_39, %mul3A_43 : vector<16xi32>
    %div3A_45 = arith.divsi %rem3A_36, %broadcast_in_dim3A_35 : vector<16xi32>
    %mul3A_46 = arith.constant 64 : i32
    %mul3A_47 = vector.broadcast %mul3A_46 : i32 to vector<16xi32>
    %mul3A_48 = arith.muli %div3A_45, %mul3A_47 : vector<16xi32>
    %add3A_49 = arith.addi %add3A_44, %mul3A_48 : vector<16xi32>
    %rem3A_50 = arith.remsi %rem3A_36, %broadcast_in_dim3A_35 : vector<16xi32>
    %add3A_51 = arith.addi %add3A_49, %rem3A_50 : vector<16xi32>
    %swap3A_52 = arith.constant 16 : index
    %swap3A_53 = tpu.vector_load %arg6[%swap3A_52] {strides = array<i32>} : memref<48xi32, #tpu.memory_space<vmem>>, vector<16xi32>,
    %swap3A_54 = vector.shape_cast %swap3A_53 : vector<16xi32> to vector<16xi32>
    %swap3A_55 = vector.shape_cast %add3A_51 : vector<16xi32> to vector<16xi32>
    tpu.vector_store %arg6[%swap3A_52], %swap3A_55 {strides = array<i32>} : memref<48xi32, #tpu.memory_space<vmem>>, vector<16xi32>,
    %get3A_56 = arith.constant 32 : index
    %get3A_57 = tpu.vector_load %arg5[%get3A_56] {strides = array<i32>} : memref<48xi32, #tpu.memory_space<vmem>>, vector<16xi32>,
    %get3A_58 = vector.shape_cast %get3A_57 : vector<16xi32> to vector<16xi32>
    %broadcast_in_dim3A_59 = arith.constant 24 : i32
    %broadcast_in_dim3A_60 = vector.broadcast %broadcast_in_dim3A_59 : i32 to vector<16xi32>
    %broadcast_in_dim3A_61 = arith.constant 8 : i32
    %broadcast_in_dim3A_62 = vector.broadcast %broadcast_in_dim3A_61 : i32 to vector<16xi32>
    %rem3A_63 = arith.remsi %get3A_58, %broadcast_in_dim3A_60 : vector<16xi32>
    %mul3A_64 = arith.constant 884736 : i32
    %mul3A_65 = arith.muli %div3A_3, %mul3A_64 : i32
    %broadcast_in_dim3A_66 = vector.broadcast %mul3A_65 : i32 to vector<16xi32>
    %div3A_67 = arith.divsi %get3A_58, %broadcast_in_dim3A_60 : vector<16xi32>
    %mul3A_68 = arith.constant 384 : i32
    %mul3A_69 = vector.broadcast %mul3A_68 : i32 to vector<16xi32>
    %mul3A_70 = arith.muli %div3A_67, %mul3A_69 : vector<16xi32>
    %add3A_71 = arith.addi %broadcast_in_dim3A_66, %mul3A_70 : vector<16xi32>
    %div3A_72 = arith.divsi %rem3A_63, %broadcast_in_dim3A_62 : vector<16xi32>
    %mul3A_73 = arith.constant 64 : i32
    %mul3A_74 = vector.broadcast %mul3A_73 : i32 to vector<16xi32>
    %mul3A_75 = arith.muli %div3A_72, %mul3A_74 : vector<16xi32>
    %add3A_76 = arith.addi %add3A_71, %mul3A_75 : vector<16xi32>
    %rem3A_77 = arith.remsi %rem3A_63, %broadcast_in_dim3A_62 : vector<16xi32>
    %add3A_78 = arith.addi %add3A_76, %rem3A_77 : vector<16xi32>
    %swap3A_79 = arith.constant 32 : index
    %swap3A_80 = tpu.vector_load %arg6[%swap3A_79] {strides = array<i32>} : memref<48xi32, #tpu.memory_space<vmem>>, vector<16xi32>,
    %swap3A_81 = vector.shape_cast %swap3A_80 : vector<16xi32> to vector<16xi32>
    %swap3A_82 = vector.shape_cast %add3A_78 : vector<16xi32> to vector<16xi32>
    tpu.vector_store %arg6[%swap3A_79], %swap3A_82 {strides = array<i32>} : memref<48xi32, #tpu.memory_space<vmem>>, vector<16xi32>,
    %scan3A = arith.constant 0 : i32
    %scan3A_83 = arith.constant 0 : i32
    %scan3A_84 = arith.constant 9 : i32
    %scan3A_85 = arith.addi %scan3A_83, %scan3A_84 : i32
    %scan3A_86 = arith.constant 1 : i32
    scf.for %scan3A_123 = %scan3A_83 to %scan3A_85 step %scan3A_86  : i32 {
      %mul3A_124 = arith.constant 2 : i32
      %mul3A_125 = arith.muli %scan3A_123, %mul3A_124 : i32
      %add3A_126 = arith.constant 0 : i32
      %add3A_127 = arith.addi %mul3A_125, %add3A_126 : i32
      %gt3A = arith.constant 0 : i32
      %gt3A_128 = arith.cmpi sgt, %scan3A_123, %gt3A : i32
      %convert_element_type3A = arith.extui %gt3A_128 : i1 to i32
      %cond3A = arith.constant 0 : i32
      %cond3A_129 = arith.cmpi ne, %convert_element_type3A, %cond3A : i32
      scf.if %cond3A_129 {
        %dma_wait3A_283 = arith.constant 0 : i32
        %dma_wait3A_284 = arith.constant 0 : i32
        %dma_wait3A_285 = arith.constant 0 : i32
        %dma_wait3A_286 = arith.constant 0 : i32
        %dma_wait3A_287 = tpu.memref_slice %arg8[%dma_wait3A_283, %dma_wait3A_285, %dma_wait3A_286] : memref<2x1536x16xf32, #tpu.memory_space<vmem>> -> memref<1x1536x16xf32, #tpu.memory_space<vmem>>
        %dma_wait3A_288 = tpu.memref_squeeze %dma_wait3A_287 : memref<1x1536x16xf32, #tpu.memory_space<vmem>> -> memref<1536x16xf32, #tpu.memory_space<vmem>>
        %dma_wait3A_289 = arith.constant 0 : i32
        %dma_wait3A_290 = arith.constant 0 : i32
        %dma_wait3A_291 = tpu.memref_slice %arg2[%dma_wait3A_289, %dma_wait3A_290] : memref<884736x16xf32, #tpu.memory_space<hbm>> -> memref<1536x16xf32, #tpu.memory_space<hbm>>
        %dma_wait3A_292 = tpu.memref_slice %arg10[%dma_wait3A_284] : memref<2x!tpu.dma_semaphore, #tpu.memory_space<semaphore_mem>> -> memref<1x!tpu.dma_semaphore, #tpu.memory_space<semaphore_mem>>
        %dma_wait3A_293 = tpu.memref_squeeze %dma_wait3A_292 : memref<1x!tpu.dma_semaphore, #tpu.memory_space<semaphore_mem>> -> memref<!tpu.dma_semaphore, #tpu.memory_space<semaphore_mem>>
        %dma_wait3A_294 = arith.constant 0 : i32
        %dma_wait3A_295 = arith.constant 0 : i32
        %dma_wait3A_296 = tpu.memref_slice %arg8[%dma_wait3A_283, %dma_wait3A_294, %dma_wait3A_295] : memref<2x1536x16xf32, #tpu.memory_space<vmem>> -> memref<1x1536x16xf32, #tpu.memory_space<vmem>>
        %dma_wait3A_297 = tpu.memref_squeeze %dma_wait3A_296 : memref<1x1536x16xf32, #tpu.memory_space<vmem>> -> memref<1536x16xf32, #tpu.memory_space<vmem>>
        %dma_wait3A_298 = arith.constant 0 : i32
        %dma_wait3A_299 = arith.constant 0 : i32
        %dma_wait3A_300 = tpu.memref_slice %arg2[%dma_wait3A_298, %dma_wait3A_299] : memref<884736x16xf32, #tpu.memory_space<hbm>> -> memref<1536x16xf32, #tpu.memory_space<hbm>>
        tpu.wait_dma2 semaphore(%dma_wait3A_293 : memref<!tpu.dma_semaphore, #tpu.memory_space<semaphore_mem>>) src(%dma_wait3A_300 : memref<1536x16xf32, #tpu.memory_space<hbm>>) dst(%dma_wait3A_297 : memref<1536x16xf32, #tpu.memory_space<vmem>>)
      } else {
      }
      %add3A_130 = arith.addi %add3A_127, %rem3A_4 : i32
      %div3A_131 = arith.constant 16 : i32
      %div3A_132 = arith.divsi %add3A_130, %div3A_131 : i32
      %rem3A_133 = arith.constant 16 : i32
      %rem3A_134 = arith.remsi %add3A_130, %rem3A_133 : i32
      %mul3A_135 = arith.constant 16 : i32
      %mul3A_136 = arith.muli %div3A_132, %mul3A_135 : i32
      %get3A_137 = arith.index_cast %mul3A_136 : i32 to index
      %get3A_138 = tpu.vector_load %arg6[%get3A_137] {strides = array<i32>} : memref<48xi32, #tpu.memory_space<vmem>>, vector<16xi32>,
      %get3A_139 = vector.shape_cast %get3A_138 : vector<16xi32> to vector<16xi32>
      %broadcast_in_dim3A_140 = vector.broadcast %rem3A_134 : i32 to vector<16x1xi32>
      %gather3A = vector.shape_cast %broadcast_in_dim3A_140 : vector<16x1xi32> to vector<16xi32>
      %gather3A_141 = tpu.dynamic_gather %get3A_139[%gather3A] in [0] : vector<16xi32>, vector<16xi32> -> vector<16xi32>
      %scan3A_142 = arith.constant 0 : i32
      %scan3A_143 = arith.constant 0 : i32
      %scan3A_144 = arith.constant 24 : i32
      %scan3A_145 = arith.addi %scan3A_143, %scan3A_144 : i32
      %scan3A_146 = arith.constant 1 : i32
      %scan3A_147 = scf.for %scan3A_283 = %scan3A_143 to %scan3A_145 step %scan3A_146 iter_args(%scan3A_284 = %scan3A_142) -> (i32)  : i32 {
        %iota3A = tpu.iota {dimensions = array<i32: 0>} : vector<16xi32>
        %broadcast_in_dim3A_285 = arith.constant 8 : i32
        %broadcast_in_dim3A_286 = vector.broadcast %broadcast_in_dim3A_285 : i32 to vector<16xi32>
        %div3A_287 = arith.divsi %iota3A, %broadcast_in_dim3A_286 : vector<16xi32>
        %mul3A_288 = arith.constant 192 : i32
        %mul3A_289 = vector.broadcast %mul3A_288 : i32 to vector<16xi32>
        %mul3A_290 = arith.muli %div3A_287, %mul3A_289 : vector<16xi32>
        %rem3A_291 = arith.remsi %iota3A, %broadcast_in_dim3A_286 : vector<16xi32>
        %mul3A_292 = arith.constant 8 : i32
        %mul3A_293 = vector.broadcast %mul3A_292 : i32 to vector<16xi32>
        %mul3A_294 = arith.muli %rem3A_291, %mul3A_293 : vector<16xi32>
        %add3A_295 = arith.addi %mul3A_290, %mul3A_294 : vector<16xi32>
        %mul3A_296 = arith.constant 4 : i32
        %mul3A_297 = arith.muli %scan3A_283, %mul3A_296 : i32
        %add3A_298 = arith.constant 0 : i32
        %add3A_299 = arith.addi %mul3A_297, %add3A_298 : i32
        %mul3A_300 = arith.constant 9216 : i32
        %mul3A_301 = arith.muli %add3A_299, %mul3A_300 : i32
        %broadcast_in_dim3A_302 = vector.broadcast %mul3A_301 : i32 to vector<16xi32>
        %add3A_303 = arith.addi %gather3A_141, %broadcast_in_dim3A_302 : vector<16xi32>
        %add3A_304 = arith.addi %add3A_303, %add3A_295 : vector<16xi32>
        %mul3A_305 = arith.constant 16 : i32
        %mul3A_306 = arith.muli %add3A_299, %mul3A_305 : i32
        %swap3A_307 = arith.constant 0 : i32
        %swap3A_308 = arith.index_cast %swap3A_307 : i32 to index
        %swap3A_309 = arith.index_cast %mul3A_306 : i32 to index
        %swap3A_310 = tpu.vector_load %arg7[%swap3A_308, %swap3A_309] {strides = array<i32>} : memref<2x1536xi32, #tpu.memory_space<vmem>>, vector<1x16xi32>,
        %swap3A_311 = vector.shape_cast %swap3A_310 : vector<1x16xi32> to vector<16xi32>
        %swap3A_312 = vector.shape_cast %add3A_304 : vector<16xi32> to vector<1x16xi32>
        tpu.vector_store %arg7[%swap3A_308, %swap3A_309], %swap3A_312 {strides = array<i32>} : memref<2x1536xi32, #tpu.memory_space<vmem>>, vector<1x16xi32>,
        %mul3A_313 = arith.constant 4 : i32
        %mul3A_314 = arith.muli %scan3A_283, %mul3A_313 : i32
        %add3A_315 = arith.constant 1 : i32
        %add3A_316 = arith.addi %mul3A_314, %add3A_315 : i32
        %mul3A_317 = arith.constant 9216 : i32
        %mul3A_318 = arith.muli %add3A_316, %mul3A_317 : i32
        %broadcast_in_dim3A_319 = vector.broadcast %mul3A_318 : i32 to vector<16xi32>
        %add3A_320 = arith.addi %gather3A_141, %broadcast_in_dim3A_319 : vector<16xi32>
        %add3A_321 = arith.addi %add3A_320, %add3A_295 : vector<16xi32>
        %mul3A_322 = arith.constant 16 : i32
        %mul3A_323 = arith.muli %add3A_316, %mul3A_322 : i32
        %swap3A_324 = arith.constant 0 : i32
        %swap3A_325 = arith.index_cast %swap3A_324 : i32 to index
        %swap3A_326 = arith.index_cast %mul3A_323 : i32 to index
        %swap3A_327 = tpu.vector_load %arg7[%swap3A_325, %swap3A_326] {strides = array<i32>} : memref<2x1536xi32, #tpu.memory_space<vmem>>, vector<1x16xi32>,
        %swap3A_328 = vector.shape_cast %swap3A_327 : vector<1x16xi32> to vector<16xi32>
        %swap3A_329 = vector.shape_cast %add3A_321 : vector<16xi32> to vector<1x16xi32>
        tpu.vector_store %arg7[%swap3A_325, %swap3A_326], %swap3A_329 {strides = array<i32>} : memref<2x1536xi32, #tpu.memory_space<vmem>>, vector<1x16xi32>,
        %mul3A_330 = arith.constant 4 : i32
        %mul3A_331 = arith.muli %scan3A_283, %mul3A_330 : i32
        %add3A_332 = arith.constant 2 : i32
        %add3A_333 = arith.addi %mul3A_331, %add3A_332 : i32
        %mul3A_334 = arith.constant 9216 : i32
        %mul3A_335 = arith.muli %add3A_333, %mul3A_334 : i32
        %broadcast_in_dim3A_336 = vector.broadcast %mul3A_335 : i32 to vector<16xi32>
        %add3A_337 = arith.addi %gather3A_141, %broadcast_in_dim3A_336 : vector<16xi32>
        %add3A_338 = arith.addi %add3A_337, %add3A_295 : vector<16xi32>
        %mul3A_339 = arith.constant 16 : i32
        %mul3A_340 = arith.muli %add3A_333, %mul3A_339 : i32
        %swap3A_341 = arith.constant 0 : i32
        %swap3A_342 = arith.index_cast %swap3A_341 : i32 to index
        %swap3A_343 = arith.index_cast %mul3A_340 : i32 to index
        %swap3A_344 = tpu.vector_load %arg7[%swap3A_342, %swap3A_343] {strides = array<i32>} : memref<2x1536xi32, #tpu.memory_space<vmem>>, vector<1x16xi32>,
        %swap3A_345 = vector.shape_cast %swap3A_344 : vector<1x16xi32> to vector<16xi32>
        %swap3A_346 = vector.shape_cast %add3A_338 : vector<16xi32> to vector<1x16xi32>
        tpu.vector_store %arg7[%swap3A_342, %swap3A_343], %swap3A_346 {strides = array<i32>} : memref<2x1536xi32, #tpu.memory_space<vmem>>, vector<1x16xi32>,
        %mul3A_347 = arith.constant 4 : i32
        %mul3A_348 = arith.muli %scan3A_283, %mul3A_347 : i32
        %add3A_349 = arith.constant 3 : i32
        %add3A_350 = arith.addi %mul3A_348, %add3A_349 : i32
        %mul3A_351 = arith.constant 9216 : i32
        %mul3A_352 = arith.muli %add3A_350, %mul3A_351 : i32
        %broadcast_in_dim3A_353 = vector.broadcast %mul3A_352 : i32 to vector<16xi32>
        %add3A_354 = arith.addi %gather3A_141, %broadcast_in_dim3A_353 : vector<16xi32>
        %add3A_355 = arith.addi %add3A_354, %add3A_295 : vector<16xi32>
        %mul3A_356 = arith.constant 16 : i32
        %mul3A_357 = arith.muli %add3A_350, %mul3A_356 : i32
        %swap3A_358 = arith.constant 0 : i32
        %swap3A_359 = arith.index_cast %swap3A_358 : i32 to index
        %swap3A_360 = arith.index_cast %mul3A_357 : i32 to index
        %swap3A_361 = tpu.vector_load %arg7[%swap3A_359, %swap3A_360] {strides = array<i32>} : memref<2x1536xi32, #tpu.memory_space<vmem>>, vector<1x16xi32>,
        %swap3A_362 = vector.shape_cast %swap3A_361 : vector<1x16xi32> to vector<16xi32>
        %swap3A_363 = vector.shape_cast %add3A_355 : vector<16xi32> to vector<1x16xi32>
        tpu.vector_store %arg7[%swap3A_359, %swap3A_360], %swap3A_363 {strides = array<i32>} : memref<2x1536xi32, #tpu.memory_space<vmem>>, vector<1x16xi32>,
        %scan3A_364 = arith.constant 0 : i32
        scf.yield %scan3A_364 : i32
      }
      %scan3A_148 = arith.constant 24 : i32
      %dma_start3A = arith.constant 0 : i32
      %dma_start3A_149 = arith.constant 0 : i32
      %dma_start3A_150 = arith.constant 0 : i32
      %dma_start3A_151 = arith.constant 0 : i32
      %dma_start3A_152 = arith.constant 0 : i32
      %dma_start3A_153 = tpu.memref_slice %arg8[%dma_start3A_149, %dma_start3A_151, %dma_start3A_152] : memref<2x1536x16xf32, #tpu.memory_space<vmem>> -> memref<1x1536x16xf32, #tpu.memory_space<vmem>>
      %dma_start3A_154 = tpu.memref_squeeze %dma_start3A_153 : memref<1x1536x16xf32, #tpu.memory_space<vmem>> -> memref<1536x16xf32, #tpu.memory_space<vmem>>
      %dma_start3A_155 = arith.constant 0 : i32
      %dma_start3A_156 = tpu.memref_slice %arg7[%dma_start3A, %dma_start3A_155] : memref<2x1536xi32, #tpu.memory_space<vmem>> -> memref<1x1536xi32, #tpu.memory_space<vmem>>
      %dma_start3A_157 = tpu.memref_squeeze %dma_start3A_156 : memref<1x1536xi32, #tpu.memory_space<vmem>> -> memref<1536xi32, #tpu.memory_space<vmem>>
      %dma_start3A_158 = arith.constant 0 : i32
      %dma_start3A_159 = arith.constant 0 : i32
      %dma_start3A_160 = tpu.memref_slice %arg2[%dma_start3A_158, %dma_start3A_159] : memref<884736x16xf32, #tpu.memory_space<hbm>> -> memref<884736x16xf32, #tpu.memory_space<hbm>>
      %dma_start3A_161 = tpu.memref_slice %arg9[%dma_start3A_150] : memref<2x!tpu.dma_semaphore, #tpu.memory_space<semaphore_mem>> -> memref<1x!tpu.dma_semaphore, #tpu.memory_space<semaphore_mem>>
      %dma_start3A_162 = tpu.memref_squeeze %dma_start3A_161 : memref<1x!tpu.dma_semaphore, #tpu.memory_space<semaphore_mem>> -> memref<!tpu.dma_semaphore, #tpu.memory_space<semaphore_mem>>
      tpu.enqueue_indirect_dma source(%dma_start3A_160 : memref<884736x16xf32, #tpu.memory_space<hbm>>) target(%dma_start3A_154 : memref<1536x16xf32, #tpu.memory_space<vmem>>) offsets(%dma_start3A_157 : memref<1536xi32, #tpu.memory_space<vmem>>) semaphore(%dma_start3A_162 : memref<!tpu.dma_semaphore, #tpu.memory_space<semaphore_mem>>)
      %mul3A_163 = arith.constant 2 : i32
      %mul3A_164 = arith.muli %scan3A_123, %mul3A_163 : i32
      %add3A_165 = arith.constant 1 : i32
      %add3A_166 = arith.addi %mul3A_164, %add3A_165 : i32
      %gt3A_167 = arith.constant 0 : i32
      %gt3A_168 = arith.cmpi sgt, %scan3A_123, %gt3A_167 : i32
      %convert_element_type3A_169 = arith.extui %gt3A_168 : i1 to i32
      %cond3A_170 = arith.constant 0 : i32
      %cond3A_171 = arith.cmpi ne, %convert_element_type3A_169, %cond3A_170 : i32
      scf.if %cond3A_171 {
        %dma_wait3A_283 = arith.constant 1 : i32
        %dma_wait3A_284 = arith.constant 1 : i32
        %dma_wait3A_285 = arith.constant 0 : i32
        %dma_wait3A_286 = arith.constant 0 : i32
        %dma_wait3A_287 = tpu.memref_slice %arg8[%dma_wait3A_283, %dma_wait3A_285, %dma_wait3A_286] : memref<2x1536x16xf32, #tpu.memory_space<vmem>> -> memref<1x1536x16xf32, #tpu.memory_space<vmem>>
        %dma_wait3A_288 = tpu.memref_squeeze %dma_wait3A_287 : memref<1x1536x16xf32, #tpu.memory_space<vmem>> -> memref<1536x16xf32, #tpu.memory_space<vmem>>
        %dma_wait3A_289 = arith.constant 0 : i32
        %dma_wait3A_290 = arith.constant 0 : i32
        %dma_wait3A_291 = tpu.memref_slice %arg2[%dma_wait3A_289, %dma_wait3A_290] : memref<884736x16xf32, #tpu.memory_space<hbm>> -> memref<1536x16xf32, #tpu.memory_space<hbm>>
        %dma_wait3A_292 = tpu.memref_slice %arg10[%dma_wait3A_284] : memref<2x!tpu.dma_semaphore, #tpu.memory_space<semaphore_mem>> -> memref<1x!tpu.dma_semaphore, #tpu.memory_space<semaphore_mem>>
        %dma_wait3A_293 = tpu.memref_squeeze %dma_wait3A_292 : memref<1x!tpu.dma_semaphore, #tpu.memory_space<semaphore_mem>> -> memref<!tpu.dma_semaphore, #tpu.memory_space<semaphore_mem>>
        %dma_wait3A_294 = arith.constant 0 : i32
        %dma_wait3A_295 = arith.constant 0 : i32
        %dma_wait3A_296 = tpu.memref_slice %arg8[%dma_wait3A_283, %dma_wait3A_294, %dma_wait3A_295] : memref<2x1536x16xf32, #tpu.memory_space<vmem>> -> memref<1x1536x16xf32, #tpu.memory_space<vmem>>
        %dma_wait3A_297 = tpu.memref_squeeze %dma_wait3A_296 : memref<1x1536x16xf32, #tpu.memory_space<vmem>> -> memref<1536x16xf32, #tpu.memory_space<vmem>>
        %dma_wait3A_298 = arith.constant 0 : i32
        %dma_wait3A_299 = arith.constant 0 : i32
        %dma_wait3A_300 = tpu.memref_slice %arg2[%dma_wait3A_298, %dma_wait3A_299] : memref<884736x16xf32, #tpu.memory_space<hbm>> -> memref<1536x16xf32, #tpu.memory_space<hbm>>
        tpu.wait_dma2 semaphore(%dma_wait3A_293 : memref<!tpu.dma_semaphore, #tpu.memory_space<semaphore_mem>>) src(%dma_wait3A_300 : memref<1536x16xf32, #tpu.memory_space<hbm>>) dst(%dma_wait3A_297 : memref<1536x16xf32, #tpu.memory_space<vmem>>)
      } else {
      }
      %add3A_172 = arith.addi %add3A_166, %rem3A_4 : i32
      %div3A_173 = arith.constant 16 : i32
      %div3A_174 = arith.divsi %add3A_172, %div3A_173 : i32
      %rem3A_175 = arith.constant 16 : i32
      %rem3A_176 = arith.remsi %add3A_172, %rem3A_175 : i32
      %mul3A_177 = arith.constant 16 : i32
      %mul3A_178 = arith.muli %div3A_174, %mul3A_177 : i32
      %get3A_179 = arith.index_cast %mul3A_178 : i32 to index
      %get3A_180 = tpu.vector_load %arg6[%get3A_179] {strides = array<i32>} : memref<48xi32, #tpu.memory_space<vmem>>, vector<16xi32>,
      %get3A_181 = vector.shape_cast %get3A_180 : vector<16xi32> to vector<16xi32>
      %broadcast_in_dim3A_182 = vector.broadcast %rem3A_176 : i32 to vector<16x1xi32>
      %gather3A_183 = vector.shape_cast %broadcast_in_dim3A_182 : vector<16x1xi32> to vector<16xi32>
      %gather3A_184 = tpu.dynamic_gather %get3A_181[%gather3A_183] in [0] : vector<16xi32>, vector<16xi32> -> vector<16xi32>
      %scan3A_185 = arith.constant 0 : i32
      %scan3A_186 = arith.constant 0 : i32
      %scan3A_187 = arith.constant 24 : i32
      %scan3A_188 = arith.addi %scan3A_186, %scan3A_187 : i32
      %scan3A_189 = arith.constant 1 : i32
      %scan3A_190 = scf.for %scan3A_283 = %scan3A_186 to %scan3A_188 step %scan3A_189 iter_args(%scan3A_284 = %scan3A_185) -> (i32)  : i32 {
        %iota3A = tpu.iota {dimensions = array<i32: 0>} : vector<16xi32>
        %broadcast_in_dim3A_285 = arith.constant 8 : i32
        %broadcast_in_dim3A_286 = vector.broadcast %broadcast_in_dim3A_285 : i32 to vector<16xi32>
        %div3A_287 = arith.divsi %iota3A, %broadcast_in_dim3A_286 : vector<16xi32>
        %mul3A_288 = arith.constant 192 : i32
        %mul3A_289 = vector.broadcast %mul3A_288 : i32 to vector<16xi32>
        %mul3A_290 = arith.muli %div3A_287, %mul3A_289 : vector<16xi32>
        %rem3A_291 = arith.remsi %iota3A, %broadcast_in_dim3A_286 : vector<16xi32>
        %mul3A_292 = arith.constant 8 : i32
        %mul3A_293 = vector.broadcast %mul3A_292 : i32 to vector<16xi32>
        %mul3A_294 = arith.muli %rem3A_291, %mul3A_293 : vector<16xi32>
        %add3A_295 = arith.addi %mul3A_290, %mul3A_294 : vector<16xi32>
        %mul3A_296 = arith.constant 4 : i32
        %mul3A_297 = arith.muli %scan3A_283, %mul3A_296 : i32
        %add3A_298 = arith.constant 0 : i32
        %add3A_299 = arith.addi %mul3A_297, %add3A_298 : i32
        %mul3A_300 = arith.constant 9216 : i32
        %mul3A_301 = arith.muli %add3A_299, %mul3A_300 : i32
        %broadcast_in_dim3A_302 = vector.broadcast %mul3A_301 : i32 to vector<16xi32>
        %add3A_303 = arith.addi %gather3A_184, %broadcast_in_dim3A_302 : vector<16xi32>
        %add3A_304 = arith.addi %add3A_303, %add3A_295 : vector<16xi32>
        %mul3A_305 = arith.constant 16 : i32
        %mul3A_306 = arith.muli %add3A_299, %mul3A_305 : i32
        %swap3A_307 = arith.constant 1 : i32
        %swap3A_308 = arith.index_cast %swap3A_307 : i32 to index
        %swap3A_309 = arith.index_cast %mul3A_306 : i32 to index
        %swap3A_310 = tpu.vector_load %arg7[%swap3A_308, %swap3A_309] {strides = array<i32>} : memref<2x1536xi32, #tpu.memory_space<vmem>>, vector<1x16xi32>,
        %swap3A_311 = vector.shape_cast %swap3A_310 : vector<1x16xi32> to vector<16xi32>
        %swap3A_312 = vector.shape_cast %add3A_304 : vector<16xi32> to vector<1x16xi32>
        tpu.vector_store %arg7[%swap3A_308, %swap3A_309], %swap3A_312 {strides = array<i32>} : memref<2x1536xi32, #tpu.memory_space<vmem>>, vector<1x16xi32>,
        %mul3A_313 = arith.constant 4 : i32
        %mul3A_314 = arith.muli %scan3A_283, %mul3A_313 : i32
        %add3A_315 = arith.constant 1 : i32
        %add3A_316 = arith.addi %mul3A_314, %add3A_315 : i32
        %mul3A_317 = arith.constant 9216 : i32
        %mul3A_318 = arith.muli %add3A_316, %mul3A_317 : i32
        %broadcast_in_dim3A_319 = vector.broadcast %mul3A_318 : i32 to vector<16xi32>
        %add3A_320 = arith.addi %gather3A_184, %broadcast_in_dim3A_319 : vector<16xi32>
        %add3A_321 = arith.addi %add3A_320, %add3A_295 : vector<16xi32>
        %mul3A_322 = arith.constant 16 : i32
        %mul3A_323 = arith.muli %add3A_316, %mul3A_322 : i32
        %swap3A_324 = arith.constant 1 : i32
        %swap3A_325 = arith.index_cast %swap3A_324 : i32 to index
        %swap3A_326 = arith.index_cast %mul3A_323 : i32 to index
        %swap3A_327 = tpu.vector_load %arg7[%swap3A_325, %swap3A_326] {strides = array<i32>} : memref<2x1536xi32, #tpu.memory_space<vmem>>, vector<1x16xi32>,
        %swap3A_328 = vector.shape_cast %swap3A_327 : vector<1x16xi32> to vector<16xi32>
        %swap3A_329 = vector.shape_cast %add3A_321 : vector<16xi32> to vector<1x16xi32>
        tpu.vector_store %arg7[%swap3A_325, %swap3A_326], %swap3A_329 {strides = array<i32>} : memref<2x1536xi32, #tpu.memory_space<vmem>>, vector<1x16xi32>,
        %mul3A_330 = arith.constant 4 : i32
        %mul3A_331 = arith.muli %scan3A_283, %mul3A_330 : i32
        %add3A_332 = arith.constant 2 : i32
        %add3A_333 = arith.addi %mul3A_331, %add3A_332 : i32
        %mul3A_334 = arith.constant 9216 : i32
        %mul3A_335 = arith.muli %add3A_333, %mul3A_334 : i32
        %broadcast_in_dim3A_336 = vector.broadcast %mul3A_335 : i32 to vector<16xi32>
        %add3A_337 = arith.addi %gather3A_184, %broadcast_in_dim3A_336 : vector<16xi32>
        %add3A_338 = arith.addi %add3A_337, %add3A_295 : vector<16xi32>
        %mul3A_339 = arith.constant 16 : i32
        %mul3A_340 = arith.muli %add3A_333, %mul3A_339 : i32
        %swap3A_341 = arith.constant 1 : i32
        %swap3A_342 = arith.index_cast %swap3A_341 : i32 to index
        %swap3A_343 = arith.index_cast %mul3A_340 : i32 to index
        %swap3A_344 = tpu.vector_load %arg7[%swap3A_342, %swap3A_343] {strides = array<i32>} : memref<2x1536xi32, #tpu.memory_space<vmem>>, vector<1x16xi32>,
        %swap3A_345 = vector.shape_cast %swap3A_344 : vector<1x16xi32> to vector<16xi32>
        %swap3A_346 = vector.shape_cast %add3A_338 : vector<16xi32> to vector<1x16xi32>
        tpu.vector_store %arg7[%swap3A_342, %swap3A_343], %swap3A_346 {strides = array<i32>} : memref<2x1536xi32, #tpu.memory_space<vmem>>, vector<1x16xi32>,
        %mul3A_347 = arith.constant 4 : i32
        %mul3A_348 = arith.muli %scan3A_283, %mul3A_347 : i32
        %add3A_349 = arith.constant 3 : i32
        %add3A_350 = arith.addi %mul3A_348, %add3A_349 : i32
        %mul3A_351 = arith.constant 9216 : i32
        %mul3A_352 = arith.muli %add3A_350, %mul3A_351 : i32
        %broadcast_in_dim3A_353 = vector.broadcast %mul3A_352 : i32 to vector<16xi32>
        %add3A_354 = arith.addi %gather3A_184, %broadcast_in_dim3A_353 : vector<16xi32>
        %add3A_355 = arith.addi %add3A_354, %add3A_295 : vector<16xi32>
        %mul3A_356 = arith.constant 16 : i32
        %mul3A_357 = arith.muli %add3A_350, %mul3A_356 : i32
        %swap3A_358 = arith.constant 1 : i32
        %swap3A_359 = arith.index_cast %swap3A_358 : i32 to index
        %swap3A_360 = arith.index_cast %mul3A_357 : i32 to index
        %swap3A_361 = tpu.vector_load %arg7[%swap3A_359, %swap3A_360] {strides = array<i32>} : memref<2x1536xi32, #tpu.memory_space<vmem>>, vector<1x16xi32>,
        %swap3A_362 = vector.shape_cast %swap3A_361 : vector<1x16xi32> to vector<16xi32>
        %swap3A_363 = vector.shape_cast %add3A_355 : vector<16xi32> to vector<1x16xi32>
        tpu.vector_store %arg7[%swap3A_359, %swap3A_360], %swap3A_363 {strides = array<i32>} : memref<2x1536xi32, #tpu.memory_space<vmem>>, vector<1x16xi32>,
        %scan3A_364 = arith.constant 0 : i32
        scf.yield %scan3A_364 : i32
      }
      %scan3A_191 = arith.constant 24 : i32
      %dma_start3A_192 = arith.constant 1 : i32
      %dma_start3A_193 = arith.constant 1 : i32
      %dma_start3A_194 = arith.constant 1 : i32
      %dma_start3A_195 = arith.constant 0 : i32
      %dma_start3A_196 = arith.constant 0 : i32
      %dma_start3A_197 = tpu.memref_slice %arg8[%dma_start3A_193, %dma_start3A_195, %dma_start3A_196] : memref<2x1536x16xf32, #tpu.memory_space<vmem>> -> memref<1x1536x16xf32, #tpu.memory_space<vmem>>
      %dma_start3A_198 = tpu.memref_squeeze %dma_start3A_197 : memref<1x1536x16xf32, #tpu.memory_space<vmem>> -> memref<1536x16xf32, #tpu.memory_space<vmem>>
      %dma_start3A_199 = arith.constant 0 : i32
      %dma_start3A_200 = tpu.memref_slice %arg7[%dma_start3A_192, %dma_start3A_199] : memref<2x1536xi32, #tpu.memory_space<vmem>> -> memref<1x1536xi32, #tpu.memory_space<vmem>>
      %dma_start3A_201 = tpu.memref_squeeze %dma_start3A_200 : memref<1x1536xi32, #tpu.memory_space<vmem>> -> memref<1536xi32, #tpu.memory_space<vmem>>
      %dma_start3A_202 = arith.constant 0 : i32
      %dma_start3A_203 = arith.constant 0 : i32
      %dma_start3A_204 = tpu.memref_slice %arg2[%dma_start3A_202, %dma_start3A_203] : memref<884736x16xf32, #tpu.memory_space<hbm>> -> memref<884736x16xf32, #tpu.memory_space<hbm>>
      %dma_start3A_205 = tpu.memref_slice %arg9[%dma_start3A_194] : memref<2x!tpu.dma_semaphore, #tpu.memory_space<semaphore_mem>> -> memref<1x!tpu.dma_semaphore, #tpu.memory_space<semaphore_mem>>
      %dma_start3A_206 = tpu.memref_squeeze %dma_start3A_205 : memref<1x!tpu.dma_semaphore, #tpu.memory_space<semaphore_mem>> -> memref<!tpu.dma_semaphore, #tpu.memory_space<semaphore_mem>>
      tpu.enqueue_indirect_dma source(%dma_start3A_204 : memref<884736x16xf32, #tpu.memory_space<hbm>>) target(%dma_start3A_198 : memref<1536x16xf32, #tpu.memory_space<vmem>>) offsets(%dma_start3A_201 : memref<1536xi32, #tpu.memory_space<vmem>>) semaphore(%dma_start3A_206 : memref<!tpu.dma_semaphore, #tpu.memory_space<semaphore_mem>>)
      %mul3A_207 = arith.constant 2 : i32
      %mul3A_208 = arith.muli %scan3A_123, %mul3A_207 : i32
      %add3A_209 = arith.constant 0 : i32
      %add3A_210 = arith.addi %mul3A_208, %add3A_209 : i32
      %dma_wait3A_211 = arith.constant 0 : i32
      %dma_wait3A_212 = arith.constant 0 : i32
      %dma_wait3A_213 = arith.constant 0 : i32
      %dma_wait3A_214 = arith.constant 0 : i32
      %dma_wait3A_215 = arith.constant 0 : i32
      %dma_wait3A_216 = tpu.memref_slice %arg8[%dma_wait3A_212, %dma_wait3A_214, %dma_wait3A_215] : memref<2x1536x16xf32, #tpu.memory_space<vmem>> -> memref<1x1536x16xf32, #tpu.memory_space<vmem>>
      %dma_wait3A_217 = tpu.memref_squeeze %dma_wait3A_216 : memref<1x1536x16xf32, #tpu.memory_space<vmem>> -> memref<1536x16xf32, #tpu.memory_space<vmem>>
      %dma_wait3A_218 = arith.constant 0 : i32
      %dma_wait3A_219 = tpu.memref_slice %arg7[%dma_wait3A_211, %dma_wait3A_218] : memref<2x1536xi32, #tpu.memory_space<vmem>> -> memref<1x1536xi32, #tpu.memory_space<vmem>>
      %dma_wait3A_220 = tpu.memref_squeeze %dma_wait3A_219 : memref<1x1536xi32, #tpu.memory_space<vmem>> -> memref<1536xi32, #tpu.memory_space<vmem>>
      %dma_wait3A_221 = arith.constant 0 : i32
      %dma_wait3A_222 = arith.constant 0 : i32
      %dma_wait3A_223 = tpu.memref_slice %arg2[%dma_wait3A_221, %dma_wait3A_222] : memref<884736x16xf32, #tpu.memory_space<hbm>> -> memref<884736x16xf32, #tpu.memory_space<hbm>>
      %dma_wait3A_224 = tpu.memref_slice %arg9[%dma_wait3A_213] : memref<2x!tpu.dma_semaphore, #tpu.memory_space<semaphore_mem>> -> memref<1x!tpu.dma_semaphore, #tpu.memory_space<semaphore_mem>>
      %dma_wait3A_225 = tpu.memref_squeeze %dma_wait3A_224 : memref<1x!tpu.dma_semaphore, #tpu.memory_space<semaphore_mem>> -> memref<!tpu.dma_semaphore, #tpu.memory_space<semaphore_mem>>
      tpu.wait_indirect_dma semaphore(%dma_wait3A_225 : memref<!tpu.dma_semaphore, #tpu.memory_space<semaphore_mem>>) src(%dma_wait3A_223 : memref<884736x16xf32, #tpu.memory_space<hbm>>) dst(%dma_wait3A_217 : memref<1536x16xf32, #tpu.memory_space<vmem>>)
      %add3A_226 = arith.addi %mul3A_2, %add3A_210 : i32
      %mul3A_227 = arith.constant 1536 : i32
      %mul3A_228 = arith.muli %add3A_226, %mul3A_227 : i32
      %dma_start3A_229 = arith.constant 0 : i32
      %dma_start3A_230 = arith.constant 0 : i32
      %dma_start3A_231 = arith.constant 0 : i32
      %dma_start3A_232 = arith.constant 0 : i32
      %dma_start3A_233 = tpu.memref_slice %arg8[%dma_start3A_229, %dma_start3A_231, %dma_start3A_232] : memref<2x1536x16xf32, #tpu.memory_space<vmem>> -> memref<1x1536x16xf32, #tpu.memory_space<vmem>>
      %dma_start3A_234 = tpu.memref_squeeze %dma_start3A_233 : memref<1x1536x16xf32, #tpu.memory_space<vmem>> -> memref<1536x16xf32, #tpu.memory_space<vmem>>
      %dma_start3A_235 = arith.constant 0 : i32
      %dma_start3A_236 = tpu.memref_slice %arg4[%mul3A_228, %dma_start3A_235] : memref<884736x16xf32, #tpu.memory_space<hbm>> -> memref<1536x16xf32, #tpu.memory_space<hbm>>
      %dma_start3A_237 = tpu.memref_slice %arg10[%dma_start3A_230] : memref<2x!tpu.dma_semaphore, #tpu.memory_space<semaphore_mem>> -> memref<1x!tpu.dma_semaphore, #tpu.memory_space<semaphore_mem>>
      %dma_start3A_238 = tpu.memref_squeeze %dma_start3A_237 : memref<1x!tpu.dma_semaphore, #tpu.memory_space<semaphore_mem>> -> memref<!tpu.dma_semaphore, #tpu.memory_space<semaphore_mem>>
      %dma_start3A_239 = arith.constant 0 : i32
      %dma_start3A_240 = tpu.memref_slice %arg4[%mul3A_228, %dma_start3A_239] : memref<884736x16xf32, #tpu.memory_space<hbm>> -> memref<1536x16xf32, #tpu.memory_space<hbm>>
      %dma_start3A_241 = arith.constant 0 : i32
      %dma_start3A_242 = arith.constant 0 : i32
      %dma_start3A_243 = tpu.memref_slice %arg8[%dma_start3A_229, %dma_start3A_241, %dma_start3A_242] : memref<2x1536x16xf32, #tpu.memory_space<vmem>> -> memref<1x1536x16xf32, #tpu.memory_space<vmem>>
      %dma_start3A_244 = tpu.memref_squeeze %dma_start3A_243 : memref<1x1536x16xf32, #tpu.memory_space<vmem>> -> memref<1536x16xf32, #tpu.memory_space<vmem>>
      tpu.enqueue_dma source(%dma_start3A_244 : memref<1536x16xf32, #tpu.memory_space<vmem>>) target(%dma_start3A_240 : memref<1536x16xf32, #tpu.memory_space<hbm>>) target_semaphore(%dma_start3A_238 : memref<!tpu.dma_semaphore, #tpu.memory_space<semaphore_mem>>)
      %mul3A_245 = arith.constant 2 : i32
      %mul3A_246 = arith.muli %scan3A_123, %mul3A_245 : i32
      %add3A_247 = arith.constant 1 : i32
      %add3A_248 = arith.addi %mul3A_246, %add3A_247 : i32
      %dma_wait3A_249 = arith.constant 1 : i32
      %dma_wait3A_250 = arith.constant 1 : i32
      %dma_wait3A_251 = arith.constant 1 : i32
      %dma_wait3A_252 = arith.constant 0 : i32
      %dma_wait3A_253 = arith.constant 0 : i32
      %dma_wait3A_254 = tpu.memref_slice %arg8[%dma_wait3A_250, %dma_wait3A_252, %dma_wait3A_253] : memref<2x1536x16xf32, #tpu.memory_space<vmem>> -> memref<1x1536x16xf32, #tpu.memory_space<vmem>>
      %dma_wait3A_255 = tpu.memref_squeeze %dma_wait3A_254 : memref<1x1536x16xf32, #tpu.memory_space<vmem>> -> memref<1536x16xf32, #tpu.memory_space<vmem>>
      %dma_wait3A_256 = arith.constant 0 : i32
      %dma_wait3A_257 = tpu.memref_slice %arg7[%dma_wait3A_249, %dma_wait3A_256] : memref<2x1536xi32, #tpu.memory_space<vmem>> -> memref<1x1536xi32, #tpu.memory_space<vmem>>
      %dma_wait3A_258 = tpu.memref_squeeze %dma_wait3A_257 : memref<1x1536xi32, #tpu.memory_space<vmem>> -> memref<1536xi32, #tpu.memory_space<vmem>>
      %dma_wait3A_259 = arith.constant 0 : i32
      %dma_wait3A_260 = arith.constant 0 : i32
      %dma_wait3A_261 = tpu.memref_slice %arg2[%dma_wait3A_259, %dma_wait3A_260] : memref<884736x16xf32, #tpu.memory_space<hbm>> -> memref<884736x16xf32, #tpu.memory_space<hbm>>
      %dma_wait3A_262 = tpu.memref_slice %arg9[%dma_wait3A_251] : memref<2x!tpu.dma_semaphore, #tpu.memory_space<semaphore_mem>> -> memref<1x!tpu.dma_semaphore, #tpu.memory_space<semaphore_mem>>
      %dma_wait3A_263 = tpu.memref_squeeze %dma_wait3A_262 : memref<1x!tpu.dma_semaphore, #tpu.memory_space<semaphore_mem>> -> memref<!tpu.dma_semaphore, #tpu.memory_space<semaphore_mem>>
      tpu.wait_indirect_dma semaphore(%dma_wait3A_263 : memref<!tpu.dma_semaphore, #tpu.memory_space<semaphore_mem>>) src(%dma_wait3A_261 : memref<884736x16xf32, #tpu.memory_space<hbm>>) dst(%dma_wait3A_255 : memref<1536x16xf32, #tpu.memory_space<vmem>>)
      %add3A_264 = arith.addi %mul3A_2, %add3A_248 : i32
      %mul3A_265 = arith.constant 1536 : i32
      %mul3A_266 = arith.muli %add3A_264, %mul3A_265 : i32
      %dma_start3A_267 = arith.constant 1 : i32
      %dma_start3A_268 = arith.constant 1 : i32
      %dma_start3A_269 = arith.constant 0 : i32
      %dma_start3A_270 = arith.constant 0 : i32
      %dma_start3A_271 = tpu.memref_slice %arg8[%dma_start3A_267, %dma_start3A_269, %dma_start3A_270] : memref<2x1536x16xf32, #tpu.memory_space<vmem>> -> memref<1x1536x16xf32, #tpu.memory_space<vmem>>
      %dma_start3A_272 = tpu.memref_squeeze %dma_start3A_271 : memref<1x1536x16xf32, #tpu.memory_space<vmem>> -> memref<1536x16xf32, #tpu.memory_space<vmem>>
      %dma_start3A_273 = arith.constant 0 : i32
      %dma_start3A_274 = tpu.memref_slice %arg4[%mul3A_266, %dma_start3A_273] : memref<884736x16xf32, #tpu.memory_space<hbm>> -> memref<1536x16xf32, #tpu.memory_space<hbm>>
      %dma_start3A_275 = tpu.memref_slice %arg10[%dma_start3A_268] : memref<2x!tpu.dma_semaphore, #tpu.memory_space<semaphore_mem>> -> memref<1x!tpu.dma_semaphore, #tpu.memory_space<semaphore_mem>>
      %dma_start3A_276 = tpu.memref_squeeze %dma_start3A_275 : memref<1x!tpu.dma_semaphore, #tpu.memory_space<semaphore_mem>> -> memref<!tpu.dma_semaphore, #tpu.memory_space<semaphore_mem>>
      %dma_start3A_277 = arith.constant 0 : i32
      %dma_start3A_278 = tpu.memref_slice %arg4[%mul3A_266, %dma_start3A_277] : memref<884736x16xf32, #tpu.memory_space<hbm>> -> memref<1536x16xf32, #tpu.memory_space<hbm>>
      %dma_start3A_279 = arith.constant 0 : i32
      %dma_start3A_280 = arith.constant 0 : i32
      %dma_start3A_281 = tpu.memref_slice %arg8[%dma_start3A_267, %dma_start3A_279, %dma_start3A_280] : memref<2x1536x16xf32, #tpu.memory_space<vmem>> -> memref<1x1536x16xf32, #tpu.memory_space<vmem>>
      %dma_start3A_282 = tpu.memref_squeeze %dma_start3A_281 : memref<1x1536x16xf32, #tpu.memory_space<vmem>> -> memref<1536x16xf32, #tpu.memory_space<vmem>>
      tpu.enqueue_dma source(%dma_start3A_282 : memref<1536x16xf32, #tpu.memory_space<vmem>>) target(%dma_start3A_278 : memref<1536x16xf32, #tpu.memory_space<hbm>>) target_semaphore(%dma_start3A_276 : memref<!tpu.dma_semaphore, #tpu.memory_space<semaphore_mem>>)
    }
    %scan3A_87 = arith.constant 9 : i32
    %dma_wait3A = arith.constant 0 : i32
    %dma_wait3A_88 = arith.constant 0 : i32
    %dma_wait3A_89 = arith.constant 0 : i32
    %dma_wait3A_90 = arith.constant 0 : i32
    %dma_wait3A_91 = tpu.memref_slice %arg8[%dma_wait3A, %dma_wait3A_89, %dma_wait3A_90] : memref<2x1536x16xf32, #tpu.memory_space<vmem>> -> memref<1x1536x16xf32, #tpu.memory_space<vmem>>
    %dma_wait3A_92 = tpu.memref_squeeze %dma_wait3A_91 : memref<1x1536x16xf32, #tpu.memory_space<vmem>> -> memref<1536x16xf32, #tpu.memory_space<vmem>>
    %dma_wait3A_93 = arith.constant 0 : i32
    %dma_wait3A_94 = arith.constant 0 : i32
    %dma_wait3A_95 = tpu.memref_slice %arg2[%dma_wait3A_93, %dma_wait3A_94] : memref<884736x16xf32, #tpu.memory_space<hbm>> -> memref<1536x16xf32, #tpu.memory_space<hbm>>
    %dma_wait3A_96 = tpu.memref_slice %arg10[%dma_wait3A_88] : memref<2x!tpu.dma_semaphore, #tpu.memory_space<semaphore_mem>> -> memref<1x!tpu.dma_semaphore, #tpu.memory_space<semaphore_mem>>
    %dma_wait3A_97 = tpu.memref_squeeze %dma_wait3A_96 : memref<1x!tpu.dma_semaphore, #tpu.memory_space<semaphore_mem>> -> memref<!tpu.dma_semaphore, #tpu.memory_space<semaphore_mem>>
    %dma_wait3A_98 = arith.constant 0 : i32
    %dma_wait3A_99 = arith.constant 0 : i32
    %dma_wait3A_100 = tpu.memref_slice %arg8[%dma_wait3A, %dma_wait3A_98, %dma_wait3A_99] : memref<2x1536x16xf32, #tpu.memory_space<vmem>> -> memref<1x1536x16xf32, #tpu.memory_space<vmem>>
    %dma_wait3A_101 = tpu.memref_squeeze %dma_wait3A_100 : memref<1x1536x16xf32, #tpu.memory_space<vmem>> -> memref<1536x16xf32, #tpu.memory_space<vmem>>
    %dma_wait3A_102 = arith.constant 0 : i32
    %dma_wait3A_103 = arith.constant 0 : i32
    %dma_wait3A_104 = tpu.memref_slice %arg2[%dma_wait3A_102, %dma_wait3A_103] : memref<884736x16xf32, #tpu.memory_space<hbm>> -> memref<1536x16xf32, #tpu.memory_space<hbm>>
    tpu.wait_dma2 semaphore(%dma_wait3A_97 : memref<!tpu.dma_semaphore, #tpu.memory_space<semaphore_mem>>) src(%dma_wait3A_104 : memref<1536x16xf32, #tpu.memory_space<hbm>>) dst(%dma_wait3A_101 : memref<1536x16xf32, #tpu.memory_space<vmem>>)
    %dma_wait3A_105 = arith.constant 1 : i32
    %dma_wait3A_106 = arith.constant 1 : i32
    %dma_wait3A_107 = arith.constant 0 : i32
    %dma_wait3A_108 = arith.constant 0 : i32
    %dma_wait3A_109 = tpu.memref_slice %arg8[%dma_wait3A_105, %dma_wait3A_107, %dma_wait3A_108] : memref<2x1536x16xf32, #tpu.memory_space<vmem>> -> memref<1x1536x16xf32, #tpu.memory_space<vmem>>
    %dma_wait3A_110 = tpu.memref_squeeze %dma_wait3A_109 : memref<1x1536x16xf32, #tpu.memory_space<vmem>> -> memref<1536x16xf32, #tpu.memory_space<vmem>>
    %dma_wait3A_111 = arith.constant 0 : i32
    %dma_wait3A_112 = arith.constant 0 : i32
    %dma_wait3A_113 = tpu.memref_slice %arg2[%dma_wait3A_111, %dma_wait3A_112] : memref<884736x16xf32, #tpu.memory_space<hbm>> -> memref<1536x16xf32, #tpu.memory_space<hbm>>
    %dma_wait3A_114 = tpu.memref_slice %arg10[%dma_wait3A_106] : memref<2x!tpu.dma_semaphore, #tpu.memory_space<semaphore_mem>> -> memref<1x!tpu.dma_semaphore, #tpu.memory_space<semaphore_mem>>
    %dma_wait3A_115 = tpu.memref_squeeze %dma_wait3A_114 : memref<1x!tpu.dma_semaphore, #tpu.memory_space<semaphore_mem>> -> memref<!tpu.dma_semaphore, #tpu.memory_space<semaphore_mem>>
    %dma_wait3A_116 = arith.constant 0 : i32
    %dma_wait3A_117 = arith.constant 0 : i32
    %dma_wait3A_118 = tpu.memref_slice %arg8[%dma_wait3A_105, %dma_wait3A_116, %dma_wait3A_117] : memref<2x1536x16xf32, #tpu.memory_space<vmem>> -> memref<1x1536x16xf32, #tpu.memory_space<vmem>>
    %dma_wait3A_119 = tpu.memref_squeeze %dma_wait3A_118 : memref<1x1536x16xf32, #tpu.memory_space<vmem>> -> memref<1536x16xf32, #tpu.memory_space<vmem>>
    %dma_wait3A_120 = arith.constant 0 : i32
    %dma_wait3A_121 = arith.constant 0 : i32
    %dma_wait3A_122 = tpu.memref_slice %arg2[%dma_wait3A_120, %dma_wait3A_121] : memref<884736x16xf32, #tpu.memory_space<hbm>> -> memref<1536x16xf32, #tpu.memory_space<hbm>>
    tpu.wait_dma2 semaphore(%dma_wait3A_115 : memref<!tpu.dma_semaphore, #tpu.memory_space<semaphore_mem>>) src(%dma_wait3A_122 : memref<1536x16xf32, #tpu.memory_space<hbm>>) dst(%dma_wait3A_119 : memref<1536x16xf32, #tpu.memory_space<vmem>>)
    return
  }
}

</mosaic_0001>

<sc_bundles>
// kernel: kernel.12.cloned.1.call-start
scs
__scs_entry_jumppad:
0x0: {  	(pc) =	sbr.rel $0x88, $3  }
0x1: {  	(tag) =	ssettag $0x0;
	lr =	simm.s32 $0x1  }
0x2: {  	[smem:$0x3F9F] =	sst lr;
	_ =	strace $0xD0000000  }
0x3: {  	_ = 	snop  }
0x4: {  	_ = 	snop  }
0x5: {  	_ = 	snop  }
0x6: {  	_ = 	snop  }
0x7: {  	_ = 	snop  }
__scs_overlays_trampoline_lowered:
0x8: {  	[smem:$0x3FAE] =	sst s0  }
0x9: {  	[smem:$0x3FAF] =	sst s1  }
0xa: {  	[smem:$0x3FB0] =	sst s2  }
0xb: {  	[smem:$0x3FB1] =	sst s3  }
0xc: {  	[smem:$0x3FB2] =	sst s4  }
0xd: {  	[smem:$0x3FB3] =	sst s5  }
0xe: {  	[smem:$0x3FB4] =	sst s6  }
0xf: {  	[smem:$0x3FB5] =	sst s7  }
0x10: {  	[smem:$0x3FB6] =	sst s8  }
0x11: {  	[smem:$0x3FB7] =	sst s9;
	s0 =	simm.s32 @!p0 $0x0  }
0x12: {  	s1 =	sld [smem:$0x3F9D];
	s0 =	simm.s32 @p0 $0x1  }
0x13: {  	[smem:$0x3FB8] =	sst s0;
	s0 =	simm.s32 @!p1 $0x0  }
0x14: {  	s2 =	sld [smem:$0x3F9C];
	s0 =	simm.s32 @p1 $0x1  }
0x15: {  	[smem:$0x3FB9] =	sst s0;
	s0 =	simm.s32 @!p2 $0x0  }
0x16: {  	s3 =	sld [smem:$0x3FDB];
	s0 =	simm.s32 @p2 $0x1  }
0x17: {  	s4 =	simm.s32 $0x1BF5;
	[smem:$0x3FBB] =	sst s0  }
0x18: {  	s0 =	sld [smem:$0x3F9E];
	_ =	swait.ge [sflag:s4], $0x0  }
0x19: {  	s7 =	sld [smem:$0x3F9F]  }
0x1a: {  	s8 =	sadd.s32 $0xFFFFE003, lr  }
0x1b: {  	s9 =	sadd.s32 $0xFFFFFEF7, lr;
	s5 =	simm.s32 $0xFFFFFFFF;
	p2 =	slt.u32 s8, $0xFFFFF086  }
0x1c: {  	p1 =	slt.u32 s9, $0xF7A;
	s5 =	simm.s32 @!p2 $0x0  }
0x1d: {  	s5 =	simm.s32 @p1 $0x1;
	p0 =	seq.s32 s7, s2  }
0x1e: {  	s7 =	smul.u32 @!p0 $0xF7A, s2;
	p2 =	seq.s32 @!p0 s5, $0x0  }
0x1f: {  	s9 =	smul.u32 $0xF7A, s1;
	s8 =	simm.s32 @!p0 $0x1BF5;
	p2 =	por !p2, p0  }
0x20: {  	[sflag:s8] =	ssyncset.s32 @!p0 $0xFFFFF086;
	s6 =	sadd.s32 @!p0 s3, s7;
	s7 =	simm.s32 @!p0 $0x108  }
0x21: {  	s3 =	sadd.s32 s3, s9;
	s6 =	sadd.s32 @!p0 $0x88, s6;
	s7 =	simm.s32 @p2 $0x1082  }
0x22: {  	[simem:s7], [sflag:s8] =	dma.local @!p0 [hbm:s6], $0xF7A  }
0x23: {  	s9 =	sor.u32 $0xD0000000, s2;
	s6 =	simm.s32 $0x108;
	_ =	swait.ge @!p0 [sflag:s8], $0x0  }
0x24: {  	s3 =	sadd.s32 $0x88, s3;
	s6 =	simm.s32 @!p1 $0x1082;
	[sflag:s4] =	ssyncset.s32 $0xFFFFF086  }
0x25: {  	[simem:s6], [sflag:s4] =	dma.local [hbm:s3], $0xF7A  }
0x26: {  	[smem:$0x3F9F] =	sst s1;
	(tag) =	ssettag s2;
	_ =	strace s9  }
0x27: {  	s1 =	sld [smem:$0x3FAF]  }
0x28: {  	s2 =	sld [smem:$0x3FB0]  }
0x29: {  	s4 =	sld [smem:$0x3FB2]  }
0x2a: {  	p0 =	seq.s32 s5, $0x0;
	s5 =	sld [smem:$0x3FB3]  }
0x2b: {  	s6 =	sld [smem:$0x3FB4]  }
0x2c: {  	s7 =	sld [smem:$0x3FB5]  }
0x2d: {  	s3 =	simm.s32 $0x108;
	s8 =	sld [smem:$0x3FB6]  }
0x2e: {  	s3 =	simm.s32 @!p0 $0x1082;
	s9 =	sld [smem:$0x3FB7]  }
0x2f: {  	lr =	sadd.s32 s0, s3;
	s0 =	sld [smem:$0x3FAE]  }
0x30: {  	s3 =	sld [smem:$0x3FB1]  }
0x31: {  	[smem:$0x3FBA] =	sst s10  }
0x32: {  	s10 =	sld [smem:$0x3FB8];
	_ =	sdelay $0x3  }
0x33: {  	p0 =	seq.s32 s10, $0x1;
	s10 =	sld [smem:$0x3FBA];
	_ =	sdelay $0x3  }
0x34: {  	[smem:$0x3FBA] =	sst s10  }
0x35: {  	s10 =	sld [smem:$0x3FB9];
	_ =	sdelay $0x3  }
0x36: {  	p1 =	seq.s32 s10, $0x1;
	s10 =	sld [smem:$0x3FBA];
	_ =	sdelay $0x3  }
0x37: {  	[smem:$0x3FBA] =	sst s10  }
0x38: {  	s10 =	sld [smem:$0x3FBB]  }
0x39: {  	_ = 	snop;
	(pc) =	sbr.ind lr, $3  }
0x3a: {  	_ = 	snop  }
0x3b: {  	_ = 	snop  }
0x3c: {  	p2 =	seq.s32 s10, $0x1;
	s10 =	sld [smem:$0x3FBA]  }
0x3d: {  	_ =	shalt  }
0x3e: {  	_ =	shalt  }
0x3f: {  	_ =	shalt  }
0x40: {  	_ =	shalt  }
0x41: {  	_ =	shalt  }
0x42: {  	_ =	shalt  }
0x43: {  	_ =	shalt  }
0x44: {  	_ =	shalt  }
0x45: {  	_ =	shalt  }
0x46: {  	_ =	shalt  }
0x47: {  	_ =	shalt  }
0x48: {  	_ =	shalt  }
0x49: {  	_ =	shalt  }
0x4a: {  	_ =	shalt  }
0x4b: {  	_ =	shalt  }
0x4c: {  	_ =	shalt  }
0x4d: {  	_ =	shalt  }
0x4e: {  	_ =	shalt  }
0x4f: {  	_ =	shalt  }
0x50: {  	_ =	shalt  }
0x51: {  	_ =	shalt  }
0x52: {  	_ =	shalt  }
0x53: {  	_ =	shalt  }
0x54: {  	_ =	shalt  }
0x55: {  	_ =	shalt  }
0x56: {  	_ =	shalt  }
0x57: {  	_ =	shalt  }
0x58: {  	_ =	shalt  }
0x59: {  	_ =	shalt  }
0x5a: {  	_ =	shalt  }
0x5b: {  	_ =	shalt  }
0x5c: {  	_ =	shalt  }
0x5d: {  	_ =	shalt  }
0x5e: {  	_ =	shalt  }
0x5f: {  	_ =	shalt  }
0x60: {  	_ =	shalt  }
0x61: {  	_ =	shalt  }
0x62: {  	_ =	shalt  }
0x63: {  	_ =	shalt  }
0x64: {  	_ =	shalt  }
0x65: {  	_ =	shalt  }
0x66: {  	_ =	shalt  }
0x67: {  	_ =	shalt  }
0x68: {  	_ =	shalt  }
0x69: {  	_ =	shalt  }
0x6a: {  	_ =	shalt  }
0x6b: {  	_ =	shalt  }
0x6c: {  	_ =	shalt  }
0x6d: {  	_ =	shalt  }
0x6e: {  	_ =	shalt  }
0x6f: {  	_ =	shalt  }
0x70: {  	_ =	shalt  }
0x71: {  	_ =	shalt  }
0x72: {  	_ =	shalt  }
0x73: {  	_ =	shalt  }
0x74: {  	_ =	shalt  }
0x75: {  	_ =	shalt  }
0x76: {  	_ =	shalt  }
0x77: {  	_ =	shalt  }
0x78: {  	_ =	shalt  }
0x79: {  	_ =	shalt  }
0x7a: {  	_ =	shalt  }
0x7b: {  	_ =	shalt  }
0x7c: {  	_ =	shalt  }
0x7d: {  	_ =	shalt  }
0x7e: {  	_ =	shalt  }
0x7f: {  	_ =	shalt  }
0x80: {  	_ =	shalt  }
0x81: {  	_ =	shalt  }
0x82: {  	_ =	shalt  }
0x83: {  	_ =	shalt  }
0x84: {  	_ =	shalt  }
0x85: {  	_ =	shalt  }
0x86: {  	_ =	shalt  }
0x87: {  	_ =	shalt  }
.Lfunc_end0:
.L_simem_size_0:
called_computation.6_lowered:
.L_overlay_start_0:
0x88: {  	s2 =	sld [smem:$0x3FD9]  }
0x89: {  	s3 =	sld [smem:$0x3FFE];
	_ =	sdelay $0x1  }
0x8a: {  	s1 =	srdreg.scid  }
0x8b: {  	s0 =	sand.u32 $0x1, s1  }
0x8c: {  	s17 =	sshll.u32 s0, $0xA;
	s2 =	sadd.s32 s3, s2  }
0x8d: {  	s2 =	sadd.s32 s2, s17  }
0x8e: {  	[smem:$0x3FC6] =	sst s2  }
0x8f: {  	_ = 	snop  }
0x90: {  	(tm) =	ssettm $0x1  }
0x91: {  	s18 =	sld [smem:$0x3FFB];
	_ =	sdelay $0x3  }
0x92: {  	_ =	strace s18  }
0x93: {  	s2 =	sld [smem:$0x3FFC];
	_ =	sdelay $0x3  }
0x94: {  	_ =	strace s2  }
0x95: {  	s2 =	sld [smem:$0x3FFD];
	_ =	sdelay $0x3  }
0x96: {  	_ =	strace s2  }
0x97: {  	_ =	strace $0x8FFFFFFF  }
0x98: {  	s19 =	sld [smem:$0x3FDB];
	_ =	sdelay $0x1  }
0x99: {  	s20 =	simm.s32 $_scs_section_size  }
0x9a: {  	s4 =	simm.s32 $_size__tile_overlayer_lowered;
	s5 =	simm.s32 $_tile_overlayer_lowered  }
0x9b: {  	s6 =	simm.s32 $0x1BFF;
	s21 =	sshll.u32 s5, $0x1;
	s3 =	sadd.s32 s20, s19  }
0x9c: {  	s22 =	simm.s32 $0x0;
	s4 =	sshll.u32 s4, $0x1;
	s5 =	sadd.s32 s21, s3  }
0x9d: {  	[timem:s22], [sflag:s6] =	dma.local [hbm:s5], s4  }
0x9e: {  	_ =	swait.ge [sflag:s6], s4  }
0x9f: {  	s4 =	ssub.s32 $0x0, s4;
	[sflag:s6] =	ssyncset.done $0x0  }
0xa0: {  	[sflag:s6] =	ssyncadd.s32 s4;
	_ =	sdelay $0x1  }
0xa1: {  	s23 =	simm.s32 $0x1B8B  }
0xa2: {  	_ =	swait.ge [sflag:s23], $0x1  }
0xa3: {  	[sflag:s23] =	ssyncset.done $0x0  }
0xa4: {  	[sflag:s23] =	ssyncadd.s32 $0xFFFFFFFF  }
0xa5: {  	s4 =	sld [smem:$0x0]  }
0xa6: {  	s5 =	sand.u32 $0xFFFFFFFE, s1  }
0xa7: {  	p0 =	sne.s32 s1, s5  }
0xa8: {  	s5 =	sshll.u32 @p0 s5, $0xE  }
0xa9: {  	s5 =	sadd.s32 @p0 $0x11B8D, s5;
	s6 =	sshll.u32 @p0 s4, $0x11  }
0xaa: {  	s5 =	sor.u32 @p0 s6, s5  }
0xab: {  	[sflag:s5] =	ssyncadd.remote.s32 @p0 $0x1;
	_ =	sdelay $0x1  }
0xac: {  	s5 =	simm.s32 @p0 $0x1B8D  }
0xad: {  	_ =	swait.eq @p0 [sflag:s5], $0x1  }
0xae: {  	[sflag:s5] =	ssyncadd.s32 @p0 $0xFFFFFFFF  }
0xaf: {  	s6 =	sshll.u32 @!p0 s1, $0xE  }
0xb0: {  	s6 =	sor.u32 @!p0 $0x4000, s6;
	s5 =	simm.s32 @!p0 $0x1B8D  }
0xb1: {  	s4 =	sshll.u32 @!p0 s4, $0x11;
	s6 =	sadd.s32 @!p0 $0x11B8D, s6;
	_ =	swait.eq @!p0 [sflag:s5], $0x1  }
0xb2: {  	s4 =	sor.u32 @!p0 s4, s6;
	[sflag:s5] =	ssyncadd.s32 @!p0 $0xFFFFFFFF  }
0xb3: {  	s25 =	simm.s32 $0x1B8E;
	s24 =	sld [smem:$0x3FFE];
	[sflag:s4] =	ssyncadd.remote.s32 @!p0 $0x1  }
0xb4: {  	s26 =	simm.s32 $execute0_lowered;
	[smem:$0x3FD2] =	sst s25  }
0xb5: {  	s5 =	sshll.u32 s26, $0x1;
	_ =	strace $0x80000049;
	[dreg:$0x1] =	wrdreg $0xFFFFFFFF  }
0xb6: {  	s28 =	simm.s32 $_size_execute0_lowered;
	s3 =	sadd.s32 s3, s5;
	[dreg:$0x0] =	wrdreg $0x0  }
0xb7: {  	s5 =	sshll.u32 s28, $0x1;
	[dreg:$0x2] =	wrdreg s3  }
0xb8: {  	[dreg:$0x3] =	wrdreg s5  }
0xb9: {  	[dreg:$0x4] =	wrdreg $0xC0  }
0xba: {  	_ =	task [dreg:s22], $0x5FFFF  }
0xbb: {  	[dreg:$0x1] =	wrdreg $0xFFFFFFFF  }
0xbc: {  	[dreg:$0x0] =	wrdreg $0x60  }
0xbd: {  	[dreg:$0x2] =	wrdreg s24  }
0xbe: {  	[dreg:$0x3] =	wrdreg $0xB  }
0xbf: {  	_ =	task.clear_ibuf [dreg:s22], $0x4FFFF;
	_ =	strace $0x90000049  }
0xc0: {  	s29 =	simm.s32 $0xB;
	_ =	strace $0x8000004B  }
0xc1: {  	_ =	swait.ge [sflag:s29], $0x1  }
0xc2: {  	[sflag:s29] =	ssyncadd.s32 $0xFFFFFFFF  }
0xc3: {  	_ =	strace $0x9000004B  }
0xc4: {  	_ =	sfence  }
0xc5: {  	s30 =	sld [smem:$0x0];
	_ =	sdelay $0x2  }
0xc6: {  	s31 =	sshll.u32 s1, $0xD;
	s1 =	sshrl.u32 s1, $0x2  }
0xc7: {  	s4 =	sand.u32 $0x4000, s31;
	s1 =	sadd.s32 s1, s30  }
0xc8: {  	s0 =	sor.u32 s4, s0;
	s1 =	sshll.u32 s1, $0x11  }
0xc9: {  	s0 =	sor.u32 s1, s0  }
0xca: {  	s0 =	sadd.s32 $0x8F2B, s0  }
0xcb: {  	[sflag:s0] =	ssyncadd.remote.s32 $0x1  }
0xcc: {  	_ =	sfence.sel $0xFFFF  }
0xcd: {  	[dreg:$0x0] =	wrdreg $0xFFFFFFFF;
	(pc) =	sbr.abs _section_cstart, $3  }
0xce: {  	[dreg:$0x1] =	wrdreg $0xFFFFFFFF  }
0xcf: {  	_ =	task.clear_ibuf [dreg:s22], $0x2FFFF;
	_ =	strace $0x9FFFFFFF  }
0xd0: {  	(tm) =	ssettm $0x7FFFFFFF  }
0xd1: {  	_ =	shalt  }
tec
execute0_lowered:
.L_overlay_start_1:
0x0: {  	(tag) =	ssettag $0x1  }
0x1: {  	v0 =	vimm.s32 $0xECA86420  }
0x2: {  	vm0 =	vcmask $0xB08;
	vm1 =	vcmask $0x1310;
	vm2 =	vcmask $0x1B18  }
0x3: {  	s0 =	srdreg.scid;
	vm3 =	vcmask $0x300;
	vm4 =	vcmask $0x2320;
	vm5 =	vcmask $0x2B28  }
0x4: {  	s1 =	rddreg [dreg:$0x0];
	s2 =	stileid.u32;
	v1 =	vimm.s32 $0xD8D0C8C0;
	v2 =	vimm.s32 $0xF8F0E8E0;
	v3 =	vimm.s32 $0x18100800;
	s0 =	sand.u32 $0x1, s0  }
0x5: {  	s24 =	simm.s32 $0x0;
	vm6 =	vcmask $0x3330;
	v4 =	vimm.s32 $0x38302820;
	vm9 =	vcmask $0x1F10;
	s10 =	simm.s32 $0x600;
	s3 =	sshll.u32 s0, $0x4  }
0x6: {  	vm7 =	vcmask $0x3B38;
	vm8 =	vmmov $0xff;
	s12 =	simm.s32 $0xC60;
	s14 =	simm.s32 $0x6C60;
	v1 =	vunpack.c.0.s8.s32 v1;
	s3 =	sor.u32 s2, s3  }
0x7: {  	s15 =	simm.s32 $0x1;
	v2 =	vunpack.c.0.s8.s32 v2;
	v3 =	vunpack.c.0.s8.s32 v3;
	v4 =	vunpack.c.0.s8.s32 v4;
	s0 =	ssub.s32 $0x2, s0;
	s3 =	smul.u32 $0x12, s3  }
0x8: {  	vm10 =	vcmask $0xF0C;
	vm11 =	vcmask $0x1714;
	vm12 =	vcmask $0x1F1C;
	s16 =	simm.s32 $0x2;
	[smem:$0x7FF] =	sst s24;
	s30 =	sshrl.u32 s0, $0x1  }
0x9: {  	v0 =	vunpack.c.l.s4.s8 v0;
	s4 =	sadd.s32 $0x1B1A00, s1;
	v2 =	vsel vm9, v2, v1;
	v3 =	vsel vm9, v4, v3;
	s0 =	ssub.s32 s0, s30;
	s5 =	sshrl.u32 s3, $0x3  }
0xa: {  	vm13 =	vcmask $0x2724;
	vm14 =	vcmask $0x2F2C;
	_ =	strace $0x8000004A;
	v2 =	vcombine.low v3, v2;
	s0 =	smax.u32 s0, $0x1;
	s7 =	sadd.s32 s5, s1  }
0xb: {  	vm15 =	vcmask $0x3734;
	v0 =	vunpack.c.0.s8.s32 v0;
	v1 =	vlaneseq.u32;
	s2 =	simm.s32 $0x0;
	[dreg:$0x3] =	wrdreg s0;
	s31 =	sadd.s32 $0x1400, s7  }
0xc: {  	vm9 =	vcmask $0x704;
	v1 =	vmul.u32 $0x2, v1;
	s6 =	sand.u32 $0x6, s3;
	v2 =	vand.u32 $0xFF, v2;
	s5 =	sadd.s32 $0x6C1C00, s1;
	[dreg:$0x2] =	wrdreg s31  }
.LBB2_1:
0xd: {  	[dreg:$0x4] =	wrdreg s2  }
0xe: {  	s0 =	rddreg [dreg:$0x2];
	s18 =	simm.s32 $0x5  }
0xf: {  	[tilespmem:s24], [sflag:$0x5] =	stream.linear.gather [hbm4b:s0+s24], $0x30, $0x38;
	[tilespmem:$0xCC60] =	vst v63  }
0x10: {  	_ =	swait.ge [sflag:s18], $0x30  }
0x11: {  	[sflag:s18] =	ssyncset.done $0x0  }
0x12: {  	[sflag:s18] =	ssyncadd.s32 $0xFFFFFFD0  }
0x13: {  	v4 =	vld [tilespmem:$0x0];
	_ =	sdelay $0x4  }
0x14: {  	(v2sf) =	vpush v4, $0xD;
	_ =	sdelay $0x1  }
0x15: {  	(v2sf) =	vpush v4, $0xC;
	_ =	sdelay $0x1  }
0x16: {  	(v2sf) =	vpush v4, $0xE;
	_ =	sdelay $0x1  }
0x17: {  	(v2sf) =	vpush v4, $0xF;
	_ =	sdelay $0x1  }
0x18: {  	(v2sf) =	vpush v4, $0x9;
	_ =	sdelay $0x1  }
0x19: {  	(v2sf) =	vpush v4, $0x8;
	_ =	sdelay $0x1  }
0x1a: {  	(v2sf) =	vpush v4, $0xA  }
0x1b: {  	(v2sf) =	vpush v4, $0xB;
	_ =	sdelay $0x1  }
0x1c: {  	s19 =	spop (v2sf)  }
0x1d: {  	(v2sf) =	vpush v4, $0x0;
	s13 =	smulhi.u32 $0x2AAAAAAB, s19;
	s0 =	sshra.s32 s19, $0x1F  }
0x1e: {  	s20 =	spop (v2sf);
	(v2sf) =	vpush v4, $0x1;
	s2 =	smul.u32 $0x2AAAAAAB, s0  }
0x1f: {  	s28 =	smulhi.u32 $0x2AAAAAAB, s20;
	s0 =	sshra.s32 s20, $0x1F  }
0x20: {  	s21 =	spop (v2sf);
	s9 =	smul.u32 $0x2AAAAAAB, s0  }
0x21: {  	s29 =	smulhi.u32 $0x2AAAAAAB, s21;
	s0 =	sshra.s32 s21, $0x1F  }
0x22: {  	(v2sf) =	vpush v4, $0x2;
	s22 =	spop (v2sf);
	s11 =	smul.u32 $0x2AAAAAAB, s0  }
0x23: {  	s30 =	smulhi.u32 $0x2AAAAAAB, s22;
	s0 =	sshra.s32 s22, $0x1F  }
0x24: {  	(v2sf) =	vpush v4, $0x3;
	s23 =	spop (v2sf);
	s21 =	smul.u32 $0x2AAAAAAB, s0  }
0x25: {  	s31 =	smulhi.u32 $0x2AAAAAAB, s23;
	s0 =	sshra.s32 s23, $0x1F  }
0x26: {  	(v2sf) =	vpush v4, $0x4;
	s25 =	spop (v2sf);
	s20 =	smul.u32 $0x2AAAAAAB, s0  }
0x27: {  	s1 =	smulhi.u32 $0x2AAAAAAB, s25;
	s0 =	sshra.s32 s25, $0x1F  }
0x28: {  	(v2sf) =	vpush v4, $0x5;
	s26 =	spop (v2sf);
	s19 =	smul.u32 $0x2AAAAAAB, s0  }
0x29: {  	s7 =	smulhi.u32 $0x2AAAAAAB, s26;
	s8 =	spop (v2sf)  }
0x2a: {  	(v2sf) =	vpush v4, $0x6;
	s0 =	sshra.s32 s26, $0x1F;
	s18 =	smulhi.u32 $0x2AAAAAAB, s8  }
0x2b: {  	s17 =	smul.u32 $0x2AAAAAAB, s0  }
0x2c: {  	s0 =	sshra.s32 s8, $0x1F;
	[smem:$0x7C1] =	sst s18;
	s22 =	spop (v2sf)  }
0x2d: {  	v3 =	vld [tilespmem:$0x10];
	s18 =	smul.u32 $0x2AAAAAAB, s0;
	s25 =	spop (v2sf)  }
0x2e: {  	(v2sf) =	vpush v4, $0x7;
	[dreg:$0x1d] =	wrdreg s1;
	s23 =	smulhi.u32 $0x2AAAAAAB, s22;
	s1 =	sshra.s32 s25, $0x1F  }
0x2f: {  	[dreg:$0x1f] =	wrdreg s7;
	s7 =	smul.u32 $0x2AAAAAAB, s1  }
0x30: {  	s26 =	smulhi.u32 $0x2AAAAAAB, s25  }
0x31: {  	[smem:$0x7C5] =	sst s7;
	s7 =	spop (v2sf)  }
0x32: {  	(v2sf) =	vpush v3, $0xD;
	[smem:$0x7C2] =	sst s23;
	s8 =	smulhi.u32 $0x2AAAAAAB, s7;
	s7 =	sshra.s32 s7, $0x1F  }
0x33: {  	s0 =	sshra.s32 s22, $0x1F;
	s22 =	spop (v2sf);
	s1 =	smul.u32 $0x2AAAAAAB, s7  }
0x34: {  	[smem:$0x7C4] =	sst s26;
	s23 =	smulhi.u32 $0x2AAAAAAB, s22;
	s7 =	sshra.s32 s22, $0x1F  }
0x35: {  	s25 =	spop (v2sf);
	s26 =	smul.u32 $0x2AAAAAAB, s7  }
0x36: {  	(v2sf) =	vpush v3, $0xC;
	[smem:$0x7C6] =	sst s8;
	s8 =	smulhi.u32 $0x2AAAAAAB, s25;
	s7 =	sshra.s32 s25, $0x1F  }
0x37: {  	s22 =	spop (v2sf);
	s25 =	smul.u32 $0x2AAAAAAB, s7  }
0x38: {  	[smem:$0x7C7] =	sst s23;
	s23 =	smulhi.u32 $0x2AAAAAAB, s22  }
0x39: {  	[smem:$0x7C8] =	sst s8;
	s8 =	spop (v2sf)  }
0x3a: {  	(v2sf) =	vpush v3, $0xE;
	s7 =	sshra.s32 s22, $0x1F;
	s22 =	smulhi.u32 $0x2AAAAAAB, s8  }
0x3b: {  	[smem:$0x7C9] =	sst s23  }
0x3c: {  	s23 =	smul.u32 $0x2AAAAAAB, s7;
	s7 =	sshra.s32 s8, $0x1F;
	[smem:$0x7CA] =	sst s22  }
0x3d: {  	s22 =	smul.u32 $0x2AAAAAAB, s7;
	s7 =	spop (v2sf)  }
0x3e: {  	(v2sf) =	vpush v3, $0xF;
	s8 =	smulhi.u32 $0x2AAAAAAB, s7;
	_ =	sdelay $0x1  }
0x3f: {  	s0 =	smul.u32 $0x2AAAAAAB, s0;
	s7 =	sshra.s32 s7, $0x1F;
	[smem:$0x7CB] =	sst s8  }
0x40: {  	s8 =	smul.u32 $0x2AAAAAAB, s7;
	s7 =	spop (v2sf)  }
0x41: {  	[smem:$0x7C3] =	sst s0;
	(v2sf) =	vpush v3, $0x9;
	s0 =	smulhi.u32 $0x2AAAAAAB, s7;
	s7 =	sshra.s32 s7, $0x1F  }
0x42: {  	s7 =	smul.u32 $0x2AAAAAAB, s7;
	_ =	sdelay $0x1  }
0x43: {  	[smem:$0x7CD] =	sst s7;
	s7 =	spop (v2sf)  }
0x44: {  	(v2sf) =	vpush v3, $0x8;
	[smem:$0x7CC] =	sst s0;
	s0 =	smulhi.u32 $0x2AAAAAAB, s7;
	s7 =	sshra.s32 s7, $0x1F  }
0x45: {  	s7 =	smul.u32 $0x2AAAAAAB, s7;
	_ =	sdelay $0x1  }
0x46: {  	[smem:$0x7CF] =	sst s7;
	s7 =	spop (v2sf)  }
0x47: {  	(v2sf) =	vpush v3, $0xA;
	[smem:$0x7CE] =	sst s0;
	s0 =	smulhi.u32 $0x2AAAAAAB, s7;
	s7 =	sshra.s32 s7, $0x1F  }
0x48: {  	s7 =	smul.u32 $0x2AAAAAAB, s7  }
0x49: {  	(v2sf) =	vpush v3, $0xB  }
0x4a: {  	[smem:$0x7D1] =	sst s7;
	s7 =	spop (v2sf)  }
0x4b: {  	[smem:$0x7D0] =	sst s0;
	s0 =	smulhi.u32 $0x2AAAAAAB, s7;
	s7 =	sshra.s32 s7, $0x1F  }
0x4c: {  	(v2sf) =	vpush v3, $0x0;
	s7 =	smul.u32 $0x2AAAAAAB, s7;
	_ =	sdelay $0x1  }
0x4d: {  	s2 =	sadd.s32 s2, s13;
	(v2sf) =	vpush v3, $0x1;
	[smem:$0x7D3] =	sst s7;
	s7 =	spop (v2sf)  }
0x4e: {  	[smem:$0x7D2] =	sst s0;
	s0 =	smulhi.u32 $0x2AAAAAAB, s7;
	s7 =	sshra.s32 s7, $0x1F  }
0x4f: {  	[dreg:$0x1e] =	wrdreg s2;
	s9 =	sadd.s32 s9, s28;
	s7 =	smul.u32 $0x2AAAAAAB, s7  }
0x50: {  	[smem:$0x7E5] =	sst s9  }
0x51: {  	s11 =	sadd.s32 s11, s29;
	[smem:$0x7D5] =	sst s7;
	s7 =	spop (v2sf)  }
0x52: {  	[smem:$0x7D4] =	sst s0;
	s0 =	smulhi.u32 $0x2AAAAAAB, s7;
	s7 =	sshra.s32 s7, $0x1F  }
0x53: {  	[smem:$0x7E6] =	sst s11;
	s9 =	sadd.s32 s20, s31;
	(v2sf) =	vpush v3, $0x2;
	s7 =	smul.u32 $0x2AAAAAAB, s7  }
0x54: {  	[smem:$0x7E8] =	sst s9  }
0x55: {  	[smem:$0x7D7] =	sst s7;
	s7 =	spop (v2sf)  }
0x56: {  	[smem:$0x7D6] =	sst s0;
	s0 =	smulhi.u32 $0x2AAAAAAB, s7;
	s7 =	sshra.s32 s7, $0x1F  }
0x57: {  	s2 =	spop (v2sf);
	s13 =	smul.u32 $0x2AAAAAAB, s7  }
0x58: {  	s20 =	rddreg [dreg:$0x1f];
	s28 =	smulhi.u32 $0x2AAAAAAB, s2;
	s7 =	sshra.s32 s2, $0x1F  }
0x59: {  	[smem:$0x7D8] =	sst s0;
	s29 =	smul.u32 $0x2AAAAAAB, s7  }
0x5a: {  	(v2sf) =	vpush v3, $0x3;
	s2 =	sadd.s32 s21, s30;
	[smem:$0x7D9] =	sst s13;
	s13 =	spop (v2sf)  }
0x5b: {  	[smem:$0x7E7] =	sst s2;
	s30 =	smulhi.u32 $0x2AAAAAAB, s13  }
0x5c: {  	s7 =	sshra.s32 s13, $0x1F;
	s11 =	spop (v2sf);
	s13 =	rddreg [dreg:$0x1d]  }
0x5d: {  	s31 =	smul.u32 $0x2AAAAAAB, s7;
	s2 =	sadd.s32 s19, s13;
	s7 =	sld [smem:$0x7C1]  }
0x5e: {  	s19 =	smulhi.u32 $0x2AAAAAAB, s11;
	s0 =	sshra.s32 s11, $0x1F;
	s11 =	sld [smem:$0x7C2]  }
0x5f: {  	(v2sf) =	vpush v3, $0x4;
	s28 =	sadd.s32 s29, s28;
	s13 =	sld [smem:$0x7C3]  }
0x60: {  	[dreg:$0x11] =	wrdreg s28  }
0x61: {  	(v2sf) =	vpush v3, $0x5;
	[smem:$0x7E9] =	sst s2  }
0x62: {  	s21 =	spop (v2sf);
	s2 =	sadd.s32 s17, s20;
	[smem:$0x7DA] =	sst s19  }
0x63: {  	s0 =	smul.u32 $0x2AAAAAAB, s0;
	[smem:$0x7EA] =	sst s2  }
0x64: {  	s9 =	smulhi.u32 $0x2AAAAAAB, s21;
	s19 =	sld [smem:$0x7C5]  }
0x65: {  	[smem:$0x7DB] =	sst s0  }
0x66: {  	[smem:$0x7DC] =	sst s9  }
0x67: {  	s2 =	sadd.s32 s18, s7;
	s18 =	sld [smem:$0x7C4]  }
0x68: {  	s0 =	sshra.s32 s21, $0x1F;
	s21 =	sld [smem:$0x7C6]  }
0x69: {  	s17 =	spop (v2sf);
	s7 =	sld [smem:$0x7C7]  }
0x6a: {  	s31 =	sadd.s32 s31, s30;
	s13 =	sadd.s32 s13, s11;
	s11 =	sld [smem:$0x7C8]  }
0x6b: {  	s20 =	smulhi.u32 $0x2AAAAAAB, s17;
	[smem:$0x7EE] =	sst s31  }
0x6c: {  	[smem:$0x7EB] =	sst s2  }
0x6d: {  	(v2sf) =	vpush v3, $0x6;
	s0 =	smul.u32 $0x2AAAAAAB, s0;
	[smem:$0x7DE] =	sst s20  }
0x6e: {  	s2 =	spop (v2sf);
	s28 =	sld [smem:$0x7DB]  }
0x6f: {  	s9 =	smulhi.u32 $0x2AAAAAAB, s2;
	[smem:$0x7DD] =	sst s0;
	s19 =	sadd.s32 s19, s18  }
0x70: {  	s0 =	sshra.s32 s17, $0x1F;
	s17 =	spop (v2sf);
	s18 =	sld [smem:$0x7C9]  }
0x71: {  	s0 =	smul.u32 $0x2AAAAAAB, s0;
	[smem:$0x7E0] =	sst s9  }
0x72: {  	s20 =	sadd.s32 s1, s21;
	s21 =	smulhi.u32 $0x2AAAAAAB, s17;
	s9 =	sld [smem:$0x7CD]  }
0x73: {  	(v2sf) =	vpush v3, $0x7;
	[smem:$0x7DF] =	sst s0  }
0x74: {  	v5 =	vld [tilespmem:$0x20];
	[smem:$0x7E2] =	sst s21  }
0x75: {  	s0 =	sshra.s32 s2, $0x1F;
	s1 =	sadd.s32 s23, s18;
	s23 =	sld [smem:$0x7CA]  }
0x76: {  	s2 =	sld [smem:$0x7CB];
	s0 =	smul.u32 $0x2AAAAAAB, s0  }
0x77: {  	[dreg:$0x1c] =	wrdreg s1  }
0x78: {  	[smem:$0x7E1] =	sst s0  }
0x79: {  	(v2sf) =	vpush v5, $0xD;
	s1 =	sadd.s32 s22, s23;
	s22 =	sld [smem:$0x7CE]  }
0x7a: {  	s23 =	sld [smem:$0x7CF]  }
0x7b: {  	s0 =	sshra.s32 s17, $0x1F;
	[dreg:$0x1b] =	wrdreg s1  }
0x7c: {  	(v2sf) =	vpush v5, $0xC;
	s26 =	sadd.s32 s26, s7;
	s0 =	smul.u32 $0x2AAAAAAB, s0;
	s1 =	spop (v2sf)  }
0x7d: {  	s7 =	smulhi.u32 $0x2AAAAAAB, s1;
	s17 =	sshra.s32 s1, $0x1F;
	s1 =	sld [smem:$0x7D0]  }
0x7e: {  	[smem:$0x7E3] =	sst s0  }
0x7f: {  	s0 =	sadd.s32 s8, s2;
	s8 =	sld [smem:$0x7CC]  }
0x80: {  	s2 =	sld [smem:$0x7D1]  }
0x81: {  	[smem:$0x7EC] =	sst s0  }
0x82: {  	s25 =	sadd.s32 s25, s11;
	s11 =	spop (v2sf);
	[smem:$0x7E4] =	sst s7  }
0x83: {  	s21 =	smul.u32 $0x2AAAAAAB, s17;
	s0 =	sadd.s32 s9, s8;
	s8 =	sld [smem:$0x7D2]  }
0x84: {  	s18 =	smulhi.u32 $0x2AAAAAAB, s11;
	s17 =	sshra.s32 s11, $0x1F;
	s9 =	sld [smem:$0x7D3]  }
0x85: {  	(v2sf) =	vpush v5, $0xE;
	s11 =	smul.u32 $0x2AAAAAAB, s17;
	[dreg:$0x1a] =	wrdreg s0  }
0x86: {  	(v2sf) =	vpush v5, $0xF;
	s0 =	sadd.s32 s23, s22;
	s22 =	sld [smem:$0x7D4]  }
0x87: {  	s11 =	sadd.s32 s11, s18;
	s23 =	sld [smem:$0x7D5]  }
0x88: {  	s7 =	spop (v2sf);
	[dreg:$0x12] =	wrdreg s11  }
0x89: {  	s17 =	sshra.s32 s7, $0x1F;
	[dreg:$0x18] =	wrdreg s0;
	s0 =	sadd.s32 s2, s1  }
0x8a: {  	[dreg:$0x17] =	wrdreg s0;
	s0 =	sadd.s32 s9, s8;
	s9 =	smulhi.u32 $0x2AAAAAAB, s7  }
0x8b: {  	s2 =	spop (v2sf);
	s8 =	smul.u32 $0x2AAAAAAB, s17  }
0x8c: {  	s7 =	smulhi.u32 $0x2AAAAAAB, s2;
	s17 =	sshra.s32 s2, $0x1F;
	s2 =	sld [smem:$0x7D8]  }
0x8d: {  	[dreg:$0x16] =	wrdreg s0  }
0x8e: {  	s0 =	sadd.s32 s23, s22;
	s22 =	sld [smem:$0x7D6]  }
0x8f: {  	s23 =	sld [smem:$0x7D7]  }
0x90: {  	s1 =	smul.u32 $0x2AAAAAAB, s17;
	[dreg:$0x15] =	wrdreg s0;
	s8 =	sadd.s32 s8, s9  }
0x91: {  	[dreg:$0x6] =	wrdreg s8  }
0x92: {  	s1 =	sadd.s32 s1, s7;
	s7 =	rddreg [dreg:$0x1e]  }
0x93: {  	s8 =	sld [smem:$0x7E5]  }
0x94: {  	s0 =	sadd.s32 s23, s22;
	s22 =	sld [smem:$0x7D9];
	s23 =	spop (v2sf)  }
0x95: {  	[dreg:$0x8] =	wrdreg s1;
	s17 =	spop (v2sf)  }
0x96: {  	[dreg:$0x14] =	wrdreg s0;
	s29 =	sshra.s32 s23, $0x1F;
	s31 =	smulhi.u32 $0x2AAAAAAB, s17  }
0x97: {  	(v2sf) =	vpush v5, $0x9;
	s30 =	sshra.s32 s17, $0x1F;
	s17 =	sld [smem:$0x7DD];
	s9 =	sshrl.u32 s8, $0x1F  }
0x98: {  	s0 =	sadd.s32 s22, s2;
	s2 =	smul.u32 $0x2AAAAAAB, s29;
	s29 =	sld [smem:$0x7DC]  }
0x99: {  	v6 =	vmov s9;
	s9 =	rddreg [dreg:$0x1b]  }
0x9a: {  	s30 =	smul.u32 $0x2AAAAAAB, s30;
	[dreg:$0x13] =	wrdreg s0  }
0x9b: {  	s0 =	smulhi.u32 $0x2AAAAAAB, s23;
	s23 =	sld [smem:$0x7DA]  }
0x9c: {  	s31 =	sadd.s32 s30, s31;
	s30 =	sld [smem:$0x7E8]  }
0x9d: {  	[dreg:$0x5] =	wrdreg s31  }
0x9e: {  	s31 =	sld [smem:$0x7E9]  }
0x9f: {  	(v2sf) =	vpush v5, $0x8;
	s22 =	sadd.s32 s28, s23;
	s28 =	sld [smem:$0x7DE]  }
0xa0: {  	s23 =	sld [smem:$0x7E0]  }
0xa1: {  	[dreg:$0x10] =	wrdreg s22  }
0xa2: {  	s0 =	sadd.s32 s2, s0;
	s22 =	sadd.s32 s17, s29;
	s17 =	sld [smem:$0x7DF]  }
0xa3: {  	[dreg:$0x7] =	wrdreg s0  }
0xa4: {  	[dreg:$0xf] =	wrdreg s22  }
0xa5: {  	s0 =	sshra.s32 s7, $0x2;
	s22 =	sadd.s32 s17, s28;
	s17 =	sld [smem:$0x7E1]  }
0xa6: {  	s29 =	spop (v2sf);
	[smem:$0x7EF] =	sst s0  }
0xa7: {  	s28 =	smulhi.u32 $0x2AAAAAAB, s29;
	s29 =	sshra.s32 s29, $0x1F;
	[dreg:$0xe] =	wrdreg s22  }
0xa8: {  	s29 =	smul.u32 $0x2AAAAAAB, s29;
	s22 =	sadd.s32 s17, s23;
	s23 =	sld [smem:$0x7E2]  }
0xa9: {  	s17 =	sld [smem:$0x7E3]  }
0xaa: {  	s1 =	sadd.s32 s29, s28;
	s29 =	sld [smem:$0x7E7]  }
0xab: {  	s28 =	sld [smem:$0x7EA]  }
0xac: {  	[dreg:$0xd] =	wrdreg s22  }
0xad: {  	s23 =	sadd.s32 s17, s23;
	s17 =	sld [smem:$0x7E4]  }
0xae: {  	s22 =	spop (v2sf);
	[dreg:$0xa] =	wrdreg s1;
	s0 =	sshra.s32 s28, $0x2  }
0xaf: {  	[dreg:$0xc] =	wrdreg s23;
	s23 =	smulhi.u32 $0x2AAAAAAB, s22;
	s22 =	sshra.s32 s22, $0x1F  }
0xb0: {  	[smem:$0x7F1] =	sst s0;
	s22 =	smul.u32 $0x2AAAAAAB, s22;
	s21 =	sadd.s32 s21, s17  }
0xb1: {  	s18 =	sshra.s32 s31, $0x2;
	[dreg:$0xb] =	wrdreg s21  }
0xb2: {  	s1 =	sshrl.u32 s7, $0x1F;
	s2 =	sadd.s32 s22, s23;
	s21 =	sld [smem:$0x7E6]  }
0xb3: {  	v6 =	vsel vm0, s1, v6;
	s1 =	sshrl.u32 s13, $0x1F;
	s11 =	sshrl.u32 s29, $0x1F;
	[dreg:$0x9] =	wrdreg s2  }
0xb4: {  	s2 =	sshra.s32 s8, $0x2;
	s8 =	sshra.s32 s29, $0x2;
	s29 =	sld [smem:$0x7EB]  }
0xb5: {  	v9 =	vmov s1;
	s1 =	sshra.s32 s26, $0x2;
	[smem:$0x7ED] =	sst s2;
	s2 =	sshra.s32 s30, $0x2  }
0xb6: {  	s17 =	sshrl.u32 s31, $0x1F;
	s31 =	sshra.s32 s13, $0x1F;
	[smem:$0x7F0] =	sst s2  }
0xb7: {  	s23 =	sshrl.u32 s28, $0x1F;
	s22 =	sshrl.u32 s21, $0x1F;
	s2 =	sld [smem:$0x7EC]  }
0xb8: {  	s7 =	sshra.s32 s21, $0x2;
	s21 =	sshrl.u32 s30, $0x1F;
	s0 =	sshra.s32 s29, $0x2  }
0xb9: {  	v9 =	vnsel vm3, $0x0, v9;
	v7 =	vmov s17;
	s30 =	sshra.s32 s13, $0x2;
	[smem:$0x7F2] =	sst s0;
	s0 =	sshrl.u32 s19, $0x1F  }
0xba: {  	s28 =	sshrl.u32 s29, $0x1F;
	v6 =	vsel vm1, s22, v6;
	v7 =	vsel vm0, s21, v7;
	s22 =	sshrl.u32 s20, $0x1F;
	s17 =	sshra.s32 s2, $0x1F;
	v9 =	vsel vm0, s0, v9  }
0xbb: {  	s21 =	sshra.s32 s19, $0x2;
	s29 =	sshra.s32 s25, $0x1F;
	v7 =	vsel vm1, s23, v7;
	v8 =	vmov s17;
	s17 =	sshrl.u32 s26, $0x1F;
	v9 =	vsel vm1, s22, v9  }
0xbc: {  	s19 =	sshra.s32 s19, $0x1F;
	v7 =	vsel vm2, s28, v7;
	s28 =	sshra.s32 s26, $0x1F;
	v8 =	vsel vm3, s30, v8;
	v9 =	vsel vm2, s17, v9;
	s17 =	rddreg [dreg:$0x1a]  }
0xbd: {  	s26 =	sshrl.u32 s25, $0x1F;
	v8 =	vsel vm9, s31, v8;
	s31 =	rddreg [dreg:$0x1c];
	s0 =	sshra.s32 s17, $0x2  }
0xbe: {  	v6 =	vsel vm2, s11, v6;
	s11 =	sshra.s32 s25, $0x2;
	v9 =	vsel vm4, s26, v9;
	v8 =	vsel vm0, s21, v8;
	s25 =	sshrl.u32 s31, $0x1F;
	[smem:$0x7F6] =	sst s0  }
0xbf: {  	s13 =	sshrl.u32 s9, $0x1F;
	s23 =	sshra.s32 s20, $0x2;
	v8 =	vsel vm10, s19, v8;
	v9 =	vsel vm5, s25, v9;
	s25 =	rddreg [dreg:$0x15]  }
0xc0: {  	s19 =	sshrl.u32 s2, $0x1F;
	v8 =	vsel vm1, s23, v8;
	s23 =	sshra.s32 s2, $0x2;
	s2 =	rddreg [dreg:$0x17]  }
0xc1: {  	s20 =	sshra.s32 s20, $0x1F;
	v9 =	vsel vm6, s13, v9;
	s13 =	rddreg [dreg:$0x11]  }
0xc2: {  	s26 =	sshrl.u32 s25, $0x1F;
	v8 =	vsel vm11, s20, v8;
	s20 =	sshrl.u32 s17, $0x1F;
	s17 =	rddreg [dreg:$0x16]  }
0xc3: {  	[smem:$0x7F4] =	sst s26  }
0xc4: {  	s26 =	sld [smem:$0x7EF]  }
0xc5: {  	[smem:$0x7F3] =	sst s20  }
0xc6: {  	s22 =	sshra.s32 s9, $0x2;
	s21 =	sshra.s32 s9, $0x1F;
	v8 =	vsel vm2, s1, v8;
	s1 =	rddreg [dreg:$0x18]  }
0xc7: {  	s9 =	sshrl.u32 s1, $0x1F;
	s0 =	sshra.s32 s1, $0x2;
	s1 =	rddreg [dreg:$0x14]  }
0xc8: {  	[smem:$0x7F5] =	sst s0  }
0xc9: {  	s20 =	sshrl.u32 s2, $0x1F;
	v8 =	vsel vm12, s28, v8;
	s0 =	sshra.s32 s2, $0x2;
	s2 =	rddreg [dreg:$0x13]  }
0xca: {  	v8 =	vsel vm4, s11, v8;
	s11 =	sld [smem:$0x7ED]  }
0xcb: {  	[smem:$0x7F8] =	sst s0  }
0xcc: {  	s28 =	sshrl.u32 s17, $0x1F;
	s0 =	sshra.s32 s17, $0x2;
	s17 =	sld [smem:$0x7EE]  }
0xcd: {  	s30 =	sshra.s32 s31, $0x2;
	v8 =	vsel vm13, s29, v8;
	[smem:$0x7F9] =	sst s0  }
0xce: {  	s0 =	sshra.s32 s25, $0x2;
	v8 =	vsel vm5, s30, v8;
	s30 =	sld [smem:$0x7F0]  }
0xcf: {  	(v2sf) =	vpush v5, $0xA;
	[smem:$0x7FB] =	sst s0  }
0xd0: {  	s0 =	sshra.s32 s1, $0x2;
	v10 =	vmov s11;
	s11 =	rddreg [dreg:$0x10]  }
0xd1: {  	(v2sf) =	vpush v5, $0xB;
	[smem:$0x7FA] =	sst s0  }
0xd2: {  	s0 =	sshra.s32 s2, $0x2;
	v10 =	vsel vm0, s26, v10;
	s26 =	rddreg [dreg:$0xf]  }
0xd3: {  	(v2sf) =	vpush v5, $0x0;
	s31 =	sshra.s32 s31, $0x1F;
	[smem:$0x7FC] =	sst s0  }
0xd4: {  	v11 =	vmov s18;
	v9 =	vsel vm7, s19, v9;
	s19 =	sshrl.u32 s13, $0x1F;
	v8 =	vsel vm14, s31, v8;
	s0 =	sshra.s32 s13, $0x2;
	s13 =	sld [smem:$0x7F1]  }
0xd5: {  	(v2sf) =	vpush v5, $0x1;
	v8 =	vsel vm6, s22, v8;
	v11 =	vsel vm0, s30, v11;
	s30 =	sld [smem:$0x7F2]  }
0xd6: {  	(v2sf) =	vpush v5, $0x2;
	s25 =	sshrl.u32 s1, $0x1F;
	s1 =	sshrl.u32 s17, $0x1F;
	v8 =	vsel vm15, s21, v8;
	[dreg:$0x19] =	wrdreg s0  }
0xd7: {  	v14 =	vmov s1;
	v8 =	vsel vm7, s23, v8;
	s23 =	sld [smem:$0x7F3]  }
0xd8: {  	s31 =	sshrl.u32 s11, $0x1F;
	s0 =	rddreg [dreg:$0xd];
	v14 =	vnsel vm3, $0x0, v14  }
0xd9: {  	(v2sf) =	vpush v5, $0x3;
	s29 =	sshrl.u32 s2, $0x1F;
	s22 =	sshra.s32 s11, $0x2;
	v14 =	vsel vm0, s31, v14;
	s31 =	sld [smem:$0x7F4]  }
0xda: {  	(v2sf) =	vpush v5, $0x4;
	v10 =	vsel vm1, s7, v10;
	s7 =	sshrl.u32 s26, $0x1F;
	s21 =	sshra.s32 s26, $0x2;
	v11 =	vsel vm1, s13, v11;
	s13 =	rddreg [dreg:$0xe]  }
0xdb: {  	(v2sf) =	vpush v5, $0x5;
	v10 =	vsel vm2, s8, v10;
	s8 =	sshra.s32 s26, $0x1F;
	s26 =	sshra.s32 s0, $0x2;
	v11 =	vsel vm2, s30, v11;
	s30 =	rddreg [dreg:$0x12]  }
0xdc: {  	(v2sf) =	vpush v5, $0x6;
	s2 =	sshra.s32 s11, $0x1F;
	[smem:$0x7F7] =	sst s26;
	s11 =	sshra.s32 s30, $0x1F  }
0xdd: {  	(v2sf) =	vpush v5, $0x7;
	v12 =	vmov s9;
	s18 =	sshra.s32 s17, $0x2;
	s17 =	sshra.s32 s17, $0x1F;
	s26 =	rddreg [dreg:$0xc];
	v13 =	vmov s11  }
0xde: {  	v14 =	vsel vm1, s7, v14;
	s9 =	sshrl.u32 s13, $0x1F;
	v12 =	vsel vm0, s23, v12;
	s23 =	sshrl.u32 s0, $0x1F;
	v13 =	vsel vm3, s18, v13;
	s18 =	spop (v2sf)  }
0xdf: {  	v14 =	vsel vm2, s9, v14;
	s9 =	sld [smem:$0x7F5];
	v13 =	vsel vm9, s17, v13;
	s1 =	smulhi.u32 $0x2AAAAAAB, s18;
	s18 =	sshra.s32 s18, $0x1F  }
0xe0: {  	v12 =	vsel vm1, s20, v12;
	s11 =	sshra.s32 s13, $0x2;
	s20 =	spop (v2sf);
	v13 =	vsel vm0, s22, v13;
	s18 =	smul.u32 $0x2AAAAAAB, s18  }
0xe1: {  	v12 =	vsel vm2, s28, v12;
	s28 =	sshra.s32 s26, $0x2;
	s7 =	smulhi.u32 $0x2AAAAAAB, s20;
	s20 =	sshra.s32 s20, $0x1F;
	v13 =	vsel vm10, s2, v13  }
0xe2: {  	v15 =	vmov s25;
	v14 =	vsel vm4, s23, v14;
	s22 =	sshrl.u32 s26, $0x1F;
	s25 =	spop (v2sf);
	s20 =	smul.u32 $0x2AAAAAAB, s20;
	v13 =	vsel vm1, s21, v13  }
0xe3: {  	s2 =	sshra.s32 s26, $0x1F;
	v14 =	vsel vm5, s22, v14;
	s22 =	smulhi.u32 $0x2AAAAAAB, s25;
	v13 =	vsel vm11, s8, v13;
	s8 =	rddreg [dreg:$0xb]  }
0xe4: {  	s21 =	spop (v2sf);
	s7 =	sadd.s32 s20, s7;
	s20 =	rddreg [dreg:$0x19]  }
0xe5: {  	v15 =	vsel vm0, s31, v15;
	s26 =	spop (v2sf);
	v13 =	vsel vm2, s11, v13;
	s11 =	sshra.s32 s25, $0x1F;
	s25 =	sld [smem:$0x7F6]  }
0xe6: {  	v15 =	vsel vm1, s29, v15;
	s31 =	sshrl.u32 s8, $0x1F;
	s29 =	sshra.s32 s8, $0x2;
	[smem:$0x7FD] =	sst s7  }
0xe7: {  	v15 =	vsel vm2, s19, v15;
	s19 =	sshra.s32 s8, $0x1F;
	s8 =	sshrl.u32 s30, $0x1F;
	v14 =	vsel vm6, s31, v14;
	s31 =	sld [smem:$0x7F7]  }
0xe8: {  	s13 =	sshra.s32 s13, $0x1F;
	v16 =	vmov s9;
	s23 =	spop (v2sf);
	v14 =	vsel vm7, s8, v14;
	s8 =	sld [smem:$0x7FA]  }
0xe9: {  	v13 =	vsel vm12, s13, v13;
	s13 =	spop (v2sf);
	v16 =	vsel vm0, s25, v16;
	s25 =	sld [smem:$0x7F8]  }
0xea: {  	s17 =	sshra.s32 s0, $0x1F;
	s11 =	smul.u32 $0x2AAAAAAB, s11;
	s9 =	spop (v2sf);
	v13 =	vsel vm4, s31, v13  }
0xeb: {  	s31 =	sld [smem:$0x7F9];
	v13 =	vsel vm13, s17, v13;
	s17 =	sshra.s32 s30, $0x2;
	s30 =	spop (v2sf)  }
0xec: {  	s0 =	sshra.s32 s21, $0x1F;
	v17 =	vmov s8;
	s8 =	rddreg [dreg:$0x8];
	v16 =	vsel vm1, s25, v16;
	s25 =	smulhi.u32 $0x2AAAAAAB, s21  }
0xed: {  	v13 =	vsel vm5, s28, v13;
	s28 =	sshrl.u32 s8, $0x1F;
	s8 =	rddreg [dreg:$0x5];
	s7 =	spop (v2sf)  }
0xee: {  	v16 =	vsel vm2, s31, v16;
	s31 =	rddreg [dreg:$0x6];
	v13 =	vsel vm14, s2, v13;
	s2 =	smul.u32 $0x2AAAAAAB, s0  }
0xef: {  	s11 =	sadd.s32 s11, s22;
	s0 =	sld [smem:$0x7FC];
	v43 =	vmov s28;
	s28 =	smulhi.u32 $0x2AAAAAAB, s23  }
0xf0: {  	s23 =	sshra.s32 s23, $0x1F;
	v13 =	vsel vm6, s29, v13;
	s29 =	smulhi.u32 $0x2AAAAAAB, s26;
	s26 =	sshra.s32 s26, $0x1F  }
0xf1: {  	v6 =	vcombine.low v7, v6;
	s21 =	sshrl.u32 s31, $0x1F;
	s31 =	sld [smem:$0x7FB];
	s26 =	smul.u32 $0x2AAAAAAB, s26  }
0xf2: {  	v10 =	vcombine.low v11, v10;
	s8 =	sshrl.u32 s8, $0x1F;
	v42 =	vsel vm15, s19, v13;
	s19 =	rddreg [dreg:$0xa];
	v13 =	vsel vm0, s21, v43;
	s21 =	smul.u32 $0x2AAAAAAB, s23  }
0xf3: {  	v6 =	vperm.xlane v6, v0;
	v9 =	vperm.xlane v9, v1;
	s2 =	sadd.s32 s2, s25;
	v11 =	vsel vm7, s17, v42;
	s17 =	smulhi.u32 $0x2AAAAAAB, s7;
	s7 =	sshra.s32 s7, $0x1F  }
0xf4: {  	v8 =	vperm.xlane v8, v1;
	v10 =	vperm.xlane v10, v0;
	s19 =	sshrl.u32 s19, $0x1F;
	v17 =	vsel vm0, s31, v17;
	s31 =	rddreg [dreg:$0x7];
	s7 =	smul.u32 $0x2AAAAAAB, s7  }
0xf5: {  	s31 =	sshrl.u32 s31, $0x1F;
	v41 =	vsel vm1, s0, v17;
	s0 =	sadd.s32 s18, s1;
	s18 =	rddreg [dreg:$0x9]  }
0xf6: {  	v6 =	vsel vm8, v9, v6;
	v8 =	vsel vm8, v8, v10;
	s1 =	sshrl.u32 s18, $0x1F;
	v7 =	vsel vm2, s20, v41;
	s22 =	sshrl.u32 s0, $0x1F;
	s20 =	smov.u32 s0  }
0xf7: {  	v12 =	vcombine.low v15, v12;
	v6 =	vadd.s32 v6, v8;
	s0 =	sshrl.u32 s11, $0x1F;
	s7 =	sadd.s32 s7, s17;
	s17 =	smulhi.u32 $0x2AAAAAAB, s13  }
0xf8: {  	v47 =	vmul.u32 $0xE8, v6;
	v45 =	vsel vm1, s31, v13;
	s13 =	sshra.s32 s13, $0x1F;
	s31 =	sadd.s32 s26, s29;
	s26 =	smulhi.u32 $0x2AAAAAAB, s30  }
0xf9: {  	v12 =	vperm.xlane v12, v0;
	v10 =	vsel vm2, s8, v45;
	s23 =	smul.u32 $0x2AAAAAAB, s13;
	s25 =	sshra.s32 s7, $0x1F;
	s8 =	sshra.s32 s11, $0x2  }
0xfa: {  	v4 =	vadd.s32 v4, v47;
	v44 =	vmov s1;
	v46 =	vmov s0;
	s11 =	sshra.s32 s11, $0x1F;
	s29 =	sshra.s32 s31, $0x2;
	s0 =	sshra.s32 s31, $0x1F  }
0xfb: {  	v49 =	vshll.u32 v4, $0x18;
	v9 =	vsel vm0, s19, v44;
	s19 =	sadd.s32 s21, s28;
	v48 =	vmov s25;
	s21 =	sshrl.u32 s31, $0x1F;
	s28 =	sshra.s32 s30, $0x1F  }
0xfc: {  	v14 =	vperm.xlane v14, v1;
	v9 =	vsel vm1, s22, v9;
	s22 =	sshrl.u32 s2, $0x1F;
	s1 =	sadd.s32 s23, s17;
	v13 =	vsel vm3, s8, v48;
	s23 =	sshra.s32 s2, $0x2  }
0xfd: {  	v7 =	vcombine.low v7, v16;
	v8 =	vnsel vm3, $0x0, v46;
	s2 =	sshra.s32 s2, $0x1F;
	s8 =	smul.u32 $0x2AAAAAAB, s28;
	s28 =	sshra.s32 s18, $0x2;
	v13 =	vsel vm9, s11, v13  }
0xfe: {  	v11 =	vperm.xlane v11, v1;
	s18 =	rddreg [dreg:$0x7];
	v8 =	vsel vm0, s22, v8;
	s22 =	smulhi.u32 $0x2AAAAAAB, s9;
	s9 =	sshra.s32 s9, $0x1F;
	v13 =	vsel vm0, s23, v13  }
0xff: {  	v7 =	vperm.xlane v7, v0;
	s25 =	sshrl.u32 s19, $0x1F;
	v8 =	vsel vm1, s21, v8;
	s9 =	smul.u32 $0x2AAAAAAB, s9;
	s21 =	sld [smem:$0x7FD];
	v13 =	vsel vm10, s2, v13  }
0x100: {  	v12 =	vsel vm8, v14, v12;
	s31 =	sshrl.u32 s1, $0x1F;
	v53 =	vmov s28;
	s11 =	sshra.s32 s1, $0x1F;
	s8 =	sadd.s32 s8, s26;
	v13 =	vsel vm1, s29, v13  }
0x101: {  	v7 =	vsel vm8, v11, v7;
	v11 =	vshra.s32 v49, $0x1F;
	s26 =	rddreg [dreg:$0x8];
	s9 =	sadd.s32 s9, s22;
	s22 =	sshra.s32 s19, $0x2;
	v50 =	vsel vm11, s0, v13  }
0x102: {  	v8 =	vsel vm2, s25, v8;
	v7 =	vadd.s32 v12, v7;
	s25 =	sshra.s32 s19, $0x1F;
	s2 =	sshra.s32 s26, $0x2;
	s30 =	sshrl.u32 s21, $0x1F;
	v12 =	vsel vm2, s22, v50  }
0x103: {  	s26 =	sshrl.u32 s8, $0x1F;
	v8 =	vsel vm4, s31, v8;
	s29 =	sshra.s32 s1, $0x2;
	s31 =	rddreg [dreg:$0xa];
	v9 =	vsel vm2, s30, v9;
	v51 =	vsel vm12, s25, v12  }
0x104: {  	v52 =	vmov s2;
	s23 =	sshrl.u32 s9, $0x1F;
	s2 =	sshra.s32 s31, $0x2;
	s30 =	rddreg [dreg:$0x6];
	v9 =	vcombine.low v9, v10;
	v10 =	vsel vm4, s29, v51  }
0x105: {  	s19 =	sshra.s32 s20, $0x2;
	s20 =	sshra.s32 s9, $0x2;
	v8 =	vsel vm5, s23, v8;
	v13 =	vsel vm0, s2, v53;
	s13 =	sshra.s32 s30, $0x2;
	v10 =	vsel vm13, s11, v10  }
0x106: {  	s1 =	sshra.s32 s18, $0x2;
	s22 =	rddreg [dreg:$0x5];
	v13 =	vsel vm1, s19, v13;
	s25 =	sshra.s32 s9, $0x1F;
	v12 =	vsel vm0, s13, v52;
	v10 =	vsel vm5, s20, v10  }
0x107: {  	s28 =	sshra.s32 s8, $0x2;
	s23 =	sshra.s32 s21, $0x2;
	v8 =	vsel vm6, s26, v8;
	v12 =	vsel vm1, s1, v12;
	s1 =	sshra.s32 s22, $0x2;
	v10 =	vsel vm14, s25, v10  }
0x108: {  	s30 =	sshra.s32 s8, $0x1F;
	v13 =	vsel vm2, s23, v13;
	s29 =	sshrl.u32 s7, $0x1F;
	v12 =	vsel vm2, s1, v12;
	v10 =	vsel vm6, s28, v10  }
0x109: {  	s31 =	sshra.s32 s7, $0x2;
	v8 =	vsel vm7, s29, v8;
	v12 =	vcombine.low v13, v12;
	v10 =	vsel vm15, s30, v10  }
0x10a: {  	v9 =	vperm.xlane v9, v0;
	v8 =	vperm.xlane v8, v1;
	v10 =	vsel vm7, s31, v10  }
0x10b: {  	v11 =	vand.u32 $0x7, v11;
	v12 =	vperm.xlane v12, v0;
	v10 =	vperm.xlane v10, v1  }
0x10c: {  	v6 =	vmul.u32 $0x180, v6;
	v54 =	vmul.u32 $0xE8, v7;
	v11 =	vadd.s32 v11, v4  }
0x10d: {  	v56 =	vshll.u32 v11, $0x18;
	v8 =	vsel vm8, v8, v9;
	v55 =	vsel vm8, v10, v12  }
0x10e: {  	v11 =	vand.u32 $0xF8, v11;
	v3 =	vadd.s32 v3, v54;
	v8 =	vadd.s32 v8, v55  }
0x10f: {  	v4 =	vsub.s32 v4, v11;
	v57 =	vshll.u32 v3, $0x18;
	v58 =	vmul.u32 $0xE8, v8  }
0x110: {  	v7 =	vmul.u32 $0x180, v7;
	v4 =	vshll.u32 v4, $0x18;
	v9 =	vshra.s32 v57, $0x1F  }
0x111: {  	v4 =	vshra.s32 v4, $0x18;
	v9 =	vand.u32 $0x7, v9;
	v5 =	vadd.s32 v5, v58  }
0x112: {  	v4 =	vadd.s32 v4, v6;
	v9 =	vadd.s32 v9, v3;
	v11 =	vshll.u32 v5, $0x18  }
0x113: {  	v59 =	vand.u32 $0xF8, v9;
	v9 =	vshll.u32 v9, $0x18;
	v11 =	vshra.s32 v11, $0x1F  }
0x114: {  	v3 =	vsub.s32 v3, v59;
	v62 =	vshra.s32 v9, $0x1B;
	v60 =	vand.u32 $0x7, v11  }
0x115: {  	v10 =	vshra.s32 v56, $0x1B;
	v3 =	vshll.u32 v3, $0x18;
	v6 =	vadd.s32 v60, v5  }
0x116: {  	v10 =	vshll.u32 v10, $0x6;
	v3 =	vshra.s32 v3, $0x18;
	v61 =	vand.u32 $0xF8, v6  }
0x117: {  	v4 =	vadd.s32 v10, v4;
	v3 =	vadd.s32 v3, v7;
	v5 =	vsub.s32 v5, v61  }
0x118: {  	v8 =	vmul.u32 $0x180, v8;
	v6 =	vshll.u32 v6, $0x18;
	v5 =	vshll.u32 v5, $0x18  }
0x119: {  	v7 =	vshll.u32 v62, $0x6;
	v6 =	vshra.s32 v6, $0x1B;
	v5 =	vshra.s32 v5, $0x18  }
0x11a: {  	[tilespmem:$0x30] =	vst v4;
	v3 =	vadd.s32 v7, v3;
	v63 =	vshll.u32 v6, $0x6;
	v5 =	vadd.s32 v5, v8  }
0x11b: {  	[tilespmem:$0x40] =	vst v3;
	v3 =	vadd.s32 v63, v5  }
0x11c: {  	s17 =	simm.s32 $0x60;
	s18 =	simm.s32 $0x660;
	s0 =	simm.s32 $0x0;
	[tilespmem:$0x50] =	vst v3  }
.LBB2_2:
0x11d: {  	p0 =	seq.s32 s0, $0x0  }
0x11e: {  	s2 =	simm.s32 @!p0 $0x3  }
0x11f: {  	s1 =	sshll.u32 s0, $0x1;
	_ =	swait.ge @!p0 [sflag:s2], $0x6000  }
0x120: {  	s7 =	sadd.s32 s6, s1;
	[sflag:s2] =	ssyncset.done @!p0 $0x0  }
0x121: {  	s26 =	sand.u32 $0x30, s7;
	[sflag:s2] =	ssyncadd.s32 @!p0 $0xFFFFA000  }
0x122: {  	v3 =	vld [tilespmem:s26+$0x30];
	_ =	sdelay $0x2  }
0x123: {  	s28 =	sand.u32 $0xE, s7  }
0x124: {  	v4 =	vmov s28  }
0x125: {  	v3 =	vperm.xlane v3, v4;
	_ =	sdelay $0x1  }
0x126: {  	s29 =	simm.s32 $0x4800;
	v3 =	vadd.s32 v2, v3  }
0x127: {  	s8 =	simm.s32 $0x0;
	s7 =	simm.s32 $0x80;
	v4 =	vadd.s32 s29, v3  }
0x128: {  	s30 =	simm.s32 $0x2400;
	v5 =	vadd.s32 s8, v3;
	[tilespmem:s7+$0x0] =	vst v4  }
0x129: {  	s31 =	simm.s32 $0x6C00;
	[tilespmem:s7+$0xFFFFFFE0] =	vst v5;
	v4 =	vadd.s32 s30, v3  }
0x12a: {  	[tilespmem:s7+$0xFFFFFFF0] =	vst v4;
	v4 =	vadd.s32 s31, v3  }
0x12b: {  	s8 =	simm.s32 $0xFC00;
	[tilespmem:s7+$0x10] =	vst v4  }
.LBB2_3:
0x12c: {  	s2 =	sadd.s32 $0xFFFFDC00, s8  }
0x12d: {  	p1 =	sne.s32 s8, $0xD5C00;
	s9 =	smov.u32 s8;
	s8 =	sadd.s32 $0x9000, s8  }
.Ltmp0:
0x12e: {  	s7 =	sadd.s32 $0x40, s7;
	s11 =	sadd.s32 $0xFFFF9400, s9;
	v4 =	vadd.s32 s2, v3;
	(pc) =	sbr.rel @p1 .LBB2_3-.Ltmp0, $4  }
0x12f: {  	s2 =	sadd.s32 $0xFFFFB800, s9;
	v5 =	vadd.s32 s11, v3;
	[tilespmem:s7+$0x0] =	vst v4  }
0x130: {  	v4 =	vadd.s32 s2, v3;
	[tilespmem:s7+$0xFFFFFFE0] =	vst v5  }
0x131: {  	[tilespmem:s7+$0xFFFFFFF0] =	vst v4;
	v4 =	vadd.s32 s9, v3  }
0x132: {  	[tilespmem:s7+$0x10] =	vst v4  }
0x133: {  	[tilespmem:s12], [sflag:$0x1] =	stream.indirect.gather [hbm4b:s4+s10], $0x10, s17, s10, $0xb8;
	[tilespmem:$0xCC60] =	vst v63  }
0x134: {  	s2 =	simm.s32 @!p0 $0x4  }
0x135: {  	s7 =	sor.u32 $0x1, s1;
	_ =	swait.ge @!p0 [sflag:s2], $0x6000  }
0x136: {  	s8 =	sadd.s32 s6, s7;
	[sflag:s2] =	ssyncset.done @!p0 $0x0  }
0x137: {  	s28 =	sand.u32 $0x30, s8;
	[sflag:s2] =	ssyncadd.s32 @!p0 $0xFFFFA000  }
0x138: {  	v3 =	vld [tilespmem:s28+$0x30];
	_ =	sdelay $0x3  }
0x139: {  	v4 =	vmov s8  }
0x13a: {  	v3 =	vperm.xlane v3, v4;
	_ =	sdelay $0x1  }
0x13b: {  	s29 =	simm.s32 $0x4800;
	v3 =	vadd.s32 v2, v3  }
0x13c: {  	s9 =	simm.s32 $0x0;
	s8 =	simm.s32 $0x690;
	v4 =	vadd.s32 s29, v3  }
0x13d: {  	s30 =	simm.s32 $0x2400;
	v5 =	vadd.s32 s9, v3;
	[tilespmem:s8+$0xFFFFFFF0] =	vst v4  }
0x13e: {  	s31 =	simm.s32 $0x6C00;
	[tilespmem:s8+$0xFFFFFFD0] =	vst v5;
	v4 =	vadd.s32 s30, v3  }
0x13f: {  	[tilespmem:s8+$0xFFFFFFE0] =	vst v4;
	v4 =	vadd.s32 s31, v3  }
0x140: {  	s9 =	simm.s32 $0xFC00;
	[tilespmem:s8+$0x0] =	vst v4  }
.LBB2_5:
0x141: {  	s2 =	sadd.s32 $0xFFFFDC00, s9  }
0x142: {  	p0 =	sne.s32 s9, $0xD5C00;
	s11 =	smov.u32 s9;
	s9 =	sadd.s32 $0x9000, s9  }
.Ltmp1:
0x143: {  	s8 =	sadd.s32 $0x40, s8;
	s13 =	sadd.s32 $0xFFFF9400, s11;
	v4 =	vadd.s32 s2, v3;
	(pc) =	sbr.rel @p0 .LBB2_5-.Ltmp1, $4  }
0x144: {  	s2 =	sadd.s32 $0xFFFFB800, s11;
	v5 =	vadd.s32 s13, v3;
	[tilespmem:s8+$0xFFFFFFF0] =	vst v4  }
0x145: {  	v4 =	vadd.s32 s2, v3;
	[tilespmem:s8+$0xFFFFFFD0] =	vst v5  }
0x146: {  	[tilespmem:s8+$0xFFFFFFE0] =	vst v4;
	v4 =	vadd.s32 s11, v3  }
0x147: {  	[tilespmem:s8+$0x0] =	vst v4  }
0x148: {  	[tilespmem:s14], [sflag:$0x2] =	stream.indirect.gather [hbm4b:s4+s10], $0x10, s18, s10, $0xb8;
	[tilespmem:$0xCC60] =	vst v63  }
0x149: {  	s1 =	sadd.s32 s3, s1  }
0x14a: {  	_ =	swait.ge [sflag:s15], $0x6000;
	s1 =	smul.u32 $0xC00, s1  }
0x14b: {  	s0 =	sadd.s32 $0x1, s0;
	[sflag:s15] =	ssyncset.done $0x0  }
0x14c: {  	p0 =	sne.s32 s0, $0x9;
	[sflag:s15] =	ssyncadd.s32 $0xFFFFA000;
	s1 =	sadd.s32 s5, s1  }
0x14d: {  	[hbm4b:s1+s24] =	stream.linear.scatter [tilespmem:s12], [sflag:$0x3], $0x6000, $0x38;
	[tilespmem:$0xCC60] =	vst v63  }
.Ltmp2:
0x14e: {  	s31 =	sadd.s32 s3, s7;
	(pc) =	sbr.rel @p0 .LBB2_2-.Ltmp2, $4  }
0x14f: {  	s1 =	smul.u32 $0xC00, s31;
	_ =	swait.ge [sflag:s16], $0x6000  }
0x150: {  	[sflag:s16] =	ssyncset.done $0x0  }
0x151: {  	s1 =	sadd.s32 s5, s1;
	[sflag:s16] =	ssyncadd.s32 $0xFFFFA000  }
0x152: {  	[hbm4b:s1+s24] =	stream.linear.scatter [tilespmem:s14], [sflag:$0x4], $0x6000, $0x38;
	[tilespmem:$0xCC60] =	vst v63  }
0x153: {  	s0 =	simm.s32 $0x3  }
0x154: {  	_ =	swait.ge [sflag:s0], $0x6000  }
0x155: {  	[sflag:s0] =	ssyncset.done $0x0  }
0x156: {  	s1 =	simm.s32 $0x4;
	[sflag:s0] =	ssyncadd.s32 $0xFFFFA000  }
0x157: {  	_ =	swait.ge [sflag:s1], $0x6000  }
0x158: {  	s2 =	rddreg [dreg:$0x4]  }
0x159: {  	s31 =	rddreg [dreg:$0x3];
	s2 =	sadd.s32 $0x1, s2  }
0x15a: {  	p0 =	sne.s32 s2, s31  }
.Ltmp3:
0x15b: {  	_ = 	snop;
	(pc) =	sbr.rel @p0 .LBB2_1-.Ltmp3, $3  }
0x15c: {  	_ =	sdelay $0x1  }
0x15d: {  	[sflag:s1] =	ssyncset.done $0x0  }
0x15e: {  	[sflag:s1] =	ssyncadd.s32 $0xFFFFA000  }
0x15f: {  	_ =	sfence.sel $0x180000  }
0x160: {  	[bflag:$0x0] =	sbarrier.arrive $0xFFFF  }
0x161: {  	_ =	strace $0x9000004A  }
0x162: {  	s0 =	stileid.u32;
	[bflag:$0x2] =	sbarrier.arrive $0xFFFF  }
0x163: {  	p0 =	sne.s32 s0, $0x0;
	s0 =	rddreg [dreg:$0x1]  }
0x164: {  	s0 =	sadd.s32 @!p0 $0x100000, s0  }
0x165: {  	[sflag:s0] =	ssyncadd.tile.s32 @!p0 $0x1;
	_ =	shalt  }
.Lfunc_end2:
_tile_overlayer_lowered:
.L_overlay_start_2:
0x166: {  	(tag) =	ssettag $0x2  }
0x167: {  	s0 =	rddreg [dreg:$0x0];
	s2 =	stileid.u32  }
0x168: {  	s1 =	rddreg [dreg:$0x1];
	p0 =	sne.s32 s2, $0x0  }
0x169: {  	s3 =	rddreg [dreg:$0x2];
	[bflag:$0x3] =	sbarrier.arrive $0xFFFF;
	s2 =	simm.s32 @!p0 $0x1C05  }
0x16a: {  	[timem:s3], [sflag:s2] =	dma.local @!p0 [hbm:s0], s1  }
0x16b: {  	s0 =	simm.s32 @!p0 $0x5  }
0x16c: {  	_ =	swait.ge @!p0 [sflag:s0], s1  }
0x16d: {  	s1 =	ssub.s32 @!p0 $0x0, s1;
	[sflag:s0] =	ssyncset.done @!p0 $0x0  }
0x16e: {  	[sflag:s0] =	ssyncadd.s32 @!p0 s1  }
0x16f: {  	[bflag:$0x3] =	sbarrier.arrive $0xFFFF  }
0x170: {  	_ =	shalt  }

// kernel: kernel.15.cloned.1.call-start
scs
__scs_entry_jumppad:
0x0: {  	(pc) =	sbr.rel $0x88, $3  }
0x1: {  	(tag) =	ssettag $0x0;
	lr =	simm.s32 $0x1  }
0x2: {  	[smem:$0x3F9F] =	sst lr;
	_ =	strace $0xD0000000  }
0x3: {  	_ = 	snop  }
0x4: {  	_ = 	snop  }
0x5: {  	_ = 	snop  }
0x6: {  	_ = 	snop  }
0x7: {  	_ = 	snop  }
__scs_overlays_trampoline_lowered:
0x8: {  	[smem:$0x3FAE] =	sst s0  }
0x9: {  	[smem:$0x3FAF] =	sst s1  }
0xa: {  	[smem:$0x3FB0] =	sst s2  }
0xb: {  	[smem:$0x3FB1] =	sst s3  }
0xc: {  	[smem:$0x3FB2] =	sst s4  }
0xd: {  	[smem:$0x3FB3] =	sst s5  }
0xe: {  	[smem:$0x3FB4] =	sst s6  }
0xf: {  	[smem:$0x3FB5] =	sst s7  }
0x10: {  	[smem:$0x3FB6] =	sst s8  }
0x11: {  	[smem:$0x3FB7] =	sst s9;
	s0 =	simm.s32 @!p0 $0x0  }
0x12: {  	s1 =	sld [smem:$0x3F9D];
	s0 =	simm.s32 @p0 $0x1  }
0x13: {  	[smem:$0x3FB8] =	sst s0;
	s0 =	simm.s32 @!p1 $0x0  }
0x14: {  	s2 =	sld [smem:$0x3F9C];
	s0 =	simm.s32 @p1 $0x1  }
0x15: {  	[smem:$0x3FB9] =	sst s0;
	s0 =	simm.s32 @!p2 $0x0  }
0x16: {  	s3 =	sld [smem:$0x3FDB];
	s0 =	simm.s32 @p2 $0x1  }
0x17: {  	s4 =	simm.s32 $0x1BF5;
	[smem:$0x3FBB] =	sst s0  }
0x18: {  	s0 =	sld [smem:$0x3F9E];
	_ =	swait.ge [sflag:s4], $0x0  }
0x19: {  	s7 =	sld [smem:$0x3F9F]  }
0x1a: {  	s8 =	sadd.s32 $0xFFFFE003, lr  }
0x1b: {  	s9 =	sadd.s32 $0xFFFFFEF7, lr;
	s5 =	simm.s32 $0xFFFFFFFF;
	p2 =	slt.u32 s8, $0xFFFFF086  }
0x1c: {  	p1 =	slt.u32 s9, $0xF7A;
	s5 =	simm.s32 @!p2 $0x0  }
0x1d: {  	s5 =	simm.s32 @p1 $0x1;
	p0 =	seq.s32 s7, s2  }
0x1e: {  	s7 =	smul.u32 @!p0 $0xF7A, s2;
	p2 =	seq.s32 @!p0 s5, $0x0  }
0x1f: {  	s9 =	smul.u32 $0xF7A, s1;
	s8 =	simm.s32 @!p0 $0x1BF5;
	p2 =	por !p2, p0  }
0x20: {  	[sflag:s8] =	ssyncset.s32 @!p0 $0xFFFFF086;
	s6 =	sadd.s32 @!p0 s3, s7;
	s7 =	simm.s32 @!p0 $0x108  }
0x21: {  	s3 =	sadd.s32 s3, s9;
	s6 =	sadd.s32 @!p0 $0x88, s6;
	s7 =	simm.s32 @p2 $0x1082  }
0x22: {  	[simem:s7], [sflag:s8] =	dma.local @!p0 [hbm:s6], $0xF7A  }
0x23: {  	s9 =	sor.u32 $0xD0000000, s2;
	s6 =	simm.s32 $0x108;
	_ =	swait.ge @!p0 [sflag:s8], $0x0  }
0x24: {  	s3 =	sadd.s32 $0x88, s3;
	s6 =	simm.s32 @!p1 $0x1082;
	[sflag:s4] =	ssyncset.s32 $0xFFFFF086  }
0x25: {  	[simem:s6], [sflag:s4] =	dma.local [hbm:s3], $0xF7A  }
0x26: {  	[smem:$0x3F9F] =	sst s1;
	(tag) =	ssettag s2;
	_ =	strace s9  }
0x27: {  	s1 =	sld [smem:$0x3FAF]  }
0x28: {  	s2 =	sld [smem:$0x3FB0]  }
0x29: {  	s4 =	sld [smem:$0x3FB2]  }
0x2a: {  	p0 =	seq.s32 s5, $0x0;
	s5 =	sld [smem:$0x3FB3]  }
0x2b: {  	s6 =	sld [smem:$0x3FB4]  }
0x2c: {  	s7 =	sld [smem:$0x3FB5]  }
0x2d: {  	s3 =	simm.s32 $0x108;
	s8 =	sld [smem:$0x3FB6]  }
0x2e: {  	s3 =	simm.s32 @!p0 $0x1082;
	s9 =	sld [smem:$0x3FB7]  }
0x2f: {  	lr =	sadd.s32 s0, s3;
	s0 =	sld [smem:$0x3FAE]  }
0x30: {  	s3 =	sld [smem:$0x3FB1]  }
0x31: {  	[smem:$0x3FBA] =	sst s10  }
0x32: {  	s10 =	sld [smem:$0x3FB8];
	_ =	sdelay $0x3  }
0x33: {  	p0 =	seq.s32 s10, $0x1;
	s10 =	sld [smem:$0x3FBA];
	_ =	sdelay $0x3  }
0x34: {  	[smem:$0x3FBA] =	sst s10  }
0x35: {  	s10 =	sld [smem:$0x3FB9];
	_ =	sdelay $0x3  }
0x36: {  	p1 =	seq.s32 s10, $0x1;
	s10 =	sld [smem:$0x3FBA];
	_ =	sdelay $0x3  }
0x37: {  	[smem:$0x3FBA] =	sst s10  }
0x38: {  	s10 =	sld [smem:$0x3FBB]  }
0x39: {  	_ = 	snop;
	(pc) =	sbr.ind lr, $3  }
0x3a: {  	_ = 	snop  }
0x3b: {  	_ = 	snop  }
0x3c: {  	p2 =	seq.s32 s10, $0x1;
	s10 =	sld [smem:$0x3FBA]  }
0x3d: {  	_ =	shalt  }
0x3e: {  	_ =	shalt  }
0x3f: {  	_ =	shalt  }
0x40: {  	_ =	shalt  }
0x41: {  	_ =	shalt  }
0x42: {  	_ =	shalt  }
0x43: {  	_ =	shalt  }
0x44: {  	_ =	shalt  }
0x45: {  	_ =	shalt  }
0x46: {  	_ =	shalt  }
0x47: {  	_ =	shalt  }
0x48: {  	_ =	shalt  }
0x49: {  	_ =	shalt  }
0x4a: {  	_ =	shalt  }
0x4b: {  	_ =	shalt  }
0x4c: {  	_ =	shalt  }
0x4d: {  	_ =	shalt  }
0x4e: {  	_ =	shalt  }
0x4f: {  	_ =	shalt  }
0x50: {  	_ =	shalt  }
0x51: {  	_ =	shalt  }
0x52: {  	_ =	shalt  }
0x53: {  	_ =	shalt  }
0x54: {  	_ =	shalt  }
0x55: {  	_ =	shalt  }
0x56: {  	_ =	shalt  }
0x57: {  	_ =	shalt  }
0x58: {  	_ =	shalt  }
0x59: {  	_ =	shalt  }
0x5a: {  	_ =	shalt  }
0x5b: {  	_ =	shalt  }
0x5c: {  	_ =	shalt  }
0x5d: {  	_ =	shalt  }
0x5e: {  	_ =	shalt  }
0x5f: {  	_ =	shalt  }
0x60: {  	_ =	shalt  }
0x61: {  	_ =	shalt  }
0x62: {  	_ =	shalt  }
0x63: {  	_ =	shalt  }
0x64: {  	_ =	shalt  }
0x65: {  	_ =	shalt  }
0x66: {  	_ =	shalt  }
0x67: {  	_ =	shalt  }
0x68: {  	_ =	shalt  }
0x69: {  	_ =	shalt  }
0x6a: {  	_ =	shalt  }
0x6b: {  	_ =	shalt  }
0x6c: {  	_ =	shalt  }
0x6d: {  	_ =	shalt  }
0x6e: {  	_ =	shalt  }
0x6f: {  	_ =	shalt  }
0x70: {  	_ =	shalt  }
0x71: {  	_ =	shalt  }
0x72: {  	_ =	shalt  }
0x73: {  	_ =	shalt  }
0x74: {  	_ =	shalt  }
0x75: {  	_ =	shalt  }
0x76: {  	_ =	shalt  }
0x77: {  	_ =	shalt  }
0x78: {  	_ =	shalt  }
0x79: {  	_ =	shalt  }
0x7a: {  	_ =	shalt  }
0x7b: {  	_ =	shalt  }
0x7c: {  	_ =	shalt  }
0x7d: {  	_ =	shalt  }
0x7e: {  	_ =	shalt  }
0x7f: {  	_ =	shalt  }
0x80: {  	_ =	shalt  }
0x81: {  	_ =	shalt  }
0x82: {  	_ =	shalt  }
0x83: {  	_ =	shalt  }
0x84: {  	_ =	shalt  }
0x85: {  	_ =	shalt  }
0x86: {  	_ =	shalt  }
0x87: {  	_ =	shalt  }
.Lfunc_end0:
.L_simem_size_0:
called_computation.7_lowered:
.L_overlay_start_0:
0x88: {  	s2 =	sld [smem:$0x3FD9]  }
0x89: {  	s3 =	sld [smem:$0x3FFE];
	_ =	sdelay $0x1  }
0x8a: {  	s1 =	srdreg.scid  }
0x8b: {  	s0 =	sand.u32 $0x1, s1  }
0x8c: {  	s17 =	sshll.u32 s0, $0xA;
	s2 =	sadd.s32 s3, s2  }
0x8d: {  	s2 =	sadd.s32 s2, s17  }
0x8e: {  	[smem:$0x3FC6] =	sst s2  }
0x8f: {  	_ = 	snop  }
0x90: {  	(tm) =	ssettm $0x1  }
0x91: {  	s18 =	sld [smem:$0x3FFB];
	_ =	sdelay $0x3  }
0x92: {  	_ =	strace s18  }
0x93: {  	s2 =	sld [smem:$0x3FFC];
	_ =	sdelay $0x3  }
0x94: {  	_ =	strace s2  }
0x95: {  	s2 =	sld [smem:$0x3FFD];
	_ =	sdelay $0x3  }
0x96: {  	_ =	strace s2  }
0x97: {  	_ =	strace $0x8FFFFFFF  }
0x98: {  	s19 =	sld [smem:$0x3FDB];
	_ =	sdelay $0x1  }
0x99: {  	s20 =	simm.s32 $_scs_section_size  }
0x9a: {  	s4 =	simm.s32 $_size__tile_overlayer_lowered;
	s5 =	simm.s32 $_tile_overlayer_lowered  }
0x9b: {  	s6 =	simm.s32 $0x1BFF;
	s21 =	sshll.u32 s5, $0x1;
	s3 =	sadd.s32 s20, s19  }
0x9c: {  	s22 =	simm.s32 $0x0;
	s4 =	sshll.u32 s4, $0x1;
	s5 =	sadd.s32 s21, s3  }
0x9d: {  	[timem:s22], [sflag:s6] =	dma.local [hbm:s5], s4  }
0x9e: {  	_ =	swait.ge [sflag:s6], s4  }
0x9f: {  	s4 =	ssub.s32 $0x0, s4;
	[sflag:s6] =	ssyncset.done $0x0  }
0xa0: {  	[sflag:s6] =	ssyncadd.s32 s4;
	_ =	sdelay $0x1  }
0xa1: {  	s23 =	simm.s32 $0x1B8B  }
0xa2: {  	_ =	swait.ge [sflag:s23], $0x1  }
0xa3: {  	[sflag:s23] =	ssyncset.done $0x0  }
0xa4: {  	[sflag:s23] =	ssyncadd.s32 $0xFFFFFFFF  }
0xa5: {  	s4 =	sld [smem:$0x0]  }
0xa6: {  	s5 =	sand.u32 $0xFFFFFFFE, s1  }
0xa7: {  	p0 =	sne.s32 s1, s5  }
0xa8: {  	s5 =	sshll.u32 @p0 s5, $0xE  }
0xa9: {  	s5 =	sadd.s32 @p0 $0x11B8D, s5;
	s6 =	sshll.u32 @p0 s4, $0x11  }
0xaa: {  	s5 =	sor.u32 @p0 s6, s5  }
0xab: {  	[sflag:s5] =	ssyncadd.remote.s32 @p0 $0x1;
	_ =	sdelay $0x1  }
0xac: {  	s5 =	simm.s32 @p0 $0x1B8D  }
0xad: {  	_ =	swait.eq @p0 [sflag:s5], $0x1  }
0xae: {  	[sflag:s5] =	ssyncadd.s32 @p0 $0xFFFFFFFF  }
0xaf: {  	s6 =	sshll.u32 @!p0 s1, $0xE  }
0xb0: {  	s6 =	sor.u32 @!p0 $0x4000, s6;
	s5 =	simm.s32 @!p0 $0x1B8D  }
0xb1: {  	s4 =	sshll.u32 @!p0 s4, $0x11;
	s6 =	sadd.s32 @!p0 $0x11B8D, s6;
	_ =	swait.eq @!p0 [sflag:s5], $0x1  }
0xb2: {  	s4 =	sor.u32 @!p0 s4, s6;
	[sflag:s5] =	ssyncadd.s32 @!p0 $0xFFFFFFFF  }
0xb3: {  	s25 =	simm.s32 $0x1B8E;
	s24 =	sld [smem:$0x3FFE];
	[sflag:s4] =	ssyncadd.remote.s32 @!p0 $0x1  }
0xb4: {  	s26 =	simm.s32 $execute0_lowered;
	[smem:$0x3FD2] =	sst s25  }
0xb5: {  	s5 =	sshll.u32 s26, $0x1;
	_ =	strace $0x8000004F;
	[dreg:$0x1] =	wrdreg $0xFFFFFFFF  }
0xb6: {  	s28 =	simm.s32 $_size_execute0_lowered;
	s3 =	sadd.s32 s3, s5;
	[dreg:$0x0] =	wrdreg $0x0  }
0xb7: {  	s5 =	sshll.u32 s28, $0x1;
	[dreg:$0x2] =	wrdreg s3  }
0xb8: {  	[dreg:$0x3] =	wrdreg s5  }
0xb9: {  	[dreg:$0x4] =	wrdreg $0xC0  }
0xba: {  	_ =	task [dreg:s22], $0x5FFFF  }
0xbb: {  	[dreg:$0x1] =	wrdreg $0xFFFFFFFF  }
0xbc: {  	[dreg:$0x0] =	wrdreg $0x60  }
0xbd: {  	[dreg:$0x2] =	wrdreg s24  }
0xbe: {  	[dreg:$0x3] =	wrdreg $0xA  }
0xbf: {  	_ =	task.clear_ibuf [dreg:s22], $0x4FFFF;
	_ =	strace $0x9000004F  }
0xc0: {  	s29 =	simm.s32 $0xA;
	_ =	strace $0x80000051  }
0xc1: {  	_ =	swait.ge [sflag:s29], $0x1  }
0xc2: {  	[sflag:s29] =	ssyncadd.s32 $0xFFFFFFFF  }
0xc3: {  	_ =	strace $0x90000051  }
0xc4: {  	_ =	sfence  }
0xc5: {  	s30 =	sld [smem:$0x0];
	_ =	sdelay $0x2  }
0xc6: {  	s31 =	sshll.u32 s1, $0xD;
	s1 =	sshrl.u32 s1, $0x2  }
0xc7: {  	s4 =	sand.u32 $0x4000, s31;
	s1 =	sadd.s32 s1, s30  }
0xc8: {  	s0 =	sor.u32 s4, s0;
	s1 =	sshll.u32 s1, $0x11  }
0xc9: {  	s0 =	sor.u32 s1, s0  }
0xca: {  	s0 =	sadd.s32 $0x8F2B, s0  }
0xcb: {  	[sflag:s0] =	ssyncadd.remote.s32 $0x1  }
0xcc: {  	_ =	sfence.sel $0xFFFF  }
0xcd: {  	[dreg:$0x0] =	wrdreg $0xFFFFFFFF;
	(pc) =	sbr.abs _section_cstart, $3  }
0xce: {  	[dreg:$0x1] =	wrdreg $0xFFFFFFFF  }
0xcf: {  	_ =	task.clear_ibuf [dreg:s22], $0x2FFFF;
	_ =	strace $0x9FFFFFFF  }
0xd0: {  	(tm) =	ssettm $0x7FFFFFFF  }
0xd1: {  	_ =	shalt  }
tec
execute0_lowered:
.L_overlay_start_1:
0x0: {  	(tag) =	ssettag $0x1  }
0x1: {  	v0 =	vimm.s32 $0xECA86420  }
0x2: {  	vm0 =	vcmask $0xB08;
	vm1 =	vcmask $0x1310;
	vm2 =	vcmask $0x1B18  }
0x3: {  	s0 =	srdreg.scid;
	vm3 =	vcmask $0x300;
	vm4 =	vcmask $0x2320;
	vm5 =	vcmask $0x2B28  }
0x4: {  	s1 =	rddreg [dreg:$0x0];
	s2 =	stileid.u32;
	v1 =	vimm.s32 $0xD8D0C8C0;
	v2 =	vimm.s32 $0xF8F0E8E0;
	v3 =	vimm.s32 $0x18100800;
	s0 =	sand.u32 $0x1, s0  }
0x5: {  	s24 =	simm.s32 $0x0;
	vm6 =	vcmask $0x3330;
	v4 =	vimm.s32 $0x38302820;
	vm9 =	vcmask $0x1F10;
	s10 =	simm.s32 $0x600;
	s3 =	sshll.u32 s0, $0x4  }
0x6: {  	vm7 =	vcmask $0x3B38;
	vm8 =	vmmov $0xff;
	s12 =	simm.s32 $0xC60;
	s14 =	simm.s32 $0x6C60;
	v1 =	vunpack.c.0.s8.s32 v1;
	s3 =	sor.u32 s2, s3  }
0x7: {  	s15 =	simm.s32 $0x1;
	v2 =	vunpack.c.0.s8.s32 v2;
	v3 =	vunpack.c.0.s8.s32 v3;
	v4 =	vunpack.c.0.s8.s32 v4;
	s0 =	ssub.s32 $0x2, s0;
	s3 =	smul.u32 $0x12, s3  }
0x8: {  	vm10 =	vcmask $0xF0C;
	vm11 =	vcmask $0x1714;
	vm12 =	vcmask $0x1F1C;
	s16 =	simm.s32 $0x2;
	[smem:$0x7FF] =	sst s24;
	s30 =	sshrl.u32 s0, $0x1  }
0x9: {  	v0 =	vunpack.c.l.s4.s8 v0;
	s4 =	sadd.s32 $0x361A00, s1;
	v2 =	vsel vm9, v2, v1;
	v3 =	vsel vm9, v4, v3;
	s0 =	ssub.s32 s0, s30;
	s5 =	sshrl.u32 s3, $0x3  }
0xa: {  	vm13 =	vcmask $0x2724;
	vm14 =	vcmask $0x2F2C;
	_ =	strace $0x80000050;
	v2 =	vcombine.low v3, v2;
	s0 =	smax.u32 s0, $0x1;
	s7 =	sadd.s32 s5, s1  }
0xb: {  	vm15 =	vcmask $0x3734;
	v0 =	vunpack.c.0.s8.s32 v0;
	v1 =	vlaneseq.u32;
	s2 =	simm.s32 $0x0;
	[dreg:$0x3] =	wrdreg s0;
	s31 =	sadd.s32 $0x1800, s7  }
0xc: {  	vm9 =	vcmask $0x704;
	v1 =	vmul.u32 $0x2, v1;
	s6 =	sand.u32 $0x6, s3;
	v2 =	vand.u32 $0xFF, v2;
	s5 =	sadd.s32 $0xA21C00, s1;
	[dreg:$0x2] =	wrdreg s31  }
.LBB2_1:
0xd: {  	[dreg:$0x4] =	wrdreg s2  }
0xe: {  	s0 =	rddreg [dreg:$0x2];
	s18 =	simm.s32 $0x5  }
0xf: {  	[tilespmem:s24], [sflag:$0x5] =	stream.linear.gather [hbm4b:s0+s24], $0x30, $0x38;
	[tilespmem:$0xCC60] =	vst v63  }
0x10: {  	_ =	swait.ge [sflag:s18], $0x30  }
0x11: {  	[sflag:s18] =	ssyncset.done $0x0  }
0x12: {  	[sflag:s18] =	ssyncadd.s32 $0xFFFFFFD0  }
0x13: {  	v4 =	vld [tilespmem:$0x0];
	_ =	sdelay $0x4  }
0x14: {  	(v2sf) =	vpush v4, $0xD;
	_ =	sdelay $0x1  }
0x15: {  	(v2sf) =	vpush v4, $0xC;
	_ =	sdelay $0x1  }
0x16: {  	(v2sf) =	vpush v4, $0xE;
	_ =	sdelay $0x1  }
0x17: {  	(v2sf) =	vpush v4, $0xF;
	_ =	sdelay $0x1  }
0x18: {  	(v2sf) =	vpush v4, $0x9;
	_ =	sdelay $0x1  }
0x19: {  	(v2sf) =	vpush v4, $0x8;
	_ =	sdelay $0x1  }
0x1a: {  	(v2sf) =	vpush v4, $0xA  }
0x1b: {  	(v2sf) =	vpush v4, $0xB;
	_ =	sdelay $0x1  }
0x1c: {  	s19 =	spop (v2sf)  }
0x1d: {  	(v2sf) =	vpush v4, $0x0;
	s13 =	smulhi.u32 $0x2AAAAAAB, s19;
	s0 =	sshra.s32 s19, $0x1F  }
0x1e: {  	s20 =	spop (v2sf);
	(v2sf) =	vpush v4, $0x1;
	s2 =	smul.u32 $0x2AAAAAAB, s0  }
0x1f: {  	s28 =	smulhi.u32 $0x2AAAAAAB, s20;
	s0 =	sshra.s32 s20, $0x1F  }
0x20: {  	s21 =	spop (v2sf);
	s9 =	smul.u32 $0x2AAAAAAB, s0  }
0x21: {  	s29 =	smulhi.u32 $0x2AAAAAAB, s21;
	s0 =	sshra.s32 s21, $0x1F  }
0x22: {  	(v2sf) =	vpush v4, $0x2;
	s22 =	spop (v2sf);
	s11 =	smul.u32 $0x2AAAAAAB, s0  }
0x23: {  	s30 =	smulhi.u32 $0x2AAAAAAB, s22;
	s0 =	sshra.s32 s22, $0x1F  }
0x24: {  	(v2sf) =	vpush v4, $0x3;
	s23 =	spop (v2sf);
	s21 =	smul.u32 $0x2AAAAAAB, s0  }
0x25: {  	s31 =	smulhi.u32 $0x2AAAAAAB, s23;
	s0 =	sshra.s32 s23, $0x1F  }
0x26: {  	(v2sf) =	vpush v4, $0x4;
	s25 =	spop (v2sf);
	s20 =	smul.u32 $0x2AAAAAAB, s0  }
0x27: {  	s1 =	smulhi.u32 $0x2AAAAAAB, s25;
	s0 =	sshra.s32 s25, $0x1F  }
0x28: {  	(v2sf) =	vpush v4, $0x5;
	s26 =	spop (v2sf);
	s19 =	smul.u32 $0x2AAAAAAB, s0  }
0x29: {  	s7 =	smulhi.u32 $0x2AAAAAAB, s26;
	s8 =	spop (v2sf)  }
0x2a: {  	(v2sf) =	vpush v4, $0x6;
	s0 =	sshra.s32 s26, $0x1F;
	s18 =	smulhi.u32 $0x2AAAAAAB, s8  }
0x2b: {  	s17 =	smul.u32 $0x2AAAAAAB, s0  }
0x2c: {  	s0 =	sshra.s32 s8, $0x1F;
	[smem:$0x7C1] =	sst s18;
	s22 =	spop (v2sf)  }
0x2d: {  	v3 =	vld [tilespmem:$0x10];
	s18 =	smul.u32 $0x2AAAAAAB, s0;
	s25 =	spop (v2sf)  }
0x2e: {  	(v2sf) =	vpush v4, $0x7;
	[dreg:$0x1d] =	wrdreg s1;
	s23 =	smulhi.u32 $0x2AAAAAAB, s22;
	s1 =	sshra.s32 s25, $0x1F  }
0x2f: {  	[dreg:$0x1f] =	wrdreg s7;
	s7 =	smul.u32 $0x2AAAAAAB, s1  }
0x30: {  	s26 =	smulhi.u32 $0x2AAAAAAB, s25  }
0x31: {  	[smem:$0x7C5] =	sst s7;
	s7 =	spop (v2sf)  }
0x32: {  	(v2sf) =	vpush v3, $0xD;
	[smem:$0x7C2] =	sst s23;
	s8 =	smulhi.u32 $0x2AAAAAAB, s7;
	s7 =	sshra.s32 s7, $0x1F  }
0x33: {  	s0 =	sshra.s32 s22, $0x1F;
	s22 =	spop (v2sf);
	s1 =	smul.u32 $0x2AAAAAAB, s7  }
0x34: {  	[smem:$0x7C4] =	sst s26;
	s23 =	smulhi.u32 $0x2AAAAAAB, s22;
	s7 =	sshra.s32 s22, $0x1F  }
0x35: {  	s25 =	spop (v2sf);
	s26 =	smul.u32 $0x2AAAAAAB, s7  }
0x36: {  	(v2sf) =	vpush v3, $0xC;
	[smem:$0x7C6] =	sst s8;
	s8 =	smulhi.u32 $0x2AAAAAAB, s25;
	s7 =	sshra.s32 s25, $0x1F  }
0x37: {  	s22 =	spop (v2sf);
	s25 =	smul.u32 $0x2AAAAAAB, s7  }
0x38: {  	[smem:$0x7C7] =	sst s23;
	s23 =	smulhi.u32 $0x2AAAAAAB, s22  }
0x39: {  	[smem:$0x7C8] =	sst s8;
	s8 =	spop (v2sf)  }
0x3a: {  	(v2sf) =	vpush v3, $0xE;
	s7 =	sshra.s32 s22, $0x1F;
	s22 =	smulhi.u32 $0x2AAAAAAB, s8  }
0x3b: {  	[smem:$0x7C9] =	sst s23  }
0x3c: {  	s23 =	smul.u32 $0x2AAAAAAB, s7;
	s7 =	sshra.s32 s8, $0x1F;
	[smem:$0x7CA] =	sst s22  }
0x3d: {  	s22 =	smul.u32 $0x2AAAAAAB, s7;
	s7 =	spop (v2sf)  }
0x3e: {  	(v2sf) =	vpush v3, $0xF;
	s8 =	smulhi.u32 $0x2AAAAAAB, s7;
	_ =	sdelay $0x1  }
0x3f: {  	s0 =	smul.u32 $0x2AAAAAAB, s0;
	s7 =	sshra.s32 s7, $0x1F;
	[smem:$0x7CB] =	sst s8  }
0x40: {  	s8 =	smul.u32 $0x2AAAAAAB, s7;
	s7 =	spop (v2sf)  }
0x41: {  	[smem:$0x7C3] =	sst s0;
	(v2sf) =	vpush v3, $0x9;
	s0 =	smulhi.u32 $0x2AAAAAAB, s7;
	s7 =	sshra.s32 s7, $0x1F  }
0x42: {  	s7 =	smul.u32 $0x2AAAAAAB, s7;
	_ =	sdelay $0x1  }
0x43: {  	[smem:$0x7CD] =	sst s7;
	s7 =	spop (v2sf)  }
0x44: {  	(v2sf) =	vpush v3, $0x8;
	[smem:$0x7CC] =	sst s0;
	s0 =	smulhi.u32 $0x2AAAAAAB, s7;
	s7 =	sshra.s32 s7, $0x1F  }
0x45: {  	s7 =	smul.u32 $0x2AAAAAAB, s7;
	_ =	sdelay $0x1  }
0x46: {  	[smem:$0x7CF] =	sst s7;
	s7 =	spop (v2sf)  }
0x47: {  	(v2sf) =	vpush v3, $0xA;
	[smem:$0x7CE] =	sst s0;
	s0 =	smulhi.u32 $0x2AAAAAAB, s7;
	s7 =	sshra.s32 s7, $0x1F  }
0x48: {  	s7 =	smul.u32 $0x2AAAAAAB, s7  }
0x49: {  	(v2sf) =	vpush v3, $0xB  }
0x4a: {  	[smem:$0x7D1] =	sst s7;
	s7 =	spop (v2sf)  }
0x4b: {  	[smem:$0x7D0] =	sst s0;
	s0 =	smulhi.u32 $0x2AAAAAAB, s7;
	s7 =	sshra.s32 s7, $0x1F  }
0x4c: {  	(v2sf) =	vpush v3, $0x0;
	s7 =	smul.u32 $0x2AAAAAAB, s7;
	_ =	sdelay $0x1  }
0x4d: {  	s2 =	sadd.s32 s2, s13;
	(v2sf) =	vpush v3, $0x1;
	[smem:$0x7D3] =	sst s7;
	s7 =	spop (v2sf)  }
0x4e: {  	[smem:$0x7D2] =	sst s0;
	s0 =	smulhi.u32 $0x2AAAAAAB, s7;
	s7 =	sshra.s32 s7, $0x1F  }
0x4f: {  	[dreg:$0x1e] =	wrdreg s2;
	s9 =	sadd.s32 s9, s28;
	s7 =	smul.u32 $0x2AAAAAAB, s7  }
0x50: {  	[smem:$0x7E5] =	sst s9  }
0x51: {  	s11 =	sadd.s32 s11, s29;
	[smem:$0x7D5] =	sst s7;
	s7 =	spop (v2sf)  }
0x52: {  	[smem:$0x7D4] =	sst s0;
	s0 =	smulhi.u32 $0x2AAAAAAB, s7;
	s7 =	sshra.s32 s7, $0x1F  }
0x53: {  	[smem:$0x7E6] =	sst s11;
	s9 =	sadd.s32 s20, s31;
	(v2sf) =	vpush v3, $0x2;
	s7 =	smul.u32 $0x2AAAAAAB, s7  }
0x54: {  	[smem:$0x7E8] =	sst s9  }
0x55: {  	[smem:$0x7D7] =	sst s7;
	s7 =	spop (v2sf)  }
0x56: {  	[smem:$0x7D6] =	sst s0;
	s0 =	smulhi.u32 $0x2AAAAAAB, s7;
	s7 =	sshra.s32 s7, $0x1F  }
0x57: {  	s2 =	spop (v2sf);
	s13 =	smul.u32 $0x2AAAAAAB, s7  }
0x58: {  	s20 =	rddreg [dreg:$0x1f];
	s28 =	smulhi.u32 $0x2AAAAAAB, s2;
	s7 =	sshra.s32 s2, $0x1F  }
0x59: {  	[smem:$0x7D8] =	sst s0;
	s29 =	smul.u32 $0x2AAAAAAB, s7  }
0x5a: {  	(v2sf) =	vpush v3, $0x3;
	s2 =	sadd.s32 s21, s30;
	[smem:$0x7D9] =	sst s13;
	s13 =	spop (v2sf)  }
0x5b: {  	[smem:$0x7E7] =	sst s2;
	s30 =	smulhi.u32 $0x2AAAAAAB, s13  }
0x5c: {  	s7 =	sshra.s32 s13, $0x1F;
	s11 =	spop (v2sf);
	s13 =	rddreg [dreg:$0x1d]  }
0x5d: {  	s31 =	smul.u32 $0x2AAAAAAB, s7;
	s2 =	sadd.s32 s19, s13;
	s7 =	sld [smem:$0x7C1]  }
0x5e: {  	s19 =	smulhi.u32 $0x2AAAAAAB, s11;
	s0 =	sshra.s32 s11, $0x1F;
	s11 =	sld [smem:$0x7C2]  }
0x5f: {  	(v2sf) =	vpush v3, $0x4;
	s28 =	sadd.s32 s29, s28;
	s13 =	sld [smem:$0x7C3]  }
0x60: {  	[dreg:$0x11] =	wrdreg s28  }
0x61: {  	(v2sf) =	vpush v3, $0x5;
	[smem:$0x7E9] =	sst s2  }
0x62: {  	s21 =	spop (v2sf);
	s2 =	sadd.s32 s17, s20;
	[smem:$0x7DA] =	sst s19  }
0x63: {  	s0 =	smul.u32 $0x2AAAAAAB, s0;
	[smem:$0x7EA] =	sst s2  }
0x64: {  	s9 =	smulhi.u32 $0x2AAAAAAB, s21;
	s19 =	sld [smem:$0x7C5]  }
0x65: {  	[smem:$0x7DB] =	sst s0  }
0x66: {  	[smem:$0x7DC] =	sst s9  }
0x67: {  	s2 =	sadd.s32 s18, s7;
	s18 =	sld [smem:$0x7C4]  }
0x68: {  	s0 =	sshra.s32 s21, $0x1F;
	s21 =	sld [smem:$0x7C6]  }
0x69: {  	s17 =	spop (v2sf);
	s7 =	sld [smem:$0x7C7]  }
0x6a: {  	s31 =	sadd.s32 s31, s30;
	s13 =	sadd.s32 s13, s11;
	s11 =	sld [smem:$0x7C8]  }
0x6b: {  	s20 =	smulhi.u32 $0x2AAAAAAB, s17;
	[smem:$0x7EE] =	sst s31  }
0x6c: {  	[smem:$0x7EB] =	sst s2  }
0x6d: {  	(v2sf) =	vpush v3, $0x6;
	s0 =	smul.u32 $0x2AAAAAAB, s0;
	[smem:$0x7DE] =	sst s20  }
0x6e: {  	s2 =	spop (v2sf);
	s28 =	sld [smem:$0x7DB]  }
0x6f: {  	s9 =	smulhi.u32 $0x2AAAAAAB, s2;
	[smem:$0x7DD] =	sst s0;
	s19 =	sadd.s32 s19, s18  }
0x70: {  	s0 =	sshra.s32 s17, $0x1F;
	s17 =	spop (v2sf);
	s18 =	sld [smem:$0x7C9]  }
0x71: {  	s0 =	smul.u32 $0x2AAAAAAB, s0;
	[smem:$0x7E0] =	sst s9  }
0x72: {  	s20 =	sadd.s32 s1, s21;
	s21 =	smulhi.u32 $0x2AAAAAAB, s17;
	s9 =	sld [smem:$0x7CD]  }
0x73: {  	(v2sf) =	vpush v3, $0x7;
	[smem:$0x7DF] =	sst s0  }
0x74: {  	v5 =	vld [tilespmem:$0x20];
	[smem:$0x7E2] =	sst s21  }
0x75: {  	s0 =	sshra.s32 s2, $0x1F;
	s1 =	sadd.s32 s23, s18;
	s23 =	sld [smem:$0x7CA]  }
0x76: {  	s2 =	sld [smem:$0x7CB];
	s0 =	smul.u32 $0x2AAAAAAB, s0  }
0x77: {  	[dreg:$0x1c] =	wrdreg s1  }
0x78: {  	[smem:$0x7E1] =	sst s0  }
0x79: {  	(v2sf) =	vpush v5, $0xD;
	s1 =	sadd.s32 s22, s23;
	s22 =	sld [smem:$0x7CE]  }
0x7a: {  	s23 =	sld [smem:$0x7CF]  }
0x7b: {  	s0 =	sshra.s32 s17, $0x1F;
	[dreg:$0x1b] =	wrdreg s1  }
0x7c: {  	(v2sf) =	vpush v5, $0xC;
	s26 =	sadd.s32 s26, s7;
	s0 =	smul.u32 $0x2AAAAAAB, s0;
	s1 =	spop (v2sf)  }
0x7d: {  	s7 =	smulhi.u32 $0x2AAAAAAB, s1;
	s17 =	sshra.s32 s1, $0x1F;
	s1 =	sld [smem:$0x7D0]  }
0x7e: {  	[smem:$0x7E3] =	sst s0  }
0x7f: {  	s0 =	sadd.s32 s8, s2;
	s8 =	sld [smem:$0x7CC]  }
0x80: {  	s2 =	sld [smem:$0x7D1]  }
0x81: {  	[smem:$0x7EC] =	sst s0  }
0x82: {  	s25 =	sadd.s32 s25, s11;
	s11 =	spop (v2sf);
	[smem:$0x7E4] =	sst s7  }
0x83: {  	s21 =	smul.u32 $0x2AAAAAAB, s17;
	s0 =	sadd.s32 s9, s8;
	s8 =	sld [smem:$0x7D2]  }
0x84: {  	s18 =	smulhi.u32 $0x2AAAAAAB, s11;
	s17 =	sshra.s32 s11, $0x1F;
	s9 =	sld [smem:$0x7D3]  }
0x85: {  	(v2sf) =	vpush v5, $0xE;
	s11 =	smul.u32 $0x2AAAAAAB, s17;
	[dreg:$0x1a] =	wrdreg s0  }
0x86: {  	(v2sf) =	vpush v5, $0xF;
	s0 =	sadd.s32 s23, s22;
	s22 =	sld [smem:$0x7D4]  }
0x87: {  	s11 =	sadd.s32 s11, s18;
	s23 =	sld [smem:$0x7D5]  }
0x88: {  	s7 =	spop (v2sf);
	[dreg:$0x12] =	wrdreg s11  }
0x89: {  	s17 =	sshra.s32 s7, $0x1F;
	[dreg:$0x18] =	wrdreg s0;
	s0 =	sadd.s32 s2, s1  }
0x8a: {  	[dreg:$0x17] =	wrdreg s0;
	s0 =	sadd.s32 s9, s8;
	s9 =	smulhi.u32 $0x2AAAAAAB, s7  }
0x8b: {  	s2 =	spop (v2sf);
	s8 =	smul.u32 $0x2AAAAAAB, s17  }
0x8c: {  	s7 =	smulhi.u32 $0x2AAAAAAB, s2;
	s17 =	sshra.s32 s2, $0x1F;
	s2 =	sld [smem:$0x7D8]  }
0x8d: {  	[dreg:$0x16] =	wrdreg s0  }
0x8e: {  	s0 =	sadd.s32 s23, s22;
	s22 =	sld [smem:$0x7D6]  }
0x8f: {  	s23 =	sld [smem:$0x7D7]  }
0x90: {  	s1 =	smul.u32 $0x2AAAAAAB, s17;
	[dreg:$0x15] =	wrdreg s0;
	s8 =	sadd.s32 s8, s9  }
0x91: {  	[dreg:$0x6] =	wrdreg s8  }
0x92: {  	s1 =	sadd.s32 s1, s7;
	s7 =	rddreg [dreg:$0x1e]  }
0x93: {  	s8 =	sld [smem:$0x7E5]  }
0x94: {  	s0 =	sadd.s32 s23, s22;
	s22 =	sld [smem:$0x7D9];
	s23 =	spop (v2sf)  }
0x95: {  	[dreg:$0x8] =	wrdreg s1;
	s17 =	spop (v2sf)  }
0x96: {  	[dreg:$0x14] =	wrdreg s0;
	s29 =	sshra.s32 s23, $0x1F;
	s31 =	smulhi.u32 $0x2AAAAAAB, s17  }
0x97: {  	(v2sf) =	vpush v5, $0x9;
	s30 =	sshra.s32 s17, $0x1F;
	s17 =	sld [smem:$0x7DD];
	s9 =	sshrl.u32 s8, $0x1F  }
0x98: {  	s0 =	sadd.s32 s22, s2;
	s2 =	smul.u32 $0x2AAAAAAB, s29;
	s29 =	sld [smem:$0x7DC]  }
0x99: {  	v6 =	vmov s9;
	s9 =	rddreg [dreg:$0x1b]  }
0x9a: {  	s30 =	smul.u32 $0x2AAAAAAB, s30;
	[dreg:$0x13] =	wrdreg s0  }
0x9b: {  	s0 =	smulhi.u32 $0x2AAAAAAB, s23;
	s23 =	sld [smem:$0x7DA]  }
0x9c: {  	s31 =	sadd.s32 s30, s31;
	s30 =	sld [smem:$0x7E8]  }
0x9d: {  	[dreg:$0x5] =	wrdreg s31  }
0x9e: {  	s31 =	sld [smem:$0x7E9]  }
0x9f: {  	(v2sf) =	vpush v5, $0x8;
	s22 =	sadd.s32 s28, s23;
	s28 =	sld [smem:$0x7DE]  }
0xa0: {  	s23 =	sld [smem:$0x7E0]  }
0xa1: {  	[dreg:$0x10] =	wrdreg s22  }
0xa2: {  	s0 =	sadd.s32 s2, s0;
	s22 =	sadd.s32 s17, s29;
	s17 =	sld [smem:$0x7DF]  }
0xa3: {  	[dreg:$0x7] =	wrdreg s0  }
0xa4: {  	[dreg:$0xf] =	wrdreg s22  }
0xa5: {  	s0 =	sshra.s32 s7, $0x2;
	s22 =	sadd.s32 s17, s28;
	s17 =	sld [smem:$0x7E1]  }
0xa6: {  	s29 =	spop (v2sf);
	[smem:$0x7EF] =	sst s0  }
0xa7: {  	s28 =	smulhi.u32 $0x2AAAAAAB, s29;
	s29 =	sshra.s32 s29, $0x1F;
	[dreg:$0xe] =	wrdreg s22  }
0xa8: {  	s29 =	smul.u32 $0x2AAAAAAB, s29;
	s22 =	sadd.s32 s17, s23;
	s23 =	sld [smem:$0x7E2]  }
0xa9: {  	s17 =	sld [smem:$0x7E3]  }
0xaa: {  	s1 =	sadd.s32 s29, s28;
	s29 =	sld [smem:$0x7E7]  }
0xab: {  	s28 =	sld [smem:$0x7EA]  }
0xac: {  	[dreg:$0xd] =	wrdreg s22  }
0xad: {  	s23 =	sadd.s32 s17, s23;
	s17 =	sld [smem:$0x7E4]  }
0xae: {  	s22 =	spop (v2sf);
	[dreg:$0xa] =	wrdreg s1;
	s0 =	sshra.s32 s28, $0x2  }
0xaf: {  	[dreg:$0xc] =	wrdreg s23;
	s23 =	smulhi.u32 $0x2AAAAAAB, s22;
	s22 =	sshra.s32 s22, $0x1F  }
0xb0: {  	[smem:$0x7F1] =	sst s0;
	s22 =	smul.u32 $0x2AAAAAAB, s22;
	s21 =	sadd.s32 s21, s17  }
0xb1: {  	s18 =	sshra.s32 s31, $0x2;
	[dreg:$0xb] =	wrdreg s21  }
0xb2: {  	s1 =	sshrl.u32 s7, $0x1F;
	s2 =	sadd.s32 s22, s23;
	s21 =	sld [smem:$0x7E6]  }
0xb3: {  	v6 =	vsel vm0, s1, v6;
	s1 =	sshrl.u32 s13, $0x1F;
	s11 =	sshrl.u32 s29, $0x1F;
	[dreg:$0x9] =	wrdreg s2  }
0xb4: {  	s2 =	sshra.s32 s8, $0x2;
	s8 =	sshra.s32 s29, $0x2;
	s29 =	sld [smem:$0x7EB]  }
0xb5: {  	v9 =	vmov s1;
	s1 =	sshra.s32 s26, $0x2;
	[smem:$0x7ED] =	sst s2;
	s2 =	sshra.s32 s30, $0x2  }
0xb6: {  	s17 =	sshrl.u32 s31, $0x1F;
	s31 =	sshra.s32 s13, $0x1F;
	[smem:$0x7F0] =	sst s2  }
0xb7: {  	s23 =	sshrl.u32 s28, $0x1F;
	s22 =	sshrl.u32 s21, $0x1F;
	s2 =	sld [smem:$0x7EC]  }
0xb8: {  	s7 =	sshra.s32 s21, $0x2;
	s21 =	sshrl.u32 s30, $0x1F;
	s0 =	sshra.s32 s29, $0x2  }
0xb9: {  	v9 =	vnsel vm3, $0x0, v9;
	v7 =	vmov s17;
	s30 =	sshra.s32 s13, $0x2;
	[smem:$0x7F2] =	sst s0;
	s0 =	sshrl.u32 s19, $0x1F  }
0xba: {  	s28 =	sshrl.u32 s29, $0x1F;
	v6 =	vsel vm1, s22, v6;
	v7 =	vsel vm0, s21, v7;
	s22 =	sshrl.u32 s20, $0x1F;
	s17 =	sshra.s32 s2, $0x1F;
	v9 =	vsel vm0, s0, v9  }
0xbb: {  	s21 =	sshra.s32 s19, $0x2;
	s29 =	sshra.s32 s25, $0x1F;
	v7 =	vsel vm1, s23, v7;
	v8 =	vmov s17;
	s17 =	sshrl.u32 s26, $0x1F;
	v9 =	vsel vm1, s22, v9  }
0xbc: {  	s19 =	sshra.s32 s19, $0x1F;
	v7 =	vsel vm2, s28, v7;
	s28 =	sshra.s32 s26, $0x1F;
	v8 =	vsel vm3, s30, v8;
	v9 =	vsel vm2, s17, v9;
	s17 =	rddreg [dreg:$0x1a]  }
0xbd: {  	s26 =	sshrl.u32 s25, $0x1F;
	v8 =	vsel vm9, s31, v8;
	s31 =	rddreg [dreg:$0x1c];
	s0 =	sshra.s32 s17, $0x2  }
0xbe: {  	v6 =	vsel vm2, s11, v6;
	s11 =	sshra.s32 s25, $0x2;
	v9 =	vsel vm4, s26, v9;
	v8 =	vsel vm0, s21, v8;
	s25 =	sshrl.u32 s31, $0x1F;
	[smem:$0x7F6] =	sst s0  }
0xbf: {  	s13 =	sshrl.u32 s9, $0x1F;
	s23 =	sshra.s32 s20, $0x2;
	v8 =	vsel vm10, s19, v8;
	v9 =	vsel vm5, s25, v9;
	s25 =	rddreg [dreg:$0x15]  }
0xc0: {  	s19 =	sshrl.u32 s2, $0x1F;
	v8 =	vsel vm1, s23, v8;
	s23 =	sshra.s32 s2, $0x2;
	s2 =	rddreg [dreg:$0x17]  }
0xc1: {  	s20 =	sshra.s32 s20, $0x1F;
	v9 =	vsel vm6, s13, v9;
	s13 =	rddreg [dreg:$0x11]  }
0xc2: {  	s26 =	sshrl.u32 s25, $0x1F;
	v8 =	vsel vm11, s20, v8;
	s20 =	sshrl.u32 s17, $0x1F;
	s17 =	rddreg [dreg:$0x16]  }
0xc3: {  	[smem:$0x7F4] =	sst s26  }
0xc4: {  	s26 =	sld [smem:$0x7EF]  }
0xc5: {  	[smem:$0x7F3] =	sst s20  }
0xc6: {  	s22 =	sshra.s32 s9, $0x2;
	s21 =	sshra.s32 s9, $0x1F;
	v8 =	vsel vm2, s1, v8;
	s1 =	rddreg [dreg:$0x18]  }
0xc7: {  	s9 =	sshrl.u32 s1, $0x1F;
	s0 =	sshra.s32 s1, $0x2;
	s1 =	rddreg [dreg:$0x14]  }
0xc8: {  	[smem:$0x7F5] =	sst s0  }
0xc9: {  	s20 =	sshrl.u32 s2, $0x1F;
	v8 =	vsel vm12, s28, v8;
	s0 =	sshra.s32 s2, $0x2;
	s2 =	rddreg [dreg:$0x13]  }
0xca: {  	v8 =	vsel vm4, s11, v8;
	s11 =	sld [smem:$0x7ED]  }
0xcb: {  	[smem:$0x7F8] =	sst s0  }
0xcc: {  	s28 =	sshrl.u32 s17, $0x1F;
	s0 =	sshra.s32 s17, $0x2;
	s17 =	sld [smem:$0x7EE]  }
0xcd: {  	s30 =	sshra.s32 s31, $0x2;
	v8 =	vsel vm13, s29, v8;
	[smem:$0x7F9] =	sst s0  }
0xce: {  	s0 =	sshra.s32 s25, $0x2;
	v8 =	vsel vm5, s30, v8;
	s30 =	sld [smem:$0x7F0]  }
0xcf: {  	(v2sf) =	vpush v5, $0xA;
	[smem:$0x7FB] =	sst s0  }
0xd0: {  	s0 =	sshra.s32 s1, $0x2;
	v10 =	vmov s11;
	s11 =	rddreg [dreg:$0x10]  }
0xd1: {  	(v2sf) =	vpush v5, $0xB;
	[smem:$0x7FA] =	sst s0  }
0xd2: {  	s0 =	sshra.s32 s2, $0x2;
	v10 =	vsel vm0, s26, v10;
	s26 =	rddreg [dreg:$0xf]  }
0xd3: {  	(v2sf) =	vpush v5, $0x0;
	s31 =	sshra.s32 s31, $0x1F;
	[smem:$0x7FC] =	sst s0  }
0xd4: {  	v11 =	vmov s18;
	v9 =	vsel vm7, s19, v9;
	s19 =	sshrl.u32 s13, $0x1F;
	v8 =	vsel vm14, s31, v8;
	s0 =	sshra.s32 s13, $0x2;
	s13 =	sld [smem:$0x7F1]  }
0xd5: {  	(v2sf) =	vpush v5, $0x1;
	v8 =	vsel vm6, s22, v8;
	v11 =	vsel vm0, s30, v11;
	s30 =	sld [smem:$0x7F2]  }
0xd6: {  	(v2sf) =	vpush v5, $0x2;
	s25 =	sshrl.u32 s1, $0x1F;
	s1 =	sshrl.u32 s17, $0x1F;
	v8 =	vsel vm15, s21, v8;
	[dreg:$0x19] =	wrdreg s0  }
0xd7: {  	v14 =	vmov s1;
	v8 =	vsel vm7, s23, v8;
	s23 =	sld [smem:$0x7F3]  }
0xd8: {  	s31 =	sshrl.u32 s11, $0x1F;
	s0 =	rddreg [dreg:$0xd];
	v14 =	vnsel vm3, $0x0, v14  }
0xd9: {  	(v2sf) =	vpush v5, $0x3;
	s29 =	sshrl.u32 s2, $0x1F;
	s22 =	sshra.s32 s11, $0x2;
	v14 =	vsel vm0, s31, v14;
	s31 =	sld [smem:$0x7F4]  }
0xda: {  	(v2sf) =	vpush v5, $0x4;
	v10 =	vsel vm1, s7, v10;
	s7 =	sshrl.u32 s26, $0x1F;
	s21 =	sshra.s32 s26, $0x2;
	v11 =	vsel vm1, s13, v11;
	s13 =	rddreg [dreg:$0xe]  }
0xdb: {  	(v2sf) =	vpush v5, $0x5;
	v10 =	vsel vm2, s8, v10;
	s8 =	sshra.s32 s26, $0x1F;
	s26 =	sshra.s32 s0, $0x2;
	v11 =	vsel vm2, s30, v11;
	s30 =	rddreg [dreg:$0x12]  }
0xdc: {  	(v2sf) =	vpush v5, $0x6;
	s2 =	sshra.s32 s11, $0x1F;
	[smem:$0x7F7] =	sst s26;
	s11 =	sshra.s32 s30, $0x1F  }
0xdd: {  	(v2sf) =	vpush v5, $0x7;
	v12 =	vmov s9;
	s18 =	sshra.s32 s17, $0x2;
	s17 =	sshra.s32 s17, $0x1F;
	s26 =	rddreg [dreg:$0xc];
	v13 =	vmov s11  }
0xde: {  	v14 =	vsel vm1, s7, v14;
	s9 =	sshrl.u32 s13, $0x1F;
	v12 =	vsel vm0, s23, v12;
	s23 =	sshrl.u32 s0, $0x1F;
	v13 =	vsel vm3, s18, v13;
	s18 =	spop (v2sf)  }
0xdf: {  	v14 =	vsel vm2, s9, v14;
	s9 =	sld [smem:$0x7F5];
	v13 =	vsel vm9, s17, v13;
	s1 =	smulhi.u32 $0x2AAAAAAB, s18;
	s18 =	sshra.s32 s18, $0x1F  }
0xe0: {  	v12 =	vsel vm1, s20, v12;
	s11 =	sshra.s32 s13, $0x2;
	s20 =	spop (v2sf);
	v13 =	vsel vm0, s22, v13;
	s18 =	smul.u32 $0x2AAAAAAB, s18  }
0xe1: {  	v12 =	vsel vm2, s28, v12;
	s28 =	sshra.s32 s26, $0x2;
	s7 =	smulhi.u32 $0x2AAAAAAB, s20;
	s20 =	sshra.s32 s20, $0x1F;
	v13 =	vsel vm10, s2, v13  }
0xe2: {  	v15 =	vmov s25;
	v14 =	vsel vm4, s23, v14;
	s22 =	sshrl.u32 s26, $0x1F;
	s25 =	spop (v2sf);
	s20 =	smul.u32 $0x2AAAAAAB, s20;
	v13 =	vsel vm1, s21, v13  }
0xe3: {  	s2 =	sshra.s32 s26, $0x1F;
	v14 =	vsel vm5, s22, v14;
	s22 =	smulhi.u32 $0x2AAAAAAB, s25;
	v13 =	vsel vm11, s8, v13;
	s8 =	rddreg [dreg:$0xb]  }
0xe4: {  	s21 =	spop (v2sf);
	s7 =	sadd.s32 s20, s7;
	s20 =	rddreg [dreg:$0x19]  }
0xe5: {  	v15 =	vsel vm0, s31, v15;
	s26 =	spop (v2sf);
	v13 =	vsel vm2, s11, v13;
	s11 =	sshra.s32 s25, $0x1F;
	s25 =	sld [smem:$0x7F6]  }
0xe6: {  	v15 =	vsel vm1, s29, v15;
	s31 =	sshrl.u32 s8, $0x1F;
	s29 =	sshra.s32 s8, $0x2;
	[smem:$0x7FD] =	sst s7  }
0xe7: {  	v15 =	vsel vm2, s19, v15;
	s19 =	sshra.s32 s8, $0x1F;
	s8 =	sshrl.u32 s30, $0x1F;
	v14 =	vsel vm6, s31, v14;
	s31 =	sld [smem:$0x7F7]  }
0xe8: {  	s13 =	sshra.s32 s13, $0x1F;
	v16 =	vmov s9;
	s23 =	spop (v2sf);
	v14 =	vsel vm7, s8, v14;
	s8 =	sld [smem:$0x7FA]  }
0xe9: {  	v13 =	vsel vm12, s13, v13;
	s13 =	spop (v2sf);
	v16 =	vsel vm0, s25, v16;
	s25 =	sld [smem:$0x7F8]  }
0xea: {  	s17 =	sshra.s32 s0, $0x1F;
	s11 =	smul.u32 $0x2AAAAAAB, s11;
	s9 =	spop (v2sf);
	v13 =	vsel vm4, s31, v13  }
0xeb: {  	s31 =	sld [smem:$0x7F9];
	v13 =	vsel vm13, s17, v13;
	s17 =	sshra.s32 s30, $0x2;
	s30 =	spop (v2sf)  }
0xec: {  	s0 =	sshra.s32 s21, $0x1F;
	v17 =	vmov s8;
	s8 =	rddreg [dreg:$0x8];
	v16 =	vsel vm1, s25, v16;
	s25 =	smulhi.u32 $0x2AAAAAAB, s21  }
0xed: {  	v13 =	vsel vm5, s28, v13;
	s28 =	sshrl.u32 s8, $0x1F;
	s8 =	rddreg [dreg:$0x5];
	s7 =	spop (v2sf)  }
0xee: {  	v16 =	vsel vm2, s31, v16;
	s31 =	rddreg [dreg:$0x6];
	v13 =	vsel vm14, s2, v13;
	s2 =	smul.u32 $0x2AAAAAAB, s0  }
0xef: {  	s11 =	sadd.s32 s11, s22;
	s0 =	sld [smem:$0x7FC];
	v43 =	vmov s28;
	s28 =	smulhi.u32 $0x2AAAAAAB, s23  }
0xf0: {  	s23 =	sshra.s32 s23, $0x1F;
	v13 =	vsel vm6, s29, v13;
	s29 =	smulhi.u32 $0x2AAAAAAB, s26;
	s26 =	sshra.s32 s26, $0x1F  }
0xf1: {  	v6 =	vcombine.low v7, v6;
	s21 =	sshrl.u32 s31, $0x1F;
	s31 =	sld [smem:$0x7FB];
	s26 =	smul.u32 $0x2AAAAAAB, s26  }
0xf2: {  	v10 =	vcombine.low v11, v10;
	s8 =	sshrl.u32 s8, $0x1F;
	v42 =	vsel vm15, s19, v13;
	s19 =	rddreg [dreg:$0xa];
	v13 =	vsel vm0, s21, v43;
	s21 =	smul.u32 $0x2AAAAAAB, s23  }
0xf3: {  	v6 =	vperm.xlane v6, v0;
	v9 =	vperm.xlane v9, v1;
	s2 =	sadd.s32 s2, s25;
	v11 =	vsel vm7, s17, v42;
	s17 =	smulhi.u32 $0x2AAAAAAB, s7;
	s7 =	sshra.s32 s7, $0x1F  }
0xf4: {  	v8 =	vperm.xlane v8, v1;
	v10 =	vperm.xlane v10, v0;
	s19 =	sshrl.u32 s19, $0x1F;
	v17 =	vsel vm0, s31, v17;
	s31 =	rddreg [dreg:$0x7];
	s7 =	smul.u32 $0x2AAAAAAB, s7  }
0xf5: {  	s31 =	sshrl.u32 s31, $0x1F;
	v41 =	vsel vm1, s0, v17;
	s0 =	sadd.s32 s18, s1;
	s18 =	rddreg [dreg:$0x9]  }
0xf6: {  	v6 =	vsel vm8, v9, v6;
	v8 =	vsel vm8, v8, v10;
	s1 =	sshrl.u32 s18, $0x1F;
	v7 =	vsel vm2, s20, v41;
	s22 =	sshrl.u32 s0, $0x1F;
	s20 =	smov.u32 s0  }
0xf7: {  	v12 =	vcombine.low v15, v12;
	v6 =	vadd.s32 v6, v8;
	s0 =	sshrl.u32 s11, $0x1F;
	s7 =	sadd.s32 s7, s17;
	s17 =	smulhi.u32 $0x2AAAAAAB, s13  }
0xf8: {  	v47 =	vmul.u32 $0xE8, v6;
	v45 =	vsel vm1, s31, v13;
	s13 =	sshra.s32 s13, $0x1F;
	s31 =	sadd.s32 s26, s29;
	s26 =	smulhi.u32 $0x2AAAAAAB, s30  }
0xf9: {  	v12 =	vperm.xlane v12, v0;
	v10 =	vsel vm2, s8, v45;
	s23 =	smul.u32 $0x2AAAAAAB, s13;
	s25 =	sshra.s32 s7, $0x1F;
	s8 =	sshra.s32 s11, $0x2  }
0xfa: {  	v4 =	vadd.s32 v4, v47;
	v44 =	vmov s1;
	v46 =	vmov s0;
	s11 =	sshra.s32 s11, $0x1F;
	s29 =	sshra.s32 s31, $0x2;
	s0 =	sshra.s32 s31, $0x1F  }
0xfb: {  	v49 =	vshll.u32 v4, $0x18;
	v9 =	vsel vm0, s19, v44;
	s19 =	sadd.s32 s21, s28;
	v48 =	vmov s25;
	s21 =	sshrl.u32 s31, $0x1F;
	s28 =	sshra.s32 s30, $0x1F  }
0xfc: {  	v14 =	vperm.xlane v14, v1;
	v9 =	vsel vm1, s22, v9;
	s22 =	sshrl.u32 s2, $0x1F;
	s1 =	sadd.s32 s23, s17;
	v13 =	vsel vm3, s8, v48;
	s23 =	sshra.s32 s2, $0x2  }
0xfd: {  	v7 =	vcombine.low v7, v16;
	v8 =	vnsel vm3, $0x0, v46;
	s2 =	sshra.s32 s2, $0x1F;
	s8 =	smul.u32 $0x2AAAAAAB, s28;
	s28 =	sshra.s32 s18, $0x2;
	v13 =	vsel vm9, s11, v13  }
0xfe: {  	v11 =	vperm.xlane v11, v1;
	s18 =	rddreg [dreg:$0x7];
	v8 =	vsel vm0, s22, v8;
	s22 =	smulhi.u32 $0x2AAAAAAB, s9;
	s9 =	sshra.s32 s9, $0x1F;
	v13 =	vsel vm0, s23, v13  }
0xff: {  	v7 =	vperm.xlane v7, v0;
	s25 =	sshrl.u32 s19, $0x1F;
	v8 =	vsel vm1, s21, v8;
	s9 =	smul.u32 $0x2AAAAAAB, s9;
	s21 =	sld [smem:$0x7FD];
	v13 =	vsel vm10, s2, v13  }
0x100: {  	v12 =	vsel vm8, v14, v12;
	s31 =	sshrl.u32 s1, $0x1F;
	v53 =	vmov s28;
	s11 =	sshra.s32 s1, $0x1F;
	s8 =	sadd.s32 s8, s26;
	v13 =	vsel vm1, s29, v13  }
0x101: {  	v7 =	vsel vm8, v11, v7;
	v11 =	vshra.s32 v49, $0x1F;
	s26 =	rddreg [dreg:$0x8];
	s9 =	sadd.s32 s9, s22;
	s22 =	sshra.s32 s19, $0x2;
	v50 =	vsel vm11, s0, v13  }
0x102: {  	v8 =	vsel vm2, s25, v8;
	v7 =	vadd.s32 v12, v7;
	s25 =	sshra.s32 s19, $0x1F;
	s2 =	sshra.s32 s26, $0x2;
	s30 =	sshrl.u32 s21, $0x1F;
	v12 =	vsel vm2, s22, v50  }
0x103: {  	s26 =	sshrl.u32 s8, $0x1F;
	v8 =	vsel vm4, s31, v8;
	s29 =	sshra.s32 s1, $0x2;
	s31 =	rddreg [dreg:$0xa];
	v9 =	vsel vm2, s30, v9;
	v51 =	vsel vm12, s25, v12  }
0x104: {  	v52 =	vmov s2;
	s23 =	sshrl.u32 s9, $0x1F;
	s2 =	sshra.s32 s31, $0x2;
	s30 =	rddreg [dreg:$0x6];
	v9 =	vcombine.low v9, v10;
	v10 =	vsel vm4, s29, v51  }
0x105: {  	s19 =	sshra.s32 s20, $0x2;
	s20 =	sshra.s32 s9, $0x2;
	v8 =	vsel vm5, s23, v8;
	v13 =	vsel vm0, s2, v53;
	s13 =	sshra.s32 s30, $0x2;
	v10 =	vsel vm13, s11, v10  }
0x106: {  	s1 =	sshra.s32 s18, $0x2;
	s22 =	rddreg [dreg:$0x5];
	v13 =	vsel vm1, s19, v13;
	s25 =	sshra.s32 s9, $0x1F;
	v12 =	vsel vm0, s13, v52;
	v10 =	vsel vm5, s20, v10  }
0x107: {  	s28 =	sshra.s32 s8, $0x2;
	s23 =	sshra.s32 s21, $0x2;
	v8 =	vsel vm6, s26, v8;
	v12 =	vsel vm1, s1, v12;
	s1 =	sshra.s32 s22, $0x2;
	v10 =	vsel vm14, s25, v10  }
0x108: {  	s30 =	sshra.s32 s8, $0x1F;
	v13 =	vsel vm2, s23, v13;
	s29 =	sshrl.u32 s7, $0x1F;
	v12 =	vsel vm2, s1, v12;
	v10 =	vsel vm6, s28, v10  }
0x109: {  	s31 =	sshra.s32 s7, $0x2;
	v8 =	vsel vm7, s29, v8;
	v12 =	vcombine.low v13, v12;
	v10 =	vsel vm15, s30, v10  }
0x10a: {  	v9 =	vperm.xlane v9, v0;
	v8 =	vperm.xlane v8, v1;
	v10 =	vsel vm7, s31, v10  }
0x10b: {  	v11 =	vand.u32 $0x7, v11;
	v12 =	vperm.xlane v12, v0;
	v10 =	vperm.xlane v10, v1  }
0x10c: {  	v6 =	vmul.u32 $0x180, v6;
	v54 =	vmul.u32 $0xE8, v7;
	v11 =	vadd.s32 v11, v4  }
0x10d: {  	v56 =	vshll.u32 v11, $0x18;
	v8 =	vsel vm8, v8, v9;
	v55 =	vsel vm8, v10, v12  }
0x10e: {  	v11 =	vand.u32 $0xF8, v11;
	v3 =	vadd.s32 v3, v54;
	v8 =	vadd.s32 v8, v55  }
0x10f: {  	v4 =	vsub.s32 v4, v11;
	v57 =	vshll.u32 v3, $0x18;
	v58 =	vmul.u32 $0xE8, v8  }
0x110: {  	v7 =	vmul.u32 $0x180, v7;
	v4 =	vshll.u32 v4, $0x18;
	v9 =	vshra.s32 v57, $0x1F  }
0x111: {  	v4 =	vshra.s32 v4, $0x18;
	v9 =	vand.u32 $0x7, v9;
	v5 =	vadd.s32 v5, v58  }
0x112: {  	v4 =	vadd.s32 v4, v6;
	v9 =	vadd.s32 v9, v3;
	v11 =	vshll.u32 v5, $0x18  }
0x113: {  	v59 =	vand.u32 $0xF8, v9;
	v9 =	vshll.u32 v9, $0x18;
	v11 =	vshra.s32 v11, $0x1F  }
0x114: {  	v3 =	vsub.s32 v3, v59;
	v62 =	vshra.s32 v9, $0x1B;
	v60 =	vand.u32 $0x7, v11  }
0x115: {  	v10 =	vshra.s32 v56, $0x1B;
	v3 =	vshll.u32 v3, $0x18;
	v6 =	vadd.s32 v60, v5  }
0x116: {  	v10 =	vshll.u32 v10, $0x6;
	v3 =	vshra.s32 v3, $0x18;
	v61 =	vand.u32 $0xF8, v6  }
0x117: {  	v4 =	vadd.s32 v10, v4;
	v3 =	vadd.s32 v3, v7;
	v5 =	vsub.s32 v5, v61  }
0x118: {  	v8 =	vmul.u32 $0x180, v8;
	v6 =	vshll.u32 v6, $0x18;
	v5 =	vshll.u32 v5, $0x18  }
0x119: {  	v7 =	vshll.u32 v62, $0x6;
	v6 =	vshra.s32 v6, $0x1B;
	v5 =	vshra.s32 v5, $0x18  }
0x11a: {  	[tilespmem:$0x30] =	vst v4;
	v3 =	vadd.s32 v7, v3;
	v63 =	vshll.u32 v6, $0x6;
	v5 =	vadd.s32 v5, v8  }
0x11b: {  	[tilespmem:$0x40] =	vst v3;
	v3 =	vadd.s32 v63, v5  }
0x11c: {  	s17 =	simm.s32 $0x60;
	s18 =	simm.s32 $0x660;
	s0 =	simm.s32 $0x0;
	[tilespmem:$0x50] =	vst v3  }
.LBB2_2:
0x11d: {  	p0 =	seq.s32 s0, $0x0  }
0x11e: {  	s2 =	simm.s32 @!p0 $0x3  }
0x11f: {  	s1 =	sshll.u32 s0, $0x1;
	_ =	swait.ge @!p0 [sflag:s2], $0x6000  }
0x120: {  	s7 =	sadd.s32 s6, s1;
	[sflag:s2] =	ssyncset.done @!p0 $0x0  }
0x121: {  	s26 =	sand.u32 $0x30, s7;
	[sflag:s2] =	ssyncadd.s32 @!p0 $0xFFFFA000  }
0x122: {  	v3 =	vld [tilespmem:s26+$0x30];
	_ =	sdelay $0x2  }
0x123: {  	s28 =	sand.u32 $0xE, s7  }
0x124: {  	v4 =	vmov s28  }
0x125: {  	v3 =	vperm.xlane v3, v4;
	_ =	sdelay $0x1  }
0x126: {  	s29 =	simm.s32 $0x4800;
	v3 =	vadd.s32 v2, v3  }
0x127: {  	s8 =	simm.s32 $0x0;
	s7 =	simm.s32 $0x80;
	v4 =	vadd.s32 s29, v3  }
0x128: {  	s30 =	simm.s32 $0x2400;
	v5 =	vadd.s32 s8, v3;
	[tilespmem:s7+$0x0] =	vst v4  }
0x129: {  	s31 =	simm.s32 $0x6C00;
	[tilespmem:s7+$0xFFFFFFE0] =	vst v5;
	v4 =	vadd.s32 s30, v3  }
0x12a: {  	[tilespmem:s7+$0xFFFFFFF0] =	vst v4;
	v4 =	vadd.s32 s31, v3  }
0x12b: {  	s8 =	simm.s32 $0xFC00;
	[tilespmem:s7+$0x10] =	vst v4  }
.LBB2_3:
0x12c: {  	s2 =	sadd.s32 $0xFFFFDC00, s8  }
0x12d: {  	p1 =	sne.s32 s8, $0xD5C00;
	s9 =	smov.u32 s8;
	s8 =	sadd.s32 $0x9000, s8  }
.Ltmp0:
0x12e: {  	s7 =	sadd.s32 $0x40, s7;
	s11 =	sadd.s32 $0xFFFF9400, s9;
	v4 =	vadd.s32 s2, v3;
	(pc) =	sbr.rel @p1 .LBB2_3-.Ltmp0, $4  }
0x12f: {  	s2 =	sadd.s32 $0xFFFFB800, s9;
	v5 =	vadd.s32 s11, v3;
	[tilespmem:s7+$0x0] =	vst v4  }
0x130: {  	v4 =	vadd.s32 s2, v3;
	[tilespmem:s7+$0xFFFFFFE0] =	vst v5  }
0x131: {  	[tilespmem:s7+$0xFFFFFFF0] =	vst v4;
	v4 =	vadd.s32 s9, v3  }
0x132: {  	[tilespmem:s7+$0x10] =	vst v4  }
0x133: {  	[tilespmem:s12], [sflag:$0x1] =	stream.indirect.gather [hbm4b:s4+s10], $0x10, s17, s10, $0xb8;
	[tilespmem:$0xCC60] =	vst v63  }
0x134: {  	s2 =	simm.s32 @!p0 $0x4  }
0x135: {  	s7 =	sor.u32 $0x1, s1;
	_ =	swait.ge @!p0 [sflag:s2], $0x6000  }
0x136: {  	s8 =	sadd.s32 s6, s7;
	[sflag:s2] =	ssyncset.done @!p0 $0x0  }
0x137: {  	s28 =	sand.u32 $0x30, s8;
	[sflag:s2] =	ssyncadd.s32 @!p0 $0xFFFFA000  }
0x138: {  	v3 =	vld [tilespmem:s28+$0x30];
	_ =	sdelay $0x3  }
0x139: {  	v4 =	vmov s8  }
0x13a: {  	v3 =	vperm.xlane v3, v4;
	_ =	sdelay $0x1  }
0x13b: {  	s29 =	simm.s32 $0x4800;
	v3 =	vadd.s32 v2, v3  }
0x13c: {  	s9 =	simm.s32 $0x0;
	s8 =	simm.s32 $0x690;
	v4 =	vadd.s32 s29, v3  }
0x13d: {  	s30 =	simm.s32 $0x2400;
	v5 =	vadd.s32 s9, v3;
	[tilespmem:s8+$0xFFFFFFF0] =	vst v4  }
0x13e: {  	s31 =	simm.s32 $0x6C00;
	[tilespmem:s8+$0xFFFFFFD0] =	vst v5;
	v4 =	vadd.s32 s30, v3  }
0x13f: {  	[tilespmem:s8+$0xFFFFFFE0] =	vst v4;
	v4 =	vadd.s32 s31, v3  }
0x140: {  	s9 =	simm.s32 $0xFC00;
	[tilespmem:s8+$0x0] =	vst v4  }
.LBB2_5:
0x141: {  	s2 =	sadd.s32 $0xFFFFDC00, s9  }
0x142: {  	p0 =	sne.s32 s9, $0xD5C00;
	s11 =	smov.u32 s9;
	s9 =	sadd.s32 $0x9000, s9  }
.Ltmp1:
0x143: {  	s8 =	sadd.s32 $0x40, s8;
	s13 =	sadd.s32 $0xFFFF9400, s11;
	v4 =	vadd.s32 s2, v3;
	(pc) =	sbr.rel @p0 .LBB2_5-.Ltmp1, $4  }
0x144: {  	s2 =	sadd.s32 $0xFFFFB800, s11;
	v5 =	vadd.s32 s13, v3;
	[tilespmem:s8+$0xFFFFFFF0] =	vst v4  }
0x145: {  	v4 =	vadd.s32 s2, v3;
	[tilespmem:s8+$0xFFFFFFD0] =	vst v5  }
0x146: {  	[tilespmem:s8+$0xFFFFFFE0] =	vst v4;
	v4 =	vadd.s32 s11, v3  }
0x147: {  	[tilespmem:s8+$0x0] =	vst v4  }
0x148: {  	[tilespmem:s14], [sflag:$0x2] =	stream.indirect.gather [hbm4b:s4+s10], $0x10, s18, s10, $0xb8;
	[tilespmem:$0xCC60] =	vst v63  }
0x149: {  	s1 =	sadd.s32 s3, s1  }
0x14a: {  	_ =	swait.ge [sflag:s15], $0x6000;
	s1 =	smul.u32 $0xC00, s1  }
0x14b: {  	s0 =	sadd.s32 $0x1, s0;
	[sflag:s15] =	ssyncset.done $0x0  }
0x14c: {  	p0 =	sne.s32 s0, $0x9;
	[sflag:s15] =	ssyncadd.s32 $0xFFFFA000;
	s1 =	sadd.s32 s5, s1  }
0x14d: {  	[hbm4b:s1+s24] =	stream.linear.scatter [tilespmem:s12], [sflag:$0x3], $0x6000, $0x38;
	[tilespmem:$0xCC60] =	vst v63  }
.Ltmp2:
0x14e: {  	s31 =	sadd.s32 s3, s7;
	(pc) =	sbr.rel @p0 .LBB2_2-.Ltmp2, $4  }
0x14f: {  	s1 =	smul.u32 $0xC00, s31;
	_ =	swait.ge [sflag:s16], $0x6000  }
0x150: {  	[sflag:s16] =	ssyncset.done $0x0  }
0x151: {  	s1 =	sadd.s32 s5, s1;
	[sflag:s16] =	ssyncadd.s32 $0xFFFFA000  }
0x152: {  	[hbm4b:s1+s24] =	stream.linear.scatter [tilespmem:s14], [sflag:$0x4], $0x6000, $0x38;
	[tilespmem:$0xCC60] =	vst v63  }
0x153: {  	s0 =	simm.s32 $0x3  }
0x154: {  	_ =	swait.ge [sflag:s0], $0x6000  }
0x155: {  	[sflag:s0] =	ssyncset.done $0x0  }
0x156: {  	s1 =	simm.s32 $0x4;
	[sflag:s0] =	ssyncadd.s32 $0xFFFFA000  }
0x157: {  	_ =	swait.ge [sflag:s1], $0x6000  }
0x158: {  	s2 =	rddreg [dreg:$0x4]  }
0x159: {  	s31 =	rddreg [dreg:$0x3];
	s2 =	sadd.s32 $0x1, s2  }
0x15a: {  	p0 =	sne.s32 s2, s31  }
.Ltmp3:
0x15b: {  	_ = 	snop;
	(pc) =	sbr.rel @p0 .LBB2_1-.Ltmp3, $3  }
0x15c: {  	_ =	sdelay $0x1  }
0x15d: {  	[sflag:s1] =	ssyncset.done $0x0  }
0x15e: {  	[sflag:s1] =	ssyncadd.s32 $0xFFFFA000  }
0x15f: {  	_ =	sfence.sel $0x180000  }
0x160: {  	[bflag:$0x0] =	sbarrier.arrive $0xFFFF  }
0x161: {  	_ =	strace $0x90000050  }
0x162: {  	s0 =	stileid.u32;
	[bflag:$0x2] =	sbarrier.arrive $0xFFFF  }
0x163: {  	p0 =	sne.s32 s0, $0x0;
	s0 =	rddreg [dreg:$0x1]  }
0x164: {  	s0 =	sadd.s32 @!p0 $0x100000, s0  }
0x165: {  	[sflag:s0] =	ssyncadd.tile.s32 @!p0 $0x1;
	_ =	shalt  }
.Lfunc_end2:
_tile_overlayer_lowered:
.L_overlay_start_2:
0x166: {  	(tag) =	ssettag $0x2  }
0x167: {  	s0 =	rddreg [dreg:$0x0];
	s2 =	stileid.u32  }
0x168: {  	s1 =	rddreg [dreg:$0x1];
	p0 =	sne.s32 s2, $0x0  }
0x169: {  	s3 =	rddreg [dreg:$0x2];
	[bflag:$0x3] =	sbarrier.arrive $0xFFFF;
	s2 =	simm.s32 @!p0 $0x1C05  }
0x16a: {  	[timem:s3], [sflag:s2] =	dma.local @!p0 [hbm:s0], s1  }
0x16b: {  	s0 =	simm.s32 @!p0 $0x5  }
0x16c: {  	_ =	swait.ge @!p0 [sflag:s0], s1  }
0x16d: {  	s1 =	ssub.s32 @!p0 $0x0, s1;
	[sflag:s0] =	ssyncset.done @!p0 $0x0  }
0x16e: {  	[sflag:s0] =	ssyncadd.s32 @!p0 s1  }
0x16f: {  	[bflag:$0x3] =	sbarrier.arrive $0xFFFF  }
0x170: {  	_ =	shalt  }

// kernel: kernel.6.cloned.1.call-start
scs
__scs_entry_jumppad:
0x0: {  	(pc) =	sbr.rel $0x88, $3  }
0x1: {  	(tag) =	ssettag $0x0;
	lr =	simm.s32 $0x1  }
0x2: {  	[smem:$0x3F9F] =	sst lr;
	_ =	strace $0xD0000000  }
0x3: {  	_ = 	snop  }
0x4: {  	_ = 	snop  }
0x5: {  	_ = 	snop  }
0x6: {  	_ = 	snop  }
0x7: {  	_ = 	snop  }
__scs_overlays_trampoline_lowered:
0x8: {  	[smem:$0x3FAE] =	sst s0  }
0x9: {  	[smem:$0x3FAF] =	sst s1  }
0xa: {  	[smem:$0x3FB0] =	sst s2  }
0xb: {  	[smem:$0x3FB1] =	sst s3  }
0xc: {  	[smem:$0x3FB2] =	sst s4  }
0xd: {  	[smem:$0x3FB3] =	sst s5  }
0xe: {  	[smem:$0x3FB4] =	sst s6  }
0xf: {  	[smem:$0x3FB5] =	sst s7  }
0x10: {  	[smem:$0x3FB6] =	sst s8  }
0x11: {  	[smem:$0x3FB7] =	sst s9;
	s0 =	simm.s32 @!p0 $0x0  }
0x12: {  	s1 =	sld [smem:$0x3F9D];
	s0 =	simm.s32 @p0 $0x1  }
0x13: {  	[smem:$0x3FB8] =	sst s0;
	s0 =	simm.s32 @!p1 $0x0  }
0x14: {  	s2 =	sld [smem:$0x3F9C];
	s0 =	simm.s32 @p1 $0x1  }
0x15: {  	[smem:$0x3FB9] =	sst s0;
	s0 =	simm.s32 @!p2 $0x0  }
0x16: {  	s3 =	sld [smem:$0x3FDB];
	s0 =	simm.s32 @p2 $0x1  }
0x17: {  	s4 =	simm.s32 $0x1BF5;
	[smem:$0x3FBB] =	sst s0  }
0x18: {  	s0 =	sld [smem:$0x3F9E];
	_ =	swait.ge [sflag:s4], $0x0  }
0x19: {  	s7 =	sld [smem:$0x3F9F]  }
0x1a: {  	s8 =	sadd.s32 $0xFFFFE003, lr  }
0x1b: {  	s9 =	sadd.s32 $0xFFFFFEF7, lr;
	s5 =	simm.s32 $0xFFFFFFFF;
	p2 =	slt.u32 s8, $0xFFFFF086  }
0x1c: {  	p1 =	slt.u32 s9, $0xF7A;
	s5 =	simm.s32 @!p2 $0x0  }
0x1d: {  	s5 =	simm.s32 @p1 $0x1;
	p0 =	seq.s32 s7, s2  }
0x1e: {  	s7 =	smul.u32 @!p0 $0xF7A, s2;
	p2 =	seq.s32 @!p0 s5, $0x0  }
0x1f: {  	s9 =	smul.u32 $0xF7A, s1;
	s8 =	simm.s32 @!p0 $0x1BF5;
	p2 =	por !p2, p0  }
0x20: {  	[sflag:s8] =	ssyncset.s32 @!p0 $0xFFFFF086;
	s6 =	sadd.s32 @!p0 s3, s7;
	s7 =	simm.s32 @!p0 $0x108  }
0x21: {  	s3 =	sadd.s32 s3, s9;
	s6 =	sadd.s32 @!p0 $0x88, s6;
	s7 =	simm.s32 @p2 $0x1082  }
0x22: {  	[simem:s7], [sflag:s8] =	dma.local @!p0 [hbm:s6], $0xF7A  }
0x23: {  	s9 =	sor.u32 $0xD0000000, s2;
	s6 =	simm.s32 $0x108;
	_ =	swait.ge @!p0 [sflag:s8], $0x0  }
0x24: {  	s3 =	sadd.s32 $0x88, s3;
	s6 =	simm.s32 @!p1 $0x1082;
	[sflag:s4] =	ssyncset.s32 $0xFFFFF086  }
0x25: {  	[simem:s6], [sflag:s4] =	dma.local [hbm:s3], $0xF7A  }
0x26: {  	[smem:$0x3F9F] =	sst s1;
	(tag) =	ssettag s2;
	_ =	strace s9  }
0x27: {  	s1 =	sld [smem:$0x3FAF]  }
0x28: {  	s2 =	sld [smem:$0x3FB0]  }
0x29: {  	s4 =	sld [smem:$0x3FB2]  }
0x2a: {  	p0 =	seq.s32 s5, $0x0;
	s5 =	sld [smem:$0x3FB3]  }
0x2b: {  	s6 =	sld [smem:$0x3FB4]  }
0x2c: {  	s7 =	sld [smem:$0x3FB5]  }
0x2d: {  	s3 =	simm.s32 $0x108;
	s8 =	sld [smem:$0x3FB6]  }
0x2e: {  	s3 =	simm.s32 @!p0 $0x1082;
	s9 =	sld [smem:$0x3FB7]  }
0x2f: {  	lr =	sadd.s32 s0, s3;
	s0 =	sld [smem:$0x3FAE]  }
0x30: {  	s3 =	sld [smem:$0x3FB1]  }
0x31: {  	[smem:$0x3FBA] =	sst s10  }
0x32: {  	s10 =	sld [smem:$0x3FB8];
	_ =	sdelay $0x3  }
0x33: {  	p0 =	seq.s32 s10, $0x1;
	s10 =	sld [smem:$0x3FBA];
	_ =	sdelay $0x3  }
0x34: {  	[smem:$0x3FBA] =	sst s10  }
0x35: {  	s10 =	sld [smem:$0x3FB9];
	_ =	sdelay $0x3  }
0x36: {  	p1 =	seq.s32 s10, $0x1;
	s10 =	sld [smem:$0x3FBA];
	_ =	sdelay $0x3  }
0x37: {  	[smem:$0x3FBA] =	sst s10  }
0x38: {  	s10 =	sld [smem:$0x3FBB]  }
0x39: {  	_ = 	snop;
	(pc) =	sbr.ind lr, $3  }
0x3a: {  	_ = 	snop  }
0x3b: {  	_ = 	snop  }
0x3c: {  	p2 =	seq.s32 s10, $0x1;
	s10 =	sld [smem:$0x3FBA]  }
0x3d: {  	_ =	shalt  }
0x3e: {  	_ =	shalt  }
0x3f: {  	_ =	shalt  }
0x40: {  	_ =	shalt  }
0x41: {  	_ =	shalt  }
0x42: {  	_ =	shalt  }
0x43: {  	_ =	shalt  }
0x44: {  	_ =	shalt  }
0x45: {  	_ =	shalt  }
0x46: {  	_ =	shalt  }
0x47: {  	_ =	shalt  }
0x48: {  	_ =	shalt  }
0x49: {  	_ =	shalt  }
0x4a: {  	_ =	shalt  }
0x4b: {  	_ =	shalt  }
0x4c: {  	_ =	shalt  }
0x4d: {  	_ =	shalt  }
0x4e: {  	_ =	shalt  }
0x4f: {  	_ =	shalt  }
0x50: {  	_ =	shalt  }
0x51: {  	_ =	shalt  }
0x52: {  	_ =	shalt  }
0x53: {  	_ =	shalt  }
0x54: {  	_ =	shalt  }
0x55: {  	_ =	shalt  }
0x56: {  	_ =	shalt  }
0x57: {  	_ =	shalt  }
0x58: {  	_ =	shalt  }
0x59: {  	_ =	shalt  }
0x5a: {  	_ =	shalt  }
0x5b: {  	_ =	shalt  }
0x5c: {  	_ =	shalt  }
0x5d: {  	_ =	shalt  }
0x5e: {  	_ =	shalt  }
0x5f: {  	_ =	shalt  }
0x60: {  	_ =	shalt  }
0x61: {  	_ =	shalt  }
0x62: {  	_ =	shalt  }
0x63: {  	_ =	shalt  }
0x64: {  	_ =	shalt  }
0x65: {  	_ =	shalt  }
0x66: {  	_ =	shalt  }
0x67: {  	_ =	shalt  }
0x68: {  	_ =	shalt  }
0x69: {  	_ =	shalt  }
0x6a: {  	_ =	shalt  }
0x6b: {  	_ =	shalt  }
0x6c: {  	_ =	shalt  }
0x6d: {  	_ =	shalt  }
0x6e: {  	_ =	shalt  }
0x6f: {  	_ =	shalt  }
0x70: {  	_ =	shalt  }
0x71: {  	_ =	shalt  }
0x72: {  	_ =	shalt  }
0x73: {  	_ =	shalt  }
0x74: {  	_ =	shalt  }
0x75: {  	_ =	shalt  }
0x76: {  	_ =	shalt  }
0x77: {  	_ =	shalt  }
0x78: {  	_ =	shalt  }
0x79: {  	_ =	shalt  }
0x7a: {  	_ =	shalt  }
0x7b: {  	_ =	shalt  }
0x7c: {  	_ =	shalt  }
0x7d: {  	_ =	shalt  }
0x7e: {  	_ =	shalt  }
0x7f: {  	_ =	shalt  }
0x80: {  	_ =	shalt  }
0x81: {  	_ =	shalt  }
0x82: {  	_ =	shalt  }
0x83: {  	_ =	shalt  }
0x84: {  	_ =	shalt  }
0x85: {  	_ =	shalt  }
0x86: {  	_ =	shalt  }
0x87: {  	_ =	shalt  }
.Lfunc_end0:
.L_simem_size_0:
called_computation.4_lowered:
.L_overlay_start_0:
0x88: {  	s2 =	sld [smem:$0x3FD9]  }
0x89: {  	s3 =	sld [smem:$0x3FFE];
	_ =	sdelay $0x1  }
0x8a: {  	s1 =	srdreg.scid  }
0x8b: {  	s0 =	sand.u32 $0x1, s1  }
0x8c: {  	s17 =	sshll.u32 s0, $0xA;
	s2 =	sadd.s32 s3, s2  }
0x8d: {  	s2 =	sadd.s32 s2, s17  }
0x8e: {  	[smem:$0x3FC6] =	sst s2  }
0x8f: {  	_ = 	snop  }
0x90: {  	s18 =	sld [smem:$0x3FD0];
	(tm) =	ssettm $0x1  }
0x91: {  	s19 =	sld [smem:$0x3FFB];
	_ =	sdelay $0x3  }
0x92: {  	_ =	strace s19  }
0x93: {  	s2 =	sld [smem:$0x3FFC];
	_ =	sdelay $0x3  }
0x94: {  	_ =	strace s2  }
0x95: {  	s2 =	sld [smem:$0x3FFD];
	_ =	sdelay $0x3  }
0x96: {  	_ =	strace s2  }
0x97: {  	_ =	strace $0x8FFFFFFF  }
0x98: {  	s20 =	sld [smem:$0x3FDB];
	_ =	sdelay $0x1  }
0x99: {  	s4 =	simm.s32 $_scs_section_size  }
0x9a: {  	s5 =	simm.s32 $_size__tile_overlayer_lowered;
	s6 =	simm.s32 $_tile_overlayer_lowered  }
0x9b: {  	s7 =	simm.s32 $0x1BFF;
	s21 =	sshll.u32 s6, $0x1;
	s4 =	sadd.s32 s4, s20  }
0x9c: {  	s22 =	simm.s32 $0x0;
	s5 =	sshll.u32 s5, $0x1;
	s6 =	sadd.s32 s21, s4  }
0x9d: {  	[timem:s22], [sflag:s7] =	dma.local [hbm:s6], s5  }
0x9e: {  	_ =	swait.ge [sflag:s7], s5  }
0x9f: {  	s5 =	ssub.s32 $0x0, s5;
	[sflag:s7] =	ssyncset.done $0x0  }
0xa0: {  	[sflag:s7] =	ssyncadd.s32 s5;
	_ =	sdelay $0x1  }
0xa1: {  	s23 =	simm.s32 $0x1B8B  }
0xa2: {  	_ =	swait.ge [sflag:s23], $0x1  }
0xa3: {  	[sflag:s23] =	ssyncset.done $0x0  }
0xa4: {  	[sflag:s23] =	ssyncadd.s32 $0xFFFFFFFF  }
0xa5: {  	s5 =	sld [smem:$0x0]  }
0xa6: {  	s6 =	sand.u32 $0xFFFFFFFE, s1  }
0xa7: {  	p0 =	sne.s32 s1, s6  }
0xa8: {  	s6 =	sshll.u32 @p0 s6, $0xE  }
0xa9: {  	s6 =	sadd.s32 @p0 $0x11B8D, s6;
	s7 =	sshll.u32 @p0 s5, $0x11  }
0xaa: {  	s6 =	sor.u32 @p0 s7, s6  }
0xab: {  	[sflag:s6] =	ssyncadd.remote.s32 @p0 $0x1;
	_ =	sdelay $0x1  }
0xac: {  	s6 =	simm.s32 @p0 $0x1B8D  }
0xad: {  	_ =	swait.eq @p0 [sflag:s6], $0x1  }
0xae: {  	[sflag:s6] =	ssyncadd.s32 @p0 $0xFFFFFFFF  }
0xaf: {  	s7 =	sshll.u32 @!p0 s1, $0xE  }
0xb0: {  	s7 =	sor.u32 @!p0 $0x4000, s7;
	s6 =	simm.s32 @!p0 $0x1B8D  }
0xb1: {  	s5 =	sshll.u32 @!p0 s5, $0x11;
	s7 =	sadd.s32 @!p0 $0x11B8D, s7;
	_ =	swait.eq @!p0 [sflag:s6], $0x1  }
0xb2: {  	s5 =	sor.u32 @!p0 s5, s7;
	[sflag:s6] =	ssyncadd.s32 @!p0 $0xFFFFFFFF  }
0xb3: {  	s25 =	simm.s32 $0x1B8E;
	s24 =	sld [smem:$0x3FFE];
	[sflag:s5] =	ssyncadd.remote.s32 @!p0 $0x1  }
0xb4: {  	s26 =	simm.s32 $execute0_lowered;
	[smem:$0x3FD2] =	sst s25  }
0xb5: {  	s6 =	sshll.u32 s26, $0x1;
	_ =	strace $0x8000004C;
	[dreg:$0x1] =	wrdreg $0xFFFFFFFF  }
0xb6: {  	s28 =	simm.s32 $_size_execute0_lowered;
	s4 =	sadd.s32 s4, s6;
	[dreg:$0x0] =	wrdreg $0x0  }
0xb7: {  	s6 =	sshll.u32 s28, $0x1;
	[dreg:$0x2] =	wrdreg s4  }
0xb8: {  	[dreg:$0x3] =	wrdreg s6  }
0xb9: {  	[dreg:$0x4] =	wrdreg $0xC0  }
0xba: {  	_ =	task [dreg:s22], $0x5FFFF  }
0xbb: {  	[dreg:$0x1] =	wrdreg $0xFFFFFFFF  }
0xbc: {  	[dreg:$0x0] =	wrdreg $0x60  }
0xbd: {  	[dreg:$0x2] =	wrdreg s18  }
0xbe: {  	[dreg:$0x3] =	wrdreg s24  }
0xbf: {  	[dreg:$0x4] =	wrdreg $0xC  }
0xc0: {  	_ =	task.clear_ibuf [dreg:s22], $0x5FFFF;
	_ =	strace $0x9000004C  }
0xc1: {  	s29 =	simm.s32 $0xC;
	_ =	strace $0x8000004E  }
0xc2: {  	_ =	swait.ge [sflag:s29], $0x1  }
0xc3: {  	[sflag:s29] =	ssyncadd.s32 $0xFFFFFFFF  }
0xc4: {  	_ =	strace $0x9000004E  }
0xc5: {  	_ =	sfence  }
0xc6: {  	s30 =	sld [smem:$0x0];
	_ =	sdelay $0x2  }
0xc7: {  	s31 =	sshll.u32 s1, $0xD;
	s1 =	sshrl.u32 s1, $0x2  }
0xc8: {  	s4 =	sand.u32 $0x4000, s31;
	s1 =	sadd.s32 s1, s30  }
0xc9: {  	s0 =	sor.u32 s4, s0;
	s1 =	sshll.u32 s1, $0x11  }
0xca: {  	s0 =	sor.u32 s1, s0  }
0xcb: {  	s0 =	sadd.s32 $0x8F2B, s0  }
0xcc: {  	[sflag:s0] =	ssyncadd.remote.s32 $0x1  }
0xcd: {  	_ =	sfence.sel $0xFFFF  }
0xce: {  	[dreg:$0x0] =	wrdreg $0xFFFFFFFF;
	(pc) =	sbr.abs _section_cstart, $3  }
0xcf: {  	[dreg:$0x1] =	wrdreg $0xFFFFFFFF  }
0xd0: {  	_ =	task.clear_ibuf [dreg:s22], $0x2FFFF;
	_ =	strace $0x9FFFFFFF  }
0xd1: {  	(tm) =	ssettm $0x7FFFFFFF  }
tec
execute0_lowered:
.L_overlay_start_1:
0x0: {  	(tag) =	ssettag $0x1  }
0x1: {  	v0 =	vimm.s32 $0xECA86420  }
0x2: {  	vm0 =	vcmask $0xB08;
	vm1 =	vcmask $0x1310;
	vm2 =	vcmask $0x1B18  }
0x3: {  	s0 =	srdreg.scid;
	vm3 =	vcmask $0x300;
	vm4 =	vcmask $0x2320;
	vm5 =	vcmask $0x2B28  }
0x4: {  	s25 =	rddreg [dreg:$0x0];
	s1 =	stileid.u32;
	v1 =	vimm.s32 $0xD8D0C8C0;
	vm6 =	vcmask $0x3330;
	v2 =	vimm.s32 $0xF8F0E8E0;
	s0 =	sand.u32 $0x1, s0  }
0x5: {  	s5 =	rddreg [dreg:$0x1];
	s3 =	simm.s32 $0x0;
	v3 =	vimm.s32 $0x18100800;
	v4 =	vimm.s32 $0x38302820;
	vm9 =	vcmask $0x1F10;
	s2 =	sshll.u32 s0, $0x4  }
0x6: {  	vm7 =	vcmask $0x3B38;
	vm8 =	vmmov $0xff;
	s10 =	simm.s32 $0x600;
	s12 =	simm.s32 $0xC60;
	v1 =	vunpack.c.0.s8.s32 v1;
	s2 =	sor.u32 s1, s2  }
0x7: {  	s14 =	simm.s32 $0x6C60;
	v2 =	vunpack.c.0.s8.s32 v2;
	v3 =	vunpack.c.0.s8.s32 v3;
	v4 =	vunpack.c.0.s8.s32 v4;
	s0 =	ssub.s32 $0x2, s0;
	s4 =	smul.u32 $0x12, s2  }
0x8: {  	vm10 =	vcmask $0xF0C;
	vm11 =	vcmask $0x1714;
	vm12 =	vcmask $0x1F1C;
	s15 =	simm.s32 $0x1;
	s16 =	simm.s32 $0x2;
	s6 =	sshrl.u32 s0, $0x1  }
0x9: {  	v0 =	vunpack.c.l.s4.s8 v0;
	[smem:$0x7FF] =	sst s3;
	v2 =	vsel vm9, v2, v1;
	v3 =	vsel vm9, v4, v3;
	s0 =	ssub.s32 s0, s6;
	s2 =	sshrl.u32 s4, $0x3  }
0xa: {  	vm13 =	vcmask $0x2724;
	vm14 =	vcmask $0x2F2C;
	_ =	strace $0x8000004D;
	v2 =	vcombine.low v3, v2;
	s0 =	smax.u32 s0, $0x1;
	s2 =	sadd.s32 s2, s5  }
0xb: {  	vm15 =	vcmask $0x3734;
	v0 =	vunpack.c.0.s8.s32 v0;
	v1 =	vlaneseq.u32;
	s6 =	sand.u32 $0x6, s4;
	[dreg:$0x4] =	wrdreg s0;
	s31 =	sadd.s32 $0x1600, s2  }
0xc: {  	vm9 =	vcmask $0x704;
	v1 =	vmul.u32 $0x2, v1;
	v2 =	vand.u32 $0xFF, v2;
	s5 =	sadd.s32 $0x871C00, s5;
	s2 =	simm.s32 $0x0;
	[dreg:$0x3] =	wrdreg s31  }
.LBB2_1:
0xd: {  	[dreg:$0x5] =	wrdreg s2  }
0xe: {  	s0 =	rddreg [dreg:$0x3];
	s8 =	simm.s32 $0x5  }
0xf: {  	[tilespmem:s3], [sflag:$0x5] =	stream.linear.gather [hbm4b:s0+s3], $0x30, $0x38;
	[tilespmem:$0xCC60] =	vst v63  }
0x10: {  	_ =	swait.ge [sflag:s8], $0x30  }
0x11: {  	[sflag:s8] =	ssyncset.done $0x0  }
0x12: {  	[sflag:s8] =	ssyncadd.s32 $0xFFFFFFD0  }
0x13: {  	v4 =	vld [tilespmem:$0x0];
	_ =	sdelay $0x4  }
0x14: {  	(v2sf) =	vpush v4, $0xD  }
0x15: {  	(v2sf) =	vpush v4, $0xC;
	_ =	sdelay $0x2  }
0x16: {  	(v2sf) =	vpush v4, $0xE;
	_ =	sdelay $0x1  }
0x17: {  	(v2sf) =	vpush v4, $0xF;
	_ =	sdelay $0x1  }
0x18: {  	(v2sf) =	vpush v4, $0x9;
	_ =	sdelay $0x1  }
0x19: {  	(v2sf) =	vpush v4, $0x8;
	_ =	sdelay $0x1  }
0x1a: {  	(v2sf) =	vpush v4, $0xA;
	_ =	sdelay $0x1  }
0x1b: {  	(v2sf) =	vpush v4, $0xB  }
0x1c: {  	s9 =	spop (v2sf);
	(v2sf) =	vpush v4, $0x0  }
0x1d: {  	s24 =	smulhi.u32 $0x2AAAAAAB, s9;
	s0 =	sshra.s32 s9, $0x1F;
	s11 =	spop (v2sf);
	(v2sf) =	vpush v4, $0x1  }
0x1e: {  	s1 =	smul.u32 $0x2AAAAAAB, s0  }
0x1f: {  	s28 =	smulhi.u32 $0x2AAAAAAB, s11;
	s0 =	sshra.s32 s11, $0x1F  }
0x20: {  	s13 =	spop (v2sf);
	s9 =	smul.u32 $0x2AAAAAAB, s0  }
0x21: {  	(v2sf) =	vpush v4, $0x2;
	s29 =	smulhi.u32 $0x2AAAAAAB, s13;
	s0 =	sshra.s32 s13, $0x1F  }
0x22: {  	s17 =	spop (v2sf);
	s21 =	smul.u32 $0x2AAAAAAB, s0  }
0x23: {  	(v2sf) =	vpush v4, $0x3;
	s30 =	smulhi.u32 $0x2AAAAAAB, s17;
	s0 =	sshra.s32 s17, $0x1F  }
0x24: {  	s18 =	spop (v2sf);
	s11 =	smul.u32 $0x2AAAAAAB, s0  }
0x25: {  	(v2sf) =	vpush v4, $0x4;
	s31 =	smulhi.u32 $0x2AAAAAAB, s18;
	s0 =	sshra.s32 s18, $0x1F  }
0x26: {  	s19 =	spop (v2sf);
	s20 =	smul.u32 $0x2AAAAAAB, s0  }
0x27: {  	(v2sf) =	vpush v4, $0x5;
	s22 =	smulhi.u32 $0x2AAAAAAB, s19;
	s0 =	sshra.s32 s19, $0x1F  }
0x28: {  	s23 =	spop (v2sf);
	s19 =	smul.u32 $0x2AAAAAAB, s0  }
0x29: {  	(v2sf) =	vpush v4, $0x6;
	s26 =	smulhi.u32 $0x2AAAAAAB, s23;
	s0 =	sshra.s32 s23, $0x1F  }
0x2a: {  	s7 =	spop (v2sf);
	s17 =	smul.u32 $0x2AAAAAAB, s0  }
0x2b: {  	s8 =	smulhi.u32 $0x2AAAAAAB, s7;
	s0 =	sshra.s32 s7, $0x1F;
	s13 =	spop (v2sf)  }
0x2c: {  	v3 =	vld [tilespmem:$0x10];
	s18 =	smul.u32 $0x2AAAAAAB, s0;
	s23 =	spop (v2sf)  }
0x2d: {  	(v2sf) =	vpush v4, $0x7;
	[dreg:$0x1e] =	wrdreg s22;
	s22 =	smulhi.u32 $0x2AAAAAAB, s13;
	s2 =	sshra.s32 s23, $0x1F  }
0x2e: {  	[smem:$0x7C0] =	sst s26;
	s7 =	smul.u32 $0x2AAAAAAB, s2  }
0x2f: {  	[smem:$0x7C1] =	sst s8;
	s26 =	smulhi.u32 $0x2AAAAAAB, s23  }
0x30: {  	[smem:$0x7C5] =	sst s7;
	s7 =	spop (v2sf)  }
0x31: {  	(v2sf) =	vpush v3, $0xD;
	[smem:$0x7C2] =	sst s22;
	s8 =	smulhi.u32 $0x2AAAAAAB, s7;
	s7 =	sshra.s32 s7, $0x1F  }
0x32: {  	s0 =	sshra.s32 s13, $0x1F;
	s13 =	spop (v2sf);
	s2 =	smul.u32 $0x2AAAAAAB, s7  }
0x33: {  	[smem:$0x7C4] =	sst s26;
	s22 =	smulhi.u32 $0x2AAAAAAB, s13;
	s7 =	sshra.s32 s13, $0x1F  }
0x34: {  	s23 =	spop (v2sf);
	s26 =	smul.u32 $0x2AAAAAAB, s7  }
0x35: {  	(v2sf) =	vpush v3, $0xC;
	[smem:$0x7C6] =	sst s8;
	s8 =	smulhi.u32 $0x2AAAAAAB, s23;
	s7 =	sshra.s32 s23, $0x1F  }
0x36: {  	s13 =	spop (v2sf);
	s23 =	smul.u32 $0x2AAAAAAB, s7  }
0x37: {  	[smem:$0x7C7] =	sst s22;
	s22 =	smulhi.u32 $0x2AAAAAAB, s13  }
0x38: {  	[smem:$0x7C8] =	sst s8;
	s8 =	spop (v2sf)  }
0x39: {  	(v2sf) =	vpush v3, $0xE;
	s7 =	sshra.s32 s13, $0x1F;
	s13 =	smulhi.u32 $0x2AAAAAAB, s8  }
0x3a: {  	[smem:$0x7C9] =	sst s22  }
0x3b: {  	s22 =	smul.u32 $0x2AAAAAAB, s7;
	s7 =	sshra.s32 s8, $0x1F;
	[smem:$0x7CA] =	sst s13  }
0x3c: {  	s13 =	smul.u32 $0x2AAAAAAB, s7;
	s7 =	spop (v2sf)  }
0x3d: {  	(v2sf) =	vpush v3, $0xF;
	s8 =	smulhi.u32 $0x2AAAAAAB, s7;
	_ =	sdelay $0x1  }
0x3e: {  	s0 =	smul.u32 $0x2AAAAAAB, s0;
	s7 =	sshra.s32 s7, $0x1F;
	[smem:$0x7CB] =	sst s8  }
0x3f: {  	s8 =	smul.u32 $0x2AAAAAAB, s7;
	s7 =	spop (v2sf)  }
0x40: {  	[smem:$0x7C3] =	sst s0;
	(v2sf) =	vpush v3, $0x9;
	s0 =	smulhi.u32 $0x2AAAAAAB, s7;
	s7 =	sshra.s32 s7, $0x1F  }
0x41: {  	s7 =	smul.u32 $0x2AAAAAAB, s7;
	_ =	sdelay $0x1  }
0x42: {  	[smem:$0x7CD] =	sst s7;
	s7 =	spop (v2sf)  }
0x43: {  	(v2sf) =	vpush v3, $0x8;
	[smem:$0x7CC] =	sst s0;
	s0 =	smulhi.u32 $0x2AAAAAAB, s7;
	s7 =	sshra.s32 s7, $0x1F  }
0x44: {  	s7 =	smul.u32 $0x2AAAAAAB, s7;
	_ =	sdelay $0x1  }
0x45: {  	[smem:$0x7CF] =	sst s7;
	s7 =	spop (v2sf)  }
0x46: {  	(v2sf) =	vpush v3, $0xA;
	[smem:$0x7CE] =	sst s0;
	s0 =	smulhi.u32 $0x2AAAAAAB, s7;
	s7 =	sshra.s32 s7, $0x1F  }
0x47: {  	s7 =	smul.u32 $0x2AAAAAAB, s7  }
0x48: {  	(v2sf) =	vpush v3, $0xB  }
0x49: {  	s24 =	sadd.s32 s1, s24;
	[smem:$0x7D1] =	sst s7;
	s7 =	spop (v2sf)  }
0x4a: {  	(v2sf) =	vpush v3, $0x0;
	[smem:$0x7D0] =	sst s0;
	s0 =	smulhi.u32 $0x2AAAAAAB, s7;
	s7 =	sshra.s32 s7, $0x1F  }
0x4b: {  	[dreg:$0x1f] =	wrdreg s24;
	s28 =	sadd.s32 s9, s28;
	s7 =	smul.u32 $0x2AAAAAAB, s7  }
0x4c: {  	[smem:$0x7E4] =	sst s28;
	(v2sf) =	vpush v3, $0x1  }
0x4d: {  	s29 =	sadd.s32 s21, s29;
	[smem:$0x7D3] =	sst s7;
	s7 =	spop (v2sf)  }
0x4e: {  	[smem:$0x7D2] =	sst s0;
	s0 =	smulhi.u32 $0x2AAAAAAB, s7;
	s7 =	sshra.s32 s7, $0x1F  }
0x4f: {  	[smem:$0x7E5] =	sst s29;
	s9 =	sadd.s32 s11, s30;
	(v2sf) =	vpush v3, $0x2;
	s7 =	smul.u32 $0x2AAAAAAB, s7  }
0x50: {  	[smem:$0x7E6] =	sst s9  }
0x51: {  	s11 =	sadd.s32 s20, s31;
	[smem:$0x7D5] =	sst s7;
	s7 =	spop (v2sf)  }
0x52: {  	[smem:$0x7D4] =	sst s0;
	s0 =	smulhi.u32 $0x2AAAAAAB, s7;
	s7 =	sshra.s32 s7, $0x1F  }
0x53: {  	[smem:$0x7E7] =	sst s11;
	s7 =	smul.u32 $0x2AAAAAAB, s7  }
0x54: {  	s31 =	rddreg [dreg:$0x1e]  }
0x55: {  	(v2sf) =	vpush v3, $0x3;
	[smem:$0x7D7] =	sst s7;
	s7 =	spop (v2sf)  }
0x56: {  	[smem:$0x7D6] =	sst s0;
	s0 =	smulhi.u32 $0x2AAAAAAB, s7;
	s7 =	sshra.s32 s7, $0x1F  }
0x57: {  	s1 =	spop (v2sf);
	s24 =	smul.u32 $0x2AAAAAAB, s7  }
0x58: {  	s9 =	sld [smem:$0x7C0];
	(v2sf) =	vpush v3, $0x4;
	s28 =	smulhi.u32 $0x2AAAAAAB, s1;
	s7 =	sshra.s32 s1, $0x1F  }
0x59: {  	s1 =	spop (v2sf);
	s21 =	smul.u32 $0x2AAAAAAB, s7  }
0x5a: {  	[smem:$0x7D8] =	sst s0;
	s29 =	smulhi.u32 $0x2AAAAAAB, s1;
	s7 =	sshra.s32 s1, $0x1F  }
0x5b: {  	s20 =	spop (v2sf);
	s1 =	sadd.s32 s19, s31;
	s31 =	sld [smem:$0x7C3]  }
0x5c: {  	s30 =	smul.u32 $0x2AAAAAAB, s7;
	[smem:$0x7E8] =	sst s1  }
0x5d: {  	s7 =	smulhi.u32 $0x2AAAAAAB, s20;
	s1 =	sadd.s32 s17, s9;
	s17 =	sld [smem:$0x7C1]  }
0x5e: {  	s0 =	sshra.s32 s20, $0x1F;
	s11 =	spop (v2sf);
	s20 =	sld [smem:$0x7C2]  }
0x5f: {  	(v2sf) =	vpush v3, $0x5;
	[smem:$0x7E9] =	sst s1;
	s0 =	smul.u32 $0x2AAAAAAB, s0  }
0x60: {  	s19 =	smulhi.u32 $0x2AAAAAAB, s11;
	[smem:$0x7D9] =	sst s7  }
0x61: {  	[smem:$0x7DA] =	sst s0  }
0x62: {  	[smem:$0x7DB] =	sst s19  }
0x63: {  	s1 =	sadd.s32 s18, s17;
	s17 =	sld [smem:$0x7C4]  }
0x64: {  	s9 =	spop (v2sf);
	s0 =	sshra.s32 s11, $0x1F;
	s18 =	sld [smem:$0x7C5]  }
0x65: {  	s11 =	sadd.s32 s31, s20;
	s19 =	smulhi.u32 $0x2AAAAAAB, s9;
	s20 =	sld [smem:$0x7C6]  }
0x66: {  	[smem:$0x7EA] =	sst s1;
	s0 =	smul.u32 $0x2AAAAAAB, s0  }
0x67: {  	s31 =	spop (v2sf);
	[smem:$0x7DD] =	sst s19  }
0x68: {  	(v2sf) =	vpush v3, $0x6;
	s7 =	smulhi.u32 $0x2AAAAAAB, s31;
	[smem:$0x7DC] =	sst s0  }
0x69: {  	s19 =	sadd.s32 s2, s20;
	s2 =	sld [smem:$0x7C7]  }
0x6a: {  	[smem:$0x7DF] =	sst s7  }
0x6b: {  	s0 =	sshra.s32 s9, $0x1F;
	s9 =	sld [smem:$0x7C8]  }
0x6c: {  	s20 =	sld [smem:$0x7C9];
	s0 =	smul.u32 $0x2AAAAAAB, s0  }
0x6d: {  	s7 =	sld [smem:$0x7CC]  }
0x6e: {  	v5 =	vld [tilespmem:$0x20];
	s18 =	sadd.s32 s18, s17;
	s17 =	spop (v2sf);
	[smem:$0x7DE] =	sst s0  }
0x6f: {  	s0 =	sshra.s32 s31, $0x1F;
	s1 =	sadd.s32 s23, s9;
	s23 =	sld [smem:$0x7CA]  }
0x70: {  	[smem:$0x7EC] =	sst s1;
	s0 =	smul.u32 $0x2AAAAAAB, s0;
	s1 =	sadd.s32 s22, s20  }
0x71: {  	(v2sf) =	vpush v3, $0x7;
	s22 =	smulhi.u32 $0x2AAAAAAB, s17;
	[dreg:$0x1d] =	wrdreg s1  }
0x72: {  	[smem:$0x7E0] =	sst s0  }
0x73: {  	(v2sf) =	vpush v5, $0xD;
	[smem:$0x7E1] =	sst s22  }
0x74: {  	s1 =	sadd.s32 s13, s23;
	s13 =	sld [smem:$0x7CE]  }
0x75: {  	s22 =	sld [smem:$0x7CF]  }
0x76: {  	s23 =	sld [smem:$0x7D0]  }
0x77: {  	s31 =	spop (v2sf);
	s0 =	sshra.s32 s17, $0x1F;
	[dreg:$0x1c] =	wrdreg s1  }
0x78: {  	s26 =	sadd.s32 s26, s2;
	s0 =	smul.u32 $0x2AAAAAAB, s0;
	s1 =	sld [smem:$0x7CB]  }
0x79: {  	s2 =	smulhi.u32 $0x2AAAAAAB, s31;
	s17 =	sshra.s32 s31, $0x1F;
	s31 =	sld [smem:$0x7D1]  }
0x7a: {  	[smem:$0x7E2] =	sst s0  }
0x7b: {  	s0 =	sadd.s32 s8, s1;
	s8 =	sld [smem:$0x7CD]  }
0x7c: {  	[smem:$0x7E3] =	sst s2  }
0x7d: {  	[smem:$0x7EB] =	sst s0  }
0x7e: {  	s0 =	sadd.s32 s8, s7;
	s7 =	sld [smem:$0x7D2]  }
0x7f: {  	(v2sf) =	vpush v5, $0xC;
	s8 =	sld [smem:$0x7D3]  }
0x80: {  	s9 =	spop (v2sf);
	[dreg:$0x1b] =	wrdreg s0  }
0x81: {  	(v2sf) =	vpush v5, $0xE;
	s20 =	smul.u32 $0x2AAAAAAB, s17;
	s0 =	sadd.s32 s22, s13;
	s22 =	sld [smem:$0x7D4]  }
0x82: {  	s17 =	sshra.s32 s9, $0x1F;
	s2 =	spop (v2sf);
	[dreg:$0x19] =	wrdreg s0  }
0x83: {  	s13 =	smulhi.u32 $0x2AAAAAAB, s9;
	s0 =	sadd.s32 s31, s23;
	s23 =	sld [smem:$0x7D5]  }
0x84: {  	s9 =	smul.u32 $0x2AAAAAAB, s17;
	s17 =	sshra.s32 s2, $0x1F;
	[dreg:$0x18] =	wrdreg s0  }
0x85: {  	s0 =	sadd.s32 s8, s7;
	s8 =	smulhi.u32 $0x2AAAAAAB, s2;
	s2 =	sld [smem:$0x7D6]  }
0x86: {  	s9 =	sadd.s32 s9, s13;
	[dreg:$0x17] =	wrdreg s0  }
0x87: {  	[dreg:$0x13] =	wrdreg s9  }
0x88: {  	(v2sf) =	vpush v5, $0xF;
	s9 =	sld [smem:$0x7E4]  }
0x89: {  	s7 =	smul.u32 $0x2AAAAAAB, s17;
	s0 =	sadd.s32 s23, s22;
	s22 =	sld [smem:$0x7D7]  }
0x8a: {  	s23 =	sld [smem:$0x7D8]  }
0x8b: {  	s7 =	sadd.s32 s7, s8;
	s8 =	rddreg [dreg:$0x1f]  }
0x8c: {  	(v2sf) =	vpush v5, $0x9;
	[dreg:$0x16] =	wrdreg s0  }
0x8d: {  	s0 =	sadd.s32 s22, s2;
	s22 =	sadd.s32 s21, s28;
	s28 =	sld [smem:$0x7D9]  }
0x8e: {  	s31 =	spop (v2sf);
	[dreg:$0x15] =	wrdreg s0  }
0x8f: {  	s2 =	smulhi.u32 $0x2AAAAAAB, s31;
	s0 =	sadd.s32 s24, s23;
	[dreg:$0x12] =	wrdreg s22  }
0x90: {  	s17 =	sshra.s32 s31, $0x1F;
	s31 =	spop (v2sf);
	[dreg:$0x14] =	wrdreg s0  }
0x91: {  	s0 =	smul.u32 $0x2AAAAAAB, s17;
	s17 =	sadd.s32 s30, s29;
	s30 =	sld [smem:$0x7DA]  }
0x92: {  	s23 =	sshra.s32 s31, $0x1F;
	s22 =	sld [smem:$0x7DB]  }
0x93: {  	s29 =	smul.u32 $0x2AAAAAAB, s23;
	s23 =	sld [smem:$0x7DC]  }
0x94: {  	[dreg:$0x8] =	wrdreg s7;
	s21 =	sadd.s32 s30, s28  }
0x95: {  	[dreg:$0x11] =	wrdreg s21  }
0x96: {  	s13 =	sshrl.u32 s9, $0x1F;
	s21 =	sadd.s32 s23, s22;
	s22 =	sld [smem:$0x7DD]  }
0x97: {  	(v2sf) =	vpush v5, $0x8;
	v6 =	vmov s13;
	s13 =	sshrl.u32 s11, $0x1F;
	s24 =	spop (v2sf);
	s23 =	sld [smem:$0x7DE]  }
0x98: {  	s1 =	smulhi.u32 $0x2AAAAAAB, s31;
	v9 =	vmov s13;
	s13 =	sld [smem:$0x7EC];
	s31 =	sshra.s32 s24, $0x1F  }
0x99: {  	s28 =	smul.u32 $0x2AAAAAAB, s31;
	s31 =	sld [smem:$0x7E0]  }
0x9a: {  	s30 =	smulhi.u32 $0x2AAAAAAB, s24;
	[dreg:$0x10] =	wrdreg s21;
	s21 =	sadd.s32 s23, s22  }
0x9b: {  	s0 =	sadd.s32 s0, s2;
	s24 =	spop (v2sf);
	[dreg:$0xf] =	wrdreg s21  }
0x9c: {  	s23 =	smulhi.u32 $0x2AAAAAAB, s24;
	s21 =	sshra.s32 s24, $0x1F;
	s24 =	sld [smem:$0x7DF]  }
0x9d: {  	[dreg:$0x9] =	wrdreg s0;
	s0 =	sshra.s32 s8, $0x2  }
0x9e: {  	[smem:$0x7EE] =	sst s0  }
0x9f: {  	s21 =	smul.u32 $0x2AAAAAAB, s21;
	s22 =	sadd.s32 s31, s24;
	s24 =	sld [smem:$0x7E1]  }
0xa0: {  	s31 =	sld [smem:$0x7E2]  }
0xa1: {  	s2 =	sadd.s32 s21, s23;
	s21 =	sld [smem:$0x7E5]  }
0xa2: {  	[dreg:$0xe] =	wrdreg s22  }
0xa3: {  	s24 =	sadd.s32 s31, s24;
	s31 =	sld [smem:$0x7E3]  }
0xa4: {  	[dreg:$0xb] =	wrdreg s2;
	s2 =	sshra.s32 s9, $0x2  }
0xa5: {  	[smem:$0x7ED] =	sst s2  }
0xa6: {  	s22 =	spop (v2sf);
	[dreg:$0xd] =	wrdreg s24;
	s20 =	sadd.s32 s20, s31  }
0xa7: {  	s31 =	sadd.s32 s29, s1;
	s1 =	sadd.s32 s28, s30;
	s28 =	sld [smem:$0x7E7]  }
0xa8: {  	s24 =	smulhi.u32 $0x2AAAAAAB, s22;
	s22 =	sshra.s32 s22, $0x1F;
	s29 =	sld [smem:$0x7E8]  }
0xa9: {  	s22 =	smul.u32 $0x2AAAAAAB, s22;
	[dreg:$0xc] =	wrdreg s20  }
0xaa: {  	[dreg:$0x7] =	wrdreg s31  }
0xab: {  	s7 =	sadd.s32 s22, s24;
	s24 =	sld [smem:$0x7E6]  }
0xac: {  	[dreg:$0x6] =	wrdreg s1  }
0xad: {  	s31 =	sld [smem:$0x7E9]  }
0xae: {  	[dreg:$0xa] =	wrdreg s7;
	s7 =	sshra.s32 s24, $0x2  }
0xaf: {  	s2 =	sshra.s32 s26, $0x1F;
	[smem:$0x7F1] =	sst s7;
	s7 =	sshra.s32 s28, $0x2  }
0xb0: {  	s1 =	sshrl.u32 s8, $0x1F;
	s22 =	sshrl.u32 s21, $0x1F;
	[smem:$0x7EF] =	sst s7  }
0xb1: {  	s8 =	sshra.s32 s21, $0x2;
	v6 =	vsel vm0, s1, v6;
	s1 =	sshra.s32 s26, $0x2;
	s7 =	sld [smem:$0x7EA]  }
0xb2: {  	s21 =	sshrl.u32 s28, $0x1F;
	s30 =	sshrl.u32 s29, $0x1F;
	s0 =	sshra.s32 s31, $0x2  }
0xb3: {  	s20 =	sshra.s32 s29, $0x2;
	s9 =	sshrl.u32 s24, $0x1F;
	[smem:$0x7F0] =	sst s0  }
0xb4: {  	s24 =	sshrl.u32 s7, $0x1F;
	s0 =	sshra.s32 s7, $0x2;
	s7 =	sld [smem:$0x7EB]  }
0xb5: {  	v9 =	vnsel vm3, $0x0, v9;
	s29 =	sshra.s32 s11, $0x2;
	v7 =	vmov s30;
	s30 =	sshra.s32 s11, $0x1F;
	s11 =	sshrl.u32 s18, $0x1F  }
0xb6: {  	s23 =	sshrl.u32 s31, $0x1F;
	v11 =	vmov s20;
	s20 =	sld [smem:$0x7EE];
	v7 =	vsel vm0, s21, v7;
	s21 =	sshrl.u32 s19, $0x1F;
	v9 =	vsel vm0, s11, v9  }
0xb7: {  	v6 =	vsel vm1, s22, v6;
	v7 =	vsel vm1, s23, v7;
	s23 =	sshrl.u32 s26, $0x1F;
	s26 =	rddreg [dreg:$0x1d];
	v9 =	vsel vm1, s21, v9;
	s31 =	sshra.s32 s7, $0x1F  }
0xb8: {  	v6 =	vsel vm2, s9, v6;
	s28 =	sshra.s32 s13, $0x2;
	s9 =	sshra.s32 s26, $0x1F;
	v9 =	vsel vm2, s23, v9;
	s23 =	rddreg [dreg:$0x18];
	v8 =	vmov s31  }
0xb9: {  	[smem:$0x7F2] =	sst s0;
	s0 =	sshra.s32 s18, $0x2;
	s18 =	sshra.s32 s18, $0x1F;
	v8 =	vsel vm3, s29, v8  }
0xba: {  	v7 =	vsel vm2, s24, v7;
	s24 =	sshrl.u32 s13, $0x1F;
	s31 =	rddreg [dreg:$0x1c];
	s29 =	sshra.s32 s13, $0x1F;
	v8 =	vsel vm9, s30, v8  }
0xbb: {  	v9 =	vsel vm4, s24, v9;
	s11 =	sshrl.u32 s31, $0x1F;
	s13 =	rddreg [dreg:$0x1b];
	s30 =	sshrl.u32 s26, $0x1F;
	v8 =	vsel vm0, s0, v8  }
0xbc: {  	s0 =	sshrl.u32 s7, $0x1F;
	v9 =	vsel vm5, s30, v9;
	s30 =	rddreg [dreg:$0x15];
	v8 =	vsel vm10, s18, v8;
	s18 =	sshra.s32 s26, $0x2  }
0xbd: {  	s26 =	sshra.s32 s7, $0x2;
	s7 =	sshra.s32 s13, $0x2;
	v9 =	vsel vm6, s11, v9;
	s11 =	sld [smem:$0x7ED]  }
0xbe: {  	s22 =	sshra.s32 s19, $0x2;
	[smem:$0x7F5] =	sst s7  }
0xbf: {  	s19 =	sshra.s32 s19, $0x1F;
	v8 =	vsel vm1, s22, v8;
	s7 =	rddreg [dreg:$0x17]  }
0xc0: {  	v8 =	vsel vm11, s19, v8;
	s19 =	rddreg [dreg:$0x19]  }
0xc1: {  	v8 =	vsel vm2, s1, v8;
	s24 =	sshrl.u32 s19, $0x1F;
	s1 =	sshra.s32 s19, $0x2;
	s19 =	rddreg [dreg:$0x16]  }
0xc2: {  	v10 =	vmov s11;
	s11 =	sld [smem:$0x7F0]  }
0xc3: {  	s21 =	sshra.s32 s31, $0x1F;
	[smem:$0x7F4] =	sst s1;
	s1 =	sshra.s32 s23, $0x2  }
0xc4: {  	s22 =	sshra.s32 s31, $0x2;
	v8 =	vsel vm12, s2, v8;
	s2 =	sshra.s32 s30, $0x2;
	[smem:$0x7F6] =	sst s1  }
0xc5: {  	s31 =	sshrl.u32 s13, $0x1F;
	s13 =	sshrl.u32 s23, $0x1F;
	[smem:$0x7F8] =	sst s2  }
0xc6: {  	s23 =	sshrl.u32 s7, $0x1F;
	s1 =	sshra.s32 s7, $0x2;
	s7 =	rddreg [dreg:$0x14]  }
0xc7: {  	v8 =	vsel vm4, s28, v8;
	s28 =	sshrl.u32 s19, $0x1F;
	[smem:$0x7F7] =	sst s1  }
0xc8: {  	[smem:$0x7F3] =	sst s28  }
0xc9: {  	(v2sf) =	vpush v5, $0xA;
	s1 =	sshra.s32 s19, $0x2;
	s19 =	rddreg [dreg:$0x12]  }
0xca: {  	v9 =	vsel vm7, s0, v9;
	v8 =	vsel vm13, s29, v8;
	s29 =	sshrl.u32 s7, $0x1F;
	s0 =	sshra.s32 s7, $0x2;
	s7 =	rddreg [dreg:$0x11]  }
0xcb: {  	[smem:$0x7F9] =	sst s1  }
0xcc: {  	[smem:$0x7FA] =	sst s0  }
0xcd: {  	(v2sf) =	vpush v5, $0xB;
	s1 =	sld [smem:$0x7EF]  }
0xce: {  	(v2sf) =	vpush v5, $0x0;
	s28 =	sshrl.u32 s30, $0x1F;
	v8 =	vsel vm5, s18, v8;
	s18 =	rddreg [dreg:$0x10]  }
0xcf: {  	(v2sf) =	vpush v5, $0x1;
	s30 =	sshrl.u32 s19, $0x1F;
	s0 =	sshra.s32 s19, $0x2;
	s19 =	sld [smem:$0x7F1]  }
0xd0: {  	(v2sf) =	vpush v5, $0x2;
	s2 =	sshrl.u32 s17, $0x1F;
	[dreg:$0x1a] =	wrdreg s0  }
0xd1: {  	(v2sf) =	vpush v5, $0x3;
	v14 =	vmov s2;
	s0 =	rddreg [dreg:$0xe];
	v11 =	vsel vm0, s1, v11  }
0xd2: {  	v10 =	vsel vm0, s20, v10;
	s20 =	sshrl.u32 s7, $0x1F;
	v14 =	vnsel vm3, $0x0, v14;
	v11 =	vsel vm1, s11, v11;
	s11 =	sld [smem:$0x7F2]  }
0xd3: {  	(v2sf) =	vpush v5, $0x4;
	v8 =	vsel vm14, s9, v8;
	v14 =	vsel vm0, s20, v14;
	s20 =	sld [smem:$0x7F3]  }
0xd4: {  	v12 =	vmov s24;
	v10 =	vsel vm1, s8, v10;
	s9 =	sshra.s32 s17, $0x2;
	s8 =	sshrl.u32 s18, $0x1F;
	v8 =	vsel vm6, s22, v8;
	s1 =	rddreg [dreg:$0x13]  }
0xd5: {  	v12 =	vsel vm0, s31, v12;
	v8 =	vsel vm15, s21, v8;
	s21 =	sshra.s32 s18, $0x2;
	v11 =	vsel vm2, s11, v11;
	s11 =	sshra.s32 s18, $0x1F;
	s18 =	sshra.s32 s1, $0x1F  }
0xd6: {  	v15 =	vmov s28;
	s17 =	sshra.s32 s17, $0x1F;
	s22 =	sshra.s32 s7, $0x2;
	v10 =	vsel vm2, s19, v10;
	s19 =	rddreg [dreg:$0xf];
	v13 =	vmov s18  }
0xd7: {  	s31 =	sshra.s32 s0, $0x2;
	s24 =	sshrl.u32 s19, $0x1F;
	v8 =	vsel vm7, s26, v8;
	s26 =	sshrl.u32 s0, $0x1F;
	v15 =	vsel vm0, s20, v15;
	v13 =	vsel vm3, s9, v13  }
0xd8: {  	(v2sf) =	vpush v5, $0x5;
	v15 =	vsel vm1, s29, v15;
	s9 =	spop (v2sf);
	v13 =	vsel vm9, s17, v13;
	s17 =	sshra.s32 s0, $0x1F;
	s0 =	rddreg [dreg:$0xd]  }
0xd9: {  	v12 =	vsel vm1, s13, v12;
	v15 =	vsel vm2, s30, v15;
	s30 =	sld [smem:$0x7F5];
	s13 =	smulhi.u32 $0x2AAAAAAB, s9;
	v13 =	vsel vm0, s22, v13;
	s22 =	sshrl.u32 s0, $0x1F  }
0xda: {  	(v2sf) =	vpush v5, $0x6;
	v12 =	vsel vm2, s23, v12;
	v14 =	vsel vm1, s8, v14;
	s23 =	sshra.s32 s0, $0x2;
	s2 =	sshra.s32 s0, $0x1F;
	s0 =	rddreg [dreg:$0xc]  }
0xdb: {  	s7 =	sshra.s32 s7, $0x1F;
	v14 =	vsel vm2, s24, v14;
	s9 =	sshra.s32 s9, $0x1F;
	[smem:$0x7FB] =	sst s13  }
0xdc: {  	v14 =	vsel vm4, s26, v14;
	s13 =	spop (v2sf);
	v13 =	vsel vm10, s7, v13;
	s7 =	smul.u32 $0x2AAAAAAB, s9  }
0xdd: {  	s8 =	sshrl.u32 s0, $0x1F;
	v14 =	vsel vm5, s22, v14;
	s22 =	sld [smem:$0x7F4];
	s9 =	spop (v2sf)  }
0xde: {  	v13 =	vsel vm1, s21, v13;
	s28 =	smulhi.u32 $0x2AAAAAAB, s13;
	s13 =	sshra.s32 s13, $0x1F;
	v14 =	vsel vm6, s8, v14;
	s8 =	sld [smem:$0x7F6]  }
0xdf: {  	s18 =	sshra.s32 s19, $0x2;
	s20 =	spop (v2sf);
	v13 =	vsel vm11, s11, v13;
	s26 =	smul.u32 $0x2AAAAAAB, s13  }
0xe0: {  	s19 =	sshra.s32 s19, $0x1F;
	s11 =	smulhi.u32 $0x2AAAAAAB, s9;
	[smem:$0x7FC] =	sst s28;
	v13 =	vsel vm2, s18, v13  }
0xe1: {  	(v2sf) =	vpush v5, $0x7;
	s29 =	sshra.s32 s9, $0x1F;
	s21 =	spop (v2sf);
	v16 =	vmov s22;
	v13 =	vsel vm12, s19, v13;
	s19 =	sld [smem:$0x7F7]  }
0xe2: {  	s22 =	smul.u32 $0x2AAAAAAB, s29;
	v16 =	vsel vm0, s30, v16;
	s30 =	sld [smem:$0x7F8];
	v13 =	vsel vm4, s31, v13  }
0xe3: {  	s31 =	sshrl.u32 s1, $0x1F;
	v16 =	vsel vm1, s8, v16;
	v13 =	vsel vm13, s17, v13;
	s17 =	sshra.s32 s1, $0x2;
	s1 =	rddreg [dreg:$0x8]  }
0xe4: {  	s24 =	sshra.s32 s0, $0x2;
	s29 =	smulhi.u32 $0x2AAAAAAB, s20;
	v16 =	vsel vm2, s19, v16;
	s19 =	rddreg [dreg:$0x9]  }
0xe5: {  	s18 =	sshra.s32 s0, $0x1F;
	s28 =	spop (v2sf);
	v17 =	vmov s30;
	s30 =	sld [smem:$0x7F9]  }
0xe6: {  	v14 =	vsel vm7, s31, v14;
	s31 =	sshra.s32 s20, $0x1F;
	v13 =	vsel vm5, s23, v13;
	s20 =	sshrl.u32 s1, $0x1F;
	s1 =	rddreg [dreg:$0x6]  }
0xe7: {  	s13 =	spop (v2sf);
	s11 =	sadd.s32 s22, s11;
	v13 =	vsel vm14, s2, v13;
	s2 =	sld [smem:$0x7FA]  }
0xe8: {  	s9 =	spop (v2sf);
	s23 =	sshrl.u32 s19, $0x1F;
	s19 =	sld [smem:$0x7FB]  }
0xe9: {  	s8 =	spop (v2sf);
	s1 =	sshrl.u32 s1, $0x1F;
	v43 =	vmov s23;
	s23 =	sld [smem:$0x7FC]  }
0xea: {  	v13 =	vsel vm6, s24, v13;
	s24 =	sshra.s32 s21, $0x1F;
	v17 =	vsel vm0, s30, v17;
	s30 =	smul.u32 $0x2AAAAAAB, s31;
	s31 =	rddreg [dreg:$0x7]  }
0xeb: {  	v6 =	vcombine.low v7, v6;
	s0 =	sadd.s32 s7, s19;
	s19 =	smulhi.u32 $0x2AAAAAAB, s21;
	s21 =	rddreg [dreg:$0xb]  }
0xec: {  	v10 =	vcombine.low v11, v10;
	v42 =	vsel vm15, s18, v13;
	s31 =	sshrl.u32 s31, $0x1F;
	v41 =	vsel vm1, s2, v17;
	s2 =	rddreg [dreg:$0xa];
	s18 =	sshrl.u32 s21, $0x1F  }
0xed: {  	v6 =	vperm.xlane v6, v0;
	v9 =	vperm.xlane v9, v1;
	s21 =	smul.u32 $0x2AAAAAAB, s24;
	s24 =	sshrl.u32 s2, $0x1F;
	s7 =	sadd.s32 s26, s23  }
0xee: {  	v8 =	vperm.xlane v8, v1;
	v10 =	vperm.xlane v10, v0;
	s23 =	smulhi.u32 $0x2AAAAAAB, s28;
	s26 =	rddreg [dreg:$0x1a];
	s28 =	sshra.s32 s28, $0x1F  }
0xef: {  	v13 =	vsel vm0, s20, v43;
	s20 =	sshrl.u32 s0, $0x1F;
	[smem:$0x7FD] =	sst s7;
	s22 =	smul.u32 $0x2AAAAAAB, s28  }
0xf0: {  	v6 =	vsel vm8, v9, v6;
	v8 =	vsel vm8, v8, v10;
	s7 =	spop (v2sf);
	v7 =	vsel vm2, s26, v41;
	s26 =	smov.u32 s0;
	s28 =	smulhi.u32 $0x2AAAAAAB, s13  }
0xf1: {  	v6 =	vadd.s32 v6, v8;
	v11 =	vsel vm7, s17, v42;
	v45 =	vsel vm1, s31, v13;
	s0 =	sshrl.u32 s11, $0x1F;
	s17 =	smulhi.u32 $0x2AAAAAAB, s7;
	s7 =	sshra.s32 s7, $0x1F  }
0xf2: {  	v47 =	vmul.u32 $0xE8, v6;
	v44 =	vmov s24;
	s13 =	sshra.s32 s13, $0x1F;
	v10 =	vsel vm2, s1, v45;
	s1 =	sshra.s32 s11, $0x2;
	s7 =	smul.u32 $0x2AAAAAAB, s7  }
0xf3: {  	v12 =	vcombine.low v15, v12;
	s11 =	sshra.s32 s11, $0x1F;
	v9 =	vsel vm0, s18, v44;
	s18 =	sadd.s32 s30, s29;
	s13 =	smul.u32 $0x2AAAAAAB, s13  }
0xf4: {  	v4 =	vadd.s32 v4, v47;
	s31 =	sadd.s32 s21, s19;
	s29 =	sshrl.u32 s18, $0x1F;
	s7 =	sadd.s32 s7, s17  }
0xf5: {  	v12 =	vperm.xlane v12, v0;
	v49 =	vshll.u32 v4, $0x18;
	s19 =	sadd.s32 s22, s23;
	s21 =	sshrl.u32 s31, $0x1F;
	s30 =	sshra.s32 s7, $0x1F  }
0xf6: {  	v14 =	vperm.xlane v14, v1;
	v46 =	vmov s0;
	s22 =	smulhi.u32 $0x2AAAAAAB, s9;
	s9 =	sshra.s32 s9, $0x1F;
	s23 =	sshra.s32 s18, $0x2;
	v48 =	vmov s30  }
0xf7: {  	v7 =	vcombine.low v7, v16;
	v9 =	vsel vm1, s20, v9;
	s18 =	sshra.s32 s18, $0x1F;
	s20 =	sld [smem:$0x7FD];
	s0 =	sshra.s32 s31, $0x1F;
	v13 =	vsel vm3, s1, v48  }
0xf8: {  	v11 =	vperm.xlane v11, v1;
	v8 =	vnsel vm3, $0x0, v46;
	s13 =	sadd.s32 s13, s28;
	s24 =	sshrl.u32 s19, $0x1F;
	s9 =	smul.u32 $0x2AAAAAAB, s9;
	v13 =	vsel vm9, s11, v13  }
0xf9: {  	v8 =	vsel vm0, s29, v8;
	v7 =	vperm.xlane v7, v0;
	s28 =	smulhi.u32 $0x2AAAAAAB, s8;
	s8 =	sshra.s32 s8, $0x1F;
	s29 =	sshra.s32 s31, $0x2;
	v13 =	vsel vm0, s23, v13  }
0xfa: {  	v12 =	vsel vm8, v14, v12;
	v8 =	vsel vm1, s21, v8;
	s8 =	smul.u32 $0x2AAAAAAB, s8;
	s31 =	sshrl.u32 s13, $0x1F;
	s9 =	sadd.s32 s9, s22;
	v13 =	vsel vm10, s18, v13  }
0xfb: {  	v8 =	vsel vm2, s24, v8;
	v7 =	vsel vm8, v11, v7;
	s22 =	sshra.s32 s19, $0x1F;
	s24 =	sshra.s32 s2, $0x2;
	s2 =	rddreg [dreg:$0x7];
	v13 =	vsel vm1, s29, v13  }
0xfc: {  	v11 =	vshra.s32 v49, $0x1F;
	s30 =	sshrl.u32 s20, $0x1F;
	v7 =	vadd.s32 v12, v7;
	s21 =	sshrl.u32 s9, $0x1F;
	s1 =	sshra.s32 s19, $0x2;
	v50 =	vsel vm11, s0, v13  }
0xfd: {  	v8 =	vsel vm4, s31, v8;
	s8 =	sadd.s32 s8, s28;
	s28 =	sshra.s32 s13, $0x2;
	v9 =	vsel vm2, s30, v9;
	s30 =	rddreg [dreg:$0xb];
	v12 =	vsel vm2, s1, v50  }
0xfe: {  	v53 =	vmov s24;
	v11 =	vand.u32 $0x7, v11;
	s19 =	sshra.s32 s26, $0x2;
	s26 =	sshrl.u32 s8, $0x1F;
	s23 =	rddreg [dreg:$0x9];
	v51 =	vsel vm12, s22, v12  }
0xff: {  	v8 =	vsel vm5, s21, v8;
	v9 =	vcombine.low v9, v10;
	s11 =	sshra.s32 s23, $0x2;
	s29 =	rddreg [dreg:$0x8];
	s1 =	sshra.s32 s13, $0x1F;
	v10 =	vsel vm4, s28, v51  }
0x100: {  	s21 =	sshra.s32 s9, $0x2;
	s31 =	sshra.s32 s30, $0x2;
	v8 =	vsel vm6, s26, v8;
	v52 =	vmov s11;
	s18 =	sshra.s32 s29, $0x2;
	v10 =	vsel vm13, s1, v10  }
0x101: {  	s24 =	sshra.s32 s9, $0x1F;
	v13 =	vsel vm0, s31, v53;
	s13 =	sshra.s32 s2, $0x2;
	v12 =	vsel vm0, s18, v52;
	s22 =	rddreg [dreg:$0x6];
	v10 =	vsel vm5, s21, v10  }
0x102: {  	s23 =	sshra.s32 s20, $0x2;
	v13 =	vsel vm1, s19, v13;
	v12 =	vsel vm1, s13, v12;
	s11 =	sshra.s32 s22, $0x2;
	s28 =	sshra.s32 s8, $0x2;
	v10 =	vsel vm14, s24, v10  }
0x103: {  	s30 =	sshra.s32 s8, $0x1F;
	s29 =	sshrl.u32 s7, $0x1F;
	v13 =	vsel vm2, s23, v13;
	v12 =	vsel vm2, s11, v12;
	v10 =	vsel vm6, s28, v10  }
0x104: {  	s31 =	sshra.s32 s7, $0x2;
	v8 =	vsel vm7, s29, v8;
	v12 =	vcombine.low v13, v12;
	v10 =	vsel vm15, s30, v10  }
0x105: {  	v9 =	vperm.xlane v9, v0;
	v8 =	vperm.xlane v8, v1;
	v10 =	vsel vm7, s31, v10  }
0x106: {  	v54 =	vmul.u32 $0xE8, v7;
	v12 =	vperm.xlane v12, v0;
	v10 =	vperm.xlane v10, v1  }
0x107: {  	v6 =	vmul.u32 $0x180, v6;
	v11 =	vadd.s32 v11, v4  }
0x108: {  	v3 =	vadd.s32 v3, v54;
	v8 =	vsel vm8, v8, v9;
	v55 =	vsel vm8, v10, v12  }
0x109: {  	v56 =	vshll.u32 v11, $0x18;
	v57 =	vshll.u32 v3, $0x18;
	v8 =	vadd.s32 v8, v55  }
0x10a: {  	v11 =	vand.u32 $0xF8, v11;
	v9 =	vshra.s32 v57, $0x1F;
	v58 =	vmul.u32 $0xE8, v8  }
0x10b: {  	v7 =	vmul.u32 $0x180, v7;
	v4 =	vsub.s32 v4, v11;
	v9 =	vand.u32 $0x7, v9  }
0x10c: {  	v4 =	vshll.u32 v4, $0x18;
	v9 =	vadd.s32 v9, v3;
	v5 =	vadd.s32 v5, v58  }
0x10d: {  	v4 =	vshra.s32 v4, $0x18;
	v59 =	vand.u32 $0xF8, v9;
	v11 =	vshll.u32 v5, $0x18  }
0x10e: {  	v4 =	vadd.s32 v4, v6;
	v3 =	vsub.s32 v3, v59;
	v11 =	vshra.s32 v11, $0x1F  }
0x10f: {  	v9 =	vshll.u32 v9, $0x18;
	v3 =	vshll.u32 v3, $0x18;
	v60 =	vand.u32 $0x7, v11  }
0x110: {  	v62 =	vshra.s32 v9, $0x1B;
	v3 =	vshra.s32 v3, $0x18;
	v6 =	vadd.s32 v60, v5  }
0x111: {  	v3 =	vadd.s32 v3, v7;
	v7 =	vshll.u32 v62, $0x6;
	v61 =	vand.u32 $0xF8, v6  }
0x112: {  	v10 =	vshra.s32 v56, $0x1B;
	v3 =	vadd.s32 v7, v3;
	v5 =	vsub.s32 v5, v61  }
0x113: {  	v8 =	vmul.u32 $0x180, v8;
	v6 =	vshll.u32 v6, $0x18;
	v5 =	vshll.u32 v5, $0x18  }
0x114: {  	v10 =	vshll.u32 v10, $0x6;
	v6 =	vshra.s32 v6, $0x1B;
	v5 =	vshra.s32 v5, $0x18  }
0x115: {  	[tilespmem:$0x40] =	vst v3;
	v4 =	vadd.s32 v10, v4;
	v63 =	vshll.u32 v6, $0x6;
	v5 =	vadd.s32 v5, v8  }
0x116: {  	[tilespmem:$0x30] =	vst v4;
	v3 =	vadd.s32 v63, v5  }
0x117: {  	s17 =	simm.s32 $0x60;
	s0 =	simm.s32 $0x0;
	s18 =	simm.s32 $0x660;
	[tilespmem:$0x50] =	vst v3  }
.LBB2_2:
0x118: {  	p0 =	seq.s32 s0, $0x0  }
0x119: {  	s1 =	simm.s32 @!p0 $0x3  }
0x11a: {  	s2 =	sshll.u32 s0, $0x1;
	_ =	swait.ge @!p0 [sflag:s1], $0x6000  }
0x11b: {  	s7 =	sadd.s32 s6, s2;
	[sflag:s1] =	ssyncset.done @!p0 $0x0  }
0x11c: {  	s26 =	sand.u32 $0x30, s7;
	[sflag:s1] =	ssyncadd.s32 @!p0 $0xFFFFA000  }
0x11d: {  	v3 =	vld [tilespmem:s26+$0x30];
	_ =	sdelay $0x2  }
0x11e: {  	s28 =	sand.u32 $0xE, s7  }
0x11f: {  	v4 =	vmov s28  }
0x120: {  	v3 =	vperm.xlane v3, v4;
	_ =	sdelay $0x1  }
0x121: {  	s29 =	simm.s32 $0x4800;
	v3 =	vadd.s32 v2, v3  }
0x122: {  	s8 =	simm.s32 $0x0;
	s7 =	simm.s32 $0x80;
	v4 =	vadd.s32 s29, v3  }
0x123: {  	s30 =	simm.s32 $0x2400;
	v5 =	vadd.s32 s8, v3;
	[tilespmem:s7+$0x0] =	vst v4  }
0x124: {  	s31 =	simm.s32 $0x6C00;
	[tilespmem:s7+$0xFFFFFFE0] =	vst v5;
	v4 =	vadd.s32 s30, v3  }
0x125: {  	[tilespmem:s7+$0xFFFFFFF0] =	vst v4;
	v4 =	vadd.s32 s31, v3  }
0x126: {  	s8 =	simm.s32 $0xFC00;
	[tilespmem:s7+$0x10] =	vst v4  }
.LBB2_3:
0x127: {  	s1 =	sadd.s32 $0xFFFFDC00, s8  }
0x128: {  	p1 =	sne.s32 s8, $0xD5C00;
	s9 =	smov.u32 s8;
	s8 =	sadd.s32 $0x9000, s8  }
.Ltmp0:
0x129: {  	s7 =	sadd.s32 $0x40, s7;
	s11 =	sadd.s32 $0xFFFF9400, s9;
	v4 =	vadd.s32 s1, v3;
	(pc) =	sbr.rel @p1 .LBB2_3-.Ltmp0, $4  }
0x12a: {  	s1 =	sadd.s32 $0xFFFFB800, s9;
	v5 =	vadd.s32 s11, v3;
	[tilespmem:s7+$0x0] =	vst v4  }
0x12b: {  	v4 =	vadd.s32 s1, v3;
	[tilespmem:s7+$0xFFFFFFE0] =	vst v5  }
0x12c: {  	[tilespmem:s7+$0xFFFFFFF0] =	vst v4;
	v4 =	vadd.s32 s9, v3  }
0x12d: {  	[tilespmem:s7+$0x10] =	vst v4  }
0x12e: {  	[tilespmem:s12], [sflag:$0x1] =	stream.indirect.gather [hbm4b:s25+s10], $0x10, s17, s10, $0xb8;
	[tilespmem:$0xCC60] =	vst v63  }
0x12f: {  	s1 =	simm.s32 @!p0 $0x4  }
0x130: {  	s7 =	sor.u32 $0x1, s2;
	_ =	swait.ge @!p0 [sflag:s1], $0x6000  }
0x131: {  	s8 =	sadd.s32 s6, s7;
	[sflag:s1] =	ssyncset.done @!p0 $0x0  }
0x132: {  	s28 =	sand.u32 $0x30, s8;
	[sflag:s1] =	ssyncadd.s32 @!p0 $0xFFFFA000  }
0x133: {  	v3 =	vld [tilespmem:s28+$0x30];
	_ =	sdelay $0x3  }
0x134: {  	v4 =	vmov s8  }
0x135: {  	v3 =	vperm.xlane v3, v4;
	_ =	sdelay $0x1  }
0x136: {  	s29 =	simm.s32 $0x4800;
	v3 =	vadd.s32 v2, v3  }
0x137: {  	s9 =	simm.s32 $0x0;
	s8 =	simm.s32 $0x690;
	v4 =	vadd.s32 s29, v3  }
0x138: {  	s30 =	simm.s32 $0x2400;
	v5 =	vadd.s32 s9, v3;
	[tilespmem:s8+$0xFFFFFFF0] =	vst v4  }
0x139: {  	s31 =	simm.s32 $0x6C00;
	[tilespmem:s8+$0xFFFFFFD0] =	vst v5;
	v4 =	vadd.s32 s30, v3  }
0x13a: {  	[tilespmem:s8+$0xFFFFFFE0] =	vst v4;
	v4 =	vadd.s32 s31, v3  }
0x13b: {  	s9 =	simm.s32 $0xFC00;
	[tilespmem:s8+$0x0] =	vst v4  }
.LBB2_5:
0x13c: {  	s1 =	sadd.s32 $0xFFFFDC00, s9  }
0x13d: {  	p0 =	sne.s32 s9, $0xD5C00;
	s11 =	smov.u32 s9;
	s9 =	sadd.s32 $0x9000, s9  }
.Ltmp1:
0x13e: {  	s8 =	sadd.s32 $0x40, s8;
	s13 =	sadd.s32 $0xFFFF9400, s11;
	v4 =	vadd.s32 s1, v3;
	(pc) =	sbr.rel @p0 .LBB2_5-.Ltmp1, $4  }
0x13f: {  	s1 =	sadd.s32 $0xFFFFB800, s11;
	v5 =	vadd.s32 s13, v3;
	[tilespmem:s8+$0xFFFFFFF0] =	vst v4  }
0x140: {  	v4 =	vadd.s32 s1, v3;
	[tilespmem:s8+$0xFFFFFFD0] =	vst v5  }
0x141: {  	[tilespmem:s8+$0xFFFFFFE0] =	vst v4;
	v4 =	vadd.s32 s11, v3  }
0x142: {  	[tilespmem:s8+$0x0] =	vst v4  }
0x143: {  	[tilespmem:s14], [sflag:$0x2] =	stream.indirect.gather [hbm4b:s25+s10], $0x10, s18, s10, $0xb8;
	[tilespmem:$0xCC60] =	vst v63  }
0x144: {  	s1 =	sadd.s32 s4, s2  }
0x145: {  	_ =	swait.ge [sflag:s15], $0x6000;
	s1 =	smul.u32 $0xC00, s1  }
0x146: {  	s0 =	sadd.s32 $0x1, s0;
	[sflag:s15] =	ssyncset.done $0x0  }
0x147: {  	p0 =	sne.s32 s0, $0x9;
	[sflag:s15] =	ssyncadd.s32 $0xFFFFA000;
	s1 =	sadd.s32 s5, s1  }
0x148: {  	[hbm4b:s1+s3] =	stream.linear.scatter [tilespmem:s12], [sflag:$0x3], $0x6000, $0x38;
	[tilespmem:$0xCC60] =	vst v63  }
.Ltmp2:
0x149: {  	s31 =	sadd.s32 s4, s7;
	(pc) =	sbr.rel @p0 .LBB2_2-.Ltmp2, $4  }
0x14a: {  	s1 =	smul.u32 $0xC00, s31;
	_ =	swait.ge [sflag:s16], $0x6000  }
0x14b: {  	[sflag:s16] =	ssyncset.done $0x0  }
0x14c: {  	s1 =	sadd.s32 s5, s1;
	[sflag:s16] =	ssyncadd.s32 $0xFFFFA000  }
0x14d: {  	[hbm4b:s1+s3] =	stream.linear.scatter [tilespmem:s14], [sflag:$0x4], $0x6000, $0x38;
	[tilespmem:$0xCC60] =	vst v63  }
0x14e: {  	s0 =	simm.s32 $0x3  }
0x14f: {  	_ =	swait.ge [sflag:s0], $0x6000  }
0x150: {  	[sflag:s0] =	ssyncset.done $0x0  }
0x151: {  	s1 =	simm.s32 $0x4;
	[sflag:s0] =	ssyncadd.s32 $0xFFFFA000  }
0x152: {  	_ =	swait.ge [sflag:s1], $0x6000  }
0x153: {  	s2 =	rddreg [dreg:$0x5]  }
0x154: {  	s31 =	rddreg [dreg:$0x4];
	s2 =	sadd.s32 $0x1, s2  }
0x155: {  	p0 =	sne.s32 s2, s31  }
.Ltmp3:
0x156: {  	_ = 	snop;
	(pc) =	sbr.rel @p0 .LBB2_1-.Ltmp3, $3  }
0x157: {  	_ =	sdelay $0x1  }
0x158: {  	[sflag:s1] =	ssyncset.done $0x0  }
0x159: {  	[sflag:s1] =	ssyncadd.s32 $0xFFFFA000  }
0x15a: {  	_ =	sfence.sel $0x180000  }
0x15b: {  	[bflag:$0x0] =	sbarrier.arrive $0xFFFF  }
0x15c: {  	_ =	strace $0x9000004D  }
0x15d: {  	s0 =	stileid.u32;
	[bflag:$0x2] =	sbarrier.arrive $0xFFFF  }
0x15e: {  	p0 =	sne.s32 s0, $0x0;
	s0 =	rddreg [dreg:$0x2]  }
0x15f: {  	s0 =	sadd.s32 @!p0 $0x100000, s0  }
0x160: {  	[sflag:s0] =	ssyncadd.tile.s32 @!p0 $0x1;
	_ =	shalt  }
.Lfunc_end2:
_tile_overlayer_lowered:
.L_overlay_start_2:
0x161: {  	(tag) =	ssettag $0x2  }
0x162: {  	s0 =	rddreg [dreg:$0x0];
	s2 =	stileid.u32  }
0x163: {  	s1 =	rddreg [dreg:$0x1];
	p0 =	sne.s32 s2, $0x0  }
0x164: {  	s3 =	rddreg [dreg:$0x2];
	[bflag:$0x3] =	sbarrier.arrive $0xFFFF;
	s2 =	simm.s32 @!p0 $0x1C05  }
0x165: {  	[timem:s3], [sflag:s2] =	dma.local @!p0 [hbm:s0], s1  }
0x166: {  	s0 =	simm.s32 @!p0 $0x5  }
0x167: {  	_ =	swait.ge @!p0 [sflag:s0], s1  }
0x168: {  	s1 =	ssub.s32 @!p0 $0x0, s1;
	[sflag:s0] =	ssyncset.done @!p0 $0x0  }
0x169: {  	[sflag:s0] =	ssyncadd.s32 @!p0 s1  }
0x16a: {  	[bflag:$0x3] =	sbarrier.arrive $0xFFFF  }
0x16b: {  	_ =	shalt  }

// kernel: kernel.9.cloned.1.call-start
scs
__scs_entry_jumppad:
0x0: {  	(pc) =	sbr.rel $0x88, $3  }
0x1: {  	(tag) =	ssettag $0x0;
	lr =	simm.s32 $0x1  }
0x2: {  	[smem:$0x3F9F] =	sst lr;
	_ =	strace $0xD0000000  }
0x3: {  	_ = 	snop  }
0x4: {  	_ = 	snop  }
0x5: {  	_ = 	snop  }
0x6: {  	_ = 	snop  }
0x7: {  	_ = 	snop  }
__scs_overlays_trampoline_lowered:
0x8: {  	[smem:$0x3FAE] =	sst s0  }
0x9: {  	[smem:$0x3FAF] =	sst s1  }
0xa: {  	[smem:$0x3FB0] =	sst s2  }
0xb: {  	[smem:$0x3FB1] =	sst s3  }
0xc: {  	[smem:$0x3FB2] =	sst s4  }
0xd: {  	[smem:$0x3FB3] =	sst s5  }
0xe: {  	[smem:$0x3FB4] =	sst s6  }
0xf: {  	[smem:$0x3FB5] =	sst s7  }
0x10: {  	[smem:$0x3FB6] =	sst s8  }
0x11: {  	[smem:$0x3FB7] =	sst s9;
	s0 =	simm.s32 @!p0 $0x0  }
0x12: {  	s1 =	sld [smem:$0x3F9D];
	s0 =	simm.s32 @p0 $0x1  }
0x13: {  	[smem:$0x3FB8] =	sst s0;
	s0 =	simm.s32 @!p1 $0x0  }
0x14: {  	s2 =	sld [smem:$0x3F9C];
	s0 =	simm.s32 @p1 $0x1  }
0x15: {  	[smem:$0x3FB9] =	sst s0;
	s0 =	simm.s32 @!p2 $0x0  }
0x16: {  	s3 =	sld [smem:$0x3FDB];
	s0 =	simm.s32 @p2 $0x1  }
0x17: {  	s4 =	simm.s32 $0x1BF5;
	[smem:$0x3FBB] =	sst s0  }
0x18: {  	s0 =	sld [smem:$0x3F9E];
	_ =	swait.ge [sflag:s4], $0x0  }
0x19: {  	s7 =	sld [smem:$0x3F9F]  }
0x1a: {  	s8 =	sadd.s32 $0xFFFFE003, lr  }
0x1b: {  	s9 =	sadd.s32 $0xFFFFFEF7, lr;
	s5 =	simm.s32 $0xFFFFFFFF;
	p2 =	slt.u32 s8, $0xFFFFF086  }
0x1c: {  	p1 =	slt.u32 s9, $0xF7A;
	s5 =	simm.s32 @!p2 $0x0  }
0x1d: {  	s5 =	simm.s32 @p1 $0x1;
	p0 =	seq.s32 s7, s2  }
0x1e: {  	s7 =	smul.u32 @!p0 $0xF7A, s2;
	p2 =	seq.s32 @!p0 s5, $0x0  }
0x1f: {  	s9 =	smul.u32 $0xF7A, s1;
	s8 =	simm.s32 @!p0 $0x1BF5;
	p2 =	por !p2, p0  }
0x20: {  	[sflag:s8] =	ssyncset.s32 @!p0 $0xFFFFF086;
	s6 =	sadd.s32 @!p0 s3, s7;
	s7 =	simm.s32 @!p0 $0x108  }
0x21: {  	s3 =	sadd.s32 s3, s9;
	s6 =	sadd.s32 @!p0 $0x88, s6;
	s7 =	simm.s32 @p2 $0x1082  }
0x22: {  	[simem:s7], [sflag:s8] =	dma.local @!p0 [hbm:s6], $0xF7A  }
0x23: {  	s9 =	sor.u32 $0xD0000000, s2;
	s6 =	simm.s32 $0x108;
	_ =	swait.ge @!p0 [sflag:s8], $0x0  }
0x24: {  	s3 =	sadd.s32 $0x88, s3;
	s6 =	simm.s32 @!p1 $0x1082;
	[sflag:s4] =	ssyncset.s32 $0xFFFFF086  }
0x25: {  	[simem:s6], [sflag:s4] =	dma.local [hbm:s3], $0xF7A  }
0x26: {  	[smem:$0x3F9F] =	sst s1;
	(tag) =	ssettag s2;
	_ =	strace s9  }
0x27: {  	s1 =	sld [smem:$0x3FAF]  }
0x28: {  	s2 =	sld [smem:$0x3FB0]  }
0x29: {  	s4 =	sld [smem:$0x3FB2]  }
0x2a: {  	p0 =	seq.s32 s5, $0x0;
	s5 =	sld [smem:$0x3FB3]  }
0x2b: {  	s6 =	sld [smem:$0x3FB4]  }
0x2c: {  	s7 =	sld [smem:$0x3FB5]  }
0x2d: {  	s3 =	simm.s32 $0x108;
	s8 =	sld [smem:$0x3FB6]  }
0x2e: {  	s3 =	simm.s32 @!p0 $0x1082;
	s9 =	sld [smem:$0x3FB7]  }
0x2f: {  	lr =	sadd.s32 s0, s3;
	s0 =	sld [smem:$0x3FAE]  }
0x30: {  	s3 =	sld [smem:$0x3FB1]  }
0x31: {  	[smem:$0x3FBA] =	sst s10  }
0x32: {  	s10 =	sld [smem:$0x3FB8];
	_ =	sdelay $0x3  }
0x33: {  	p0 =	seq.s32 s10, $0x1;
	s10 =	sld [smem:$0x3FBA];
	_ =	sdelay $0x3  }
0x34: {  	[smem:$0x3FBA] =	sst s10  }
0x35: {  	s10 =	sld [smem:$0x3FB9];
	_ =	sdelay $0x3  }
0x36: {  	p1 =	seq.s32 s10, $0x1;
	s10 =	sld [smem:$0x3FBA];
	_ =	sdelay $0x3  }
0x37: {  	[smem:$0x3FBA] =	sst s10  }
0x38: {  	s10 =	sld [smem:$0x3FBB]  }
0x39: {  	_ = 	snop;
	(pc) =	sbr.ind lr, $3  }
0x3a: {  	_ = 	snop  }
0x3b: {  	_ = 	snop  }
0x3c: {  	p2 =	seq.s32 s10, $0x1;
	s10 =	sld [smem:$0x3FBA]  }
0x3d: {  	_ =	shalt  }
0x3e: {  	_ =	shalt  }
0x3f: {  	_ =	shalt  }
0x40: {  	_ =	shalt  }
0x41: {  	_ =	shalt  }
0x42: {  	_ =	shalt  }
0x43: {  	_ =	shalt  }
0x44: {  	_ =	shalt  }
0x45: {  	_ =	shalt  }
0x46: {  	_ =	shalt  }
0x47: {  	_ =	shalt  }
0x48: {  	_ =	shalt  }
0x49: {  	_ =	shalt  }
0x4a: {  	_ =	shalt  }
0x4b: {  	_ =	shalt  }
0x4c: {  	_ =	shalt  }
0x4d: {  	_ =	shalt  }
0x4e: {  	_ =	shalt  }
0x4f: {  	_ =	shalt  }
0x50: {  	_ =	shalt  }
0x51: {  	_ =	shalt  }
0x52: {  	_ =	shalt  }
0x53: {  	_ =	shalt  }
0x54: {  	_ =	shalt  }
0x55: {  	_ =	shalt  }
0x56: {  	_ =	shalt  }
0x57: {  	_ =	shalt  }
0x58: {  	_ =	shalt  }
0x59: {  	_ =	shalt  }
0x5a: {  	_ =	shalt  }
0x5b: {  	_ =	shalt  }
0x5c: {  	_ =	shalt  }
0x5d: {  	_ =	shalt  }
0x5e: {  	_ =	shalt  }
0x5f: {  	_ =	shalt  }
0x60: {  	_ =	shalt  }
0x61: {  	_ =	shalt  }
0x62: {  	_ =	shalt  }
0x63: {  	_ =	shalt  }
0x64: {  	_ =	shalt  }
0x65: {  	_ =	shalt  }
0x66: {  	_ =	shalt  }
0x67: {  	_ =	shalt  }
0x68: {  	_ =	shalt  }
0x69: {  	_ =	shalt  }
0x6a: {  	_ =	shalt  }
0x6b: {  	_ =	shalt  }
0x6c: {  	_ =	shalt  }
0x6d: {  	_ =	shalt  }
0x6e: {  	_ =	shalt  }
0x6f: {  	_ =	shalt  }
0x70: {  	_ =	shalt  }
0x71: {  	_ =	shalt  }
0x72: {  	_ =	shalt  }
0x73: {  	_ =	shalt  }
0x74: {  	_ =	shalt  }
0x75: {  	_ =	shalt  }
0x76: {  	_ =	shalt  }
0x77: {  	_ =	shalt  }
0x78: {  	_ =	shalt  }
0x79: {  	_ =	shalt  }
0x7a: {  	_ =	shalt  }
0x7b: {  	_ =	shalt  }
0x7c: {  	_ =	shalt  }
0x7d: {  	_ =	shalt  }
0x7e: {  	_ =	shalt  }
0x7f: {  	_ =	shalt  }
0x80: {  	_ =	shalt  }
0x81: {  	_ =	shalt  }
0x82: {  	_ =	shalt  }
0x83: {  	_ =	shalt  }
0x84: {  	_ =	shalt  }
0x85: {  	_ =	shalt  }
0x86: {  	_ =	shalt  }
0x87: {  	_ =	shalt  }
.Lfunc_end0:
.L_simem_size_0:
called_computation.5_lowered:
.L_overlay_start_0:
0x88: {  	s2 =	sld [smem:$0x3FD9]  }
0x89: {  	s3 =	sld [smem:$0x3FFE];
	_ =	sdelay $0x1  }
0x8a: {  	s1 =	srdreg.scid  }
0x8b: {  	s0 =	sand.u32 $0x1, s1  }
0x8c: {  	s16 =	sshll.u32 s0, $0xA;
	s2 =	sadd.s32 s3, s2  }
0x8d: {  	s2 =	sadd.s32 s2, s16  }
0x8e: {  	[smem:$0x3FC6] =	sst s2  }
0x8f: {  	_ = 	snop  }
0x90: {  	(tm) =	ssettm $0x1  }
0x91: {  	s17 =	sld [smem:$0x3FFB];
	_ =	sdelay $0x3  }
0x92: {  	_ =	strace s17  }
0x93: {  	s2 =	sld [smem:$0x3FFC];
	_ =	sdelay $0x3  }
0x94: {  	_ =	strace s2  }
0x95: {  	s2 =	sld [smem:$0x3FFD];
	_ =	sdelay $0x3  }
0x96: {  	_ =	strace s2  }
0x97: {  	_ =	strace $0x8FFFFFFF  }
0x98: {  	s18 =	sld [smem:$0x3FDB];
	_ =	sdelay $0x1  }
0x99: {  	s19 =	simm.s32 $_scs_section_size  }
0x9a: {  	s4 =	simm.s32 $_size__tile_overlayer_lowered;
	s5 =	simm.s32 $_tile_overlayer_lowered  }
0x9b: {  	s22 =	simm.s32 $0x1BFF;
	s21 =	sshll.u32 s5, $0x1;
	s2 =	sadd.s32 s19, s18  }
0x9c: {  	s6 =	simm.s32 $0x0;
	s20 =	sshll.u32 s4, $0x1;
	s4 =	sadd.s32 s21, s2  }
0x9d: {  	[timem:s6], [sflag:s22] =	dma.local [hbm:s4], s20  }
0x9e: {  	_ =	swait.ge [sflag:s22], s20  }
0x9f: {  	s3 =	ssub.s32 $0x0, s20;
	[sflag:s22] =	ssyncset.done $0x0  }
0xa0: {  	[sflag:s22] =	ssyncadd.s32 s3;
	_ =	sdelay $0x1  }
0xa1: {  	s23 =	simm.s32 $0x1B8B  }
0xa2: {  	_ =	swait.ge [sflag:s23], $0x1  }
0xa3: {  	[sflag:s23] =	ssyncset.done $0x0  }
0xa4: {  	s25 =	simm.s32 $0x1B8E;
	s24 =	sld [smem:$0x3FFE];
	[sflag:s23] =	ssyncadd.s32 $0xFFFFFFFF  }
0xa5: {  	s26 =	simm.s32 $execute0_lowered;
	[smem:$0x3FD2] =	sst s25  }
0xa6: {  	s4 =	sshll.u32 s26, $0x1;
	_ =	strace $0x80000046;
	[dreg:$0x1] =	wrdreg $0xFFFFFFFF  }
0xa7: {  	s28 =	simm.s32 $_size_execute0_lowered;
	s2 =	sadd.s32 s2, s4;
	[dreg:$0x0] =	wrdreg $0x0  }
0xa8: {  	s4 =	sshll.u32 s28, $0x1;
	[dreg:$0x2] =	wrdreg s2  }
0xa9: {  	[dreg:$0x3] =	wrdreg s4  }
0xaa: {  	[dreg:$0x4] =	wrdreg $0xC0  }
0xab: {  	_ =	task [dreg:s6], $0x5FFFF  }
0xac: {  	[dreg:$0x1] =	wrdreg $0xFFFFFFFF  }
0xad: {  	[dreg:$0x0] =	wrdreg $0x60  }
0xae: {  	[dreg:$0x2] =	wrdreg s24  }
0xaf: {  	[dreg:$0x3] =	wrdreg $0x9  }
0xb0: {  	_ =	task.clear_ibuf [dreg:s6], $0x4FFFF;
	_ =	strace $0x90000046  }
0xb1: {  	s29 =	simm.s32 $0x9;
	_ =	strace $0x80000048  }
0xb2: {  	_ =	swait.ge [sflag:s29], $0x1  }
0xb3: {  	[sflag:s29] =	ssyncadd.s32 $0xFFFFFFFF  }
0xb4: {  	_ =	strace $0x90000048  }
0xb5: {  	_ =	sfence  }
0xb6: {  	s30 =	sld [smem:$0x0];
	_ =	sdelay $0x2  }
0xb7: {  	s31 =	sshll.u32 s1, $0xD;
	s1 =	sshrl.u32 s1, $0x2  }
0xb8: {  	s3 =	sand.u32 $0x4000, s31;
	s1 =	sadd.s32 s1, s30  }
0xb9: {  	s0 =	sor.u32 s3, s0;
	s1 =	sshll.u32 s1, $0x11  }
0xba: {  	s0 =	sor.u32 s1, s0  }
0xbb: {  	s0 =	sadd.s32 $0x8F2B, s0  }
0xbc: {  	[sflag:s0] =	ssyncadd.remote.s32 $0x1  }
0xbd: {  	_ =	sfence.sel $0xFFFF  }
0xbe: {  	[dreg:$0x0] =	wrdreg $0xFFFFFFFF;
	(pc) =	sbr.abs _section_cstart, $3  }
0xbf: {  	[dreg:$0x1] =	wrdreg $0xFFFFFFFF  }
0xc0: {  	_ =	task.clear_ibuf [dreg:s6], $0x2FFFF;
	_ =	strace $0x9FFFFFFF  }
0xc1: {  	(tm) =	ssettm $0x7FFFFFFF  }
tec
execute0_lowered:
.L_overlay_start_1:
0x0: {  	(tag) =	ssettag $0x1  }
0x1: {  	v0 =	vimm.s32 $0xECA86420  }
0x2: {  	vm0 =	vcmask $0xB08;
	vm1 =	vcmask $0x1310;
	vm2 =	vcmask $0x1B18  }
0x3: {  	s0 =	srdreg.scid;
	vm3 =	vcmask $0x300;
	vm4 =	vcmask $0x2320;
	vm5 =	vcmask $0x2B28  }
0x4: {  	s1 =	rddreg [dreg:$0x0];
	s2 =	stileid.u32;
	v1 =	vimm.s32 $0xD8D0C8C0;
	v2 =	vimm.s32 $0xF8F0E8E0;
	v3 =	vimm.s32 $0x18100800;
	s0 =	sand.u32 $0x1, s0  }
0x5: {  	s24 =	simm.s32 $0x0;
	vm6 =	vcmask $0x3330;
	v4 =	vimm.s32 $0x38302820;
	vm9 =	vcmask $0x1F10;
	s10 =	simm.s32 $0x600;
	s3 =	sshll.u32 s0, $0x4  }
0x6: {  	vm7 =	vcmask $0x3B38;
	vm8 =	vmmov $0xff;
	s12 =	simm.s32 $0xC60;
	s14 =	simm.s32 $0x6C60;
	v1 =	vunpack.c.0.s8.s32 v1;
	s3 =	sor.u32 s2, s3  }
0x7: {  	s15 =	simm.s32 $0x1;
	v2 =	vunpack.c.0.s8.s32 v2;
	v3 =	vunpack.c.0.s8.s32 v3;
	v4 =	vunpack.c.0.s8.s32 v4;
	s0 =	ssub.s32 $0x2, s0;
	s3 =	smul.u32 $0x12, s3  }
0x8: {  	vm10 =	vcmask $0xF0C;
	vm11 =	vcmask $0x1714;
	vm12 =	vcmask $0x1F1C;
	s16 =	simm.s32 $0x2;
	[smem:$0x7FF] =	sst s24;
	s30 =	sshrl.u32 s0, $0x1  }
0x9: {  	v0 =	vunpack.c.l.s4.s8 v0;
	s4 =	sadd.s32 $0x1A00, s1;
	v2 =	vsel vm9, v2, v1;
	v3 =	vsel vm9, v4, v3;
	s0 =	ssub.s32 s0, s30;
	s5 =	sshrl.u32 s3, $0x3  }
0xa: {  	vm13 =	vcmask $0x2724;
	vm14 =	vcmask $0x2F2C;
	_ =	strace $0x80000047;
	v2 =	vcombine.low v3, v2;
	s0 =	smax.u32 s0, $0x1;
	s7 =	sadd.s32 s5, s1  }
0xb: {  	vm15 =	vcmask $0x3734;
	v0 =	vunpack.c.0.s8.s32 v0;
	v1 =	vlaneseq.u32;
	s2 =	simm.s32 $0x0;
	[dreg:$0x3] =	wrdreg s0;
	s31 =	sadd.s32 $0x511A00, s7  }
0xc: {  	vm9 =	vcmask $0x704;
	v1 =	vmul.u32 $0x2, v1;
	s6 =	sand.u32 $0x6, s3;
	v2 =	vand.u32 $0xFF, v2;
	s5 =	sadd.s32 $0x511C00, s1;
	[dreg:$0x2] =	wrdreg s31  }
.LBB2_1:
0xd: {  	[dreg:$0x4] =	wrdreg s2  }
0xe: {  	s0 =	rddreg [dreg:$0x2];
	s18 =	simm.s32 $0x5  }
0xf: {  	[tilespmem:s24], [sflag:$0x5] =	stream.linear.gather [hbm4b:s0+s24], $0x30, $0x38;
	[tilespmem:$0xCC60] =	vst v63  }
0x10: {  	_ =	swait.ge [sflag:s18], $0x30  }
0x11: {  	[sflag:s18] =	ssyncset.done $0x0  }
0x12: {  	[sflag:s18] =	ssyncadd.s32 $0xFFFFFFD0  }
0x13: {  	v4 =	vld [tilespmem:$0x0];
	_ =	sdelay $0x4  }
0x14: {  	(v2sf) =	vpush v4, $0xD;
	_ =	sdelay $0x1  }
0x15: {  	(v2sf) =	vpush v4, $0xC;
	_ =	sdelay $0x1  }
0x16: {  	(v2sf) =	vpush v4, $0xE;
	_ =	sdelay $0x1  }
0x17: {  	(v2sf) =	vpush v4, $0xF;
	_ =	sdelay $0x1  }
0x18: {  	(v2sf) =	vpush v4, $0x9;
	_ =	sdelay $0x1  }
0x19: {  	(v2sf) =	vpush v4, $0x8;
	_ =	sdelay $0x1  }
0x1a: {  	(v2sf) =	vpush v4, $0xA  }
0x1b: {  	(v2sf) =	vpush v4, $0xB;
	_ =	sdelay $0x1  }
0x1c: {  	s19 =	spop (v2sf)  }
0x1d: {  	(v2sf) =	vpush v4, $0x0;
	s13 =	smulhi.u32 $0x2AAAAAAB, s19;
	s0 =	sshra.s32 s19, $0x1F  }
0x1e: {  	s20 =	spop (v2sf);
	(v2sf) =	vpush v4, $0x1;
	s2 =	smul.u32 $0x2AAAAAAB, s0  }
0x1f: {  	s28 =	smulhi.u32 $0x2AAAAAAB, s20;
	s0 =	sshra.s32 s20, $0x1F  }
0x20: {  	s21 =	spop (v2sf);
	s9 =	smul.u32 $0x2AAAAAAB, s0  }
0x21: {  	s29 =	smulhi.u32 $0x2AAAAAAB, s21;
	s0 =	sshra.s32 s21, $0x1F  }
0x22: {  	(v2sf) =	vpush v4, $0x2;
	s22 =	spop (v2sf);
	s11 =	smul.u32 $0x2AAAAAAB, s0  }
0x23: {  	s30 =	smulhi.u32 $0x2AAAAAAB, s22;
	s0 =	sshra.s32 s22, $0x1F  }
0x24: {  	(v2sf) =	vpush v4, $0x3;
	s23 =	spop (v2sf);
	s21 =	smul.u32 $0x2AAAAAAB, s0  }
0x25: {  	s31 =	smulhi.u32 $0x2AAAAAAB, s23;
	s0 =	sshra.s32 s23, $0x1F  }
0x26: {  	(v2sf) =	vpush v4, $0x4;
	s25 =	spop (v2sf);
	s20 =	smul.u32 $0x2AAAAAAB, s0  }
0x27: {  	s1 =	smulhi.u32 $0x2AAAAAAB, s25;
	s0 =	sshra.s32 s25, $0x1F  }
0x28: {  	(v2sf) =	vpush v4, $0x5;
	s26 =	spop (v2sf);
	s19 =	smul.u32 $0x2AAAAAAB, s0  }
0x29: {  	s7 =	smulhi.u32 $0x2AAAAAAB, s26;
	s8 =	spop (v2sf)  }
0x2a: {  	(v2sf) =	vpush v4, $0x6;
	s0 =	sshra.s32 s26, $0x1F;
	s18 =	smulhi.u32 $0x2AAAAAAB, s8  }
0x2b: {  	s17 =	smul.u32 $0x2AAAAAAB, s0  }
0x2c: {  	s0 =	sshra.s32 s8, $0x1F;
	[smem:$0x7C1] =	sst s18;
	s22 =	spop (v2sf)  }
0x2d: {  	v3 =	vld [tilespmem:$0x10];
	s18 =	smul.u32 $0x2AAAAAAB, s0;
	s25 =	spop (v2sf)  }
0x2e: {  	(v2sf) =	vpush v4, $0x7;
	[dreg:$0x1d] =	wrdreg s1;
	s23 =	smulhi.u32 $0x2AAAAAAB, s22;
	s1 =	sshra.s32 s25, $0x1F  }
0x2f: {  	[dreg:$0x1f] =	wrdreg s7;
	s7 =	smul.u32 $0x2AAAAAAB, s1  }
0x30: {  	s26 =	smulhi.u32 $0x2AAAAAAB, s25  }
0x31: {  	[smem:$0x7C5] =	sst s7;
	s7 =	spop (v2sf)  }
0x32: {  	(v2sf) =	vpush v3, $0xD;
	[smem:$0x7C2] =	sst s23;
	s8 =	smulhi.u32 $0x2AAAAAAB, s7;
	s7 =	sshra.s32 s7, $0x1F  }
0x33: {  	s0 =	sshra.s32 s22, $0x1F;
	s22 =	spop (v2sf);
	s1 =	smul.u32 $0x2AAAAAAB, s7  }
0x34: {  	[smem:$0x7C4] =	sst s26;
	s23 =	smulhi.u32 $0x2AAAAAAB, s22;
	s7 =	sshra.s32 s22, $0x1F  }
0x35: {  	s25 =	spop (v2sf);
	s26 =	smul.u32 $0x2AAAAAAB, s7  }
0x36: {  	(v2sf) =	vpush v3, $0xC;
	[smem:$0x7C6] =	sst s8;
	s8 =	smulhi.u32 $0x2AAAAAAB, s25;
	s7 =	sshra.s32 s25, $0x1F  }
0x37: {  	s22 =	spop (v2sf);
	s25 =	smul.u32 $0x2AAAAAAB, s7  }
0x38: {  	[smem:$0x7C7] =	sst s23;
	s23 =	smulhi.u32 $0x2AAAAAAB, s22  }
0x39: {  	[smem:$0x7C8] =	sst s8;
	s8 =	spop (v2sf)  }
0x3a: {  	(v2sf) =	vpush v3, $0xE;
	s7 =	sshra.s32 s22, $0x1F;
	s22 =	smulhi.u32 $0x2AAAAAAB, s8  }
0x3b: {  	[smem:$0x7C9] =	sst s23  }
0x3c: {  	s23 =	smul.u32 $0x2AAAAAAB, s7;
	s7 =	sshra.s32 s8, $0x1F;
	[smem:$0x7CA] =	sst s22  }
0x3d: {  	s22 =	smul.u32 $0x2AAAAAAB, s7;
	s7 =	spop (v2sf)  }
0x3e: {  	(v2sf) =	vpush v3, $0xF;
	s8 =	smulhi.u32 $0x2AAAAAAB, s7;
	_ =	sdelay $0x1  }
0x3f: {  	s0 =	smul.u32 $0x2AAAAAAB, s0;
	s7 =	sshra.s32 s7, $0x1F;
	[smem:$0x7CB] =	sst s8  }
0x40: {  	s8 =	smul.u32 $0x2AAAAAAB, s7;
	s7 =	spop (v2sf)  }
0x41: {  	[smem:$0x7C3] =	sst s0;
	(v2sf) =	vpush v3, $0x9;
	s0 =	smulhi.u32 $0x2AAAAAAB, s7;
	s7 =	sshra.s32 s7, $0x1F  }
0x42: {  	s7 =	smul.u32 $0x2AAAAAAB, s7;
	_ =	sdelay $0x1  }
0x43: {  	[smem:$0x7CD] =	sst s7;
	s7 =	spop (v2sf)  }
0x44: {  	(v2sf) =	vpush v3, $0x8;
	[smem:$0x7CC] =	sst s0;
	s0 =	smulhi.u32 $0x2AAAAAAB, s7;
	s7 =	sshra.s32 s7, $0x1F  }
0x45: {  	s7 =	smul.u32 $0x2AAAAAAB, s7;
	_ =	sdelay $0x1  }
0x46: {  	[smem:$0x7CF] =	sst s7;
	s7 =	spop (v2sf)  }
0x47: {  	(v2sf) =	vpush v3, $0xA;
	[smem:$0x7CE] =	sst s0;
	s0 =	smulhi.u32 $0x2AAAAAAB, s7;
	s7 =	sshra.s32 s7, $0x1F  }
0x48: {  	s7 =	smul.u32 $0x2AAAAAAB, s7  }
0x49: {  	(v2sf) =	vpush v3, $0xB  }
0x4a: {  	[smem:$0x7D1] =	sst s7;
	s7 =	spop (v2sf)  }
0x4b: {  	[smem:$0x7D0] =	sst s0;
	s0 =	smulhi.u32 $0x2AAAAAAB, s7;
	s7 =	sshra.s32 s7, $0x1F  }
0x4c: {  	(v2sf) =	vpush v3, $0x0;
	s7 =	smul.u32 $0x2AAAAAAB, s7;
	_ =	sdelay $0x1  }
0x4d: {  	s2 =	sadd.s32 s2, s13;
	(v2sf) =	vpush v3, $0x1;
	[smem:$0x7D3] =	sst s7;
	s7 =	spop (v2sf)  }
0x4e: {  	[smem:$0x7D2] =	sst s0;
	s0 =	smulhi.u32 $0x2AAAAAAB, s7;
	s7 =	sshra.s32 s7, $0x1F  }
0x4f: {  	[dreg:$0x1e] =	wrdreg s2;
	s9 =	sadd.s32 s9, s28;
	s7 =	smul.u32 $0x2AAAAAAB, s7  }
0x50: {  	[smem:$0x7E5] =	sst s9  }
0x51: {  	s11 =	sadd.s32 s11, s29;
	[smem:$0x7D5] =	sst s7;
	s7 =	spop (v2sf)  }
0x52: {  	[smem:$0x7D4] =	sst s0;
	s0 =	smulhi.u32 $0x2AAAAAAB, s7;
	s7 =	sshra.s32 s7, $0x1F  }
0x53: {  	[smem:$0x7E6] =	sst s11;
	s9 =	sadd.s32 s20, s31;
	(v2sf) =	vpush v3, $0x2;
	s7 =	smul.u32 $0x2AAAAAAB, s7  }
0x54: {  	[smem:$0x7E8] =	sst s9  }
0x55: {  	[smem:$0x7D7] =	sst s7;
	s7 =	spop (v2sf)  }
0x56: {  	[smem:$0x7D6] =	sst s0;
	s0 =	smulhi.u32 $0x2AAAAAAB, s7;
	s7 =	sshra.s32 s7, $0x1F  }
0x57: {  	s2 =	spop (v2sf);
	s13 =	smul.u32 $0x2AAAAAAB, s7  }
0x58: {  	s20 =	rddreg [dreg:$0x1f];
	s28 =	smulhi.u32 $0x2AAAAAAB, s2;
	s7 =	sshra.s32 s2, $0x1F  }
0x59: {  	[smem:$0x7D8] =	sst s0;
	s29 =	smul.u32 $0x2AAAAAAB, s7  }
0x5a: {  	(v2sf) =	vpush v3, $0x3;
	s2 =	sadd.s32 s21, s30;
	[smem:$0x7D9] =	sst s13;
	s13 =	spop (v2sf)  }
0x5b: {  	[smem:$0x7E7] =	sst s2;
	s30 =	smulhi.u32 $0x2AAAAAAB, s13  }
0x5c: {  	s7 =	sshra.s32 s13, $0x1F;
	s11 =	spop (v2sf);
	s13 =	rddreg [dreg:$0x1d]  }
0x5d: {  	s31 =	smul.u32 $0x2AAAAAAB, s7;
	s2 =	sadd.s32 s19, s13;
	s7 =	sld [smem:$0x7C1]  }
0x5e: {  	s19 =	smulhi.u32 $0x2AAAAAAB, s11;
	s0 =	sshra.s32 s11, $0x1F;
	s11 =	sld [smem:$0x7C2]  }
0x5f: {  	(v2sf) =	vpush v3, $0x4;
	s28 =	sadd.s32 s29, s28;
	s13 =	sld [smem:$0x7C3]  }
0x60: {  	[dreg:$0x11] =	wrdreg s28  }
0x61: {  	(v2sf) =	vpush v3, $0x5;
	[smem:$0x7E9] =	sst s2  }
0x62: {  	s21 =	spop (v2sf);
	s2 =	sadd.s32 s17, s20;
	[smem:$0x7DA] =	sst s19  }
0x63: {  	s0 =	smul.u32 $0x2AAAAAAB, s0;
	[smem:$0x7EA] =	sst s2  }
0x64: {  	s9 =	smulhi.u32 $0x2AAAAAAB, s21;
	s19 =	sld [smem:$0x7C5]  }
0x65: {  	[smem:$0x7DB] =	sst s0  }
0x66: {  	[smem:$0x7DC] =	sst s9  }
0x67: {  	s2 =	sadd.s32 s18, s7;
	s18 =	sld [smem:$0x7C4]  }
0x68: {  	s0 =	sshra.s32 s21, $0x1F;
	s21 =	sld [smem:$0x7C6]  }
0x69: {  	s17 =	spop (v2sf);
	s7 =	sld [smem:$0x7C7]  }
0x6a: {  	s31 =	sadd.s32 s31, s30;
	s13 =	sadd.s32 s13, s11;
	s11 =	sld [smem:$0x7C8]  }
0x6b: {  	s20 =	smulhi.u32 $0x2AAAAAAB, s17;
	[smem:$0x7EE] =	sst s31  }
0x6c: {  	[smem:$0x7EB] =	sst s2  }
0x6d: {  	(v2sf) =	vpush v3, $0x6;
	s0 =	smul.u32 $0x2AAAAAAB, s0;
	[smem:$0x7DE] =	sst s20  }
0x6e: {  	s2 =	spop (v2sf);
	s28 =	sld [smem:$0x7DB]  }
0x6f: {  	s9 =	smulhi.u32 $0x2AAAAAAB, s2;
	[smem:$0x7DD] =	sst s0;
	s19 =	sadd.s32 s19, s18  }
0x70: {  	s0 =	sshra.s32 s17, $0x1F;
	s17 =	spop (v2sf);
	s18 =	sld [smem:$0x7C9]  }
0x71: {  	s0 =	smul.u32 $0x2AAAAAAB, s0;
	[smem:$0x7E0] =	sst s9  }
0x72: {  	s20 =	sadd.s32 s1, s21;
	s21 =	smulhi.u32 $0x2AAAAAAB, s17;
	s9 =	sld [smem:$0x7CD]  }
0x73: {  	(v2sf) =	vpush v3, $0x7;
	[smem:$0x7DF] =	sst s0  }
0x74: {  	v5 =	vld [tilespmem:$0x20];
	[smem:$0x7E2] =	sst s21  }
0x75: {  	s0 =	sshra.s32 s2, $0x1F;
	s1 =	sadd.s32 s23, s18;
	s23 =	sld [smem:$0x7CA]  }
0x76: {  	s2 =	sld [smem:$0x7CB];
	s0 =	smul.u32 $0x2AAAAAAB, s0  }
0x77: {  	[dreg:$0x1c] =	wrdreg s1  }
0x78: {  	[smem:$0x7E1] =	sst s0  }
0x79: {  	(v2sf) =	vpush v5, $0xD;
	s1 =	sadd.s32 s22, s23;
	s22 =	sld [smem:$0x7CE]  }
0x7a: {  	s23 =	sld [smem:$0x7CF]  }
0x7b: {  	s0 =	sshra.s32 s17, $0x1F;
	[dreg:$0x1b] =	wrdreg s1  }
0x7c: {  	(v2sf) =	vpush v5, $0xC;
	s26 =	sadd.s32 s26, s7;
	s0 =	smul.u32 $0x2AAAAAAB, s0;
	s1 =	spop (v2sf)  }
0x7d: {  	s7 =	smulhi.u32 $0x2AAAAAAB, s1;
	s17 =	sshra.s32 s1, $0x1F;
	s1 =	sld [smem:$0x7D0]  }
0x7e: {  	[smem:$0x7E3] =	sst s0  }
0x7f: {  	s0 =	sadd.s32 s8, s2;
	s8 =	sld [smem:$0x7CC]  }
0x80: {  	s2 =	sld [smem:$0x7D1]  }
0x81: {  	[smem:$0x7EC] =	sst s0  }
0x82: {  	s25 =	sadd.s32 s25, s11;
	s11 =	spop (v2sf);
	[smem:$0x7E4] =	sst s7  }
0x83: {  	s21 =	smul.u32 $0x2AAAAAAB, s17;
	s0 =	sadd.s32 s9, s8;
	s8 =	sld [smem:$0x7D2]  }
0x84: {  	s18 =	smulhi.u32 $0x2AAAAAAB, s11;
	s17 =	sshra.s32 s11, $0x1F;
	s9 =	sld [smem:$0x7D3]  }
0x85: {  	(v2sf) =	vpush v5, $0xE;
	s11 =	smul.u32 $0x2AAAAAAB, s17;
	[dreg:$0x1a] =	wrdreg s0  }
0x86: {  	(v2sf) =	vpush v5, $0xF;
	s0 =	sadd.s32 s23, s22;
	s22 =	sld [smem:$0x7D4]  }
0x87: {  	s11 =	sadd.s32 s11, s18;
	s23 =	sld [smem:$0x7D5]  }
0x88: {  	s7 =	spop (v2sf);
	[dreg:$0x12] =	wrdreg s11  }
0x89: {  	s17 =	sshra.s32 s7, $0x1F;
	[dreg:$0x18] =	wrdreg s0;
	s0 =	sadd.s32 s2, s1  }
0x8a: {  	[dreg:$0x17] =	wrdreg s0;
	s0 =	sadd.s32 s9, s8;
	s9 =	smulhi.u32 $0x2AAAAAAB, s7  }
0x8b: {  	s2 =	spop (v2sf);
	s8 =	smul.u32 $0x2AAAAAAB, s17  }
0x8c: {  	s7 =	smulhi.u32 $0x2AAAAAAB, s2;
	s17 =	sshra.s32 s2, $0x1F;
	s2 =	sld [smem:$0x7D8]  }
0x8d: {  	[dreg:$0x16] =	wrdreg s0  }
0x8e: {  	s0 =	sadd.s32 s23, s22;
	s22 =	sld [smem:$0x7D6]  }
0x8f: {  	s23 =	sld [smem:$0x7D7]  }
0x90: {  	s1 =	smul.u32 $0x2AAAAAAB, s17;
	[dreg:$0x15] =	wrdreg s0;
	s8 =	sadd.s32 s8, s9  }
0x91: {  	[dreg:$0x6] =	wrdreg s8  }
0x92: {  	s1 =	sadd.s32 s1, s7;
	s7 =	rddreg [dreg:$0x1e]  }
0x93: {  	s8 =	sld [smem:$0x7E5]  }
0x94: {  	s0 =	sadd.s32 s23, s22;
	s22 =	sld [smem:$0x7D9];
	s23 =	spop (v2sf)  }
0x95: {  	[dreg:$0x8] =	wrdreg s1;
	s17 =	spop (v2sf)  }
0x96: {  	[dreg:$0x14] =	wrdreg s0;
	s29 =	sshra.s32 s23, $0x1F;
	s31 =	smulhi.u32 $0x2AAAAAAB, s17  }
0x97: {  	(v2sf) =	vpush v5, $0x9;
	s30 =	sshra.s32 s17, $0x1F;
	s17 =	sld [smem:$0x7DD];
	s9 =	sshrl.u32 s8, $0x1F  }
0x98: {  	s0 =	sadd.s32 s22, s2;
	s2 =	smul.u32 $0x2AAAAAAB, s29;
	s29 =	sld [smem:$0x7DC]  }
0x99: {  	v6 =	vmov s9;
	s9 =	rddreg [dreg:$0x1b]  }
0x9a: {  	s30 =	smul.u32 $0x2AAAAAAB, s30;
	[dreg:$0x13] =	wrdreg s0  }
0x9b: {  	s0 =	smulhi.u32 $0x2AAAAAAB, s23;
	s23 =	sld [smem:$0x7DA]  }
0x9c: {  	s31 =	sadd.s32 s30, s31;
	s30 =	sld [smem:$0x7E8]  }
0x9d: {  	[dreg:$0x5] =	wrdreg s31  }
0x9e: {  	s31 =	sld [smem:$0x7E9]  }
0x9f: {  	(v2sf) =	vpush v5, $0x8;
	s22 =	sadd.s32 s28, s23;
	s28 =	sld [smem:$0x7DE]  }
0xa0: {  	s23 =	sld [smem:$0x7E0]  }
0xa1: {  	[dreg:$0x10] =	wrdreg s22  }
0xa2: {  	s0 =	sadd.s32 s2, s0;
	s22 =	sadd.s32 s17, s29;
	s17 =	sld [smem:$0x7DF]  }
0xa3: {  	[dreg:$0x7] =	wrdreg s0  }
0xa4: {  	[dreg:$0xf] =	wrdreg s22  }
0xa5: {  	s0 =	sshra.s32 s7, $0x2;
	s22 =	sadd.s32 s17, s28;
	s17 =	sld [smem:$0x7E1]  }
0xa6: {  	s29 =	spop (v2sf);
	[smem:$0x7EF] =	sst s0  }
0xa7: {  	s28 =	smulhi.u32 $0x2AAAAAAB, s29;
	s29 =	sshra.s32 s29, $0x1F;
	[dreg:$0xe] =	wrdreg s22  }
0xa8: {  	s29 =	smul.u32 $0x2AAAAAAB, s29;
	s22 =	sadd.s32 s17, s23;
	s23 =	sld [smem:$0x7E2]  }
0xa9: {  	s17 =	sld [smem:$0x7E3]  }
0xaa: {  	s1 =	sadd.s32 s29, s28;
	s29 =	sld [smem:$0x7E7]  }
0xab: {  	s28 =	sld [smem:$0x7EA]  }
0xac: {  	[dreg:$0xd] =	wrdreg s22  }
0xad: {  	s23 =	sadd.s32 s17, s23;
	s17 =	sld [smem:$0x7E4]  }
0xae: {  	s22 =	spop (v2sf);
	[dreg:$0xa] =	wrdreg s1;
	s0 =	sshra.s32 s28, $0x2  }
0xaf: {  	[dreg:$0xc] =	wrdreg s23;
	s23 =	smulhi.u32 $0x2AAAAAAB, s22;
	s22 =	sshra.s32 s22, $0x1F  }
0xb0: {  	[smem:$0x7F1] =	sst s0;
	s22 =	smul.u32 $0x2AAAAAAB, s22;
	s21 =	sadd.s32 s21, s17  }
0xb1: {  	s18 =	sshra.s32 s31, $0x2;
	[dreg:$0xb] =	wrdreg s21  }
0xb2: {  	s1 =	sshrl.u32 s7, $0x1F;
	s2 =	sadd.s32 s22, s23;
	s21 =	sld [smem:$0x7E6]  }
0xb3: {  	v6 =	vsel vm0, s1, v6;
	s1 =	sshrl.u32 s13, $0x1F;
	s11 =	sshrl.u32 s29, $0x1F;
	[dreg:$0x9] =	wrdreg s2  }
0xb4: {  	s2 =	sshra.s32 s8, $0x2;
	s8 =	sshra.s32 s29, $0x2;
	s29 =	sld [smem:$0x7EB]  }
0xb5: {  	v9 =	vmov s1;
	s1 =	sshra.s32 s26, $0x2;
	[smem:$0x7ED] =	sst s2;
	s2 =	sshra.s32 s30, $0x2  }
0xb6: {  	s17 =	sshrl.u32 s31, $0x1F;
	s31 =	sshra.s32 s13, $0x1F;
	[smem:$0x7F0] =	sst s2  }
0xb7: {  	s23 =	sshrl.u32 s28, $0x1F;
	s22 =	sshrl.u32 s21, $0x1F;
	s2 =	sld [smem:$0x7EC]  }
0xb8: {  	s7 =	sshra.s32 s21, $0x2;
	s21 =	sshrl.u32 s30, $0x1F;
	s0 =	sshra.s32 s29, $0x2  }
0xb9: {  	v9 =	vnsel vm3, $0x0, v9;
	v7 =	vmov s17;
	s30 =	sshra.s32 s13, $0x2;
	[smem:$0x7F2] =	sst s0;
	s0 =	sshrl.u32 s19, $0x1F  }
0xba: {  	s28 =	sshrl.u32 s29, $0x1F;
	v6 =	vsel vm1, s22, v6;
	v7 =	vsel vm0, s21, v7;
	s22 =	sshrl.u32 s20, $0x1F;
	s17 =	sshra.s32 s2, $0x1F;
	v9 =	vsel vm0, s0, v9  }
0xbb: {  	s21 =	sshra.s32 s19, $0x2;
	s29 =	sshra.s32 s25, $0x1F;
	v7 =	vsel vm1, s23, v7;
	v8 =	vmov s17;
	s17 =	sshrl.u32 s26, $0x1F;
	v9 =	vsel vm1, s22, v9  }
0xbc: {  	s19 =	sshra.s32 s19, $0x1F;
	v7 =	vsel vm2, s28, v7;
	s28 =	sshra.s32 s26, $0x1F;
	v8 =	vsel vm3, s30, v8;
	v9 =	vsel vm2, s17, v9;
	s17 =	rddreg [dreg:$0x1a]  }
0xbd: {  	s26 =	sshrl.u32 s25, $0x1F;
	v8 =	vsel vm9, s31, v8;
	s31 =	rddreg [dreg:$0x1c];
	s0 =	sshra.s32 s17, $0x2  }
0xbe: {  	v6 =	vsel vm2, s11, v6;
	s11 =	sshra.s32 s25, $0x2;
	v9 =	vsel vm4, s26, v9;
	v8 =	vsel vm0, s21, v8;
	s25 =	sshrl.u32 s31, $0x1F;
	[smem:$0x7F6] =	sst s0  }
0xbf: {  	s13 =	sshrl.u32 s9, $0x1F;
	s23 =	sshra.s32 s20, $0x2;
	v8 =	vsel vm10, s19, v8;
	v9 =	vsel vm5, s25, v9;
	s25 =	rddreg [dreg:$0x15]  }
0xc0: {  	s19 =	sshrl.u32 s2, $0x1F;
	v8 =	vsel vm1, s23, v8;
	s23 =	sshra.s32 s2, $0x2;
	s2 =	rddreg [dreg:$0x17]  }
0xc1: {  	s20 =	sshra.s32 s20, $0x1F;
	v9 =	vsel vm6, s13, v9;
	s13 =	rddreg [dreg:$0x11]  }
0xc2: {  	s26 =	sshrl.u32 s25, $0x1F;
	v8 =	vsel vm11, s20, v8;
	s20 =	sshrl.u32 s17, $0x1F;
	s17 =	rddreg [dreg:$0x16]  }
0xc3: {  	[smem:$0x7F4] =	sst s26  }
0xc4: {  	s26 =	sld [smem:$0x7EF]  }
0xc5: {  	[smem:$0x7F3] =	sst s20  }
0xc6: {  	s22 =	sshra.s32 s9, $0x2;
	s21 =	sshra.s32 s9, $0x1F;
	v8 =	vsel vm2, s1, v8;
	s1 =	rddreg [dreg:$0x18]  }
0xc7: {  	s9 =	sshrl.u32 s1, $0x1F;
	s0 =	sshra.s32 s1, $0x2;
	s1 =	rddreg [dreg:$0x14]  }
0xc8: {  	[smem:$0x7F5] =	sst s0  }
0xc9: {  	s20 =	sshrl.u32 s2, $0x1F;
	v8 =	vsel vm12, s28, v8;
	s0 =	sshra.s32 s2, $0x2;
	s2 =	rddreg [dreg:$0x13]  }
0xca: {  	v8 =	vsel vm4, s11, v8;
	s11 =	sld [smem:$0x7ED]  }
0xcb: {  	[smem:$0x7F8] =	sst s0  }
0xcc: {  	s28 =	sshrl.u32 s17, $0x1F;
	s0 =	sshra.s32 s17, $0x2;
	s17 =	sld [smem:$0x7EE]  }
0xcd: {  	s30 =	sshra.s32 s31, $0x2;
	v8 =	vsel vm13, s29, v8;
	[smem:$0x7F9] =	sst s0  }
0xce: {  	s0 =	sshra.s32 s25, $0x2;
	v8 =	vsel vm5, s30, v8;
	s30 =	sld [smem:$0x7F0]  }
0xcf: {  	(v2sf) =	vpush v5, $0xA;
	[smem:$0x7FB] =	sst s0  }
0xd0: {  	s0 =	sshra.s32 s1, $0x2;
	v10 =	vmov s11;
	s11 =	rddreg [dreg:$0x10]  }
0xd1: {  	(v2sf) =	vpush v5, $0xB;
	[smem:$0x7FA] =	sst s0  }
0xd2: {  	s0 =	sshra.s32 s2, $0x2;
	v10 =	vsel vm0, s26, v10;
	s26 =	rddreg [dreg:$0xf]  }
0xd3: {  	(v2sf) =	vpush v5, $0x0;
	s31 =	sshra.s32 s31, $0x1F;
	[smem:$0x7FC] =	sst s0  }
0xd4: {  	v11 =	vmov s18;
	v9 =	vsel vm7, s19, v9;
	s19 =	sshrl.u32 s13, $0x1F;
	v8 =	vsel vm14, s31, v8;
	s0 =	sshra.s32 s13, $0x2;
	s13 =	sld [smem:$0x7F1]  }
0xd5: {  	(v2sf) =	vpush v5, $0x1;
	v8 =	vsel vm6, s22, v8;
	v11 =	vsel vm0, s30, v11;
	s30 =	sld [smem:$0x7F2]  }
0xd6: {  	(v2sf) =	vpush v5, $0x2;
	s25 =	sshrl.u32 s1, $0x1F;
	s1 =	sshrl.u32 s17, $0x1F;
	v8 =	vsel vm15, s21, v8;
	[dreg:$0x19] =	wrdreg s0  }
0xd7: {  	v14 =	vmov s1;
	v8 =	vsel vm7, s23, v8;
	s23 =	sld [smem:$0x7F3]  }
0xd8: {  	s31 =	sshrl.u32 s11, $0x1F;
	s0 =	rddreg [dreg:$0xd];
	v14 =	vnsel vm3, $0x0, v14  }
0xd9: {  	(v2sf) =	vpush v5, $0x3;
	s29 =	sshrl.u32 s2, $0x1F;
	s22 =	sshra.s32 s11, $0x2;
	v14 =	vsel vm0, s31, v14;
	s31 =	sld [smem:$0x7F4]  }
0xda: {  	(v2sf) =	vpush v5, $0x4;
	v10 =	vsel vm1, s7, v10;
	s7 =	sshrl.u32 s26, $0x1F;
	s21 =	sshra.s32 s26, $0x2;
	v11 =	vsel vm1, s13, v11;
	s13 =	rddreg [dreg:$0xe]  }
0xdb: {  	(v2sf) =	vpush v5, $0x5;
	v10 =	vsel vm2, s8, v10;
	s8 =	sshra.s32 s26, $0x1F;
	s26 =	sshra.s32 s0, $0x2;
	v11 =	vsel vm2, s30, v11;
	s30 =	rddreg [dreg:$0x12]  }
0xdc: {  	(v2sf) =	vpush v5, $0x6;
	s2 =	sshra.s32 s11, $0x1F;
	[smem:$0x7F7] =	sst s26;
	s11 =	sshra.s32 s30, $0x1F  }
0xdd: {  	(v2sf) =	vpush v5, $0x7;
	v12 =	vmov s9;
	s18 =	sshra.s32 s17, $0x2;
	s17 =	sshra.s32 s17, $0x1F;
	s26 =	rddreg [dreg:$0xc];
	v13 =	vmov s11  }
0xde: {  	v14 =	vsel vm1, s7, v14;
	s9 =	sshrl.u32 s13, $0x1F;
	v12 =	vsel vm0, s23, v12;
	s23 =	sshrl.u32 s0, $0x1F;
	v13 =	vsel vm3, s18, v13;
	s18 =	spop (v2sf)  }
0xdf: {  	v14 =	vsel vm2, s9, v14;
	s9 =	sld [smem:$0x7F5];
	v13 =	vsel vm9, s17, v13;
	s1 =	smulhi.u32 $0x2AAAAAAB, s18;
	s18 =	sshra.s32 s18, $0x1F  }
0xe0: {  	v12 =	vsel vm1, s20, v12;
	s11 =	sshra.s32 s13, $0x2;
	s20 =	spop (v2sf);
	v13 =	vsel vm0, s22, v13;
	s18 =	smul.u32 $0x2AAAAAAB, s18  }
0xe1: {  	v12 =	vsel vm2, s28, v12;
	s28 =	sshra.s32 s26, $0x2;
	s7 =	smulhi.u32 $0x2AAAAAAB, s20;
	s20 =	sshra.s32 s20, $0x1F;
	v13 =	vsel vm10, s2, v13  }
0xe2: {  	v15 =	vmov s25;
	v14 =	vsel vm4, s23, v14;
	s22 =	sshrl.u32 s26, $0x1F;
	s25 =	spop (v2sf);
	s20 =	smul.u32 $0x2AAAAAAB, s20;
	v13 =	vsel vm1, s21, v13  }
0xe3: {  	s2 =	sshra.s32 s26, $0x1F;
	v14 =	vsel vm5, s22, v14;
	s22 =	smulhi.u32 $0x2AAAAAAB, s25;
	v13 =	vsel vm11, s8, v13;
	s8 =	rddreg [dreg:$0xb]  }
0xe4: {  	s21 =	spop (v2sf);
	s7 =	sadd.s32 s20, s7;
	s20 =	rddreg [dreg:$0x19]  }
0xe5: {  	v15 =	vsel vm0, s31, v15;
	s26 =	spop (v2sf);
	v13 =	vsel vm2, s11, v13;
	s11 =	sshra.s32 s25, $0x1F;
	s25 =	sld [smem:$0x7F6]  }
0xe6: {  	v15 =	vsel vm1, s29, v15;
	s31 =	sshrl.u32 s8, $0x1F;
	s29 =	sshra.s32 s8, $0x2;
	[smem:$0x7FD] =	sst s7  }
0xe7: {  	v15 =	vsel vm2, s19, v15;
	s19 =	sshra.s32 s8, $0x1F;
	s8 =	sshrl.u32 s30, $0x1F;
	v14 =	vsel vm6, s31, v14;
	s31 =	sld [smem:$0x7F7]  }
0xe8: {  	s13 =	sshra.s32 s13, $0x1F;
	v16 =	vmov s9;
	s23 =	spop (v2sf);
	v14 =	vsel vm7, s8, v14;
	s8 =	sld [smem:$0x7FA]  }
0xe9: {  	v13 =	vsel vm12, s13, v13;
	s13 =	spop (v2sf);
	v16 =	vsel vm0, s25, v16;
	s25 =	sld [smem:$0x7F8]  }
0xea: {  	s17 =	sshra.s32 s0, $0x1F;
	s11 =	smul.u32 $0x2AAAAAAB, s11;
	s9 =	spop (v2sf);
	v13 =	vsel vm4, s31, v13  }
0xeb: {  	s31 =	sld [smem:$0x7F9];
	v13 =	vsel vm13, s17, v13;
	s17 =	sshra.s32 s30, $0x2;
	s30 =	spop (v2sf)  }
0xec: {  	s0 =	sshra.s32 s21, $0x1F;
	v17 =	vmov s8;
	s8 =	rddreg [dreg:$0x8];
	v16 =	vsel vm1, s25, v16;
	s25 =	smulhi.u32 $0x2AAAAAAB, s21  }
0xed: {  	v13 =	vsel vm5, s28, v13;
	s28 =	sshrl.u32 s8, $0x1F;
	s8 =	rddreg [dreg:$0x5];
	s7 =	spop (v2sf)  }
0xee: {  	v16 =	vsel vm2, s31, v16;
	s31 =	rddreg [dreg:$0x6];
	v13 =	vsel vm14, s2, v13;
	s2 =	smul.u32 $0x2AAAAAAB, s0  }
0xef: {  	s11 =	sadd.s32 s11, s22;
	s0 =	sld [smem:$0x7FC];
	v43 =	vmov s28;
	s28 =	smulhi.u32 $0x2AAAAAAB, s23  }
0xf0: {  	s23 =	sshra.s32 s23, $0x1F;
	v13 =	vsel vm6, s29, v13;
	s29 =	smulhi.u32 $0x2AAAAAAB, s26;
	s26 =	sshra.s32 s26, $0x1F  }
0xf1: {  	v6 =	vcombine.low v7, v6;
	s21 =	sshrl.u32 s31, $0x1F;
	s31 =	sld [smem:$0x7FB];
	s26 =	smul.u32 $0x2AAAAAAB, s26  }
0xf2: {  	v10 =	vcombine.low v11, v10;
	s8 =	sshrl.u32 s8, $0x1F;
	v42 =	vsel vm15, s19, v13;
	s19 =	rddreg [dreg:$0xa];
	v13 =	vsel vm0, s21, v43;
	s21 =	smul.u32 $0x2AAAAAAB, s23  }
0xf3: {  	v6 =	vperm.xlane v6, v0;
	v9 =	vperm.xlane v9, v1;
	s2 =	sadd.s32 s2, s25;
	v11 =	vsel vm7, s17, v42;
	s17 =	smulhi.u32 $0x2AAAAAAB, s7;
	s7 =	sshra.s32 s7, $0x1F  }
0xf4: {  	v8 =	vperm.xlane v8, v1;
	v10 =	vperm.xlane v10, v0;
	s19 =	sshrl.u32 s19, $0x1F;
	v17 =	vsel vm0, s31, v17;
	s31 =	rddreg [dreg:$0x7];
	s7 =	smul.u32 $0x2AAAAAAB, s7  }
0xf5: {  	s31 =	sshrl.u32 s31, $0x1F;
	v41 =	vsel vm1, s0, v17;
	s0 =	sadd.s32 s18, s1;
	s18 =	rddreg [dreg:$0x9]  }
0xf6: {  	v6 =	vsel vm8, v9, v6;
	v8 =	vsel vm8, v8, v10;
	s1 =	sshrl.u32 s18, $0x1F;
	v7 =	vsel vm2, s20, v41;
	s22 =	sshrl.u32 s0, $0x1F;
	s20 =	smov.u32 s0  }
0xf7: {  	v12 =	vcombine.low v15, v12;
	v6 =	vadd.s32 v6, v8;
	s0 =	sshrl.u32 s11, $0x1F;
	s7 =	sadd.s32 s7, s17;
	s17 =	smulhi.u32 $0x2AAAAAAB, s13  }
0xf8: {  	v47 =	vmul.u32 $0xE8, v6;
	v45 =	vsel vm1, s31, v13;
	s13 =	sshra.s32 s13, $0x1F;
	s31 =	sadd.s32 s26, s29;
	s26 =	smulhi.u32 $0x2AAAAAAB, s30  }
0xf9: {  	v12 =	vperm.xlane v12, v0;
	v10 =	vsel vm2, s8, v45;
	s23 =	smul.u32 $0x2AAAAAAB, s13;
	s25 =	sshra.s32 s7, $0x1F;
	s8 =	sshra.s32 s11, $0x2  }
0xfa: {  	v4 =	vadd.s32 v4, v47;
	v44 =	vmov s1;
	v46 =	vmov s0;
	s11 =	sshra.s32 s11, $0x1F;
	s29 =	sshra.s32 s31, $0x2;
	s0 =	sshra.s32 s31, $0x1F  }
0xfb: {  	v49 =	vshll.u32 v4, $0x18;
	v9 =	vsel vm0, s19, v44;
	s19 =	sadd.s32 s21, s28;
	v48 =	vmov s25;
	s21 =	sshrl.u32 s31, $0x1F;
	s28 =	sshra.s32 s30, $0x1F  }
0xfc: {  	v14 =	vperm.xlane v14, v1;
	v9 =	vsel vm1, s22, v9;
	s22 =	sshrl.u32 s2, $0x1F;
	s1 =	sadd.s32 s23, s17;
	v13 =	vsel vm3, s8, v48;
	s23 =	sshra.s32 s2, $0x2  }
0xfd: {  	v7 =	vcombine.low v7, v16;
	v8 =	vnsel vm3, $0x0, v46;
	s2 =	sshra.s32 s2, $0x1F;
	s8 =	smul.u32 $0x2AAAAAAB, s28;
	s28 =	sshra.s32 s18, $0x2;
	v13 =	vsel vm9, s11, v13  }
0xfe: {  	v11 =	vperm.xlane v11, v1;
	s18 =	rddreg [dreg:$0x7];
	v8 =	vsel vm0, s22, v8;
	s22 =	smulhi.u32 $0x2AAAAAAB, s9;
	s9 =	sshra.s32 s9, $0x1F;
	v13 =	vsel vm0, s23, v13  }
0xff: {  	v7 =	vperm.xlane v7, v0;
	s25 =	sshrl.u32 s19, $0x1F;
	v8 =	vsel vm1, s21, v8;
	s9 =	smul.u32 $0x2AAAAAAB, s9;
	s21 =	sld [smem:$0x7FD];
	v13 =	vsel vm10, s2, v13  }
0x100: {  	v12 =	vsel vm8, v14, v12;
	s31 =	sshrl.u32 s1, $0x1F;
	v53 =	vmov s28;
	s11 =	sshra.s32 s1, $0x1F;
	s8 =	sadd.s32 s8, s26;
	v13 =	vsel vm1, s29, v13  }
0x101: {  	v7 =	vsel vm8, v11, v7;
	v11 =	vshra.s32 v49, $0x1F;
	s26 =	rddreg [dreg:$0x8];
	s9 =	sadd.s32 s9, s22;
	s22 =	sshra.s32 s19, $0x2;
	v50 =	vsel vm11, s0, v13  }
0x102: {  	v8 =	vsel vm2, s25, v8;
	v7 =	vadd.s32 v12, v7;
	s25 =	sshra.s32 s19, $0x1F;
	s2 =	sshra.s32 s26, $0x2;
	s30 =	sshrl.u32 s21, $0x1F;
	v12 =	vsel vm2, s22, v50  }
0x103: {  	s26 =	sshrl.u32 s8, $0x1F;
	v8 =	vsel vm4, s31, v8;
	s29 =	sshra.s32 s1, $0x2;
	s31 =	rddreg [dreg:$0xa];
	v9 =	vsel vm2, s30, v9;
	v51 =	vsel vm12, s25, v12  }
0x104: {  	v52 =	vmov s2;
	s23 =	sshrl.u32 s9, $0x1F;
	s2 =	sshra.s32 s31, $0x2;
	s30 =	rddreg [dreg:$0x6];
	v9 =	vcombine.low v9, v10;
	v10 =	vsel vm4, s29, v51  }
0x105: {  	s19 =	sshra.s32 s20, $0x2;
	s20 =	sshra.s32 s9, $0x2;
	v8 =	vsel vm5, s23, v8;
	v13 =	vsel vm0, s2, v53;
	s13 =	sshra.s32 s30, $0x2;
	v10 =	vsel vm13, s11, v10  }
0x106: {  	s1 =	sshra.s32 s18, $0x2;
	s22 =	rddreg [dreg:$0x5];
	v13 =	vsel vm1, s19, v13;
	s25 =	sshra.s32 s9, $0x1F;
	v12 =	vsel vm0, s13, v52;
	v10 =	vsel vm5, s20, v10  }
0x107: {  	s28 =	sshra.s32 s8, $0x2;
	s23 =	sshra.s32 s21, $0x2;
	v8 =	vsel vm6, s26, v8;
	v12 =	vsel vm1, s1, v12;
	s1 =	sshra.s32 s22, $0x2;
	v10 =	vsel vm14, s25, v10  }
0x108: {  	s30 =	sshra.s32 s8, $0x1F;
	v13 =	vsel vm2, s23, v13;
	s29 =	sshrl.u32 s7, $0x1F;
	v12 =	vsel vm2, s1, v12;
	v10 =	vsel vm6, s28, v10  }
0x109: {  	s31 =	sshra.s32 s7, $0x2;
	v8 =	vsel vm7, s29, v8;
	v12 =	vcombine.low v13, v12;
	v10 =	vsel vm15, s30, v10  }
0x10a: {  	v9 =	vperm.xlane v9, v0;
	v8 =	vperm.xlane v8, v1;
	v10 =	vsel vm7, s31, v10  }
0x10b: {  	v11 =	vand.u32 $0x7, v11;
	v12 =	vperm.xlane v12, v0;
	v10 =	vperm.xlane v10, v1  }
0x10c: {  	v6 =	vmul.u32 $0x180, v6;
	v54 =	vmul.u32 $0xE8, v7;
	v11 =	vadd.s32 v11, v4  }
0x10d: {  	v56 =	vshll.u32 v11, $0x18;
	v8 =	vsel vm8, v8, v9;
	v55 =	vsel vm8, v10, v12  }
0x10e: {  	v11 =	vand.u32 $0xF8, v11;
	v3 =	vadd.s32 v3, v54;
	v8 =	vadd.s32 v8, v55  }
0x10f: {  	v4 =	vsub.s32 v4, v11;
	v57 =	vshll.u32 v3, $0x18;
	v58 =	vmul.u32 $0xE8, v8  }
0x110: {  	v7 =	vmul.u32 $0x180, v7;
	v4 =	vshll.u32 v4, $0x18;
	v9 =	vshra.s32 v57, $0x1F  }
0x111: {  	v4 =	vshra.s32 v4, $0x18;
	v9 =	vand.u32 $0x7, v9;
	v5 =	vadd.s32 v5, v58  }
0x112: {  	v4 =	vadd.s32 v4, v6;
	v9 =	vadd.s32 v9, v3;
	v11 =	vshll.u32 v5, $0x18  }
0x113: {  	v59 =	vand.u32 $0xF8, v9;
	v9 =	vshll.u32 v9, $0x18;
	v11 =	vshra.s32 v11, $0x1F  }
0x114: {  	v3 =	vsub.s32 v3, v59;
	v62 =	vshra.s32 v9, $0x1B;
	v60 =	vand.u32 $0x7, v11  }
0x115: {  	v10 =	vshra.s32 v56, $0x1B;
	v3 =	vshll.u32 v3, $0x18;
	v6 =	vadd.s32 v60, v5  }
0x116: {  	v10 =	vshll.u32 v10, $0x6;
	v3 =	vshra.s32 v3, $0x18;
	v61 =	vand.u32 $0xF8, v6  }
0x117: {  	v4 =	vadd.s32 v10, v4;
	v3 =	vadd.s32 v3, v7;
	v5 =	vsub.s32 v5, v61  }
0x118: {  	v8 =	vmul.u32 $0x180, v8;
	v6 =	vshll.u32 v6, $0x18;
	v5 =	vshll.u32 v5, $0x18  }
0x119: {  	v7 =	vshll.u32 v62, $0x6;
	v6 =	vshra.s32 v6, $0x1B;
	v5 =	vshra.s32 v5, $0x18  }
0x11a: {  	[tilespmem:$0x30] =	vst v4;
	v3 =	vadd.s32 v7, v3;
	v63 =	vshll.u32 v6, $0x6;
	v5 =	vadd.s32 v5, v8  }
0x11b: {  	[tilespmem:$0x40] =	vst v3;
	v3 =	vadd.s32 v63, v5  }
0x11c: {  	s17 =	simm.s32 $0x60;
	s18 =	simm.s32 $0x660;
	s0 =	simm.s32 $0x0;
	[tilespmem:$0x50] =	vst v3  }
.LBB2_2:
0x11d: {  	p0 =	seq.s32 s0, $0x0  }
0x11e: {  	s2 =	simm.s32 @!p0 $0x3  }
0x11f: {  	s1 =	sshll.u32 s0, $0x1;
	_ =	swait.ge @!p0 [sflag:s2], $0x6000  }
0x120: {  	s7 =	sadd.s32 s6, s1;
	[sflag:s2] =	ssyncset.done @!p0 $0x0  }
0x121: {  	s26 =	sand.u32 $0x30, s7;
	[sflag:s2] =	ssyncadd.s32 @!p0 $0xFFFFA000  }
0x122: {  	v3 =	vld [tilespmem:s26+$0x30];
	_ =	sdelay $0x2  }
0x123: {  	s28 =	sand.u32 $0xE, s7  }
0x124: {  	v4 =	vmov s28  }
0x125: {  	v3 =	vperm.xlane v3, v4;
	_ =	sdelay $0x1  }
0x126: {  	s29 =	simm.s32 $0x4800;
	v3 =	vadd.s32 v2, v3  }
0x127: {  	s8 =	simm.s32 $0x0;
	s7 =	simm.s32 $0x80;
	v4 =	vadd.s32 s29, v3  }
0x128: {  	s30 =	simm.s32 $0x2400;
	v5 =	vadd.s32 s8, v3;
	[tilespmem:s7+$0x0] =	vst v4  }
0x129: {  	s31 =	simm.s32 $0x6C00;
	[tilespmem:s7+$0xFFFFFFE0] =	vst v5;
	v4 =	vadd.s32 s30, v3  }
0x12a: {  	[tilespmem:s7+$0xFFFFFFF0] =	vst v4;
	v4 =	vadd.s32 s31, v3  }
0x12b: {  	s8 =	simm.s32 $0xFC00;
	[tilespmem:s7+$0x10] =	vst v4  }
.LBB2_3:
0x12c: {  	s2 =	sadd.s32 $0xFFFFDC00, s8  }
0x12d: {  	p1 =	sne.s32 s8, $0xD5C00;
	s9 =	smov.u32 s8;
	s8 =	sadd.s32 $0x9000, s8  }
.Ltmp0:
0x12e: {  	s7 =	sadd.s32 $0x40, s7;
	s11 =	sadd.s32 $0xFFFF9400, s9;
	v4 =	vadd.s32 s2, v3;
	(pc) =	sbr.rel @p1 .LBB2_3-.Ltmp0, $4  }
0x12f: {  	s2 =	sadd.s32 $0xFFFFB800, s9;
	v5 =	vadd.s32 s11, v3;
	[tilespmem:s7+$0x0] =	vst v4  }
0x130: {  	v4 =	vadd.s32 s2, v3;
	[tilespmem:s7+$0xFFFFFFE0] =	vst v5  }
0x131: {  	[tilespmem:s7+$0xFFFFFFF0] =	vst v4;
	v4 =	vadd.s32 s9, v3  }
0x132: {  	[tilespmem:s7+$0x10] =	vst v4  }
0x133: {  	[tilespmem:s12], [sflag:$0x1] =	stream.indirect.gather [hbm4b:s4+s10], $0x10, s17, s10, $0xb8;
	[tilespmem:$0xCC60] =	vst v63  }
0x134: {  	s2 =	simm.s32 @!p0 $0x4  }
0x135: {  	s7 =	sor.u32 $0x1, s1;
	_ =	swait.ge @!p0 [sflag:s2], $0x6000  }
0x136: {  	s8 =	sadd.s32 s6, s7;
	[sflag:s2] =	ssyncset.done @!p0 $0x0  }
0x137: {  	s28 =	sand.u32 $0x30, s8;
	[sflag:s2] =	ssyncadd.s32 @!p0 $0xFFFFA000  }
0x138: {  	v3 =	vld [tilespmem:s28+$0x30];
	_ =	sdelay $0x3  }
0x139: {  	v4 =	vmov s8  }
0x13a: {  	v3 =	vperm.xlane v3, v4;
	_ =	sdelay $0x1  }
0x13b: {  	s29 =	simm.s32 $0x4800;
	v3 =	vadd.s32 v2, v3  }
0x13c: {  	s9 =	simm.s32 $0x0;
	s8 =	simm.s32 $0x690;
	v4 =	vadd.s32 s29, v3  }
0x13d: {  	s30 =	simm.s32 $0x2400;
	v5 =	vadd.s32 s9, v3;
	[tilespmem:s8+$0xFFFFFFF0] =	vst v4  }
0x13e: {  	s31 =	simm.s32 $0x6C00;
	[tilespmem:s8+$0xFFFFFFD0] =	vst v5;
	v4 =	vadd.s32 s30, v3  }
0x13f: {  	[tilespmem:s8+$0xFFFFFFE0] =	vst v4;
	v4 =	vadd.s32 s31, v3  }
0x140: {  	s9 =	simm.s32 $0xFC00;
	[tilespmem:s8+$0x0] =	vst v4  }
.LBB2_5:
0x141: {  	s2 =	sadd.s32 $0xFFFFDC00, s9  }
0x142: {  	p0 =	sne.s32 s9, $0xD5C00;
	s11 =	smov.u32 s9;
	s9 =	sadd.s32 $0x9000, s9  }
.Ltmp1:
0x143: {  	s8 =	sadd.s32 $0x40, s8;
	s13 =	sadd.s32 $0xFFFF9400, s11;
	v4 =	vadd.s32 s2, v3;
	(pc) =	sbr.rel @p0 .LBB2_5-.Ltmp1, $4  }
0x144: {  	s2 =	sadd.s32 $0xFFFFB800, s11;
	v5 =	vadd.s32 s13, v3;
	[tilespmem:s8+$0xFFFFFFF0] =	vst v4  }
0x145: {  	v4 =	vadd.s32 s2, v3;
	[tilespmem:s8+$0xFFFFFFD0] =	vst v5  }
0x146: {  	[tilespmem:s8+$0xFFFFFFE0] =	vst v4;
	v4 =	vadd.s32 s11, v3  }
0x147: {  	[tilespmem:s8+$0x0] =	vst v4  }
0x148: {  	[tilespmem:s14], [sflag:$0x2] =	stream.indirect.gather [hbm4b:s4+s10], $0x10, s18, s10, $0xb8;
	[tilespmem:$0xCC60] =	vst v63  }
0x149: {  	s1 =	sadd.s32 s3, s1  }
0x14a: {  	_ =	swait.ge [sflag:s15], $0x6000;
	s1 =	smul.u32 $0xC00, s1  }
0x14b: {  	s0 =	sadd.s32 $0x1, s0;
	[sflag:s15] =	ssyncset.done $0x0  }
0x14c: {  	p0 =	sne.s32 s0, $0x9;
	[sflag:s15] =	ssyncadd.s32 $0xFFFFA000;
	s1 =	sadd.s32 s5, s1  }
0x14d: {  	[hbm4b:s1+s24] =	stream.linear.scatter [tilespmem:s12], [sflag:$0x3], $0x6000, $0x38;
	[tilespmem:$0xCC60] =	vst v63  }
.Ltmp2:
0x14e: {  	s31 =	sadd.s32 s3, s7;
	(pc) =	sbr.rel @p0 .LBB2_2-.Ltmp2, $4  }
0x14f: {  	s1 =	smul.u32 $0xC00, s31;
	_ =	swait.ge [sflag:s16], $0x6000  }
0x150: {  	[sflag:s16] =	ssyncset.done $0x0  }
0x151: {  	s1 =	sadd.s32 s5, s1;
	[sflag:s16] =	ssyncadd.s32 $0xFFFFA000  }
0x152: {  	[hbm4b:s1+s24] =	stream.linear.scatter [tilespmem:s14], [sflag:$0x4], $0x6000, $0x38;
	[tilespmem:$0xCC60] =	vst v63  }
0x153: {  	s0 =	simm.s32 $0x3  }
0x154: {  	_ =	swait.ge [sflag:s0], $0x6000  }
0x155: {  	[sflag:s0] =	ssyncset.done $0x0  }
0x156: {  	s1 =	simm.s32 $0x4;
	[sflag:s0] =	ssyncadd.s32 $0xFFFFA000  }
0x157: {  	_ =	swait.ge [sflag:s1], $0x6000  }
0x158: {  	s2 =	rddreg [dreg:$0x4]  }
0x159: {  	s31 =	rddreg [dreg:$0x3];
	s2 =	sadd.s32 $0x1, s2  }
0x15a: {  	p0 =	sne.s32 s2, s31  }
.Ltmp3:
0x15b: {  	_ = 	snop;
	(pc) =	sbr.rel @p0 .LBB2_1-.Ltmp3, $3  }
0x15c: {  	_ =	sdelay $0x1  }
0x15d: {  	[sflag:s1] =	ssyncset.done $0x0  }
0x15e: {  	[sflag:s1] =	ssyncadd.s32 $0xFFFFA000  }
0x15f: {  	_ =	sfence.sel $0x180000  }
0x160: {  	[bflag:$0x0] =	sbarrier.arrive $0xFFFF  }
0x161: {  	_ =	strace $0x90000047  }
0x162: {  	s0 =	stileid.u32;
	[bflag:$0x2] =	sbarrier.arrive $0xFFFF  }
0x163: {  	p0 =	sne.s32 s0, $0x0;
	s0 =	rddreg [dreg:$0x1]  }
0x164: {  	s0 =	sadd.s32 @!p0 $0x100000, s0  }
0x165: {  	[sflag:s0] =	ssyncadd.tile.s32 @!p0 $0x1;
	_ =	shalt  }
.Lfunc_end2:
_tile_overlayer_lowered:
.L_overlay_start_2:
0x166: {  	(tag) =	ssettag $0x2  }
0x167: {  	s0 =	rddreg [dreg:$0x0];
	s2 =	stileid.u32  }
0x168: {  	s1 =	rddreg [dreg:$0x1];
	p0 =	sne.s32 s2, $0x0  }
0x169: {  	s3 =	rddreg [dreg:$0x2];
	[bflag:$0x3] =	sbarrier.arrive $0xFFFF;
	s2 =	simm.s32 @!p0 $0x1C05  }
0x16a: {  	[timem:s3], [sflag:s2] =	dma.local @!p0 [hbm:s0], s1  }
0x16b: {  	s0 =	simm.s32 @!p0 $0x5  }
0x16c: {  	_ =	swait.ge @!p0 [sflag:s0], s1  }
0x16d: {  	s1 =	ssub.s32 @!p0 $0x0, s1;
	[sflag:s0] =	ssyncset.done @!p0 $0x0  }
0x16e: {  	[sflag:s0] =	ssyncadd.s32 @!p0 s1  }
0x16f: {  	[bflag:$0x3] =	sbarrier.arrive $0xFFFF  }
0x170: {  	_ =	shalt  }

// kernel: sparse-core-data-format-call.1.cloned.1.call-start
scs
called_computation.1_lowered:
.L_overlay_start_0:
0x0: {  	s2 =	sld [smem:$0x3FD9]  }
0x1: {  	s3 =	sld [smem:$0x3FFE];
	_ =	sdelay $0x1  }
0x2: {  	s1 =	srdreg.scid  }
0x3: {  	s0 =	sand.u32 $0x1, s1  }
0x4: {  	s18 =	sshll.u32 s0, $0xA;
	s2 =	sadd.s32 s3, s2  }
0x5: {  	s2 =	sadd.s32 s2, s18  }
0x6: {  	[smem:$0x3FC6] =	sst s2  }
0x7: {  	_ = 	snop  }
0x8: {  	(tm) =	ssettm $0x1  }
0x9: {  	s19 =	sld [smem:$0x3FFB];
	_ =	sdelay $0x3  }
0xa: {  	_ =	strace s19  }
0xb: {  	s2 =	sld [smem:$0x3FFC];
	_ =	sdelay $0x3  }
0xc: {  	_ =	strace s2  }
0xd: {  	s2 =	sld [smem:$0x3FFD];
	_ =	sdelay $0x3  }
0xe: {  	_ =	strace s2  }
0xf: {  	_ =	strace $0x8FFFFFFF  }
0x10: {  	s20 =	sld [smem:$0x3FDB];
	_ =	sdelay $0x1  }
0x11: {  	s21 =	simm.s32 $_scs_section_size  }
0x12: {  	s4 =	simm.s32 $_size__tile_overlayer_lowered;
	s5 =	simm.s32 $_tile_overlayer_lowered  }
0x13: {  	s6 =	simm.s32 $0x1BFF;
	s22 =	sshll.u32 s5, $0x1;
	s3 =	sadd.s32 s21, s20  }
0x14: {  	s23 =	simm.s32 $0x0;
	s4 =	sshll.u32 s4, $0x1;
	s5 =	sadd.s32 s22, s3  }
0x15: {  	[timem:s23], [sflag:s6] =	dma.local [hbm:s5], s4  }
0x16: {  	_ =	swait.ge [sflag:s6], s4  }
0x17: {  	s4 =	ssub.s32 $0x0, s4;
	[sflag:s6] =	ssyncset.done $0x0  }
0x18: {  	[sflag:s6] =	ssyncadd.s32 s4;
	_ =	sdelay $0x1  }
0x19: {  	s24 =	simm.s32 $0x1B8B  }
0x1a: {  	_ =	swait.ge [sflag:s24], $0x1  }
0x1b: {  	[sflag:s24] =	ssyncset.done $0x0  }
0x1c: {  	[sflag:s24] =	ssyncadd.s32 $0xFFFFFFFF  }
0x1d: {  	s4 =	sld [smem:$0x0]  }
0x1e: {  	s5 =	sand.u32 $0xFFFFFFFE, s1  }
0x1f: {  	p0 =	sne.s32 s1, s5  }
0x20: {  	s5 =	sshll.u32 @p0 s5, $0xE  }
0x21: {  	s5 =	sadd.s32 @p0 $0x11B8D, s5;
	s6 =	sshll.u32 @p0 s4, $0x11  }
0x22: {  	s5 =	sor.u32 @p0 s6, s5  }
0x23: {  	[sflag:s5] =	ssyncadd.remote.s32 @p0 $0x1;
	_ =	sdelay $0x1  }
0x24: {  	s5 =	simm.s32 @p0 $0x1B8D  }
0x25: {  	_ =	swait.eq @p0 [sflag:s5], $0x1  }
0x26: {  	[sflag:s5] =	ssyncadd.s32 @p0 $0xFFFFFFFF  }
0x27: {  	s6 =	sshll.u32 @!p0 s1, $0xE  }
0x28: {  	s6 =	sor.u32 @!p0 $0x4000, s6;
	s5 =	simm.s32 @!p0 $0x1B8D  }
0x29: {  	s4 =	sshll.u32 @!p0 s4, $0x11;
	s6 =	sadd.s32 @!p0 $0x11B8D, s6;
	_ =	swait.eq @!p0 [sflag:s5], $0x1  }
0x2a: {  	s4 =	sor.u32 @!p0 s4, s6;
	[sflag:s5] =	ssyncadd.s32 @!p0 $0xFFFFFFFF  }
0x2b: {  	s26 =	simm.s32 $0x1B8E;
	s25 =	sld [smem:$0x3FFE];
	[sflag:s4] =	ssyncadd.remote.s32 @!p0 $0x1  }
0x2c: {  	s27 =	simm.s32 $execute0_lowered;
	[smem:$0x3FD2] =	sst s26  }
0x2d: {  	s5 =	sshll.u32 s27, $0x1;
	_ =	strace $0x80000052;
	[dreg:$0x1] =	wrdreg $0xFFFFFFFF  }
0x2e: {  	s28 =	simm.s32 $_size_execute0_lowered;
	s3 =	sadd.s32 s3, s5;
	[dreg:$0x0] =	wrdreg $0x0  }
0x2f: {  	s5 =	sshll.u32 s28, $0x1;
	[dreg:$0x2] =	wrdreg s3  }
0x30: {  	[dreg:$0x3] =	wrdreg s5  }
0x31: {  	[dreg:$0x4] =	wrdreg $0xC0  }
0x32: {  	_ =	task [dreg:s23], $0x5FFFF  }
0x33: {  	[dreg:$0x1] =	wrdreg $0xFFFFFFFF  }
0x34: {  	[dreg:$0x0] =	wrdreg $0x60  }
0x35: {  	[dreg:$0x2] =	wrdreg s25  }
0x36: {  	[dreg:$0x3] =	wrdreg $0x9  }
0x37: {  	_ =	task.clear_ibuf [dreg:s23], $0x4FFFF;
	_ =	strace $0x90000052  }
0x38: {  	s29 =	simm.s32 $0x9;
	_ =	strace $0x80000054  }
0x39: {  	_ =	swait.ge [sflag:s29], $0x1  }
0x3a: {  	[sflag:s29] =	ssyncadd.s32 $0xFFFFFFFF  }
0x3b: {  	_ =	strace $0x90000054  }
0x3c: {  	_ =	sfence  }
0x3d: {  	s30 =	sld [smem:$0x0];
	_ =	sdelay $0x2  }
0x3e: {  	s31 =	sshll.u32 s1, $0xD;
	s1 =	sshrl.u32 s1, $0x2  }
0x3f: {  	s4 =	sand.u32 $0x4000, s31;
	s1 =	sadd.s32 s1, s30  }
0x40: {  	s0 =	sor.u32 s4, s0;
	s1 =	sshll.u32 s1, $0x11  }
0x41: {  	s0 =	sor.u32 s1, s0  }
0x42: {  	s0 =	sadd.s32 $0x8F2B, s0  }
0x43: {  	[sflag:s0] =	ssyncadd.remote.s32 $0x1  }
0x44: {  	_ =	sfence.sel $0xFFFF  }
0x45: {  	[dreg:$0x0] =	wrdreg $0xFFFFFFFF;
	(pc) =	sbr.abs _section_cstart, $3  }
0x46: {  	[dreg:$0x1] =	wrdreg $0xFFFFFFFF  }
0x47: {  	_ =	task.clear_ibuf [dreg:s23], $0x2FFFF;
	_ =	strace $0x9FFFFFFF  }
0x48: {  	(tm) =	ssettm $0x7FFFFFFF  }
0x49: {  	_ =	shalt  }
tec
execute0_lowered:
.L_overlay_start_1:
0x0: {  	(tag) =	ssettag $0x1  }
0x1: {  	s1 =	rddreg [dreg:$0x0]  }
0x2: {  	s0 =	rddreg [dreg:$0x1];
	_ =	strace $0x80000053  }
0x3: {  	s4 =	srdreg.scid;
	s6 =	simm.s32 $0x2;
	s11 =	simm.s32 $0x0  }
0x4: {  	p0 =	por $0x0, $0x0;
	s12 =	simm.s32 $0x0;
	s13 =	simm.s32 $0x0  }
.Ltmp0:
0x5: {  	s8 =	simm.s32 $0x0;
	s10 =	simm.s32 $0x0;
	(pc) =	sbr.rel .LBB1_1-.Ltmp0, $4  }
0x6: {  	s2 =	sadd.s32 $0xBD1C00, s1;
	s3 =	sadd.s32 $0x1951C00, s1;
	s4 =	sshll.u32 s4, $0x4  }
0x7: {  	s1 =	stileid.u32;
	s5 =	sand.u32 $0x10, s4;
	s4 =	simm.s32 $0x1  }
0x8: {  	s7 =	simm.s32 $0x0;
	s5 =	sor.u32 s1, s5;
	[sflag:s4] =	ssyncpa.u1 $0x0  }
0x9: {  	[sflag:s6] =	ssyncpa.u1 $0x0;
	s6 =	simm.s32 $0x1400;
	s9 =	smov.u32 s5  }
.LBB1_5:
0xa: {  	s14 =	sadd.s32 $0x1, s8  }
0xb: {  	s11 =	sadd.s32 $0x20, s9;
	s15 =	smov.u32 s9;
	p2 =	sgt.s32 s14, $0xF  }
0xc: {  	s15 =	smov.u32 @p2 s11  }
0xd: {  	s17 =	smov.u32 s10;
	s11 =	sadd.s32 $0x80, s10;
	p3 =	sgt.s32 s15, $0x5F  }
0xe: {  	p1 =	slt.u32 s7, $0x2;
	s17 =	smov.u32 @p3 s11  }
0xf: {  	s7 =	sadd.s32 $0x1, s7;
	s14 =	simm.s32 @p2 $0x0;
	p2 =	sgt.s32 s17, $0x23F  }
0x10: {  	s17 =	simm.s32 @p2 $0x0;
	p2 =	sne.s32 s7, $0xF2  }
.Ltmp1:
0x11: {  	s16 =	simm.s32 @!p1 $0x2;
	(pc) =	sbr.rel @!p2 .LBB1_6-.Ltmp1, $4  }
0x12: {  	s12 =	smov.u32 s9;
	_ =	swait.ge @!p1 [sflag:s16], $0x800  }
0x13: {  	s13 =	smov.u32 s10;
	p0 =	por !p0, !p0;
	[sflag:s16] =	ssyncset.done @!p1 $0x0  }
0x14: {  	s15 =	smov.u32 @p3 s5;
	s11 =	smov.u32 s8;
	[sflag:s16] =	ssyncadd.s32 @!p1 $0xFFFFF800  }
0x15: {  	s8 =	smov.u32 s14;
	s9 =	smov.u32 s15;
	s10 =	smov.u32 s17  }
.LBB1_1:
0x16: {  	p1 =	sgt.u32 s7, $0xEF;
	s14 =	smov.u32 s10  }
0x17: {  	s17 =	smov.u32 s9;
	p2 =	sgt.s32 @!p1 s10, $0x1C0;
	s15 =	sxor.u32 @!p1 $0xFFFFFFFF, s7  }
0x18: {  	s16 =	sshra.s32 @!p1 s10, $0x1F;
	s18 =	sshra.s32 @!p1 s9, $0x1F;
	p2 =	por !p2, p1  }
0x19: {  	s16 =	sand.u32 @!p1 s16, s10;
	s14 =	simm.s32 @p2 $0x1C0;
	p2 =	sgt.s32 @!p1 s9, $0x5F  }
0x1a: {  	s18 =	sand.u32 @!p1 s18, s9;
	p2 =	por !p2, p1;
	s14 =	ssub.s32 @!p1 s14, s16  }
0x1b: {  	s17 =	simm.s32 @p2 $0x5F;
	p2 =	sgt.s32 @!p1 s8, $0xF;
	s14 =	sadd.s32 @!p1 $0xFFFFFE40, s14  }
0x1c: {  	s16 =	ssub.s32 @!p1 s17, s18;
	p2 =	por !p2, p1;
	s18 =	smov.u32 s8  }
0x1d: {  	s17 =	sadd.s32 @!p1 $0xFFFFFFA1, s16;
	s18 =	simm.s32 @p2 $0xF;
	p2 =	sgt.s32 @!p1 s14, $0x7F  }
0x1e: {  	s14 =	sshll.u32 @!p1 s14, $0x4;
	p3 =	sgt.s32 @!p1 s17, $0x0;
	s17 =	sshra.s32 @!p1 s8, $0x1F  }
0x1f: {  	s16 =	ssub.s32 @!p1 $0x60, s16;
	s14 =	ssub.s32 @!p1 $0x800, s14;
	s17 =	sand.u32 @!p1 s17, s8  }
0x20: {  	p2 =	por !p2, p1;
	p3 =	por !p3, p1;
	s17 =	ssub.s32 @!p1 s18, s17  }
0x21: {  	s14 =	simm.s32 @!p2 $0x0;
	s16 =	simm.s32 @!p3 $0x0;
	s18 =	sadd.s32 @!p1 $0xFFFFFFF1, s17  }
0x22: {  	s15 =	sshll.u32 @!p1 s15, $0xB;
	s14 =	smul.u32 @!p1 s16, s14;
	p3 =	sgt.s32 @!p1 s18, $0x0  }
0x23: {  	s17 =	ssub.s32 @!p1 $0x10, s17;
	s16 =	smul.u32 @!p1 $0x6000, s10;
	p2 =	por !p3, p1  }
0x24: {  	s15 =	sand.u32 @!p1 $0x800, s15;
	s18 =	sshll.u32 @!p1 s8, $0x4;
	s17 =	simm.s32 @!p2 $0x0  }
0x25: {  	s16 =	sadd.s32 @!p1 s2, s16;
	s14 =	smul.u32 @!p1 s17, s14;
	s17 =	sshll.u32 @!p1 s9, $0x8  }
0x26: {  	s18 =	sand.u32 @!p1 $0xF0, s18;
	s16 =	sadd.s32 @!p1 s17, s16;
	s17 =	simm.s32 @!p1 $0x10  }
0x27: {  	s14 =	sand.u32 @!p1 $0x3FFFFFF0, s14;
	s16 =	sadd.s32 @!p1 s18, s16;
	s18 =	simm.s32 @!p1 $0x30000  }
0x28: {  	[tilespmem:s15], [sflag:$0x1] =	stream.strided.gather @!p1 [hbm4b:s16+s17], s14, s18, s17, $0x38;
	[tilespmem:$0x2020] =	vst v63  }
0x29: {  	p1 =	seq.s32 s7, $0x0  }
0x2a: {  	p2 =	seq.s32 @!p1 s7, $0xF1  }
0x2b: {  	p1 =	por p1, p2  }
.Ltmp2:
0x2c: {  	_ = 	snop;
	(pc) =	sbr.rel @p1 .LBB1_5-.Ltmp2, $1  }
0x2d: {  	_ =	sdelay $0x3  }
0x2e: {  	p1 =	sgt.s32 s13, $0x1C0;
	s14 =	smov.u32 s13  }
0x2f: {  	s15 =	sshra.s32 s13, $0x1F;
	s16 =	simm.s32 $0x1;
	s17 =	sshra.s32 s12, $0x1F  }
0x30: {  	p2 =	sgt.s32 s11, $0xF;
	s14 =	simm.s32 @!p1 $0x1C0;
	s15 =	sand.u32 s15, s13  }
0x31: {  	s19 =	sshra.s32 s11, $0x1F;
	p1 =	sgt.s32 s12, $0x5F;
	s14 =	ssub.s32 s14, s15  }
0x32: {  	s17 =	sand.u32 s17, s12;
	s15 =	smov.u32 s12;
	s14 =	sadd.s32 $0xFFFFFE40, s14  }
0x33: {  	s26 =	sand.u32 s19, s11;
	s15 =	simm.s32 @!p1 $0x5F;
	p1 =	sgt.s32 s14, $0x7F  }
0x34: {  	s15 =	ssub.s32 s15, s17;
	s17 =	smov.u32 s11;
	s14 =	sshll.u32 s14, $0x4  }
0x35: {  	s18 =	sadd.s32 $0xFFFFFFA1, s15;
	s17 =	simm.s32 @!p2 $0xF;
	s15 =	ssub.s32 $0x60, s15  }
0x36: {  	s14 =	ssub.s32 $0x800, s14;
	p2 =	sgt.s32 s18, $0x0;
	s17 =	ssub.s32 s17, s26  }
0x37: {  	s14 =	simm.s32 @p1 $0x0;
	s15 =	simm.s32 @p2 $0x0;
	s18 =	sadd.s32 $0xFFFFFFF1, s17  }
0x38: {  	s17 =	ssub.s32 $0x10, s17;
	p1 =	sgt.s32 s18, $0x0;
	s14 =	smul.u32 s15, s14  }
0x39: {  	s16 =	simm.s32 @!p0 $0x0;
	s17 =	simm.s32 @p1 $0x0  }
0x3a: {  	s27 =	sshll.u32 s16, $0xB;
	s14 =	smul.u32 s17, s14  }
0x3b: {  	v1 =	vmov s27  }
0x3c: {  	s14 =	sand.u32 $0x3FFFFFF0, s14  }
0x3d: {  	_ =	swait.ge [sflag:s4], s14  }
0x3e: {  	s29 =	sand.u32 $0x1, s7;
	s14 =	ssub.s32 $0x0, s14;
	[sflag:s4] =	ssyncset.done $0x0  }
0x3f: {  	s31 =	simm.s32 $0x0;
	s28 =	smul.u32 $0x2040, s16;
	[sflag:s4] =	ssyncadd.s32 s14  }
0x40: {  	s16 =	smul.u32 $0x2040, s29;
	v0 =	vld.idx.msk [tilespmem:v1+s31+$0x0 ss:$0x1], $0xffff;
	_ =	sdelay $0x1  }
0x41: {  	s30 =	sshrl.u32 s16, $0x2;
	s15 =	sshrl.u32 s28, $0x2  }
0x42: {  	s16 =	simm.s32 $0x40;
	s15 =	sor.u32 $0x1000, s15;
	s14 =	sor.u32 $0x1000, s30  }
.LBB1_3:
0x43: {  	s17 =	sshra.s32 s16, $0x2;
	p1 =	sne.s32 s16, $0x1FC0;
	s16 =	sadd.s32 $0x40, s16  }
.Ltmp3:
0x44: {  	[tilespmem:s15+$0x0 ss:$0x81] =	vst.msk $0xffff, v0;
	v0 =	vld.idx.msk [tilespmem:v1+s17+$0x0 ss:$0x1], $0xffff;
	(pc) =	sbr.rel @p1 .LBB1_3-.Ltmp3, $2  }
0x45: {  	_ =	sdelay $0x2  }
0x46: {  	s15 =	sadd.s32 $0x1, s15  }
0x47: {  	s16 =	sshll.u32 s13, $0x3  }
0x48: {  	s30 =	sand.u32 $0x7F, s13;
	s16 =	sand.u32 $0xFFFFFC00, s16  }
0x49: {  	s13 =	sor.u32 s30, s16;
	s16 =	smulhi.u32 $0xCCCCCCCD, s16  }
0x4a: {  	s17 =	smulhi.u32 $0xCCCCCCCD, s13  }
0x4b: {  	s12 =	smul.u32 $0x5000, s12  }
0x4c: {  	s11 =	smul.u32 $0x500, s11;
	s16 =	sshrl.u32 s16, $0x9;
	s17 =	sshrl.u32 s17, $0x9  }
0x4d: {  	s16 =	sand.u32 $0xF, s16;
	s17 =	smul.u32 $0x280, s17  }
0x4e: {  	s16 =	smul.u32 $0x50, s16  }
.Ltmp4:
0x4f: {  	s12 =	sadd.s32 s3, s12;
	s13 =	ssub.s32 s13, s17;
	(pc) =	sbr.rel .LBB1_5-.Ltmp4, $4  }
0x50: {  	s11 =	sadd.s32 s11, s12;
	s31 =	sand.u32 $0x7, s13  }
0x51: {  	s11 =	sadd.s32 s16, s11;
	s13 =	sshrl.u32 s13, $0x3;
	s12 =	sshll.u32 s31, $0x12  }
0x52: {  	[tilespmem:s15+$0x0 ss:$0x81] =	vst.msk $0xffff, v0;
	s11 =	sadd.s32 s13, s11;
	s12 =	sor.u32 $0x400, s12  }
0x53: {  	[hbm4b:s11+s12] =	stream.strided.scatter [tilespmem:s14], [sflag:$0x2], $0x800, s6, s12, $0x20;
	[tilespmem:$0x2020] =	vst v63  }
.LBB1_6:
0x54: {  	_ =	sfence.sel $0x180000  }
0x55: {  	s2 =	simm.s32 $0x1;
	[bflag:$0x0] =	sbarrier.arrive $0xFFFF  }
0x56: {  	s31 =	simm.s32 $0x2;
	[sflag:s2] =	ssyncpa.u1 $0x1  }
0x57: {  	[sflag:s31] =	ssyncpa.u1 $0x1  }
0x58: {  	p0 =	sne.s32 s1, $0x0;
	_ =	strace $0x90000053  }
0x59: {  	s0 =	sadd.s32 @!p0 $0x100000, s0;
	[bflag:$0x2] =	sbarrier.arrive $0xFFFF  }
0x5a: {  	[sflag:s0] =	ssyncadd.tile.s32 @!p0 $0x1;
	_ =	shalt  }
.Lfunc_end1:
_tile_overlayer_lowered:
.L_overlay_start_2:
0x5b: {  	(tag) =	ssettag $0x2  }
0x5c: {  	s0 =	rddreg [dreg:$0x0];
	s2 =	stileid.u32  }
0x5d: {  	s1 =	rddreg [dreg:$0x1];
	p0 =	sne.s32 s2, $0x0  }
0x5e: {  	s3 =	rddreg [dreg:$0x2];
	[bflag:$0x3] =	sbarrier.arrive $0xFFFF;
	s2 =	simm.s32 @!p0 $0x1C01  }
0x5f: {  	[timem:s3], [sflag:s2] =	dma.local @!p0 [hbm:s0], s1  }
0x60: {  	s0 =	simm.s32 @!p0 $0x1  }
0x61: {  	_ =	swait.ge @!p0 [sflag:s0], s1  }
0x62: {  	s1 =	ssub.s32 @!p0 $0x0, s1;
	[sflag:s0] =	ssyncset.done @!p0 $0x0  }
0x63: {  	[sflag:s0] =	ssyncadd.s32 @!p0 s1  }
0x64: {  	[bflag:$0x3] =	sbarrier.arrive $0xFFFF  }
0x65: {  	_ =	shalt  }

// kernel: sparse-core-data-format-call.2.cloned.1.call-start
scs
called_computation.2_lowered:
.L_overlay_start_0:
0x0: {  	s2 =	sld [smem:$0x3FD9]  }
0x1: {  	s3 =	sld [smem:$0x3FFE];
	_ =	sdelay $0x1  }
0x2: {  	s1 =	srdreg.scid  }
0x3: {  	s0 =	sand.u32 $0x1, s1  }
0x4: {  	s18 =	sshll.u32 s0, $0xA;
	s2 =	sadd.s32 s3, s2  }
0x5: {  	s2 =	sadd.s32 s2, s18  }
0x6: {  	[smem:$0x3FC6] =	sst s2  }
0x7: {  	_ = 	snop  }
0x8: {  	(tm) =	ssettm $0x1  }
0x9: {  	s19 =	sld [smem:$0x3FFB];
	_ =	sdelay $0x3  }
0xa: {  	_ =	strace s19  }
0xb: {  	s2 =	sld [smem:$0x3FFC];
	_ =	sdelay $0x3  }
0xc: {  	_ =	strace s2  }
0xd: {  	s2 =	sld [smem:$0x3FFD];
	_ =	sdelay $0x3  }
0xe: {  	_ =	strace s2  }
0xf: {  	_ =	strace $0x8FFFFFFF  }
0x10: {  	s20 =	sld [smem:$0x3FDB];
	_ =	sdelay $0x1  }
0x11: {  	s21 =	simm.s32 $_scs_section_size  }
0x12: {  	s4 =	simm.s32 $_size__tile_overlayer_lowered;
	s5 =	simm.s32 $_tile_overlayer_lowered  }
0x13: {  	s6 =	simm.s32 $0x1BFF;
	s22 =	sshll.u32 s5, $0x1;
	s3 =	sadd.s32 s21, s20  }
0x14: {  	s23 =	simm.s32 $0x0;
	s4 =	sshll.u32 s4, $0x1;
	s5 =	sadd.s32 s22, s3  }
0x15: {  	[timem:s23], [sflag:s6] =	dma.local [hbm:s5], s4  }
0x16: {  	_ =	swait.ge [sflag:s6], s4  }
0x17: {  	s4 =	ssub.s32 $0x0, s4;
	[sflag:s6] =	ssyncset.done $0x0  }
0x18: {  	[sflag:s6] =	ssyncadd.s32 s4;
	_ =	sdelay $0x1  }
0x19: {  	s24 =	simm.s32 $0x1B8B  }
0x1a: {  	_ =	swait.ge [sflag:s24], $0x1  }
0x1b: {  	[sflag:s24] =	ssyncset.done $0x0  }
0x1c: {  	[sflag:s24] =	ssyncadd.s32 $0xFFFFFFFF  }
0x1d: {  	s4 =	sld [smem:$0x0]  }
0x1e: {  	s5 =	sand.u32 $0xFFFFFFFE, s1  }
0x1f: {  	p0 =	sne.s32 s1, s5  }
0x20: {  	s5 =	sshll.u32 @p0 s5, $0xE  }
0x21: {  	s5 =	sadd.s32 @p0 $0x11B8D, s5;
	s6 =	sshll.u32 @p0 s4, $0x11  }
0x22: {  	s5 =	sor.u32 @p0 s6, s5  }
0x23: {  	[sflag:s5] =	ssyncadd.remote.s32 @p0 $0x1;
	_ =	sdelay $0x1  }
0x24: {  	s5 =	simm.s32 @p0 $0x1B8D  }
0x25: {  	_ =	swait.eq @p0 [sflag:s5], $0x1  }
0x26: {  	[sflag:s5] =	ssyncadd.s32 @p0 $0xFFFFFFFF  }
0x27: {  	s6 =	sshll.u32 @!p0 s1, $0xE  }
0x28: {  	s6 =	sor.u32 @!p0 $0x4000, s6;
	s5 =	simm.s32 @!p0 $0x1B8D  }
0x29: {  	s4 =	sshll.u32 @!p0 s4, $0x11;
	s6 =	sadd.s32 @!p0 $0x11B8D, s6;
	_ =	swait.eq @!p0 [sflag:s5], $0x1  }
0x2a: {  	s4 =	sor.u32 @!p0 s4, s6;
	[sflag:s5] =	ssyncadd.s32 @!p0 $0xFFFFFFFF  }
0x2b: {  	s26 =	simm.s32 $0x1B8E;
	s25 =	sld [smem:$0x3FFE];
	[sflag:s4] =	ssyncadd.remote.s32 @!p0 $0x1  }
0x2c: {  	s27 =	simm.s32 $execute0_lowered;
	[smem:$0x3FD2] =	sst s26  }
0x2d: {  	s5 =	sshll.u32 s27, $0x1;
	_ =	strace $0x80000055;
	[dreg:$0x1] =	wrdreg $0xFFFFFFFF  }
0x2e: {  	s28 =	simm.s32 $_size_execute0_lowered;
	s3 =	sadd.s32 s3, s5;
	[dreg:$0x0] =	wrdreg $0x0  }
0x2f: {  	s5 =	sshll.u32 s28, $0x1;
	[dreg:$0x2] =	wrdreg s3  }
0x30: {  	[dreg:$0x3] =	wrdreg s5  }
0x31: {  	[dreg:$0x4] =	wrdreg $0xC0  }
0x32: {  	_ =	task [dreg:s23], $0x5FFFF  }
0x33: {  	[dreg:$0x1] =	wrdreg $0xFFFFFFFF  }
0x34: {  	[dreg:$0x0] =	wrdreg $0x60  }
0x35: {  	[dreg:$0x2] =	wrdreg s25  }
0x36: {  	[dreg:$0x3] =	wrdreg $0xB  }
0x37: {  	_ =	task.clear_ibuf [dreg:s23], $0x4FFFF;
	_ =	strace $0x90000055  }
0x38: {  	s29 =	simm.s32 $0xB;
	_ =	strace $0x80000057  }
0x39: {  	_ =	swait.ge [sflag:s29], $0x1  }
0x3a: {  	[sflag:s29] =	ssyncadd.s32 $0xFFFFFFFF  }
0x3b: {  	_ =	strace $0x90000057  }
0x3c: {  	_ =	sfence  }
0x3d: {  	s30 =	sld [smem:$0x0];
	_ =	sdelay $0x2  }
0x3e: {  	s31 =	sshll.u32 s1, $0xD;
	s1 =	sshrl.u32 s1, $0x2  }
0x3f: {  	s4 =	sand.u32 $0x4000, s31;
	s1 =	sadd.s32 s1, s30  }
0x40: {  	s0 =	sor.u32 s4, s0;
	s1 =	sshll.u32 s1, $0x11  }
0x41: {  	s0 =	sor.u32 s1, s0  }
0x42: {  	s0 =	sadd.s32 $0x8F2B, s0  }
0x43: {  	[sflag:s0] =	ssyncadd.remote.s32 $0x1  }
0x44: {  	_ =	sfence.sel $0xFFFF  }
0x45: {  	[dreg:$0x0] =	wrdreg $0xFFFFFFFF;
	(pc) =	sbr.abs _section_cstart, $3  }
0x46: {  	[dreg:$0x1] =	wrdreg $0xFFFFFFFF  }
0x47: {  	_ =	task.clear_ibuf [dreg:s23], $0x2FFFF;
	_ =	strace $0x9FFFFFFF  }
0x48: {  	(tm) =	ssettm $0x7FFFFFFF  }
0x49: {  	_ =	shalt  }
tec
execute0_lowered:
.L_overlay_start_1:
0x0: {  	(tag) =	ssettag $0x1  }
0x1: {  	s1 =	rddreg [dreg:$0x0]  }
0x2: {  	s0 =	rddreg [dreg:$0x1];
	_ =	strace $0x80000056  }
0x3: {  	s4 =	srdreg.scid;
	s6 =	simm.s32 $0x2;
	s11 =	simm.s32 $0x0  }
0x4: {  	p0 =	por $0x0, $0x0;
	s12 =	simm.s32 $0x0;
	s13 =	simm.s32 $0x0  }
.Ltmp0:
0x5: {  	s8 =	simm.s32 $0x0;
	s10 =	simm.s32 $0x0;
	(pc) =	sbr.rel .LBB1_1-.Ltmp0, $4  }
0x6: {  	s2 =	sadd.s32 $0x1B31C00, s1;
	s3 =	sadd.s32 $0x1A00, s1;
	s4 =	sshll.u32 s4, $0x4  }
0x7: {  	s1 =	stileid.u32;
	s5 =	sand.u32 $0x10, s4;
	s4 =	simm.s32 $0x1  }
0x8: {  	s7 =	simm.s32 $0x0;
	s5 =	sor.u32 s1, s5;
	[sflag:s4] =	ssyncpa.u1 $0x0  }
0x9: {  	[sflag:s6] =	ssyncpa.u1 $0x0;
	s6 =	simm.s32 $0x1400;
	s9 =	smov.u32 s5  }
.LBB1_5:
0xa: {  	s14 =	sadd.s32 $0x1, s8  }
0xb: {  	s11 =	sadd.s32 $0x20, s9;
	s15 =	smov.u32 s9;
	p2 =	sgt.s32 s14, $0xF  }
0xc: {  	s15 =	smov.u32 @p2 s11  }
0xd: {  	s17 =	smov.u32 s10;
	s11 =	sadd.s32 $0x80, s10;
	p3 =	sgt.s32 s15, $0x5F  }
0xe: {  	p1 =	slt.u32 s7, $0x2;
	s17 =	smov.u32 @p3 s11  }
0xf: {  	s7 =	sadd.s32 $0x1, s7;
	s14 =	simm.s32 @p2 $0x0;
	p2 =	sgt.s32 s17, $0x23F  }
0x10: {  	s17 =	simm.s32 @p2 $0x0;
	p2 =	sne.s32 s7, $0xF2  }
.Ltmp1:
0x11: {  	s16 =	simm.s32 @!p1 $0x2;
	(pc) =	sbr.rel @!p2 .LBB1_6-.Ltmp1, $4  }
0x12: {  	s12 =	smov.u32 s9;
	_ =	swait.ge @!p1 [sflag:s16], $0x800  }
0x13: {  	s13 =	smov.u32 s10;
	p0 =	por !p0, !p0;
	[sflag:s16] =	ssyncset.done @!p1 $0x0  }
0x14: {  	s15 =	smov.u32 @p3 s5;
	s11 =	smov.u32 s8;
	[sflag:s16] =	ssyncadd.s32 @!p1 $0xFFFFF800  }
0x15: {  	s8 =	smov.u32 s14;
	s9 =	smov.u32 s15;
	s10 =	smov.u32 s17  }
.LBB1_1:
0x16: {  	p1 =	sgt.u32 s7, $0xEF;
	s14 =	smov.u32 s10  }
0x17: {  	s17 =	smov.u32 s9;
	p2 =	sgt.s32 @!p1 s10, $0x1C0;
	s15 =	sxor.u32 @!p1 $0xFFFFFFFF, s7  }
0x18: {  	s16 =	sshra.s32 @!p1 s10, $0x1F;
	s18 =	sshra.s32 @!p1 s9, $0x1F;
	p2 =	por !p2, p1  }
0x19: {  	s16 =	sand.u32 @!p1 s16, s10;
	s14 =	simm.s32 @p2 $0x1C0;
	p2 =	sgt.s32 @!p1 s9, $0x5F  }
0x1a: {  	s18 =	sand.u32 @!p1 s18, s9;
	p2 =	por !p2, p1;
	s14 =	ssub.s32 @!p1 s14, s16  }
0x1b: {  	s17 =	simm.s32 @p2 $0x5F;
	p2 =	sgt.s32 @!p1 s8, $0xF;
	s14 =	sadd.s32 @!p1 $0xFFFFFE40, s14  }
0x1c: {  	s16 =	ssub.s32 @!p1 s17, s18;
	p2 =	por !p2, p1;
	s18 =	smov.u32 s8  }
0x1d: {  	s17 =	sadd.s32 @!p1 $0xFFFFFFA1, s16;
	s18 =	simm.s32 @p2 $0xF;
	p2 =	sgt.s32 @!p1 s14, $0x7F  }
0x1e: {  	s14 =	sshll.u32 @!p1 s14, $0x4;
	p3 =	sgt.s32 @!p1 s17, $0x0;
	s17 =	sshra.s32 @!p1 s8, $0x1F  }
0x1f: {  	s16 =	ssub.s32 @!p1 $0x60, s16;
	s14 =	ssub.s32 @!p1 $0x800, s14;
	s17 =	sand.u32 @!p1 s17, s8  }
0x20: {  	p2 =	por !p2, p1;
	p3 =	por !p3, p1;
	s17 =	ssub.s32 @!p1 s18, s17  }
0x21: {  	s14 =	simm.s32 @!p2 $0x0;
	s16 =	simm.s32 @!p3 $0x0;
	s18 =	sadd.s32 @!p1 $0xFFFFFFF1, s17  }
0x22: {  	s15 =	sshll.u32 @!p1 s15, $0xB;
	s14 =	smul.u32 @!p1 s16, s14;
	p3 =	sgt.s32 @!p1 s18, $0x0  }
0x23: {  	s17 =	ssub.s32 @!p1 $0x10, s17;
	s16 =	smul.u32 @!p1 $0x6000, s10;
	p2 =	por !p3, p1  }
0x24: {  	s15 =	sand.u32 @!p1 $0x800, s15;
	s18 =	sshll.u32 @!p1 s8, $0x4;
	s17 =	simm.s32 @!p2 $0x0  }
0x25: {  	s16 =	sadd.s32 @!p1 s2, s16;
	s14 =	smul.u32 @!p1 s17, s14;
	s17 =	sshll.u32 @!p1 s9, $0x8  }
0x26: {  	s18 =	sand.u32 @!p1 $0xF0, s18;
	s16 =	sadd.s32 @!p1 s17, s16;
	s17 =	simm.s32 @!p1 $0x10  }
0x27: {  	s14 =	sand.u32 @!p1 $0x3FFFFFF0, s14;
	s16 =	sadd.s32 @!p1 s18, s16;
	s18 =	simm.s32 @!p1 $0x30000  }
0x28: {  	[tilespmem:s15], [sflag:$0x1] =	stream.strided.gather @!p1 [hbm4b:s16+s17], s14, s18, s17, $0x38;
	[tilespmem:$0x2020] =	vst v63  }
0x29: {  	p1 =	seq.s32 s7, $0x0  }
0x2a: {  	p2 =	seq.s32 @!p1 s7, $0xF1  }
0x2b: {  	p1 =	por p1, p2  }
.Ltmp2:
0x2c: {  	_ = 	snop;
	(pc) =	sbr.rel @p1 .LBB1_5-.Ltmp2, $1  }
0x2d: {  	_ =	sdelay $0x3  }
0x2e: {  	p1 =	sgt.s32 s13, $0x1C0;
	s14 =	smov.u32 s13  }
0x2f: {  	s15 =	sshra.s32 s13, $0x1F;
	s16 =	simm.s32 $0x1;
	s17 =	sshra.s32 s12, $0x1F  }
0x30: {  	p2 =	sgt.s32 s11, $0xF;
	s14 =	simm.s32 @!p1 $0x1C0;
	s15 =	sand.u32 s15, s13  }
0x31: {  	s19 =	sshra.s32 s11, $0x1F;
	p1 =	sgt.s32 s12, $0x5F;
	s14 =	ssub.s32 s14, s15  }
0x32: {  	s17 =	sand.u32 s17, s12;
	s15 =	smov.u32 s12;
	s14 =	sadd.s32 $0xFFFFFE40, s14  }
0x33: {  	s26 =	sand.u32 s19, s11;
	s15 =	simm.s32 @!p1 $0x5F;
	p1 =	sgt.s32 s14, $0x7F  }
0x34: {  	s15 =	ssub.s32 s15, s17;
	s17 =	smov.u32 s11;
	s14 =	sshll.u32 s14, $0x4  }
0x35: {  	s18 =	sadd.s32 $0xFFFFFFA1, s15;
	s17 =	simm.s32 @!p2 $0xF;
	s15 =	ssub.s32 $0x60, s15  }
0x36: {  	s14 =	ssub.s32 $0x800, s14;
	p2 =	sgt.s32 s18, $0x0;
	s17 =	ssub.s32 s17, s26  }
0x37: {  	s14 =	simm.s32 @p1 $0x0;
	s15 =	simm.s32 @p2 $0x0;
	s18 =	sadd.s32 $0xFFFFFFF1, s17  }
0x38: {  	s17 =	ssub.s32 $0x10, s17;
	p1 =	sgt.s32 s18, $0x0;
	s14 =	smul.u32 s15, s14  }
0x39: {  	s16 =	simm.s32 @!p0 $0x0;
	s17 =	simm.s32 @p1 $0x0  }
0x3a: {  	s27 =	sshll.u32 s16, $0xB;
	s14 =	smul.u32 s17, s14  }
0x3b: {  	v1 =	vmov s27  }
0x3c: {  	s14 =	sand.u32 $0x3FFFFFF0, s14  }
0x3d: {  	_ =	swait.ge [sflag:s4], s14  }
0x3e: {  	s29 =	sand.u32 $0x1, s7;
	s14 =	ssub.s32 $0x0, s14;
	[sflag:s4] =	ssyncset.done $0x0  }
0x3f: {  	s31 =	simm.s32 $0x0;
	s28 =	smul.u32 $0x2040, s16;
	[sflag:s4] =	ssyncadd.s32 s14  }
0x40: {  	s16 =	smul.u32 $0x2040, s29;
	v0 =	vld.idx.msk [tilespmem:v1+s31+$0x0 ss:$0x1], $0xffff;
	_ =	sdelay $0x1  }
0x41: {  	s30 =	sshrl.u32 s16, $0x2;
	s15 =	sshrl.u32 s28, $0x2  }
0x42: {  	s16 =	simm.s32 $0x40;
	s15 =	sor.u32 $0x1000, s15;
	s14 =	sor.u32 $0x1000, s30  }
.LBB1_3:
0x43: {  	s17 =	sshra.s32 s16, $0x2;
	p1 =	sne.s32 s16, $0x1FC0;
	s16 =	sadd.s32 $0x40, s16  }
.Ltmp3:
0x44: {  	[tilespmem:s15+$0x0 ss:$0x81] =	vst.msk $0xffff, v0;
	v0 =	vld.idx.msk [tilespmem:v1+s17+$0x0 ss:$0x1], $0xffff;
	(pc) =	sbr.rel @p1 .LBB1_3-.Ltmp3, $2  }
0x45: {  	_ =	sdelay $0x2  }
0x46: {  	s15 =	sadd.s32 $0x1, s15  }
0x47: {  	s16 =	sshll.u32 s13, $0x3  }
0x48: {  	s30 =	sand.u32 $0x7F, s13;
	s16 =	sand.u32 $0xFFFFFC00, s16  }
0x49: {  	s13 =	sor.u32 s30, s16;
	s16 =	smulhi.u32 $0xCCCCCCCD, s16  }
0x4a: {  	s17 =	smulhi.u32 $0xCCCCCCCD, s13  }
0x4b: {  	s12 =	smul.u32 $0x5000, s12  }
0x4c: {  	s11 =	smul.u32 $0x500, s11;
	s16 =	sshrl.u32 s16, $0x9;
	s17 =	sshrl.u32 s17, $0x9  }
0x4d: {  	s16 =	sand.u32 $0xF, s16;
	s17 =	smul.u32 $0x280, s17  }
0x4e: {  	s16 =	smul.u32 $0x50, s16  }
.Ltmp4:
0x4f: {  	s12 =	sadd.s32 s3, s12;
	s13 =	ssub.s32 s13, s17;
	(pc) =	sbr.rel .LBB1_5-.Ltmp4, $4  }
0x50: {  	s11 =	sadd.s32 s11, s12;
	s31 =	sand.u32 $0x7, s13  }
0x51: {  	s11 =	sadd.s32 s16, s11;
	s13 =	sshrl.u32 s13, $0x3;
	s12 =	sshll.u32 s31, $0x12  }
0x52: {  	[tilespmem:s15+$0x0 ss:$0x81] =	vst.msk $0xffff, v0;
	s11 =	sadd.s32 s13, s11;
	s12 =	sor.u32 $0x400, s12  }
0x53: {  	[hbm4b:s11+s12] =	stream.strided.scatter [tilespmem:s14], [sflag:$0x2], $0x800, s6, s12, $0x20;
	[tilespmem:$0x2020] =	vst v63  }
.LBB1_6:
0x54: {  	_ =	sfence.sel $0x180000  }
0x55: {  	s2 =	simm.s32 $0x1;
	[bflag:$0x0] =	sbarrier.arrive $0xFFFF  }
0x56: {  	s31 =	simm.s32 $0x2;
	[sflag:s2] =	ssyncpa.u1 $0x1  }
0x57: {  	[sflag:s31] =	ssyncpa.u1 $0x1  }
0x58: {  	p0 =	sne.s32 s1, $0x0;
	_ =	strace $0x90000056  }
0x59: {  	s0 =	sadd.s32 @!p0 $0x100000, s0;
	[bflag:$0x2] =	sbarrier.arrive $0xFFFF  }
0x5a: {  	[sflag:s0] =	ssyncadd.tile.s32 @!p0 $0x1;
	_ =	shalt  }
.Lfunc_end1:
_tile_overlayer_lowered:
.L_overlay_start_2:
0x5b: {  	(tag) =	ssettag $0x2  }
0x5c: {  	s0 =	rddreg [dreg:$0x0];
	s2 =	stileid.u32  }
0x5d: {  	s1 =	rddreg [dreg:$0x1];
	p0 =	sne.s32 s2, $0x0  }
0x5e: {  	s3 =	rddreg [dreg:$0x2];
	[bflag:$0x3] =	sbarrier.arrive $0xFFFF;
	s2 =	simm.s32 @!p0 $0x1C01  }
0x5f: {  	[timem:s3], [sflag:s2] =	dma.local @!p0 [hbm:s0], s1  }
0x60: {  	s0 =	simm.s32 @!p0 $0x1  }
0x61: {  	_ =	swait.ge @!p0 [sflag:s0], s1  }
0x62: {  	s1 =	ssub.s32 @!p0 $0x0, s1;
	[sflag:s0] =	ssyncset.done @!p0 $0x0  }
0x63: {  	[sflag:s0] =	ssyncadd.s32 @!p0 s1  }
0x64: {  	[bflag:$0x3] =	sbarrier.arrive $0xFFFF  }
0x65: {  	_ =	shalt  }

// kernel: sparse-core-data-format-call.3.cloned.1.call-start
scs
called_computation.3_lowered:
.L_overlay_start_0:
0x0: {  	s2 =	sld [smem:$0x3FD9]  }
0x1: {  	s3 =	sld [smem:$0x3FFE];
	_ =	sdelay $0x1  }
0x2: {  	s1 =	srdreg.scid  }
0x3: {  	s0 =	sand.u32 $0x1, s1  }
0x4: {  	s18 =	sshll.u32 s0, $0xA;
	s2 =	sadd.s32 s3, s2  }
0x5: {  	s2 =	sadd.s32 s2, s18  }
0x6: {  	[smem:$0x3FC6] =	sst s2  }
0x7: {  	_ = 	snop  }
0x8: {  	(tm) =	ssettm $0x1  }
0x9: {  	s19 =	sld [smem:$0x3FFB];
	_ =	sdelay $0x3  }
0xa: {  	_ =	strace s19  }
0xb: {  	s2 =	sld [smem:$0x3FFC];
	_ =	sdelay $0x3  }
0xc: {  	_ =	strace s2  }
0xd: {  	s2 =	sld [smem:$0x3FFD];
	_ =	sdelay $0x3  }
0xe: {  	_ =	strace s2  }
0xf: {  	_ =	strace $0x8FFFFFFF  }
0x10: {  	s20 =	sld [smem:$0x3FDB];
	_ =	sdelay $0x1  }
0x11: {  	s21 =	simm.s32 $_scs_section_size  }
0x12: {  	s4 =	simm.s32 $_size__tile_overlayer_lowered;
	s5 =	simm.s32 $_tile_overlayer_lowered  }
0x13: {  	s6 =	simm.s32 $0x1BFF;
	s22 =	sshll.u32 s5, $0x1;
	s3 =	sadd.s32 s21, s20  }
0x14: {  	s23 =	simm.s32 $0x0;
	s4 =	sshll.u32 s4, $0x1;
	s5 =	sadd.s32 s22, s3  }
0x15: {  	[timem:s23], [sflag:s6] =	dma.local [hbm:s5], s4  }
0x16: {  	_ =	swait.ge [sflag:s6], s4  }
0x17: {  	s4 =	ssub.s32 $0x0, s4;
	[sflag:s6] =	ssyncset.done $0x0  }
0x18: {  	[sflag:s6] =	ssyncadd.s32 s4;
	_ =	sdelay $0x1  }
0x19: {  	s24 =	simm.s32 $0x1B8B  }
0x1a: {  	_ =	swait.ge [sflag:s24], $0x1  }
0x1b: {  	[sflag:s24] =	ssyncset.done $0x0  }
0x1c: {  	[sflag:s24] =	ssyncadd.s32 $0xFFFFFFFF  }
0x1d: {  	s4 =	sld [smem:$0x0]  }
0x1e: {  	s5 =	sand.u32 $0xFFFFFFFE, s1  }
0x1f: {  	p0 =	sne.s32 s1, s5  }
0x20: {  	s5 =	sshll.u32 @p0 s5, $0xE  }
0x21: {  	s5 =	sadd.s32 @p0 $0x11B8D, s5;
	s6 =	sshll.u32 @p0 s4, $0x11  }
0x22: {  	s5 =	sor.u32 @p0 s6, s5  }
0x23: {  	[sflag:s5] =	ssyncadd.remote.s32 @p0 $0x1;
	_ =	sdelay $0x1  }
0x24: {  	s5 =	simm.s32 @p0 $0x1B8D  }
0x25: {  	_ =	swait.eq @p0 [sflag:s5], $0x1  }
0x26: {  	[sflag:s5] =	ssyncadd.s32 @p0 $0xFFFFFFFF  }
0x27: {  	s6 =	sshll.u32 @!p0 s1, $0xE  }
0x28: {  	s6 =	sor.u32 @!p0 $0x4000, s6;
	s5 =	simm.s32 @!p0 $0x1B8D  }
0x29: {  	s4 =	sshll.u32 @!p0 s4, $0x11;
	s6 =	sadd.s32 @!p0 $0x11B8D, s6;
	_ =	swait.eq @!p0 [sflag:s5], $0x1  }
0x2a: {  	s4 =	sor.u32 @!p0 s4, s6;
	[sflag:s5] =	ssyncadd.s32 @!p0 $0xFFFFFFFF  }
0x2b: {  	s26 =	simm.s32 $0x1B8E;
	s25 =	sld [smem:$0x3FFE];
	[sflag:s4] =	ssyncadd.remote.s32 @!p0 $0x1  }
0x2c: {  	s27 =	simm.s32 $execute0_lowered;
	[smem:$0x3FD2] =	sst s26  }
0x2d: {  	s5 =	sshll.u32 s27, $0x1;
	_ =	strace $0x8000005B;
	[dreg:$0x1] =	wrdreg $0xFFFFFFFF  }
0x2e: {  	s28 =	simm.s32 $_size_execute0_lowered;
	s3 =	sadd.s32 s3, s5;
	[dreg:$0x0] =	wrdreg $0x0  }
0x2f: {  	s5 =	sshll.u32 s28, $0x1;
	[dreg:$0x2] =	wrdreg s3  }
0x30: {  	[dreg:$0x3] =	wrdreg s5  }
0x31: {  	[dreg:$0x4] =	wrdreg $0xC0  }
0x32: {  	_ =	task [dreg:s23], $0x5FFFF  }
0x33: {  	[dreg:$0x1] =	wrdreg $0xFFFFFFFF  }
0x34: {  	[dreg:$0x0] =	wrdreg $0x60  }
0x35: {  	[dreg:$0x2] =	wrdreg s25  }
0x36: {  	[dreg:$0x3] =	wrdreg $0xA  }
0x37: {  	_ =	task.clear_ibuf [dreg:s23], $0x4FFFF;
	_ =	strace $0x9000005B  }
0x38: {  	s29 =	simm.s32 $0xA;
	_ =	strace $0x8000005D  }
0x39: {  	_ =	swait.ge [sflag:s29], $0x1  }
0x3a: {  	[sflag:s29] =	ssyncadd.s32 $0xFFFFFFFF  }
0x3b: {  	_ =	strace $0x9000005D  }
0x3c: {  	_ =	sfence  }
0x3d: {  	s30 =	sld [smem:$0x0];
	_ =	sdelay $0x2  }
0x3e: {  	s31 =	sshll.u32 s1, $0xD;
	s1 =	sshrl.u32 s1, $0x2  }
0x3f: {  	s4 =	sand.u32 $0x4000, s31;
	s1 =	sadd.s32 s1, s30  }
0x40: {  	s0 =	sor.u32 s4, s0;
	s1 =	sshll.u32 s1, $0x11  }
0x41: {  	s0 =	sor.u32 s1, s0  }
0x42: {  	s0 =	sadd.s32 $0x8F2B, s0  }
0x43: {  	[sflag:s0] =	ssyncadd.remote.s32 $0x1  }
0x44: {  	_ =	sfence.sel $0xFFFF  }
0x45: {  	[dreg:$0x0] =	wrdreg $0xFFFFFFFF;
	(pc) =	sbr.abs _section_cstart, $3  }
0x46: {  	[dreg:$0x1] =	wrdreg $0xFFFFFFFF  }
0x47: {  	_ =	task.clear_ibuf [dreg:s23], $0x2FFFF;
	_ =	strace $0x9FFFFFFF  }
0x48: {  	(tm) =	ssettm $0x7FFFFFFF  }
0x49: {  	_ =	shalt  }
tec
execute0_lowered:
.L_overlay_start_1:
0x0: {  	(tag) =	ssettag $0x1  }
0x1: {  	s1 =	rddreg [dreg:$0x0]  }
0x2: {  	s0 =	rddreg [dreg:$0x1];
	_ =	strace $0x8000005C  }
0x3: {  	s4 =	srdreg.scid;
	s6 =	simm.s32 $0x2;
	s11 =	simm.s32 $0x0  }
0x4: {  	p0 =	por $0x0, $0x0;
	s12 =	simm.s32 $0x0;
	s13 =	simm.s32 $0x0  }
.Ltmp0:
0x5: {  	s8 =	simm.s32 $0x0;
	s10 =	simm.s32 $0x0;
	(pc) =	sbr.rel .LBB1_1-.Ltmp0, $4  }
0x6: {  	s2 =	sadd.s32 $0x3631C00, s1;
	s3 =	sadd.s32 $0x1E1A00, s1;
	s4 =	sshll.u32 s4, $0x4  }
0x7: {  	s1 =	stileid.u32;
	s5 =	sand.u32 $0x10, s4;
	s4 =	simm.s32 $0x1  }
0x8: {  	s7 =	simm.s32 $0x0;
	s5 =	sor.u32 s1, s5;
	[sflag:s4] =	ssyncpa.u1 $0x0  }
0x9: {  	[sflag:s6] =	ssyncpa.u1 $0x0;
	s6 =	simm.s32 $0x1400;
	s9 =	smov.u32 s5  }
.LBB1_5:
0xa: {  	s14 =	sadd.s32 $0x1, s8  }
0xb: {  	s11 =	sadd.s32 $0x20, s9;
	s15 =	smov.u32 s9;
	p2 =	sgt.s32 s14, $0xF  }
0xc: {  	s15 =	smov.u32 @p2 s11  }
0xd: {  	s17 =	smov.u32 s10;
	s11 =	sadd.s32 $0x80, s10;
	p3 =	sgt.s32 s15, $0x5F  }
0xe: {  	p1 =	slt.u32 s7, $0x2;
	s17 =	smov.u32 @p3 s11  }
0xf: {  	s7 =	sadd.s32 $0x1, s7;
	s14 =	simm.s32 @p2 $0x0;
	p2 =	sgt.s32 s17, $0x23F  }
0x10: {  	s17 =	simm.s32 @p2 $0x0;
	p2 =	sne.s32 s7, $0xF2  }
.Ltmp1:
0x11: {  	s16 =	simm.s32 @!p1 $0x2;
	(pc) =	sbr.rel @!p2 .LBB1_6-.Ltmp1, $4  }
0x12: {  	s12 =	smov.u32 s9;
	_ =	swait.ge @!p1 [sflag:s16], $0x800  }
0x13: {  	s13 =	smov.u32 s10;
	p0 =	por !p0, !p0;
	[sflag:s16] =	ssyncset.done @!p1 $0x0  }
0x14: {  	s15 =	smov.u32 @p3 s5;
	s11 =	smov.u32 s8;
	[sflag:s16] =	ssyncadd.s32 @!p1 $0xFFFFF800  }
0x15: {  	s8 =	smov.u32 s14;
	s9 =	smov.u32 s15;
	s10 =	smov.u32 s17  }
.LBB1_1:
0x16: {  	p1 =	sgt.u32 s7, $0xEF;
	s14 =	smov.u32 s10  }
0x17: {  	s17 =	smov.u32 s9;
	p2 =	sgt.s32 @!p1 s10, $0x1C0;
	s15 =	sxor.u32 @!p1 $0xFFFFFFFF, s7  }
0x18: {  	s16 =	sshra.s32 @!p1 s10, $0x1F;
	s18 =	sshra.s32 @!p1 s9, $0x1F;
	p2 =	por !p2, p1  }
0x19: {  	s16 =	sand.u32 @!p1 s16, s10;
	s14 =	simm.s32 @p2 $0x1C0;
	p2 =	sgt.s32 @!p1 s9, $0x5F  }
0x1a: {  	s18 =	sand.u32 @!p1 s18, s9;
	p2 =	por !p2, p1;
	s14 =	ssub.s32 @!p1 s14, s16  }
0x1b: {  	s17 =	simm.s32 @p2 $0x5F;
	p2 =	sgt.s32 @!p1 s8, $0xF;
	s14 =	sadd.s32 @!p1 $0xFFFFFE40, s14  }
0x1c: {  	s16 =	ssub.s32 @!p1 s17, s18;
	p2 =	por !p2, p1;
	s18 =	smov.u32 s8  }
0x1d: {  	s17 =	sadd.s32 @!p1 $0xFFFFFFA1, s16;
	s18 =	simm.s32 @p2 $0xF;
	p2 =	sgt.s32 @!p1 s14, $0x7F  }
0x1e: {  	s14 =	sshll.u32 @!p1 s14, $0x4;
	p3 =	sgt.s32 @!p1 s17, $0x0;
	s17 =	sshra.s32 @!p1 s8, $0x1F  }
0x1f: {  	s16 =	ssub.s32 @!p1 $0x60, s16;
	s14 =	ssub.s32 @!p1 $0x800, s14;
	s17 =	sand.u32 @!p1 s17, s8  }
0x20: {  	p2 =	por !p2, p1;
	p3 =	por !p3, p1;
	s17 =	ssub.s32 @!p1 s18, s17  }
0x21: {  	s14 =	simm.s32 @!p2 $0x0;
	s16 =	simm.s32 @!p3 $0x0;
	s18 =	sadd.s32 @!p1 $0xFFFFFFF1, s17  }
0x22: {  	s15 =	sshll.u32 @!p1 s15, $0xB;
	s14 =	smul.u32 @!p1 s16, s14;
	p3 =	sgt.s32 @!p1 s18, $0x0  }
0x23: {  	s17 =	ssub.s32 @!p1 $0x10, s17;
	s16 =	smul.u32 @!p1 $0x6000, s10;
	p2 =	por !p3, p1  }
0x24: {  	s15 =	sand.u32 @!p1 $0x800, s15;
	s18 =	sshll.u32 @!p1 s8, $0x4;
	s17 =	simm.s32 @!p2 $0x0  }
0x25: {  	s16 =	sadd.s32 @!p1 s2, s16;
	s14 =	smul.u32 @!p1 s17, s14;
	s17 =	sshll.u32 @!p1 s9, $0x8  }
0x26: {  	s18 =	sand.u32 @!p1 $0xF0, s18;
	s16 =	sadd.s32 @!p1 s17, s16;
	s17 =	simm.s32 @!p1 $0x10  }
0x27: {  	s14 =	sand.u32 @!p1 $0x3FFFFFF0, s14;
	s16 =	sadd.s32 @!p1 s18, s16;
	s18 =	simm.s32 @!p1 $0x30000  }
0x28: {  	[tilespmem:s15], [sflag:$0x1] =	stream.strided.gather @!p1 [hbm4b:s16+s17], s14, s18, s17, $0x38;
	[tilespmem:$0x2020] =	vst v63  }
0x29: {  	p1 =	seq.s32 s7, $0x0  }
0x2a: {  	p2 =	seq.s32 @!p1 s7, $0xF1  }
0x2b: {  	p1 =	por p1, p2  }
.Ltmp2:
0x2c: {  	_ = 	snop;
	(pc) =	sbr.rel @p1 .LBB1_5-.Ltmp2, $1  }
0x2d: {  	_ =	sdelay $0x3  }
0x2e: {  	p1 =	sgt.s32 s13, $0x1C0;
	s14 =	smov.u32 s13  }
0x2f: {  	s15 =	sshra.s32 s13, $0x1F;
	s16 =	simm.s32 $0x1;
	s17 =	sshra.s32 s12, $0x1F  }
0x30: {  	p2 =	sgt.s32 s11, $0xF;
	s14 =	simm.s32 @!p1 $0x1C0;
	s15 =	sand.u32 s15, s13  }
0x31: {  	s19 =	sshra.s32 s11, $0x1F;
	p1 =	sgt.s32 s12, $0x5F;
	s14 =	ssub.s32 s14, s15  }
0x32: {  	s17 =	sand.u32 s17, s12;
	s15 =	smov.u32 s12;
	s14 =	sadd.s32 $0xFFFFFE40, s14  }
0x33: {  	s26 =	sand.u32 s19, s11;
	s15 =	simm.s32 @!p1 $0x5F;
	p1 =	sgt.s32 s14, $0x7F  }
0x34: {  	s15 =	ssub.s32 s15, s17;
	s17 =	smov.u32 s11;
	s14 =	sshll.u32 s14, $0x4  }
0x35: {  	s18 =	sadd.s32 $0xFFFFFFA1, s15;
	s17 =	simm.s32 @!p2 $0xF;
	s15 =	ssub.s32 $0x60, s15  }
0x36: {  	s14 =	ssub.s32 $0x800, s14;
	p2 =	sgt.s32 s18, $0x0;
	s17 =	ssub.s32 s17, s26  }
0x37: {  	s14 =	simm.s32 @p1 $0x0;
	s15 =	simm.s32 @p2 $0x0;
	s18 =	sadd.s32 $0xFFFFFFF1, s17  }
0x38: {  	s17 =	ssub.s32 $0x10, s17;
	p1 =	sgt.s32 s18, $0x0;
	s14 =	smul.u32 s15, s14  }
0x39: {  	s16 =	simm.s32 @!p0 $0x0;
	s17 =	simm.s32 @p1 $0x0  }
0x3a: {  	s27 =	sshll.u32 s16, $0xB;
	s14 =	smul.u32 s17, s14  }
0x3b: {  	v1 =	vmov s27  }
0x3c: {  	s14 =	sand.u32 $0x3FFFFFF0, s14  }
0x3d: {  	_ =	swait.ge [sflag:s4], s14  }
0x3e: {  	s29 =	sand.u32 $0x1, s7;
	s14 =	ssub.s32 $0x0, s14;
	[sflag:s4] =	ssyncset.done $0x0  }
0x3f: {  	s31 =	simm.s32 $0x0;
	s28 =	smul.u32 $0x2040, s16;
	[sflag:s4] =	ssyncadd.s32 s14  }
0x40: {  	s16 =	smul.u32 $0x2040, s29;
	v0 =	vld.idx.msk [tilespmem:v1+s31+$0x0 ss:$0x1], $0xffff;
	_ =	sdelay $0x1  }
0x41: {  	s30 =	sshrl.u32 s16, $0x2;
	s15 =	sshrl.u32 s28, $0x2  }
0x42: {  	s16 =	simm.s32 $0x40;
	s15 =	sor.u32 $0x1000, s15;
	s14 =	sor.u32 $0x1000, s30  }
.LBB1_3:
0x43: {  	s17 =	sshra.s32 s16, $0x2;
	p1 =	sne.s32 s16, $0x1FC0;
	s16 =	sadd.s32 $0x40, s16  }
.Ltmp3:
0x44: {  	[tilespmem:s15+$0x0 ss:$0x81] =	vst.msk $0xffff, v0;
	v0 =	vld.idx.msk [tilespmem:v1+s17+$0x0 ss:$0x1], $0xffff;
	(pc) =	sbr.rel @p1 .LBB1_3-.Ltmp3, $2  }
0x45: {  	_ =	sdelay $0x2  }
0x46: {  	s15 =	sadd.s32 $0x1, s15  }
0x47: {  	s16 =	sshll.u32 s13, $0x3  }
0x48: {  	s30 =	sand.u32 $0x7F, s13;
	s16 =	sand.u32 $0xFFFFFC00, s16  }
0x49: {  	s13 =	sor.u32 s30, s16;
	s16 =	smulhi.u32 $0xCCCCCCCD, s16  }
0x4a: {  	s17 =	smulhi.u32 $0xCCCCCCCD, s13  }
0x4b: {  	s12 =	smul.u32 $0x5000, s12  }
0x4c: {  	s11 =	smul.u32 $0x500, s11;
	s16 =	sshrl.u32 s16, $0x9;
	s17 =	sshrl.u32 s17, $0x9  }
0x4d: {  	s16 =	sand.u32 $0xF, s16;
	s17 =	smul.u32 $0x280, s17  }
0x4e: {  	s16 =	smul.u32 $0x50, s16  }
.Ltmp4:
0x4f: {  	s12 =	sadd.s32 s3, s12;
	s13 =	ssub.s32 s13, s17;
	(pc) =	sbr.rel .LBB1_5-.Ltmp4, $4  }
0x50: {  	s11 =	sadd.s32 s11, s12;
	s31 =	sand.u32 $0x7, s13  }
0x51: {  	s11 =	sadd.s32 s16, s11;
	s13 =	sshrl.u32 s13, $0x3;
	s12 =	sshll.u32 s31, $0x12  }
0x52: {  	[tilespmem:s15+$0x0 ss:$0x81] =	vst.msk $0xffff, v0;
	s11 =	sadd.s32 s13, s11;
	s12 =	sor.u32 $0x400, s12  }
0x53: {  	[hbm4b:s11+s12] =	stream.strided.scatter [tilespmem:s14], [sflag:$0x2], $0x800, s6, s12, $0x20;
	[tilespmem:$0x2020] =	vst v63  }
.LBB1_6:
0x54: {  	_ =	sfence.sel $0x180000  }
0x55: {  	s2 =	simm.s32 $0x1;
	[bflag:$0x0] =	sbarrier.arrive $0xFFFF  }
0x56: {  	s31 =	simm.s32 $0x2;
	[sflag:s2] =	ssyncpa.u1 $0x1  }
0x57: {  	[sflag:s31] =	ssyncpa.u1 $0x1  }
0x58: {  	p0 =	sne.s32 s1, $0x0;
	_ =	strace $0x9000005C  }
0x59: {  	s0 =	sadd.s32 @!p0 $0x100000, s0;
	[bflag:$0x2] =	sbarrier.arrive $0xFFFF  }
0x5a: {  	[sflag:s0] =	ssyncadd.tile.s32 @!p0 $0x1;
	_ =	shalt  }
.Lfunc_end1:
_tile_overlayer_lowered:
.L_overlay_start_2:
0x5b: {  	(tag) =	ssettag $0x2  }
0x5c: {  	s0 =	rddreg [dreg:$0x0];
	s2 =	stileid.u32  }
0x5d: {  	s1 =	rddreg [dreg:$0x1];
	p0 =	sne.s32 s2, $0x0  }
0x5e: {  	s3 =	rddreg [dreg:$0x2];
	[bflag:$0x3] =	sbarrier.arrive $0xFFFF;
	s2 =	simm.s32 @!p0 $0x1C01  }
0x5f: {  	[timem:s3], [sflag:s2] =	dma.local @!p0 [hbm:s0], s1  }
0x60: {  	s0 =	simm.s32 @!p0 $0x1  }
0x61: {  	_ =	swait.ge @!p0 [sflag:s0], s1  }
0x62: {  	s1 =	ssub.s32 @!p0 $0x0, s1;
	[sflag:s0] =	ssyncset.done @!p0 $0x0  }
0x63: {  	[sflag:s0] =	ssyncadd.s32 @!p0 s1  }
0x64: {  	[bflag:$0x3] =	sbarrier.arrive $0xFFFF  }
0x65: {  	_ =	shalt  }

// kernel: sparse-core-data-format-call.cloned.1.call-start
scs
called_computation_lowered:
.L_overlay_start_0:
0x0: {  	s2 =	sld [smem:$0x3FD9]  }
0x1: {  	s3 =	sld [smem:$0x3FFE];
	_ =	sdelay $0x1  }
0x2: {  	s1 =	srdreg.scid  }
0x3: {  	s0 =	sand.u32 $0x1, s1  }
0x4: {  	s18 =	sshll.u32 s0, $0xA;
	s2 =	sadd.s32 s3, s2  }
0x5: {  	s2 =	sadd.s32 s2, s18  }
0x6: {  	[smem:$0x3FC6] =	sst s2  }
0x7: {  	_ = 	snop  }
0x8: {  	(tm) =	ssettm $0x1  }
0x9: {  	s19 =	sld [smem:$0x3FFB];
	_ =	sdelay $0x3  }
0xa: {  	_ =	strace s19  }
0xb: {  	s2 =	sld [smem:$0x3FFC];
	_ =	sdelay $0x3  }
0xc: {  	_ =	strace s2  }
0xd: {  	s2 =	sld [smem:$0x3FFD];
	_ =	sdelay $0x3  }
0xe: {  	_ =	strace s2  }
0xf: {  	_ =	strace $0x8FFFFFFF  }
0x10: {  	s20 =	sld [smem:$0x3FDB];
	_ =	sdelay $0x1  }
0x11: {  	s21 =	simm.s32 $_scs_section_size  }
0x12: {  	s4 =	simm.s32 $_size__tile_overlayer_lowered;
	s5 =	simm.s32 $_tile_overlayer_lowered  }
0x13: {  	s6 =	simm.s32 $0x1BFF;
	s22 =	sshll.u32 s5, $0x1;
	s3 =	sadd.s32 s21, s20  }
0x14: {  	s23 =	simm.s32 $0x0;
	s4 =	sshll.u32 s4, $0x1;
	s5 =	sadd.s32 s22, s3  }
0x15: {  	[timem:s23], [sflag:s6] =	dma.local [hbm:s5], s4  }
0x16: {  	_ =	swait.ge [sflag:s6], s4  }
0x17: {  	s4 =	ssub.s32 $0x0, s4;
	[sflag:s6] =	ssyncset.done $0x0  }
0x18: {  	[sflag:s6] =	ssyncadd.s32 s4;
	_ =	sdelay $0x1  }
0x19: {  	s24 =	simm.s32 $0x1B8B  }
0x1a: {  	_ =	swait.ge [sflag:s24], $0x1  }
0x1b: {  	[sflag:s24] =	ssyncset.done $0x0  }
0x1c: {  	[sflag:s24] =	ssyncadd.s32 $0xFFFFFFFF  }
0x1d: {  	s4 =	sld [smem:$0x0]  }
0x1e: {  	s5 =	sand.u32 $0xFFFFFFFE, s1  }
0x1f: {  	p0 =	sne.s32 s1, s5  }
0x20: {  	s5 =	sshll.u32 @p0 s5, $0xE  }
0x21: {  	s5 =	sadd.s32 @p0 $0x11B8D, s5;
	s6 =	sshll.u32 @p0 s4, $0x11  }
0x22: {  	s5 =	sor.u32 @p0 s6, s5  }
0x23: {  	[sflag:s5] =	ssyncadd.remote.s32 @p0 $0x1;
	_ =	sdelay $0x1  }
0x24: {  	s5 =	simm.s32 @p0 $0x1B8D  }
0x25: {  	_ =	swait.eq @p0 [sflag:s5], $0x1  }
0x26: {  	[sflag:s5] =	ssyncadd.s32 @p0 $0xFFFFFFFF  }
0x27: {  	s6 =	sshll.u32 @!p0 s1, $0xE  }
0x28: {  	s6 =	sor.u32 @!p0 $0x4000, s6;
	s5 =	simm.s32 @!p0 $0x1B8D  }
0x29: {  	s4 =	sshll.u32 @!p0 s4, $0x11;
	s6 =	sadd.s32 @!p0 $0x11B8D, s6;
	_ =	swait.eq @!p0 [sflag:s5], $0x1  }
0x2a: {  	s4 =	sor.u32 @!p0 s4, s6;
	[sflag:s5] =	ssyncadd.s32 @!p0 $0xFFFFFFFF  }
0x2b: {  	s26 =	simm.s32 $0x1B8E;
	s25 =	sld [smem:$0x3FFE];
	[sflag:s4] =	ssyncadd.remote.s32 @!p0 $0x1  }
0x2c: {  	s27 =	simm.s32 $execute0_lowered;
	[smem:$0x3FD2] =	sst s26  }
0x2d: {  	s5 =	sshll.u32 s27, $0x1;
	_ =	strace $0x80000058;
	[dreg:$0x1] =	wrdreg $0xFFFFFFFF  }
0x2e: {  	s28 =	simm.s32 $_size_execute0_lowered;
	s3 =	sadd.s32 s3, s5;
	[dreg:$0x0] =	wrdreg $0x0  }
0x2f: {  	s5 =	sshll.u32 s28, $0x1;
	[dreg:$0x2] =	wrdreg s3  }
0x30: {  	[dreg:$0x3] =	wrdreg s5  }
0x31: {  	[dreg:$0x4] =	wrdreg $0xC0  }
0x32: {  	_ =	task [dreg:s23], $0x5FFFF  }
0x33: {  	[dreg:$0x1] =	wrdreg $0xFFFFFFFF  }
0x34: {  	[dreg:$0x0] =	wrdreg $0x60  }
0x35: {  	[dreg:$0x2] =	wrdreg s25  }
0x36: {  	[dreg:$0x3] =	wrdreg $0xC  }
0x37: {  	_ =	task.clear_ibuf [dreg:s23], $0x4FFFF;
	_ =	strace $0x90000058  }
0x38: {  	s29 =	simm.s32 $0xC;
	_ =	strace $0x8000005A  }
0x39: {  	_ =	swait.ge [sflag:s29], $0x1  }
0x3a: {  	[sflag:s29] =	ssyncadd.s32 $0xFFFFFFFF  }
0x3b: {  	_ =	strace $0x9000005A  }
0x3c: {  	_ =	sfence  }
0x3d: {  	s30 =	sld [smem:$0x0];
	_ =	sdelay $0x2  }
0x3e: {  	s31 =	sshll.u32 s1, $0xD;
	s1 =	sshrl.u32 s1, $0x2  }
0x3f: {  	s4 =	sand.u32 $0x4000, s31;
	s1 =	sadd.s32 s1, s30  }
0x40: {  	s0 =	sor.u32 s4, s0;
	s1 =	sshll.u32 s1, $0x11  }
0x41: {  	s0 =	sor.u32 s1, s0  }
0x42: {  	s0 =	sadd.s32 $0x8F2B, s0  }
0x43: {  	[sflag:s0] =	ssyncadd.remote.s32 $0x1  }
0x44: {  	_ =	sfence.sel $0xFFFF  }
0x45: {  	[dreg:$0x0] =	wrdreg $0xFFFFFFFF;
	(pc) =	sbr.abs _section_cstart, $3  }
0x46: {  	[dreg:$0x1] =	wrdreg $0xFFFFFFFF  }
0x47: {  	_ =	task.clear_ibuf [dreg:s23], $0x2FFFF;
	_ =	strace $0x9FFFFFFF  }
0x48: {  	(tm) =	ssettm $0x7FFFFFFF  }
0x49: {  	_ =	shalt  }
tec
execute0_lowered:
.L_overlay_start_1:
0x0: {  	(tag) =	ssettag $0x1  }
0x1: {  	s1 =	rddreg [dreg:$0x0]  }
0x2: {  	s0 =	rddreg [dreg:$0x1];
	_ =	strace $0x80000059  }
0x3: {  	s4 =	srdreg.scid;
	s6 =	simm.s32 $0x2;
	s11 =	simm.s32 $0x0  }
0x4: {  	p0 =	por $0x0, $0x0;
	s12 =	simm.s32 $0x0;
	s13 =	simm.s32 $0x0  }
.Ltmp0:
0x5: {  	s8 =	simm.s32 $0x0;
	s10 =	simm.s32 $0x0;
	(pc) =	sbr.rel .LBB1_1-.Ltmp0, $4  }
0x6: {  	s2 =	sadd.s32 $0x28B1C00, s1;
	s3 =	sadd.s32 $0x511A00, s1;
	s4 =	sshll.u32 s4, $0x4  }
0x7: {  	s1 =	stileid.u32;
	s5 =	sand.u32 $0x10, s4;
	s4 =	simm.s32 $0x1  }
0x8: {  	s7 =	simm.s32 $0x0;
	s5 =	sor.u32 s1, s5;
	[sflag:s4] =	ssyncpa.u1 $0x0  }
0x9: {  	[sflag:s6] =	ssyncpa.u1 $0x0;
	s6 =	simm.s32 $0x1400;
	s9 =	smov.u32 s5  }
.LBB1_5:
0xa: {  	s14 =	sadd.s32 $0x1, s8  }
0xb: {  	s11 =	sadd.s32 $0x20, s9;
	s15 =	smov.u32 s9;
	p2 =	sgt.s32 s14, $0xF  }
0xc: {  	s15 =	smov.u32 @p2 s11  }
0xd: {  	s17 =	smov.u32 s10;
	s11 =	sadd.s32 $0x80, s10;
	p3 =	sgt.s32 s15, $0x5F  }
0xe: {  	p1 =	slt.u32 s7, $0x2;
	s17 =	smov.u32 @p3 s11  }
0xf: {  	s7 =	sadd.s32 $0x1, s7;
	s14 =	simm.s32 @p2 $0x0;
	p2 =	sgt.s32 s17, $0x23F  }
0x10: {  	s17 =	simm.s32 @p2 $0x0;
	p2 =	sne.s32 s7, $0xF2  }
.Ltmp1:
0x11: {  	s16 =	simm.s32 @!p1 $0x2;
	(pc) =	sbr.rel @!p2 .LBB1_6-.Ltmp1, $4  }
0x12: {  	s12 =	smov.u32 s9;
	_ =	swait.ge @!p1 [sflag:s16], $0x800  }
0x13: {  	s13 =	smov.u32 s10;
	p0 =	por !p0, !p0;
	[sflag:s16] =	ssyncset.done @!p1 $0x0  }
0x14: {  	s15 =	smov.u32 @p3 s5;
	s11 =	smov.u32 s8;
	[sflag:s16] =	ssyncadd.s32 @!p1 $0xFFFFF800  }
0x15: {  	s8 =	smov.u32 s14;
	s9 =	smov.u32 s15;
	s10 =	smov.u32 s17  }
.LBB1_1:
0x16: {  	p1 =	sgt.u32 s7, $0xEF;
	s14 =	smov.u32 s10  }
0x17: {  	s17 =	smov.u32 s9;
	p2 =	sgt.s32 @!p1 s10, $0x1C0;
	s15 =	sxor.u32 @!p1 $0xFFFFFFFF, s7  }
0x18: {  	s16 =	sshra.s32 @!p1 s10, $0x1F;
	s18 =	sshra.s32 @!p1 s9, $0x1F;
	p2 =	por !p2, p1  }
0x19: {  	s16 =	sand.u32 @!p1 s16, s10;
	s14 =	simm.s32 @p2 $0x1C0;
	p2 =	sgt.s32 @!p1 s9, $0x5F  }
0x1a: {  	s18 =	sand.u32 @!p1 s18, s9;
	p2 =	por !p2, p1;
	s14 =	ssub.s32 @!p1 s14, s16  }
0x1b: {  	s17 =	simm.s32 @p2 $0x5F;
	p2 =	sgt.s32 @!p1 s8, $0xF;
	s14 =	sadd.s32 @!p1 $0xFFFFFE40, s14  }
0x1c: {  	s16 =	ssub.s32 @!p1 s17, s18;
	p2 =	por !p2, p1;
	s18 =	smov.u32 s8  }
0x1d: {  	s17 =	sadd.s32 @!p1 $0xFFFFFFA1, s16;
	s18 =	simm.s32 @p2 $0xF;
	p2 =	sgt.s32 @!p1 s14, $0x7F  }
0x1e: {  	s14 =	sshll.u32 @!p1 s14, $0x4;
	p3 =	sgt.s32 @!p1 s17, $0x0;
	s17 =	sshra.s32 @!p1 s8, $0x1F  }
0x1f: {  	s16 =	ssub.s32 @!p1 $0x60, s16;
	s14 =	ssub.s32 @!p1 $0x800, s14;
	s17 =	sand.u32 @!p1 s17, s8  }
0x20: {  	p2 =	por !p2, p1;
	p3 =	por !p3, p1;
	s17 =	ssub.s32 @!p1 s18, s17  }
0x21: {  	s14 =	simm.s32 @!p2 $0x0;
	s16 =	simm.s32 @!p3 $0x0;
	s18 =	sadd.s32 @!p1 $0xFFFFFFF1, s17  }
0x22: {  	s15 =	sshll.u32 @!p1 s15, $0xB;
	s14 =	smul.u32 @!p1 s16, s14;
	p3 =	sgt.s32 @!p1 s18, $0x0  }
0x23: {  	s17 =	ssub.s32 @!p1 $0x10, s17;
	s16 =	smul.u32 @!p1 $0x6000, s10;
	p2 =	por !p3, p1  }
0x24: {  	s15 =	sand.u32 @!p1 $0x800, s15;
	s18 =	sshll.u32 @!p1 s8, $0x4;
	s17 =	simm.s32 @!p2 $0x0  }
0x25: {  	s16 =	sadd.s32 @!p1 s2, s16;
	s14 =	smul.u32 @!p1 s17, s14;
	s17 =	sshll.u32 @!p1 s9, $0x8  }
0x26: {  	s18 =	sand.u32 @!p1 $0xF0, s18;
	s16 =	sadd.s32 @!p1 s17, s16;
	s17 =	simm.s32 @!p1 $0x10  }
0x27: {  	s14 =	sand.u32 @!p1 $0x3FFFFFF0, s14;
	s16 =	sadd.s32 @!p1 s18, s16;
	s18 =	simm.s32 @!p1 $0x30000  }
0x28: {  	[tilespmem:s15], [sflag:$0x1] =	stream.strided.gather @!p1 [hbm4b:s16+s17], s14, s18, s17, $0x38;
	[tilespmem:$0x2020] =	vst v63  }
0x29: {  	p1 =	seq.s32 s7, $0x0  }
0x2a: {  	p2 =	seq.s32 @!p1 s7, $0xF1  }
0x2b: {  	p1 =	por p1, p2  }
.Ltmp2:
0x2c: {  	_ = 	snop;
	(pc) =	sbr.rel @p1 .LBB1_5-.Ltmp2, $1  }
0x2d: {  	_ =	sdelay $0x3  }
0x2e: {  	p1 =	sgt.s32 s13, $0x1C0;
	s14 =	smov.u32 s13  }
0x2f: {  	s15 =	sshra.s32 s13, $0x1F;
	s16 =	simm.s32 $0x1;
	s17 =	sshra.s32 s12, $0x1F  }
0x30: {  	p2 =	sgt.s32 s11, $0xF;
	s14 =	simm.s32 @!p1 $0x1C0;
	s15 =	sand.u32 s15, s13  }
0x31: {  	s19 =	sshra.s32 s11, $0x1F;
	p1 =	sgt.s32 s12, $0x5F;
	s14 =	ssub.s32 s14, s15  }
0x32: {  	s17 =	sand.u32 s17, s12;
	s15 =	smov.u32 s12;
	s14 =	sadd.s32 $0xFFFFFE40, s14  }
0x33: {  	s26 =	sand.u32 s19, s11;
	s15 =	simm.s32 @!p1 $0x5F;
	p1 =	sgt.s32 s14, $0x7F  }
0x34: {  	s15 =	ssub.s32 s15, s17;
	s17 =	smov.u32 s11;
	s14 =	sshll.u32 s14, $0x4  }
0x35: {  	s18 =	sadd.s32 $0xFFFFFFA1, s15;
	s17 =	simm.s32 @!p2 $0xF;
	s15 =	ssub.s32 $0x60, s15  }
0x36: {  	s14 =	ssub.s32 $0x800, s14;
	p2 =	sgt.s32 s18, $0x0;
	s17 =	ssub.s32 s17, s26  }
0x37: {  	s14 =	simm.s32 @p1 $0x0;
	s15 =	simm.s32 @p2 $0x0;
	s18 =	sadd.s32 $0xFFFFFFF1, s17  }
0x38: {  	s17 =	ssub.s32 $0x10, s17;
	p1 =	sgt.s32 s18, $0x0;
	s14 =	smul.u32 s15, s14  }
0x39: {  	s16 =	simm.s32 @!p0 $0x0;
	s17 =	simm.s32 @p1 $0x0  }
0x3a: {  	s27 =	sshll.u32 s16, $0xB;
	s14 =	smul.u32 s17, s14  }
0x3b: {  	v1 =	vmov s27  }
0x3c: {  	s14 =	sand.u32 $0x3FFFFFF0, s14  }
0x3d: {  	_ =	swait.ge [sflag:s4], s14  }
0x3e: {  	s29 =	sand.u32 $0x1, s7;
	s14 =	ssub.s32 $0x0, s14;
	[sflag:s4] =	ssyncset.done $0x0  }
0x3f: {  	s31 =	simm.s32 $0x0;
	s28 =	smul.u32 $0x2040, s16;
	[sflag:s4] =	ssyncadd.s32 s14  }
0x40: {  	s16 =	smul.u32 $0x2040, s29;
	v0 =	vld.idx.msk [tilespmem:v1+s31+$0x0 ss:$0x1], $0xffff;
	_ =	sdelay $0x1  }
0x41: {  	s30 =	sshrl.u32 s16, $0x2;
	s15 =	sshrl.u32 s28, $0x2  }
0x42: {  	s16 =	simm.s32 $0x40;
	s15 =	sor.u32 $0x1000, s15;
	s14 =	sor.u32 $0x1000, s30  }
.LBB1_3:
0x43: {  	s17 =	sshra.s32 s16, $0x2;
	p1 =	sne.s32 s16, $0x1FC0;
	s16 =	sadd.s32 $0x40, s16  }
.Ltmp3:
0x44: {  	[tilespmem:s15+$0x0 ss:$0x81] =	vst.msk $0xffff, v0;
	v0 =	vld.idx.msk [tilespmem:v1+s17+$0x0 ss:$0x1], $0xffff;
	(pc) =	sbr.rel @p1 .LBB1_3-.Ltmp3, $2  }
0x45: {  	_ =	sdelay $0x2  }
0x46: {  	s15 =	sadd.s32 $0x1, s15  }
0x47: {  	s16 =	sshll.u32 s13, $0x3  }
0x48: {  	s30 =	sand.u32 $0x7F, s13;
	s16 =	sand.u32 $0xFFFFFC00, s16  }
0x49: {  	s13 =	sor.u32 s30, s16;
	s16 =	smulhi.u32 $0xCCCCCCCD, s16  }
0x4a: {  	s17 =	smulhi.u32 $0xCCCCCCCD, s13  }
0x4b: {  	s12 =	smul.u32 $0x5000, s12  }
0x4c: {  	s11 =	smul.u32 $0x500, s11;
	s16 =	sshrl.u32 s16, $0x9;
	s17 =	sshrl.u32 s17, $0x9  }
0x4d: {  	s16 =	sand.u32 $0xF, s16;
	s17 =	smul.u32 $0x280, s17  }
0x4e: {  	s16 =	smul.u32 $0x50, s16  }
.Ltmp4:
0x4f: {  	s12 =	sadd.s32 s3, s12;
	s13 =	ssub.s32 s13, s17;
	(pc) =	sbr.rel .LBB1_5-.Ltmp4, $4  }
0x50: {  	s11 =	sadd.s32 s11, s12;
	s31 =	sand.u32 $0x7, s13  }
0x51: {  	s11 =	sadd.s32 s16, s11;
	s13 =	sshrl.u32 s13, $0x3;
	s12 =	sshll.u32 s31, $0x12  }
0x52: {  	[tilespmem:s15+$0x0 ss:$0x81] =	vst.msk $0xffff, v0;
	s11 =	sadd.s32 s13, s11;
	s12 =	sor.u32 $0x400, s12  }
0x53: {  	[hbm4b:s11+s12] =	stream.strided.scatter [tilespmem:s14], [sflag:$0x2], $0x800, s6, s12, $0x20;
	[tilespmem:$0x2020] =	vst v63  }
.LBB1_6:
0x54: {  	_ =	sfence.sel $0x180000  }
0x55: {  	s2 =	simm.s32 $0x1;
	[bflag:$0x0] =	sbarrier.arrive $0xFFFF  }
0x56: {  	s31 =	simm.s32 $0x2;
	[sflag:s2] =	ssyncpa.u1 $0x1  }
0x57: {  	[sflag:s31] =	ssyncpa.u1 $0x1  }
0x58: {  	p0 =	sne.s32 s1, $0x0;
	_ =	strace $0x90000059  }
0x59: {  	s0 =	sadd.s32 @!p0 $0x100000, s0;
	[bflag:$0x2] =	sbarrier.arrive $0xFFFF  }
0x5a: {  	[sflag:s0] =	ssyncadd.tile.s32 @!p0 $0x1;
	_ =	shalt  }
.Lfunc_end1:
_tile_overlayer_lowered:
.L_overlay_start_2:
0x5b: {  	(tag) =	ssettag $0x2  }
0x5c: {  	s0 =	rddreg [dreg:$0x0];
	s2 =	stileid.u32  }
0x5d: {  	s1 =	rddreg [dreg:$0x1];
	p0 =	sne.s32 s2, $0x0  }
0x5e: {  	s3 =	rddreg [dreg:$0x2];
	[bflag:$0x3] =	sbarrier.arrive $0xFFFF;
	s2 =	simm.s32 @!p0 $0x1C01  }
0x5f: {  	[timem:s3], [sflag:s2] =	dma.local @!p0 [hbm:s0], s1  }
0x60: {  	s0 =	simm.s32 @!p0 $0x1  }
0x61: {  	_ =	swait.ge @!p0 [sflag:s0], s1  }
0x62: {  	s1 =	ssub.s32 @!p0 $0x0, s1;
	[sflag:s0] =	ssyncset.done @!p0 $0x0  }
0x63: {  	[sflag:s0] =	ssyncadd.s32 @!p0 s1  }
0x64: {  	[bflag:$0x3] =	sbarrier.arrive $0xFFFF  }
0x65: {  	_ =	shalt  }

</sc_bundles>
